<compile_context>
chip_gen: v7x
topology: tpu7x:2x2x1
jax: 0.10.2.dev20260603
libtpu: 0.0.44.dev20260713+nightly
codegen_flags: <defaults>
</compile_context>

<pallas_src>
import functools

import jax
import jax.numpy as jnp
from jax import lax
from jax.experimental import pallas as pl
from jax.experimental.pallas import tpu as pltpu
from jax.experimental.pallas import tpu_sc as plsc

_D = 128
_LANES = 16
_ND = _D // _LANES
_NC = 2
_NS = 16
_NW = _NC * _NS
_NBUF = 8
_UNROLL = 5


@functools.lru_cache(maxsize=None)
def _build(B, H, V):
    b_per_w = B // _NW
    assert H % _UNROLL == 0 and b_per_w % _NBUF == 0

    mesh = plsc.VectorSubcoreMesh(core_axis_name="c", subcore_axis_name="s")

    @functools.partial(
        pl.kernel,
        out_type=jax.ShapeDtypeStruct((B, _D), jnp.float32),
        mesh=mesh,
        scratch_types=[
            pltpu.VMEM((b_per_w, H), jnp.int32),
            pltpu.VMEM((_NBUF, H, _D), jnp.float32),
            pltpu.VMEM((b_per_w, _D), jnp.float32),
            pltpu.VMEM((_D,), jnp.float32),
            pltpu.SemaphoreType.DMA,
            pltpu.SemaphoreType.DMA,
            pltpu.SemaphoreType.DMA,
            pltpu.SemaphoreType.DMA,
            pltpu.SemaphoreType.DMA,
            pltpu.SemaphoreType.DMA,
            pltpu.SemaphoreType.DMA,
            pltpu.SemaphoreType.DMA,
            pltpu.SemaphoreType.DMA,
        ],
    )
    def emb_sum(idx_hbm, table_hbm, bias_hbm, out_hbm,
                idx_v, buf_v, out_v, bias_v,
                sem0, sem1, sem2, sem3, sem4, sem5, sem6, sem7, sem_io):
        wid = lax.axis_index("s") * _NC + lax.axis_index("c")
        pltpu.async_copy(bias_hbm, bias_v, sem_io).wait()
        pltpu.async_copy(
            idx_hbm.at[pl.ds(wid * b_per_w, b_per_w)], idx_v, sem_io).wait()

        sems = (sem0, sem1, sem2, sem3, sem4, sem5, sem6, sem7)
        for slot in range(_NBUF - 1):
            pltpu.async_copy(
                table_hbm.at[idx_v.at[slot]], buf_v.at[slot], sems[slot])

        bias_regs = tuple(
            bias_v[pl.ds(d * _LANES, _LANES)] for d in range(_ND))

        def ring(j, bias_regs):
            for b in range(_NBUF):
                g = _NBUF * j + b
                pltpu.make_async_copy(
                    table_hbm.at[idx_v.at[g]], buf_v.at[b], sems[b]).wait()

                nslot = (b + _NBUF - 1) % _NBUF

                @pl.when(g + _NBUF - 1 < b_per_w)
                def _prefetch(_g=g, _ns=nslot):
                    pltpu.async_copy(
                        table_hbm.at[idx_v.at[_g + _NBUF - 1]],
                        buf_v.at[_ns], sems[_ns])

                accs = bias_regs

                def body(l, accs, _b=b):
                    for u in range(_UNROLL):
                        accs = tuple(
                            accs[d] + buf_v[_b, l * _UNROLL + u,
                                            pl.ds(d * _LANES, _LANES)]
                            for d in range(_ND))
                    return accs

                accs = lax.fori_loop(0, H // _UNROLL, body, accs)
                for d in range(_ND):
                    out_v[g, pl.ds(d * _LANES, _LANES)] = accs[d]
            return bias_regs

        lax.fori_loop(0, b_per_w // _NBUF, ring, bias_regs)
        pltpu.async_copy(
            out_v, out_hbm.at[pl.ds(wid * b_per_w, b_per_w)], sem_io).wait()

    return emb_sum


def kernel(sent_a, table, bias):
    B, H = sent_a.shape
    V, D = table.shape
    assert D == _D and B % _NW == 0
    return _build(B, H, V)(sent_a.astype(jnp.int32), table, bias)

# --- scband reference (transcript-rebuilt; emitter-appended) ---
"""Pipeline reference for scband-sum-vectorizer-44186623542056 (READ-ONLY COPY).

The authoritative reference and input builder live on the scoring server;
editing this copy changes nothing except your own understanding.
"""

import jax, jax.numpy as jnp
import numpy as np

VOCAB = 100000
EMB_DIM = 128
BATCH = 4096
HIST = 50

def setup_inputs(seed: int = 0) -> dict:
    key = jax.random.key(seed)
    k1, k2, k3 = jax.random.split(key, 3)
    sent_a = jax.random.randint(k1, (BATCH, HIST), 0, VOCAB)
    # SparseLinear(dict_size=embedding_size, out_features=word_emb_sizes) is an
    # EmbeddingBag-style sparse linear layer: weight [vocab, out_features] + bias.
    table = jax.random.normal(k2, (VOCAB, EMB_DIM), dtype=jnp.float32) * 0.02
    bias = jax.random.normal(k3, (EMB_DIM,), dtype=jnp.float32) * 0.02
    return {"sent_a": sent_a, "table": table, "bias": bias}

def reference(sent_a, table, bias):
    # sum-pooled embedding lookup (EmbeddingBag mode='sum') plus bias
    emb = jnp.take(table, sent_a, axis=0)          # [B, L, D]
    out = jnp.sum(emb, axis=1) + bias              # [B, D]
    return out

if __name__ == "__main__":
    import jax
    _d = setup_inputs()
    print(jax.jit(kernel)(*tuple(_d.values())))

</pallas_src>

<mosaic_0001>
#map = affine_map<(d0, d1) -> (0, 0)>
#map1 = affine_map<(d0, d1) -> (0)>
module attributes {stable_mosaic.version = 14 : i64} {
  func.func @emb_sum(%arg0: i32, %arg1: i32, %arg2: memref<4096x50xi32, #tpu.memory_space<hbm>>, %arg3: memref<100000x128xf32, #tpu.memory_space<hbm>>, %arg4: memref<128xf32, #tpu.memory_space<hbm>>, %arg5: memref<4096x128xf32, #tpu.memory_space<hbm>>, %arg6: memref<128x50xi32, #tpu.memory_space<vmem>>, %arg7: memref<8x50x128xf32, #tpu.memory_space<vmem>>, %arg8: memref<128x128xf32, #tpu.memory_space<vmem>>, %arg9: memref<128xf32, #tpu.memory_space<vmem>>, %arg10: memref<!tpu.dma_semaphore, #tpu.memory_space<semaphore_mem>>, %arg11: memref<!tpu.dma_semaphore, #tpu.memory_space<semaphore_mem>>, %arg12: memref<!tpu.dma_semaphore, #tpu.memory_space<semaphore_mem>>, %arg13: memref<!tpu.dma_semaphore, #tpu.memory_space<semaphore_mem>>, %arg14: memref<!tpu.dma_semaphore, #tpu.memory_space<semaphore_mem>>, %arg15: memref<!tpu.dma_semaphore, #tpu.memory_space<semaphore_mem>>, %arg16: memref<!tpu.dma_semaphore, #tpu.memory_space<semaphore_mem>>, %arg17: memref<!tpu.dma_semaphore, #tpu.memory_space<semaphore_mem>>, %arg18: memref<!tpu.dma_semaphore, #tpu.memory_space<semaphore_mem>>) attributes {dimension_semantics = [#tpu.dimension_semantics<core_parallel>, #tpu.dimension_semantics<subcore_parallel>], iteration_bounds = array<i64: 2, 16>, scalar_prefetch = 0 : i64, scratch_operands = 13 : i64, tpu.core_type = #tpu.core_type<sc_vector_subcore>, window_params = [{transform_indices = #map}, {transform_indices = #map}, {transform_indices = #map1}, {transform_indices = #map}]} {
    %mul3A = arith.constant 2 : i32
    %mul3A_0 = arith.muli %arg1, %mul3A : i32
    %add3A = arith.addi %mul3A_0, %arg0 : i32
    tpu.enqueue_dma source(%arg4 : memref<128xf32, #tpu.memory_space<hbm>>) target(%arg9 : memref<128xf32, #tpu.memory_space<vmem>>) target_semaphore(%arg18 : memref<!tpu.dma_semaphore, #tpu.memory_space<semaphore_mem>>)
    tpu.wait_dma2 semaphore(%arg18 : memref<!tpu.dma_semaphore, #tpu.memory_space<semaphore_mem>>) src(%arg4 : memref<128xf32, #tpu.memory_space<hbm>>) dst(%arg9 : memref<128xf32, #tpu.memory_space<vmem>>)
    %mul3A_1 = arith.constant 128 : i32
    %mul3A_2 = arith.muli %add3A, %mul3A_1 : i32
    %dma_start3A = arith.constant 0 : i32
    %dma_start3A_3 = tpu.memref_slice %arg2[%mul3A_2, %dma_start3A] : memref<4096x50xi32, #tpu.memory_space<hbm>> -> memref<128x50xi32, #tpu.memory_space<hbm>>
    %dma_start3A_4 = arith.constant 0 : i32
    %dma_start3A_5 = tpu.memref_slice %arg2[%mul3A_2, %dma_start3A_4] : memref<4096x50xi32, #tpu.memory_space<hbm>> -> memref<128x50xi32, #tpu.memory_space<hbm>>
    tpu.enqueue_dma source(%dma_start3A_5 : memref<128x50xi32, #tpu.memory_space<hbm>>) target(%arg6 : memref<128x50xi32, #tpu.memory_space<vmem>>) target_semaphore(%arg18 : memref<!tpu.dma_semaphore, #tpu.memory_space<semaphore_mem>>)
    %dma_wait3A = arith.constant 0 : i32
    %dma_wait3A_6 = tpu.memref_slice %arg2[%mul3A_2, %dma_wait3A] : memref<4096x50xi32, #tpu.memory_space<hbm>> -> memref<128x50xi32, #tpu.memory_space<hbm>>
    %dma_wait3A_7 = arith.constant 0 : i32
    %dma_wait3A_8 = tpu.memref_slice %arg2[%mul3A_2, %dma_wait3A_7] : memref<4096x50xi32, #tpu.memory_space<hbm>> -> memref<128x50xi32, #tpu.memory_space<hbm>>
    tpu.wait_dma2 semaphore(%arg18 : memref<!tpu.dma_semaphore, #tpu.memory_space<semaphore_mem>>) src(%dma_wait3A_8 : memref<128x50xi32, #tpu.memory_space<hbm>>) dst(%arg6 : memref<128x50xi32, #tpu.memory_space<vmem>>)
    %dma_start3A_9 = arith.constant 0 : i32
    %dma_start3A_10 = arith.constant 0 : i32
    %dma_start3A_11 = arith.constant 0 : i32
    %dma_start3A_12 = arith.constant 0 : i32
    %dma_start3A_13 = tpu.memref_slice %arg7[%dma_start3A_10, %dma_start3A_11, %dma_start3A_12] : memref<8x50x128xf32, #tpu.memory_space<vmem>> -> memref<1x50x128xf32, #tpu.memory_space<vmem>>
    %dma_start3A_14 = tpu.memref_squeeze %dma_start3A_13 : memref<1x50x128xf32, #tpu.memory_space<vmem>> -> memref<50x128xf32, #tpu.memory_space<vmem>>
    %dma_start3A_15 = arith.constant 0 : i32
    %dma_start3A_16 = tpu.memref_slice %arg6[%dma_start3A_9, %dma_start3A_15] : memref<128x50xi32, #tpu.memory_space<vmem>> -> memref<1x50xi32, #tpu.memory_space<vmem>>
    %dma_start3A_17 = tpu.memref_squeeze %dma_start3A_16 : memref<1x50xi32, #tpu.memory_space<vmem>> -> memref<50xi32, #tpu.memory_space<vmem>>
    %dma_start3A_18 = arith.constant 0 : i32
    %dma_start3A_19 = arith.constant 0 : i32
    %dma_start3A_20 = tpu.memref_slice %arg3[%dma_start3A_18, %dma_start3A_19] : memref<100000x128xf32, #tpu.memory_space<hbm>> -> memref<100000x128xf32, #tpu.memory_space<hbm>>
    tpu.enqueue_indirect_dma source(%dma_start3A_20 : memref<100000x128xf32, #tpu.memory_space<hbm>>) target(%dma_start3A_14 : memref<50x128xf32, #tpu.memory_space<vmem>>) offsets(%dma_start3A_17 : memref<50xi32, #tpu.memory_space<vmem>>) semaphore(%arg10 : memref<!tpu.dma_semaphore, #tpu.memory_space<semaphore_mem>>)
    %dma_start3A_21 = arith.constant 1 : i32
    %dma_start3A_22 = arith.constant 1 : i32
    %dma_start3A_23 = arith.constant 0 : i32
    %dma_start3A_24 = arith.constant 0 : i32
    %dma_start3A_25 = tpu.memref_slice %arg7[%dma_start3A_22, %dma_start3A_23, %dma_start3A_24] : memref<8x50x128xf32, #tpu.memory_space<vmem>> -> memref<1x50x128xf32, #tpu.memory_space<vmem>>
    %dma_start3A_26 = tpu.memref_squeeze %dma_start3A_25 : memref<1x50x128xf32, #tpu.memory_space<vmem>> -> memref<50x128xf32, #tpu.memory_space<vmem>>
    %dma_start3A_27 = arith.constant 0 : i32
    %dma_start3A_28 = tpu.memref_slice %arg6[%dma_start3A_21, %dma_start3A_27] : memref<128x50xi32, #tpu.memory_space<vmem>> -> memref<1x50xi32, #tpu.memory_space<vmem>>
    %dma_start3A_29 = tpu.memref_squeeze %dma_start3A_28 : memref<1x50xi32, #tpu.memory_space<vmem>> -> memref<50xi32, #tpu.memory_space<vmem>>
    %dma_start3A_30 = arith.constant 0 : i32
    %dma_start3A_31 = arith.constant 0 : i32
    %dma_start3A_32 = tpu.memref_slice %arg3[%dma_start3A_30, %dma_start3A_31] : memref<100000x128xf32, #tpu.memory_space<hbm>> -> memref<100000x128xf32, #tpu.memory_space<hbm>>
    tpu.enqueue_indirect_dma source(%dma_start3A_32 : memref<100000x128xf32, #tpu.memory_space<hbm>>) target(%dma_start3A_26 : memref<50x128xf32, #tpu.memory_space<vmem>>) offsets(%dma_start3A_29 : memref<50xi32, #tpu.memory_space<vmem>>) semaphore(%arg11 : memref<!tpu.dma_semaphore, #tpu.memory_space<semaphore_mem>>)
    %dma_start3A_33 = arith.constant 2 : i32
    %dma_start3A_34 = arith.constant 2 : i32
    %dma_start3A_35 = arith.constant 0 : i32
    %dma_start3A_36 = arith.constant 0 : i32
    %dma_start3A_37 = tpu.memref_slice %arg7[%dma_start3A_34, %dma_start3A_35, %dma_start3A_36] : memref<8x50x128xf32, #tpu.memory_space<vmem>> -> memref<1x50x128xf32, #tpu.memory_space<vmem>>
    %dma_start3A_38 = tpu.memref_squeeze %dma_start3A_37 : memref<1x50x128xf32, #tpu.memory_space<vmem>> -> memref<50x128xf32, #tpu.memory_space<vmem>>
    %dma_start3A_39 = arith.constant 0 : i32
    %dma_start3A_40 = tpu.memref_slice %arg6[%dma_start3A_33, %dma_start3A_39] : memref<128x50xi32, #tpu.memory_space<vmem>> -> memref<1x50xi32, #tpu.memory_space<vmem>>
    %dma_start3A_41 = tpu.memref_squeeze %dma_start3A_40 : memref<1x50xi32, #tpu.memory_space<vmem>> -> memref<50xi32, #tpu.memory_space<vmem>>
    %dma_start3A_42 = arith.constant 0 : i32
    %dma_start3A_43 = arith.constant 0 : i32
    %dma_start3A_44 = tpu.memref_slice %arg3[%dma_start3A_42, %dma_start3A_43] : memref<100000x128xf32, #tpu.memory_space<hbm>> -> memref<100000x128xf32, #tpu.memory_space<hbm>>
    tpu.enqueue_indirect_dma source(%dma_start3A_44 : memref<100000x128xf32, #tpu.memory_space<hbm>>) target(%dma_start3A_38 : memref<50x128xf32, #tpu.memory_space<vmem>>) offsets(%dma_start3A_41 : memref<50xi32, #tpu.memory_space<vmem>>) semaphore(%arg12 : memref<!tpu.dma_semaphore, #tpu.memory_space<semaphore_mem>>)
    %dma_start3A_45 = arith.constant 3 : i32
    %dma_start3A_46 = arith.constant 3 : i32
    %dma_start3A_47 = arith.constant 0 : i32
    %dma_start3A_48 = arith.constant 0 : i32
    %dma_start3A_49 = tpu.memref_slice %arg7[%dma_start3A_46, %dma_start3A_47, %dma_start3A_48] : memref<8x50x128xf32, #tpu.memory_space<vmem>> -> memref<1x50x128xf32, #tpu.memory_space<vmem>>
    %dma_start3A_50 = tpu.memref_squeeze %dma_start3A_49 : memref<1x50x128xf32, #tpu.memory_space<vmem>> -> memref<50x128xf32, #tpu.memory_space<vmem>>
    %dma_start3A_51 = arith.constant 0 : i32
    %dma_start3A_52 = tpu.memref_slice %arg6[%dma_start3A_45, %dma_start3A_51] : memref<128x50xi32, #tpu.memory_space<vmem>> -> memref<1x50xi32, #tpu.memory_space<vmem>>
    %dma_start3A_53 = tpu.memref_squeeze %dma_start3A_52 : memref<1x50xi32, #tpu.memory_space<vmem>> -> memref<50xi32, #tpu.memory_space<vmem>>
    %dma_start3A_54 = arith.constant 0 : i32
    %dma_start3A_55 = arith.constant 0 : i32
    %dma_start3A_56 = tpu.memref_slice %arg3[%dma_start3A_54, %dma_start3A_55] : memref<100000x128xf32, #tpu.memory_space<hbm>> -> memref<100000x128xf32, #tpu.memory_space<hbm>>
    tpu.enqueue_indirect_dma source(%dma_start3A_56 : memref<100000x128xf32, #tpu.memory_space<hbm>>) target(%dma_start3A_50 : memref<50x128xf32, #tpu.memory_space<vmem>>) offsets(%dma_start3A_53 : memref<50xi32, #tpu.memory_space<vmem>>) semaphore(%arg13 : memref<!tpu.dma_semaphore, #tpu.memory_space<semaphore_mem>>)
    %dma_start3A_57 = arith.constant 4 : i32
    %dma_start3A_58 = arith.constant 4 : i32
    %dma_start3A_59 = arith.constant 0 : i32
    %dma_start3A_60 = arith.constant 0 : i32
    %dma_start3A_61 = tpu.memref_slice %arg7[%dma_start3A_58, %dma_start3A_59, %dma_start3A_60] : memref<8x50x128xf32, #tpu.memory_space<vmem>> -> memref<1x50x128xf32, #tpu.memory_space<vmem>>
    %dma_start3A_62 = tpu.memref_squeeze %dma_start3A_61 : memref<1x50x128xf32, #tpu.memory_space<vmem>> -> memref<50x128xf32, #tpu.memory_space<vmem>>
    %dma_start3A_63 = arith.constant 0 : i32
    %dma_start3A_64 = tpu.memref_slice %arg6[%dma_start3A_57, %dma_start3A_63] : memref<128x50xi32, #tpu.memory_space<vmem>> -> memref<1x50xi32, #tpu.memory_space<vmem>>
    %dma_start3A_65 = tpu.memref_squeeze %dma_start3A_64 : memref<1x50xi32, #tpu.memory_space<vmem>> -> memref<50xi32, #tpu.memory_space<vmem>>
    %dma_start3A_66 = arith.constant 0 : i32
    %dma_start3A_67 = arith.constant 0 : i32
    %dma_start3A_68 = tpu.memref_slice %arg3[%dma_start3A_66, %dma_start3A_67] : memref<100000x128xf32, #tpu.memory_space<hbm>> -> memref<100000x128xf32, #tpu.memory_space<hbm>>
    tpu.enqueue_indirect_dma source(%dma_start3A_68 : memref<100000x128xf32, #tpu.memory_space<hbm>>) target(%dma_start3A_62 : memref<50x128xf32, #tpu.memory_space<vmem>>) offsets(%dma_start3A_65 : memref<50xi32, #tpu.memory_space<vmem>>) semaphore(%arg14 : memref<!tpu.dma_semaphore, #tpu.memory_space<semaphore_mem>>)
    %dma_start3A_69 = arith.constant 5 : i32
    %dma_start3A_70 = arith.constant 5 : i32
    %dma_start3A_71 = arith.constant 0 : i32
    %dma_start3A_72 = arith.constant 0 : i32
    %dma_start3A_73 = tpu.memref_slice %arg7[%dma_start3A_70, %dma_start3A_71, %dma_start3A_72] : memref<8x50x128xf32, #tpu.memory_space<vmem>> -> memref<1x50x128xf32, #tpu.memory_space<vmem>>
    %dma_start3A_74 = tpu.memref_squeeze %dma_start3A_73 : memref<1x50x128xf32, #tpu.memory_space<vmem>> -> memref<50x128xf32, #tpu.memory_space<vmem>>
    %dma_start3A_75 = arith.constant 0 : i32
    %dma_start3A_76 = tpu.memref_slice %arg6[%dma_start3A_69, %dma_start3A_75] : memref<128x50xi32, #tpu.memory_space<vmem>> -> memref<1x50xi32, #tpu.memory_space<vmem>>
    %dma_start3A_77 = tpu.memref_squeeze %dma_start3A_76 : memref<1x50xi32, #tpu.memory_space<vmem>> -> memref<50xi32, #tpu.memory_space<vmem>>
    %dma_start3A_78 = arith.constant 0 : i32
    %dma_start3A_79 = arith.constant 0 : i32
    %dma_start3A_80 = tpu.memref_slice %arg3[%dma_start3A_78, %dma_start3A_79] : memref<100000x128xf32, #tpu.memory_space<hbm>> -> memref<100000x128xf32, #tpu.memory_space<hbm>>
    tpu.enqueue_indirect_dma source(%dma_start3A_80 : memref<100000x128xf32, #tpu.memory_space<hbm>>) target(%dma_start3A_74 : memref<50x128xf32, #tpu.memory_space<vmem>>) offsets(%dma_start3A_77 : memref<50xi32, #tpu.memory_space<vmem>>) semaphore(%arg15 : memref<!tpu.dma_semaphore, #tpu.memory_space<semaphore_mem>>)
    %dma_start3A_81 = arith.constant 6 : i32
    %dma_start3A_82 = arith.constant 6 : i32
    %dma_start3A_83 = arith.constant 0 : i32
    %dma_start3A_84 = arith.constant 0 : i32
    %dma_start3A_85 = tpu.memref_slice %arg7[%dma_start3A_82, %dma_start3A_83, %dma_start3A_84] : memref<8x50x128xf32, #tpu.memory_space<vmem>> -> memref<1x50x128xf32, #tpu.memory_space<vmem>>
    %dma_start3A_86 = tpu.memref_squeeze %dma_start3A_85 : memref<1x50x128xf32, #tpu.memory_space<vmem>> -> memref<50x128xf32, #tpu.memory_space<vmem>>
    %dma_start3A_87 = arith.constant 0 : i32
    %dma_start3A_88 = tpu.memref_slice %arg6[%dma_start3A_81, %dma_start3A_87] : memref<128x50xi32, #tpu.memory_space<vmem>> -> memref<1x50xi32, #tpu.memory_space<vmem>>
    %dma_start3A_89 = tpu.memref_squeeze %dma_start3A_88 : memref<1x50xi32, #tpu.memory_space<vmem>> -> memref<50xi32, #tpu.memory_space<vmem>>
    %dma_start3A_90 = arith.constant 0 : i32
    %dma_start3A_91 = arith.constant 0 : i32
    %dma_start3A_92 = tpu.memref_slice %arg3[%dma_start3A_90, %dma_start3A_91] : memref<100000x128xf32, #tpu.memory_space<hbm>> -> memref<100000x128xf32, #tpu.memory_space<hbm>>
    tpu.enqueue_indirect_dma source(%dma_start3A_92 : memref<100000x128xf32, #tpu.memory_space<hbm>>) target(%dma_start3A_86 : memref<50x128xf32, #tpu.memory_space<vmem>>) offsets(%dma_start3A_89 : memref<50xi32, #tpu.memory_space<vmem>>) semaphore(%arg16 : memref<!tpu.dma_semaphore, #tpu.memory_space<semaphore_mem>>)
    %get3A = arith.constant 0 : index
    %get3A_93 = tpu.vector_load %arg9[%get3A] {strides = array<i32>} : memref<128xf32, #tpu.memory_space<vmem>>, vector<16xf32>,
    %get3A_94 = vector.shape_cast %get3A_93 : vector<16xf32> to vector<16xf32>
    %get3A_95 = arith.constant 16 : index
    %get3A_96 = tpu.vector_load %arg9[%get3A_95] {strides = array<i32>} : memref<128xf32, #tpu.memory_space<vmem>>, vector<16xf32>,
    %get3A_97 = vector.shape_cast %get3A_96 : vector<16xf32> to vector<16xf32>
    %get3A_98 = arith.constant 32 : index
    %get3A_99 = tpu.vector_load %arg9[%get3A_98] {strides = array<i32>} : memref<128xf32, #tpu.memory_space<vmem>>, vector<16xf32>,
    %get3A_100 = vector.shape_cast %get3A_99 : vector<16xf32> to vector<16xf32>
    %get3A_101 = arith.constant 48 : index
    %get3A_102 = tpu.vector_load %arg9[%get3A_101] {strides = array<i32>} : memref<128xf32, #tpu.memory_space<vmem>>, vector<16xf32>,
    %get3A_103 = vector.shape_cast %get3A_102 : vector<16xf32> to vector<16xf32>
    %get3A_104 = arith.constant 64 : index
    %get3A_105 = tpu.vector_load %arg9[%get3A_104] {strides = array<i32>} : memref<128xf32, #tpu.memory_space<vmem>>, vector<16xf32>,
    %get3A_106 = vector.shape_cast %get3A_105 : vector<16xf32> to vector<16xf32>
    %get3A_107 = arith.constant 80 : index
    %get3A_108 = tpu.vector_load %arg9[%get3A_107] {strides = array<i32>} : memref<128xf32, #tpu.memory_space<vmem>>, vector<16xf32>,
    %get3A_109 = vector.shape_cast %get3A_108 : vector<16xf32> to vector<16xf32>
    %get3A_110 = arith.constant 96 : index
    %get3A_111 = tpu.vector_load %arg9[%get3A_110] {strides = array<i32>} : memref<128xf32, #tpu.memory_space<vmem>>, vector<16xf32>,
    %get3A_112 = vector.shape_cast %get3A_111 : vector<16xf32> to vector<16xf32>
    %get3A_113 = arith.constant 112 : index
    %get3A_114 = tpu.vector_load %arg9[%get3A_113] {strides = array<i32>} : memref<128xf32, #tpu.memory_space<vmem>>, vector<16xf32>,
    %get3A_115 = vector.shape_cast %get3A_114 : vector<16xf32> to vector<16xf32>
    %scan3A = arith.constant 0 : i32
    %scan3A_116 = arith.constant 16 : i32
    %scan3A_117 = arith.addi %scan3A, %scan3A_116 : i32
    %scan3A_118 = arith.constant 1 : i32
    scf.for %scan3A_130 = %scan3A to %scan3A_117 step %scan3A_118  : i32 {
      %mul3A_131 = arith.constant 8 : i32
      %mul3A_132 = arith.muli %mul3A_131, %scan3A_130 : i32
      %add3A_133 = arith.constant 0 : i32
      %add3A_134 = arith.addi %mul3A_132, %add3A_133 : i32
      %dma_wait3A_135 = arith.constant 0 : i32
      %dma_wait3A_136 = arith.constant 0 : i32
      %dma_wait3A_137 = arith.constant 0 : i32
      %dma_wait3A_138 = tpu.memref_slice %arg7[%dma_wait3A_135, %dma_wait3A_136, %dma_wait3A_137] : memref<8x50x128xf32, #tpu.memory_space<vmem>> -> memref<1x50x128xf32, #tpu.memory_space<vmem>>
      %dma_wait3A_139 = tpu.memref_squeeze %dma_wait3A_138 : memref<1x50x128xf32, #tpu.memory_space<vmem>> -> memref<50x128xf32, #tpu.memory_space<vmem>>
      %dma_wait3A_140 = arith.constant 0 : i32
      %dma_wait3A_141 = tpu.memref_slice %arg6[%add3A_134, %dma_wait3A_140] : memref<128x50xi32, #tpu.memory_space<vmem>> -> memref<1x50xi32, #tpu.memory_space<vmem>>
      %dma_wait3A_142 = tpu.memref_squeeze %dma_wait3A_141 : memref<1x50xi32, #tpu.memory_space<vmem>> -> memref<50xi32, #tpu.memory_space<vmem>>
      %dma_wait3A_143 = arith.constant 0 : i32
      %dma_wait3A_144 = arith.constant 0 : i32
      %dma_wait3A_145 = tpu.memref_slice %arg3[%dma_wait3A_143, %dma_wait3A_144] : memref<100000x128xf32, #tpu.memory_space<hbm>> -> memref<100000x128xf32, #tpu.memory_space<hbm>>
      tpu.wait_indirect_dma semaphore(%arg10 : memref<!tpu.dma_semaphore, #tpu.memory_space<semaphore_mem>>) src(%dma_wait3A_145 : memref<100000x128xf32, #tpu.memory_space<hbm>>) dst(%dma_wait3A_139 : memref<50x128xf32, #tpu.memory_space<vmem>>)
      %add3A_146 = arith.constant 8 : i32
      %add3A_147 = arith.addi %add3A_134, %add3A_146 : i32
      %sub3A = arith.constant 1 : i32
      %sub3A_148 = arith.subi %add3A_147, %sub3A : i32
      %lt3A = arith.constant 128 : i32
      %lt3A_149 = arith.cmpi slt, %sub3A_148, %lt3A : i32
      %convert_element_type3A = arith.extui %lt3A_149 : i1 to i32
      %cond3A = arith.constant 0 : i32
      %cond3A_150 = arith.cmpi ne, %convert_element_type3A, %cond3A : i32
      scf.if %cond3A_150 {
        %add3A_686 = arith.constant 8 : i32
        %add3A_687 = arith.addi %add3A_134, %add3A_686 : i32
        %sub3A_688 = arith.constant 1 : i32
        %sub3A_689 = arith.subi %add3A_687, %sub3A_688 : i32
        %dma_start3A_690 = arith.constant 7 : i32
        %dma_start3A_691 = arith.constant 0 : i32
        %dma_start3A_692 = arith.constant 0 : i32
        %dma_start3A_693 = tpu.memref_slice %arg7[%dma_start3A_690, %dma_start3A_691, %dma_start3A_692] : memref<8x50x128xf32, #tpu.memory_space<vmem>> -> memref<1x50x128xf32, #tpu.memory_space<vmem>>
        %dma_start3A_694 = tpu.memref_squeeze %dma_start3A_693 : memref<1x50x128xf32, #tpu.memory_space<vmem>> -> memref<50x128xf32, #tpu.memory_space<vmem>>
        %dma_start3A_695 = arith.constant 0 : i32
        %dma_start3A_696 = tpu.memref_slice %arg6[%sub3A_689, %dma_start3A_695] : memref<128x50xi32, #tpu.memory_space<vmem>> -> memref<1x50xi32, #tpu.memory_space<vmem>>
        %dma_start3A_697 = tpu.memref_squeeze %dma_start3A_696 : memref<1x50xi32, #tpu.memory_space<vmem>> -> memref<50xi32, #tpu.memory_space<vmem>>
        %dma_start3A_698 = arith.constant 0 : i32
        %dma_start3A_699 = arith.constant 0 : i32
        %dma_start3A_700 = tpu.memref_slice %arg3[%dma_start3A_698, %dma_start3A_699] : memref<100000x128xf32, #tpu.memory_space<hbm>> -> memref<100000x128xf32, #tpu.memory_space<hbm>>
        tpu.enqueue_indirect_dma source(%dma_start3A_700 : memref<100000x128xf32, #tpu.memory_space<hbm>>) target(%dma_start3A_694 : memref<50x128xf32, #tpu.memory_space<vmem>>) offsets(%dma_start3A_697 : memref<50xi32, #tpu.memory_space<vmem>>) semaphore(%arg17 : memref<!tpu.dma_semaphore, #tpu.memory_space<semaphore_mem>>)
      } else {
      }
      %scan3A_151 = arith.constant 0 : i32
      %scan3A_152 = arith.constant 10 : i32
      %scan3A_153 = arith.addi %scan3A_151, %scan3A_152 : i32
      %scan3A_154 = arith.constant 1 : i32
      %scan3A_155:8 = scf.for %scan3A_686 = %scan3A_151 to %scan3A_153 step %scan3A_154 iter_args(%scan3A_687 = %get3A_94, %scan3A_688 = %get3A_97, %scan3A_689 = %get3A_100, %scan3A_690 = %get3A_103, %scan3A_691 = %get3A_106, %scan3A_692 = %get3A_109, %scan3A_693 = %get3A_112, %scan3A_694 = %get3A_115) -> (vector<16xf32>, vector<16xf32>, vector<16xf32>, vector<16xf32>, vector<16xf32>, vector<16xf32>, vector<16xf32>, vector<16xf32>)  : i32 {
        %mul3A_695 = arith.constant 5 : i32
        %mul3A_696 = arith.muli %scan3A_686, %mul3A_695 : i32
        %add3A_697 = arith.constant 0 : i32
        %add3A_698 = arith.addi %mul3A_696, %add3A_697 : i32
        %get3A_699 = arith.constant 0 : i32
        %get3A_700 = arith.index_cast %get3A_699 : i32 to index
        %get3A_701 = arith.index_cast %add3A_698 : i32 to index
        %get3A_702 = arith.constant 0 : index
        %get3A_703 = tpu.vector_load %arg7[%get3A_700, %get3A_701, %get3A_702] {strides = array<i32>} : memref<8x50x128xf32, #tpu.memory_space<vmem>>, vector<1x1x16xf32>,
        %get3A_704 = vector.shape_cast %get3A_703 : vector<1x1x16xf32> to vector<16xf32>
        %add3A_705 = arith.addf %scan3A_687, %get3A_704 : vector<16xf32>
        %mul3A_706 = arith.constant 5 : i32
        %mul3A_707 = arith.muli %scan3A_686, %mul3A_706 : i32
        %add3A_708 = arith.constant 0 : i32
        %add3A_709 = arith.addi %mul3A_707, %add3A_708 : i32
        %get3A_710 = arith.constant 0 : i32
        %get3A_711 = arith.index_cast %get3A_710 : i32 to index
        %get3A_712 = arith.index_cast %add3A_709 : i32 to index
        %get3A_713 = arith.constant 16 : index
        %get3A_714 = tpu.vector_load %arg7[%get3A_711, %get3A_712, %get3A_713] {strides = array<i32>} : memref<8x50x128xf32, #tpu.memory_space<vmem>>, vector<1x1x16xf32>,
        %get3A_715 = vector.shape_cast %get3A_714 : vector<1x1x16xf32> to vector<16xf32>
        %add3A_716 = arith.addf %scan3A_688, %get3A_715 : vector<16xf32>
        %mul3A_717 = arith.constant 5 : i32
        %mul3A_718 = arith.muli %scan3A_686, %mul3A_717 : i32
        %add3A_719 = arith.constant 0 : i32
        %add3A_720 = arith.addi %mul3A_718, %add3A_719 : i32
        %get3A_721 = arith.constant 0 : i32
        %get3A_722 = arith.index_cast %get3A_721 : i32 to index
        %get3A_723 = arith.index_cast %add3A_720 : i32 to index
        %get3A_724 = arith.constant 32 : index
        %get3A_725 = tpu.vector_load %arg7[%get3A_722, %get3A_723, %get3A_724] {strides = array<i32>} : memref<8x50x128xf32, #tpu.memory_space<vmem>>, vector<1x1x16xf32>,
        %get3A_726 = vector.shape_cast %get3A_725 : vector<1x1x16xf32> to vector<16xf32>
        %add3A_727 = arith.addf %scan3A_689, %get3A_726 : vector<16xf32>
        %mul3A_728 = arith.constant 5 : i32
        %mul3A_729 = arith.muli %scan3A_686, %mul3A_728 : i32
        %add3A_730 = arith.constant 0 : i32
        %add3A_731 = arith.addi %mul3A_729, %add3A_730 : i32
        %get3A_732 = arith.constant 0 : i32
        %get3A_733 = arith.index_cast %get3A_732 : i32 to index
        %get3A_734 = arith.index_cast %add3A_731 : i32 to index
        %get3A_735 = arith.constant 48 : index
        %get3A_736 = tpu.vector_load %arg7[%get3A_733, %get3A_734, %get3A_735] {strides = array<i32>} : memref<8x50x128xf32, #tpu.memory_space<vmem>>, vector<1x1x16xf32>,
        %get3A_737 = vector.shape_cast %get3A_736 : vector<1x1x16xf32> to vector<16xf32>
        %add3A_738 = arith.addf %scan3A_690, %get3A_737 : vector<16xf32>
        %mul3A_739 = arith.constant 5 : i32
        %mul3A_740 = arith.muli %scan3A_686, %mul3A_739 : i32
        %add3A_741 = arith.constant 0 : i32
        %add3A_742 = arith.addi %mul3A_740, %add3A_741 : i32
        %get3A_743 = arith.constant 0 : i32
        %get3A_744 = arith.index_cast %get3A_743 : i32 to index
        %get3A_745 = arith.index_cast %add3A_742 : i32 to index
        %get3A_746 = arith.constant 64 : index
        %get3A_747 = tpu.vector_load %arg7[%get3A_744, %get3A_745, %get3A_746] {strides = array<i32>} : memref<8x50x128xf32, #tpu.memory_space<vmem>>, vector<1x1x16xf32>,
        %get3A_748 = vector.shape_cast %get3A_747 : vector<1x1x16xf32> to vector<16xf32>
        %add3A_749 = arith.addf %scan3A_691, %get3A_748 : vector<16xf32>
        %mul3A_750 = arith.constant 5 : i32
        %mul3A_751 = arith.muli %scan3A_686, %mul3A_750 : i32
        %add3A_752 = arith.constant 0 : i32
        %add3A_753 = arith.addi %mul3A_751, %add3A_752 : i32
        %get3A_754 = arith.constant 0 : i32
        %get3A_755 = arith.index_cast %get3A_754 : i32 to index
        %get3A_756 = arith.index_cast %add3A_753 : i32 to index
        %get3A_757 = arith.constant 80 : index
        %get3A_758 = tpu.vector_load %arg7[%get3A_755, %get3A_756, %get3A_757] {strides = array<i32>} : memref<8x50x128xf32, #tpu.memory_space<vmem>>, vector<1x1x16xf32>,
        %get3A_759 = vector.shape_cast %get3A_758 : vector<1x1x16xf32> to vector<16xf32>
        %add3A_760 = arith.addf %scan3A_692, %get3A_759 : vector<16xf32>
        %mul3A_761 = arith.constant 5 : i32
        %mul3A_762 = arith.muli %scan3A_686, %mul3A_761 : i32
        %add3A_763 = arith.constant 0 : i32
        %add3A_764 = arith.addi %mul3A_762, %add3A_763 : i32
        %get3A_765 = arith.constant 0 : i32
        %get3A_766 = arith.index_cast %get3A_765 : i32 to index
        %get3A_767 = arith.index_cast %add3A_764 : i32 to index
        %get3A_768 = arith.constant 96 : index
        %get3A_769 = tpu.vector_load %arg7[%get3A_766, %get3A_767, %get3A_768] {strides = array<i32>} : memref<8x50x128xf32, #tpu.memory_space<vmem>>, vector<1x1x16xf32>,
        %get3A_770 = vector.shape_cast %get3A_769 : vector<1x1x16xf32> to vector<16xf32>
        %add3A_771 = arith.addf %scan3A_693, %get3A_770 : vector<16xf32>
        %mul3A_772 = arith.constant 5 : i32
        %mul3A_773 = arith.muli %scan3A_686, %mul3A_772 : i32
        %add3A_774 = arith.constant 0 : i32
        %add3A_775 = arith.addi %mul3A_773, %add3A_774 : i32
        %get3A_776 = arith.constant 0 : i32
        %get3A_777 = arith.index_cast %get3A_776 : i32 to index
        %get3A_778 = arith.index_cast %add3A_775 : i32 to index
        %get3A_779 = arith.constant 112 : index
        %get3A_780 = tpu.vector_load %arg7[%get3A_777, %get3A_778, %get3A_779] {strides = array<i32>} : memref<8x50x128xf32, #tpu.memory_space<vmem>>, vector<1x1x16xf32>,
        %get3A_781 = vector.shape_cast %get3A_780 : vector<1x1x16xf32> to vector<16xf32>
        %add3A_782 = arith.addf %scan3A_694, %get3A_781 : vector<16xf32>
        %mul3A_783 = arith.constant 5 : i32
        %mul3A_784 = arith.muli %scan3A_686, %mul3A_783 : i32
        %add3A_785 = arith.constant 1 : i32
        %add3A_786 = arith.addi %mul3A_784, %add3A_785 : i32
        %get3A_787 = arith.constant 0 : i32
        %get3A_788 = arith.index_cast %get3A_787 : i32 to index
        %get3A_789 = arith.index_cast %add3A_786 : i32 to index
        %get3A_790 = arith.constant 0 : index
        %get3A_791 = tpu.vector_load %arg7[%get3A_788, %get3A_789, %get3A_790] {strides = array<i32>} : memref<8x50x128xf32, #tpu.memory_space<vmem>>, vector<1x1x16xf32>,
        %get3A_792 = vector.shape_cast %get3A_791 : vector<1x1x16xf32> to vector<16xf32>
        %add3A_793 = arith.addf %add3A_705, %get3A_792 : vector<16xf32>
        %mul3A_794 = arith.constant 5 : i32
        %mul3A_795 = arith.muli %scan3A_686, %mul3A_794 : i32
        %add3A_796 = arith.constant 1 : i32
        %add3A_797 = arith.addi %mul3A_795, %add3A_796 : i32
        %get3A_798 = arith.constant 0 : i32
        %get3A_799 = arith.index_cast %get3A_798 : i32 to index
        %get3A_800 = arith.index_cast %add3A_797 : i32 to index
        %get3A_801 = arith.constant 16 : index
        %get3A_802 = tpu.vector_load %arg7[%get3A_799, %get3A_800, %get3A_801] {strides = array<i32>} : memref<8x50x128xf32, #tpu.memory_space<vmem>>, vector<1x1x16xf32>,
        %get3A_803 = vector.shape_cast %get3A_802 : vector<1x1x16xf32> to vector<16xf32>
        %add3A_804 = arith.addf %add3A_716, %get3A_803 : vector<16xf32>
        %mul3A_805 = arith.constant 5 : i32
        %mul3A_806 = arith.muli %scan3A_686, %mul3A_805 : i32
        %add3A_807 = arith.constant 1 : i32
        %add3A_808 = arith.addi %mul3A_806, %add3A_807 : i32
        %get3A_809 = arith.constant 0 : i32
        %get3A_810 = arith.index_cast %get3A_809 : i32 to index
        %get3A_811 = arith.index_cast %add3A_808 : i32 to index
        %get3A_812 = arith.constant 32 : index
        %get3A_813 = tpu.vector_load %arg7[%get3A_810, %get3A_811, %get3A_812] {strides = array<i32>} : memref<8x50x128xf32, #tpu.memory_space<vmem>>, vector<1x1x16xf32>,
        %get3A_814 = vector.shape_cast %get3A_813 : vector<1x1x16xf32> to vector<16xf32>
        %add3A_815 = arith.addf %add3A_727, %get3A_814 : vector<16xf32>
        %mul3A_816 = arith.constant 5 : i32
        %mul3A_817 = arith.muli %scan3A_686, %mul3A_816 : i32
        %add3A_818 = arith.constant 1 : i32
        %add3A_819 = arith.addi %mul3A_817, %add3A_818 : i32
        %get3A_820 = arith.constant 0 : i32
        %get3A_821 = arith.index_cast %get3A_820 : i32 to index
        %get3A_822 = arith.index_cast %add3A_819 : i32 to index
        %get3A_823 = arith.constant 48 : index
        %get3A_824 = tpu.vector_load %arg7[%get3A_821, %get3A_822, %get3A_823] {strides = array<i32>} : memref<8x50x128xf32, #tpu.memory_space<vmem>>, vector<1x1x16xf32>,
        %get3A_825 = vector.shape_cast %get3A_824 : vector<1x1x16xf32> to vector<16xf32>
        %add3A_826 = arith.addf %add3A_738, %get3A_825 : vector<16xf32>
        %mul3A_827 = arith.constant 5 : i32
        %mul3A_828 = arith.muli %scan3A_686, %mul3A_827 : i32
        %add3A_829 = arith.constant 1 : i32
        %add3A_830 = arith.addi %mul3A_828, %add3A_829 : i32
        %get3A_831 = arith.constant 0 : i32
        %get3A_832 = arith.index_cast %get3A_831 : i32 to index
        %get3A_833 = arith.index_cast %add3A_830 : i32 to index
        %get3A_834 = arith.constant 64 : index
        %get3A_835 = tpu.vector_load %arg7[%get3A_832, %get3A_833, %get3A_834] {strides = array<i32>} : memref<8x50x128xf32, #tpu.memory_space<vmem>>, vector<1x1x16xf32>,
        %get3A_836 = vector.shape_cast %get3A_835 : vector<1x1x16xf32> to vector<16xf32>
        %add3A_837 = arith.addf %add3A_749, %get3A_836 : vector<16xf32>
        %mul3A_838 = arith.constant 5 : i32
        %mul3A_839 = arith.muli %scan3A_686, %mul3A_838 : i32
        %add3A_840 = arith.constant 1 : i32
        %add3A_841 = arith.addi %mul3A_839, %add3A_840 : i32
        %get3A_842 = arith.constant 0 : i32
        %get3A_843 = arith.index_cast %get3A_842 : i32 to index
        %get3A_844 = arith.index_cast %add3A_841 : i32 to index
        %get3A_845 = arith.constant 80 : index
        %get3A_846 = tpu.vector_load %arg7[%get3A_843, %get3A_844, %get3A_845] {strides = array<i32>} : memref<8x50x128xf32, #tpu.memory_space<vmem>>, vector<1x1x16xf32>,
        %get3A_847 = vector.shape_cast %get3A_846 : vector<1x1x16xf32> to vector<16xf32>
        %add3A_848 = arith.addf %add3A_760, %get3A_847 : vector<16xf32>
        %mul3A_849 = arith.constant 5 : i32
        %mul3A_850 = arith.muli %scan3A_686, %mul3A_849 : i32
        %add3A_851 = arith.constant 1 : i32
        %add3A_852 = arith.addi %mul3A_850, %add3A_851 : i32
        %get3A_853 = arith.constant 0 : i32
        %get3A_854 = arith.index_cast %get3A_853 : i32 to index
        %get3A_855 = arith.index_cast %add3A_852 : i32 to index
        %get3A_856 = arith.constant 96 : index
        %get3A_857 = tpu.vector_load %arg7[%get3A_854, %get3A_855, %get3A_856] {strides = array<i32>} : memref<8x50x128xf32, #tpu.memory_space<vmem>>, vector<1x1x16xf32>,
        %get3A_858 = vector.shape_cast %get3A_857 : vector<1x1x16xf32> to vector<16xf32>
        %add3A_859 = arith.addf %add3A_771, %get3A_858 : vector<16xf32>
        %mul3A_860 = arith.constant 5 : i32
        %mul3A_861 = arith.muli %scan3A_686, %mul3A_860 : i32
        %add3A_862 = arith.constant 1 : i32
        %add3A_863 = arith.addi %mul3A_861, %add3A_862 : i32
        %get3A_864 = arith.constant 0 : i32
        %get3A_865 = arith.index_cast %get3A_864 : i32 to index
        %get3A_866 = arith.index_cast %add3A_863 : i32 to index
        %get3A_867 = arith.constant 112 : index
        %get3A_868 = tpu.vector_load %arg7[%get3A_865, %get3A_866, %get3A_867] {strides = array<i32>} : memref<8x50x128xf32, #tpu.memory_space<vmem>>, vector<1x1x16xf32>,
        %get3A_869 = vector.shape_cast %get3A_868 : vector<1x1x16xf32> to vector<16xf32>
        %add3A_870 = arith.addf %add3A_782, %get3A_869 : vector<16xf32>
        %mul3A_871 = arith.constant 5 : i32
        %mul3A_872 = arith.muli %scan3A_686, %mul3A_871 : i32
        %add3A_873 = arith.constant 2 : i32
        %add3A_874 = arith.addi %mul3A_872, %add3A_873 : i32
        %get3A_875 = arith.constant 0 : i32
        %get3A_876 = arith.index_cast %get3A_875 : i32 to index
        %get3A_877 = arith.index_cast %add3A_874 : i32 to index
        %get3A_878 = arith.constant 0 : index
        %get3A_879 = tpu.vector_load %arg7[%get3A_876, %get3A_877, %get3A_878] {strides = array<i32>} : memref<8x50x128xf32, #tpu.memory_space<vmem>>, vector<1x1x16xf32>,
        %get3A_880 = vector.shape_cast %get3A_879 : vector<1x1x16xf32> to vector<16xf32>
        %add3A_881 = arith.addf %add3A_793, %get3A_880 : vector<16xf32>
        %mul3A_882 = arith.constant 5 : i32
        %mul3A_883 = arith.muli %scan3A_686, %mul3A_882 : i32
        %add3A_884 = arith.constant 2 : i32
        %add3A_885 = arith.addi %mul3A_883, %add3A_884 : i32
        %get3A_886 = arith.constant 0 : i32
        %get3A_887 = arith.index_cast %get3A_886 : i32 to index
        %get3A_888 = arith.index_cast %add3A_885 : i32 to index
        %get3A_889 = arith.constant 16 : index
        %get3A_890 = tpu.vector_load %arg7[%get3A_887, %get3A_888, %get3A_889] {strides = array<i32>} : memref<8x50x128xf32, #tpu.memory_space<vmem>>, vector<1x1x16xf32>,
        %get3A_891 = vector.shape_cast %get3A_890 : vector<1x1x16xf32> to vector<16xf32>
        %add3A_892 = arith.addf %add3A_804, %get3A_891 : vector<16xf32>
        %mul3A_893 = arith.constant 5 : i32
        %mul3A_894 = arith.muli %scan3A_686, %mul3A_893 : i32
        %add3A_895 = arith.constant 2 : i32
        %add3A_896 = arith.addi %mul3A_894, %add3A_895 : i32
        %get3A_897 = arith.constant 0 : i32
        %get3A_898 = arith.index_cast %get3A_897 : i32 to index
        %get3A_899 = arith.index_cast %add3A_896 : i32 to index
        %get3A_900 = arith.constant 32 : index
        %get3A_901 = tpu.vector_load %arg7[%get3A_898, %get3A_899, %get3A_900] {strides = array<i32>} : memref<8x50x128xf32, #tpu.memory_space<vmem>>, vector<1x1x16xf32>,
        %get3A_902 = vector.shape_cast %get3A_901 : vector<1x1x16xf32> to vector<16xf32>
        %add3A_903 = arith.addf %add3A_815, %get3A_902 : vector<16xf32>
        %mul3A_904 = arith.constant 5 : i32
        %mul3A_905 = arith.muli %scan3A_686, %mul3A_904 : i32
        %add3A_906 = arith.constant 2 : i32
        %add3A_907 = arith.addi %mul3A_905, %add3A_906 : i32
        %get3A_908 = arith.constant 0 : i32
        %get3A_909 = arith.index_cast %get3A_908 : i32 to index
        %get3A_910 = arith.index_cast %add3A_907 : i32 to index
        %get3A_911 = arith.constant 48 : index
        %get3A_912 = tpu.vector_load %arg7[%get3A_909, %get3A_910, %get3A_911] {strides = array<i32>} : memref<8x50x128xf32, #tpu.memory_space<vmem>>, vector<1x1x16xf32>,
        %get3A_913 = vector.shape_cast %get3A_912 : vector<1x1x16xf32> to vector<16xf32>
        %add3A_914 = arith.addf %add3A_826, %get3A_913 : vector<16xf32>
        %mul3A_915 = arith.constant 5 : i32
        %mul3A_916 = arith.muli %scan3A_686, %mul3A_915 : i32
        %add3A_917 = arith.constant 2 : i32
        %add3A_918 = arith.addi %mul3A_916, %add3A_917 : i32
        %get3A_919 = arith.constant 0 : i32
        %get3A_920 = arith.index_cast %get3A_919 : i32 to index
        %get3A_921 = arith.index_cast %add3A_918 : i32 to index
        %get3A_922 = arith.constant 64 : index
        %get3A_923 = tpu.vector_load %arg7[%get3A_920, %get3A_921, %get3A_922] {strides = array<i32>} : memref<8x50x128xf32, #tpu.memory_space<vmem>>, vector<1x1x16xf32>,
        %get3A_924 = vector.shape_cast %get3A_923 : vector<1x1x16xf32> to vector<16xf32>
        %add3A_925 = arith.addf %add3A_837, %get3A_924 : vector<16xf32>
        %mul3A_926 = arith.constant 5 : i32
        %mul3A_927 = arith.muli %scan3A_686, %mul3A_926 : i32
        %add3A_928 = arith.constant 2 : i32
        %add3A_929 = arith.addi %mul3A_927, %add3A_928 : i32
        %get3A_930 = arith.constant 0 : i32
        %get3A_931 = arith.index_cast %get3A_930 : i32 to index
        %get3A_932 = arith.index_cast %add3A_929 : i32 to index
        %get3A_933 = arith.constant 80 : index
        %get3A_934 = tpu.vector_load %arg7[%get3A_931, %get3A_932, %get3A_933] {strides = array<i32>} : memref<8x50x128xf32, #tpu.memory_space<vmem>>, vector<1x1x16xf32>,
        %get3A_935 = vector.shape_cast %get3A_934 : vector<1x1x16xf32> to vector<16xf32>
        %add3A_936 = arith.addf %add3A_848, %get3A_935 : vector<16xf32>
        %mul3A_937 = arith.constant 5 : i32
        %mul3A_938 = arith.muli %scan3A_686, %mul3A_937 : i32
        %add3A_939 = arith.constant 2 : i32
        %add3A_940 = arith.addi %mul3A_938, %add3A_939 : i32
        %get3A_941 = arith.constant 0 : i32
        %get3A_942 = arith.index_cast %get3A_941 : i32 to index
        %get3A_943 = arith.index_cast %add3A_940 : i32 to index
        %get3A_944 = arith.constant 96 : index
        %get3A_945 = tpu.vector_load %arg7[%get3A_942, %get3A_943, %get3A_944] {strides = array<i32>} : memref<8x50x128xf32, #tpu.memory_space<vmem>>, vector<1x1x16xf32>,
        %get3A_946 = vector.shape_cast %get3A_945 : vector<1x1x16xf32> to vector<16xf32>
        %add3A_947 = arith.addf %add3A_859, %get3A_946 : vector<16xf32>
        %mul3A_948 = arith.constant 5 : i32
        %mul3A_949 = arith.muli %scan3A_686, %mul3A_948 : i32
        %add3A_950 = arith.constant 2 : i32
        %add3A_951 = arith.addi %mul3A_949, %add3A_950 : i32
        %get3A_952 = arith.constant 0 : i32
        %get3A_953 = arith.index_cast %get3A_952 : i32 to index
        %get3A_954 = arith.index_cast %add3A_951 : i32 to index
        %get3A_955 = arith.constant 112 : index
        %get3A_956 = tpu.vector_load %arg7[%get3A_953, %get3A_954, %get3A_955] {strides = array<i32>} : memref<8x50x128xf32, #tpu.memory_space<vmem>>, vector<1x1x16xf32>,
        %get3A_957 = vector.shape_cast %get3A_956 : vector<1x1x16xf32> to vector<16xf32>
        %add3A_958 = arith.addf %add3A_870, %get3A_957 : vector<16xf32>
        %mul3A_959 = arith.constant 5 : i32
        %mul3A_960 = arith.muli %scan3A_686, %mul3A_959 : i32
        %add3A_961 = arith.constant 3 : i32
        %add3A_962 = arith.addi %mul3A_960, %add3A_961 : i32
        %get3A_963 = arith.constant 0 : i32
        %get3A_964 = arith.index_cast %get3A_963 : i32 to index
        %get3A_965 = arith.index_cast %add3A_962 : i32 to index
        %get3A_966 = arith.constant 0 : index
        %get3A_967 = tpu.vector_load %arg7[%get3A_964, %get3A_965, %get3A_966] {strides = array<i32>} : memref<8x50x128xf32, #tpu.memory_space<vmem>>, vector<1x1x16xf32>,
        %get3A_968 = vector.shape_cast %get3A_967 : vector<1x1x16xf32> to vector<16xf32>
        %add3A_969 = arith.addf %add3A_881, %get3A_968 : vector<16xf32>
        %mul3A_970 = arith.constant 5 : i32
        %mul3A_971 = arith.muli %scan3A_686, %mul3A_970 : i32
        %add3A_972 = arith.constant 3 : i32
        %add3A_973 = arith.addi %mul3A_971, %add3A_972 : i32
        %get3A_974 = arith.constant 0 : i32
        %get3A_975 = arith.index_cast %get3A_974 : i32 to index
        %get3A_976 = arith.index_cast %add3A_973 : i32 to index
        %get3A_977 = arith.constant 16 : index
        %get3A_978 = tpu.vector_load %arg7[%get3A_975, %get3A_976, %get3A_977] {strides = array<i32>} : memref<8x50x128xf32, #tpu.memory_space<vmem>>, vector<1x1x16xf32>,
        %get3A_979 = vector.shape_cast %get3A_978 : vector<1x1x16xf32> to vector<16xf32>
        %add3A_980 = arith.addf %add3A_892, %get3A_979 : vector<16xf32>
        %mul3A_981 = arith.constant 5 : i32
        %mul3A_982 = arith.muli %scan3A_686, %mul3A_981 : i32
        %add3A_983 = arith.constant 3 : i32
        %add3A_984 = arith.addi %mul3A_982, %add3A_983 : i32
        %get3A_985 = arith.constant 0 : i32
        %get3A_986 = arith.index_cast %get3A_985 : i32 to index
        %get3A_987 = arith.index_cast %add3A_984 : i32 to index
        %get3A_988 = arith.constant 32 : index
        %get3A_989 = tpu.vector_load %arg7[%get3A_986, %get3A_987, %get3A_988] {strides = array<i32>} : memref<8x50x128xf32, #tpu.memory_space<vmem>>, vector<1x1x16xf32>,
        %get3A_990 = vector.shape_cast %get3A_989 : vector<1x1x16xf32> to vector<16xf32>
        %add3A_991 = arith.addf %add3A_903, %get3A_990 : vector<16xf32>
        %mul3A_992 = arith.constant 5 : i32
        %mul3A_993 = arith.muli %scan3A_686, %mul3A_992 : i32
        %add3A_994 = arith.constant 3 : i32
        %add3A_995 = arith.addi %mul3A_993, %add3A_994 : i32
        %get3A_996 = arith.constant 0 : i32
        %get3A_997 = arith.index_cast %get3A_996 : i32 to index
        %get3A_998 = arith.index_cast %add3A_995 : i32 to index
        %get3A_999 = arith.constant 48 : index
        %get3A_1000 = tpu.vector_load %arg7[%get3A_997, %get3A_998, %get3A_999] {strides = array<i32>} : memref<8x50x128xf32, #tpu.memory_space<vmem>>, vector<1x1x16xf32>,
        %get3A_1001 = vector.shape_cast %get3A_1000 : vector<1x1x16xf32> to vector<16xf32>
        %add3A_1002 = arith.addf %add3A_914, %get3A_1001 : vector<16xf32>
        %mul3A_1003 = arith.constant 5 : i32
        %mul3A_1004 = arith.muli %scan3A_686, %mul3A_1003 : i32
        %add3A_1005 = arith.constant 3 : i32
        %add3A_1006 = arith.addi %mul3A_1004, %add3A_1005 : i32
        %get3A_1007 = arith.constant 0 : i32
        %get3A_1008 = arith.index_cast %get3A_1007 : i32 to index
        %get3A_1009 = arith.index_cast %add3A_1006 : i32 to index
        %get3A_1010 = arith.constant 64 : index
        %get3A_1011 = tpu.vector_load %arg7[%get3A_1008, %get3A_1009, %get3A_1010] {strides = array<i32>} : memref<8x50x128xf32, #tpu.memory_space<vmem>>, vector<1x1x16xf32>,
        %get3A_1012 = vector.shape_cast %get3A_1011 : vector<1x1x16xf32> to vector<16xf32>
        %add3A_1013 = arith.addf %add3A_925, %get3A_1012 : vector<16xf32>
        %mul3A_1014 = arith.constant 5 : i32
        %mul3A_1015 = arith.muli %scan3A_686, %mul3A_1014 : i32
        %add3A_1016 = arith.constant 3 : i32
        %add3A_1017 = arith.addi %mul3A_1015, %add3A_1016 : i32
        %get3A_1018 = arith.constant 0 : i32
        %get3A_1019 = arith.index_cast %get3A_1018 : i32 to index
        %get3A_1020 = arith.index_cast %add3A_1017 : i32 to index
        %get3A_1021 = arith.constant 80 : index
        %get3A_1022 = tpu.vector_load %arg7[%get3A_1019, %get3A_1020, %get3A_1021] {strides = array<i32>} : memref<8x50x128xf32, #tpu.memory_space<vmem>>, vector<1x1x16xf32>,
        %get3A_1023 = vector.shape_cast %get3A_1022 : vector<1x1x16xf32> to vector<16xf32>
        %add3A_1024 = arith.addf %add3A_936, %get3A_1023 : vector<16xf32>
        %mul3A_1025 = arith.constant 5 : i32
        %mul3A_1026 = arith.muli %scan3A_686, %mul3A_1025 : i32
        %add3A_1027 = arith.constant 3 : i32
        %add3A_1028 = arith.addi %mul3A_1026, %add3A_1027 : i32
        %get3A_1029 = arith.constant 0 : i32
        %get3A_1030 = arith.index_cast %get3A_1029 : i32 to index
        %get3A_1031 = arith.index_cast %add3A_1028 : i32 to index
        %get3A_1032 = arith.constant 96 : index
        %get3A_1033 = tpu.vector_load %arg7[%get3A_1030, %get3A_1031, %get3A_1032] {strides = array<i32>} : memref<8x50x128xf32, #tpu.memory_space<vmem>>, vector<1x1x16xf32>,
        %get3A_1034 = vector.shape_cast %get3A_1033 : vector<1x1x16xf32> to vector<16xf32>
        %add3A_1035 = arith.addf %add3A_947, %get3A_1034 : vector<16xf32>
        %mul3A_1036 = arith.constant 5 : i32
        %mul3A_1037 = arith.muli %scan3A_686, %mul3A_1036 : i32
        %add3A_1038 = arith.constant 3 : i32
        %add3A_1039 = arith.addi %mul3A_1037, %add3A_1038 : i32
        %get3A_1040 = arith.constant 0 : i32
        %get3A_1041 = arith.index_cast %get3A_1040 : i32 to index
        %get3A_1042 = arith.index_cast %add3A_1039 : i32 to index
        %get3A_1043 = arith.constant 112 : index
        %get3A_1044 = tpu.vector_load %arg7[%get3A_1041, %get3A_1042, %get3A_1043] {strides = array<i32>} : memref<8x50x128xf32, #tpu.memory_space<vmem>>, vector<1x1x16xf32>,
        %get3A_1045 = vector.shape_cast %get3A_1044 : vector<1x1x16xf32> to vector<16xf32>
        %add3A_1046 = arith.addf %add3A_958, %get3A_1045 : vector<16xf32>
        %mul3A_1047 = arith.constant 5 : i32
        %mul3A_1048 = arith.muli %scan3A_686, %mul3A_1047 : i32
        %add3A_1049 = arith.constant 4 : i32
        %add3A_1050 = arith.addi %mul3A_1048, %add3A_1049 : i32
        %get3A_1051 = arith.constant 0 : i32
        %get3A_1052 = arith.index_cast %get3A_1051 : i32 to index
        %get3A_1053 = arith.index_cast %add3A_1050 : i32 to index
        %get3A_1054 = arith.constant 0 : index
        %get3A_1055 = tpu.vector_load %arg7[%get3A_1052, %get3A_1053, %get3A_1054] {strides = array<i32>} : memref<8x50x128xf32, #tpu.memory_space<vmem>>, vector<1x1x16xf32>,
        %get3A_1056 = vector.shape_cast %get3A_1055 : vector<1x1x16xf32> to vector<16xf32>
        %add3A_1057 = arith.addf %add3A_969, %get3A_1056 : vector<16xf32>
        %mul3A_1058 = arith.constant 5 : i32
        %mul3A_1059 = arith.muli %scan3A_686, %mul3A_1058 : i32
        %add3A_1060 = arith.constant 4 : i32
        %add3A_1061 = arith.addi %mul3A_1059, %add3A_1060 : i32
        %get3A_1062 = arith.constant 0 : i32
        %get3A_1063 = arith.index_cast %get3A_1062 : i32 to index
        %get3A_1064 = arith.index_cast %add3A_1061 : i32 to index
        %get3A_1065 = arith.constant 16 : index
        %get3A_1066 = tpu.vector_load %arg7[%get3A_1063, %get3A_1064, %get3A_1065] {strides = array<i32>} : memref<8x50x128xf32, #tpu.memory_space<vmem>>, vector<1x1x16xf32>,
        %get3A_1067 = vector.shape_cast %get3A_1066 : vector<1x1x16xf32> to vector<16xf32>
        %add3A_1068 = arith.addf %add3A_980, %get3A_1067 : vector<16xf32>
        %mul3A_1069 = arith.constant 5 : i32
        %mul3A_1070 = arith.muli %scan3A_686, %mul3A_1069 : i32
        %add3A_1071 = arith.constant 4 : i32
        %add3A_1072 = arith.addi %mul3A_1070, %add3A_1071 : i32
        %get3A_1073 = arith.constant 0 : i32
        %get3A_1074 = arith.index_cast %get3A_1073 : i32 to index
        %get3A_1075 = arith.index_cast %add3A_1072 : i32 to index
        %get3A_1076 = arith.constant 32 : index
        %get3A_1077 = tpu.vector_load %arg7[%get3A_1074, %get3A_1075, %get3A_1076] {strides = array<i32>} : memref<8x50x128xf32, #tpu.memory_space<vmem>>, vector<1x1x16xf32>,
        %get3A_1078 = vector.shape_cast %get3A_1077 : vector<1x1x16xf32> to vector<16xf32>
        %add3A_1079 = arith.addf %add3A_991, %get3A_1078 : vector<16xf32>
        %mul3A_1080 = arith.constant 5 : i32
        %mul3A_1081 = arith.muli %scan3A_686, %mul3A_1080 : i32
        %add3A_1082 = arith.constant 4 : i32
        %add3A_1083 = arith.addi %mul3A_1081, %add3A_1082 : i32
        %get3A_1084 = arith.constant 0 : i32
        %get3A_1085 = arith.index_cast %get3A_1084 : i32 to index
        %get3A_1086 = arith.index_cast %add3A_1083 : i32 to index
        %get3A_1087 = arith.constant 48 : index
        %get3A_1088 = tpu.vector_load %arg7[%get3A_1085, %get3A_1086, %get3A_1087] {strides = array<i32>} : memref<8x50x128xf32, #tpu.memory_space<vmem>>, vector<1x1x16xf32>,
        %get3A_1089 = vector.shape_cast %get3A_1088 : vector<1x1x16xf32> to vector<16xf32>
        %add3A_1090 = arith.addf %add3A_1002, %get3A_1089 : vector<16xf32>
        %mul3A_1091 = arith.constant 5 : i32
        %mul3A_1092 = arith.muli %scan3A_686, %mul3A_1091 : i32
        %add3A_1093 = arith.constant 4 : i32
        %add3A_1094 = arith.addi %mul3A_1092, %add3A_1093 : i32
        %get3A_1095 = arith.constant 0 : i32
        %get3A_1096 = arith.index_cast %get3A_1095 : i32 to index
        %get3A_1097 = arith.index_cast %add3A_1094 : i32 to index
        %get3A_1098 = arith.constant 64 : index
        %get3A_1099 = tpu.vector_load %arg7[%get3A_1096, %get3A_1097, %get3A_1098] {strides = array<i32>} : memref<8x50x128xf32, #tpu.memory_space<vmem>>, vector<1x1x16xf32>,
        %get3A_1100 = vector.shape_cast %get3A_1099 : vector<1x1x16xf32> to vector<16xf32>
        %add3A_1101 = arith.addf %add3A_1013, %get3A_1100 : vector<16xf32>
        %mul3A_1102 = arith.constant 5 : i32
        %mul3A_1103 = arith.muli %scan3A_686, %mul3A_1102 : i32
        %add3A_1104 = arith.constant 4 : i32
        %add3A_1105 = arith.addi %mul3A_1103, %add3A_1104 : i32
        %get3A_1106 = arith.constant 0 : i32
        %get3A_1107 = arith.index_cast %get3A_1106 : i32 to index
        %get3A_1108 = arith.index_cast %add3A_1105 : i32 to index
        %get3A_1109 = arith.constant 80 : index
        %get3A_1110 = tpu.vector_load %arg7[%get3A_1107, %get3A_1108, %get3A_1109] {strides = array<i32>} : memref<8x50x128xf32, #tpu.memory_space<vmem>>, vector<1x1x16xf32>,
        %get3A_1111 = vector.shape_cast %get3A_1110 : vector<1x1x16xf32> to vector<16xf32>
        %add3A_1112 = arith.addf %add3A_1024, %get3A_1111 : vector<16xf32>
        %mul3A_1113 = arith.constant 5 : i32
        %mul3A_1114 = arith.muli %scan3A_686, %mul3A_1113 : i32
        %add3A_1115 = arith.constant 4 : i32
        %add3A_1116 = arith.addi %mul3A_1114, %add3A_1115 : i32
        %get3A_1117 = arith.constant 0 : i32
        %get3A_1118 = arith.index_cast %get3A_1117 : i32 to index
        %get3A_1119 = arith.index_cast %add3A_1116 : i32 to index
        %get3A_1120 = arith.constant 96 : index
        %get3A_1121 = tpu.vector_load %arg7[%get3A_1118, %get3A_1119, %get3A_1120] {strides = array<i32>} : memref<8x50x128xf32, #tpu.memory_space<vmem>>, vector<1x1x16xf32>,
        %get3A_1122 = vector.shape_cast %get3A_1121 : vector<1x1x16xf32> to vector<16xf32>
        %add3A_1123 = arith.addf %add3A_1035, %get3A_1122 : vector<16xf32>
        %mul3A_1124 = arith.constant 5 : i32
        %mul3A_1125 = arith.muli %scan3A_686, %mul3A_1124 : i32
        %add3A_1126 = arith.constant 4 : i32
        %add3A_1127 = arith.addi %mul3A_1125, %add3A_1126 : i32
        %get3A_1128 = arith.constant 0 : i32
        %get3A_1129 = arith.index_cast %get3A_1128 : i32 to index
        %get3A_1130 = arith.index_cast %add3A_1127 : i32 to index
        %get3A_1131 = arith.constant 112 : index
        %get3A_1132 = tpu.vector_load %arg7[%get3A_1129, %get3A_1130, %get3A_1131] {strides = array<i32>} : memref<8x50x128xf32, #tpu.memory_space<vmem>>, vector<1x1x16xf32>,
        %get3A_1133 = vector.shape_cast %get3A_1132 : vector<1x1x16xf32> to vector<16xf32>
        %add3A_1134 = arith.addf %add3A_1046, %get3A_1133 : vector<16xf32>
        scf.yield %add3A_1057, %add3A_1068, %add3A_1079, %add3A_1090, %add3A_1101, %add3A_1112, %add3A_1123, %add3A_1134 : vector<16xf32>, vector<16xf32>, vector<16xf32>, vector<16xf32>, vector<16xf32>, vector<16xf32>, vector<16xf32>, vector<16xf32>
      }
      %scan3A_156 = arith.constant 10 : i32
      %swap3A = arith.index_cast %add3A_134 : i32 to index
      %swap3A_157 = arith.constant 0 : index
      %swap3A_158 = tpu.vector_load %arg8[%swap3A, %swap3A_157] {strides = array<i32>} : memref<128x128xf32, #tpu.memory_space<vmem>>, vector<1x16xf32>,
      %swap3A_159 = vector.shape_cast %swap3A_158 : vector<1x16xf32> to vector<16xf32>
      %swap3A_160 = vector.shape_cast %scan3A_155#0 : vector<16xf32> to vector<1x16xf32>
      tpu.vector_store %arg8[%swap3A, %swap3A_157], %swap3A_160 {strides = array<i32>} : memref<128x128xf32, #tpu.memory_space<vmem>>, vector<1x16xf32>,
      %swap3A_161 = arith.index_cast %add3A_134 : i32 to index
      %swap3A_162 = arith.constant 16 : index
      %swap3A_163 = tpu.vector_load %arg8[%swap3A_161, %swap3A_162] {strides = array<i32>} : memref<128x128xf32, #tpu.memory_space<vmem>>, vector<1x16xf32>,
      %swap3A_164 = vector.shape_cast %swap3A_163 : vector<1x16xf32> to vector<16xf32>
      %swap3A_165 = vector.shape_cast %scan3A_155#1 : vector<16xf32> to vector<1x16xf32>
      tpu.vector_store %arg8[%swap3A_161, %swap3A_162], %swap3A_165 {strides = array<i32>} : memref<128x128xf32, #tpu.memory_space<vmem>>, vector<1x16xf32>,
      %swap3A_166 = arith.index_cast %add3A_134 : i32 to index
      %swap3A_167 = arith.constant 32 : index
      %swap3A_168 = tpu.vector_load %arg8[%swap3A_166, %swap3A_167] {strides = array<i32>} : memref<128x128xf32, #tpu.memory_space<vmem>>, vector<1x16xf32>,
      %swap3A_169 = vector.shape_cast %swap3A_168 : vector<1x16xf32> to vector<16xf32>
      %swap3A_170 = vector.shape_cast %scan3A_155#2 : vector<16xf32> to vector<1x16xf32>
      tpu.vector_store %arg8[%swap3A_166, %swap3A_167], %swap3A_170 {strides = array<i32>} : memref<128x128xf32, #tpu.memory_space<vmem>>, vector<1x16xf32>,
      %swap3A_171 = arith.index_cast %add3A_134 : i32 to index
      %swap3A_172 = arith.constant 48 : index
      %swap3A_173 = tpu.vector_load %arg8[%swap3A_171, %swap3A_172] {strides = array<i32>} : memref<128x128xf32, #tpu.memory_space<vmem>>, vector<1x16xf32>,
      %swap3A_174 = vector.shape_cast %swap3A_173 : vector<1x16xf32> to vector<16xf32>
      %swap3A_175 = vector.shape_cast %scan3A_155#3 : vector<16xf32> to vector<1x16xf32>
      tpu.vector_store %arg8[%swap3A_171, %swap3A_172], %swap3A_175 {strides = array<i32>} : memref<128x128xf32, #tpu.memory_space<vmem>>, vector<1x16xf32>,
      %swap3A_176 = arith.index_cast %add3A_134 : i32 to index
      %swap3A_177 = arith.constant 64 : index
      %swap3A_178 = tpu.vector_load %arg8[%swap3A_176, %swap3A_177] {strides = array<i32>} : memref<128x128xf32, #tpu.memory_space<vmem>>, vector<1x16xf32>,
      %swap3A_179 = vector.shape_cast %swap3A_178 : vector<1x16xf32> to vector<16xf32>
      %swap3A_180 = vector.shape_cast %scan3A_155#4 : vector<16xf32> to vector<1x16xf32>
      tpu.vector_store %arg8[%swap3A_176, %swap3A_177], %swap3A_180 {strides = array<i32>} : memref<128x128xf32, #tpu.memory_space<vmem>>, vector<1x16xf32>,
      %swap3A_181 = arith.index_cast %add3A_134 : i32 to index
      %swap3A_182 = arith.constant 80 : index
      %swap3A_183 = tpu.vector_load %arg8[%swap3A_181, %swap3A_182] {strides = array<i32>} : memref<128x128xf32, #tpu.memory_space<vmem>>, vector<1x16xf32>,
      %swap3A_184 = vector.shape_cast %swap3A_183 : vector<1x16xf32> to vector<16xf32>
      %swap3A_185 = vector.shape_cast %scan3A_155#5 : vector<16xf32> to vector<1x16xf32>
      tpu.vector_store %arg8[%swap3A_181, %swap3A_182], %swap3A_185 {strides = array<i32>} : memref<128x128xf32, #tpu.memory_space<vmem>>, vector<1x16xf32>,
      %swap3A_186 = arith.index_cast %add3A_134 : i32 to index
      %swap3A_187 = arith.constant 96 : index
      %swap3A_188 = tpu.vector_load %arg8[%swap3A_186, %swap3A_187] {strides = array<i32>} : memref<128x128xf32, #tpu.memory_space<vmem>>, vector<1x16xf32>,
      %swap3A_189 = vector.shape_cast %swap3A_188 : vector<1x16xf32> to vector<16xf32>
      %swap3A_190 = vector.shape_cast %scan3A_155#6 : vector<16xf32> to vector<1x16xf32>
      tpu.vector_store %arg8[%swap3A_186, %swap3A_187], %swap3A_190 {strides = array<i32>} : memref<128x128xf32, #tpu.memory_space<vmem>>, vector<1x16xf32>,
      %swap3A_191 = arith.index_cast %add3A_134 : i32 to index
      %swap3A_192 = arith.constant 112 : index
      %swap3A_193 = tpu.vector_load %arg8[%swap3A_191, %swap3A_192] {strides = array<i32>} : memref<128x128xf32, #tpu.memory_space<vmem>>, vector<1x16xf32>,
      %swap3A_194 = vector.shape_cast %swap3A_193 : vector<1x16xf32> to vector<16xf32>
      %swap3A_195 = vector.shape_cast %scan3A_155#7 : vector<16xf32> to vector<1x16xf32>
      tpu.vector_store %arg8[%swap3A_191, %swap3A_192], %swap3A_195 {strides = array<i32>} : memref<128x128xf32, #tpu.memory_space<vmem>>, vector<1x16xf32>,
      %mul3A_196 = arith.constant 8 : i32
      %mul3A_197 = arith.muli %mul3A_196, %scan3A_130 : i32
      %add3A_198 = arith.constant 1 : i32
      %add3A_199 = arith.addi %mul3A_197, %add3A_198 : i32
      %dma_wait3A_200 = arith.constant 1 : i32
      %dma_wait3A_201 = arith.constant 0 : i32
      %dma_wait3A_202 = arith.constant 0 : i32
      %dma_wait3A_203 = tpu.memref_slice %arg7[%dma_wait3A_200, %dma_wait3A_201, %dma_wait3A_202] : memref<8x50x128xf32, #tpu.memory_space<vmem>> -> memref<1x50x128xf32, #tpu.memory_space<vmem>>
      %dma_wait3A_204 = tpu.memref_squeeze %dma_wait3A_203 : memref<1x50x128xf32, #tpu.memory_space<vmem>> -> memref<50x128xf32, #tpu.memory_space<vmem>>
      %dma_wait3A_205 = arith.constant 0 : i32
      %dma_wait3A_206 = tpu.memref_slice %arg6[%add3A_199, %dma_wait3A_205] : memref<128x50xi32, #tpu.memory_space<vmem>> -> memref<1x50xi32, #tpu.memory_space<vmem>>
      %dma_wait3A_207 = tpu.memref_squeeze %dma_wait3A_206 : memref<1x50xi32, #tpu.memory_space<vmem>> -> memref<50xi32, #tpu.memory_space<vmem>>
      %dma_wait3A_208 = arith.constant 0 : i32
      %dma_wait3A_209 = arith.constant 0 : i32
      %dma_wait3A_210 = tpu.memref_slice %arg3[%dma_wait3A_208, %dma_wait3A_209] : memref<100000x128xf32, #tpu.memory_space<hbm>> -> memref<100000x128xf32, #tpu.memory_space<hbm>>
      tpu.wait_indirect_dma semaphore(%arg11 : memref<!tpu.dma_semaphore, #tpu.memory_space<semaphore_mem>>) src(%dma_wait3A_210 : memref<100000x128xf32, #tpu.memory_space<hbm>>) dst(%dma_wait3A_204 : memref<50x128xf32, #tpu.memory_space<vmem>>)
      %add3A_211 = arith.constant 8 : i32
      %add3A_212 = arith.addi %add3A_199, %add3A_211 : i32
      %sub3A_213 = arith.constant 1 : i32
      %sub3A_214 = arith.subi %add3A_212, %sub3A_213 : i32
      %lt3A_215 = arith.constant 128 : i32
      %lt3A_216 = arith.cmpi slt, %sub3A_214, %lt3A_215 : i32
      %convert_element_type3A_217 = arith.extui %lt3A_216 : i1 to i32
      %cond3A_218 = arith.constant 0 : i32
      %cond3A_219 = arith.cmpi ne, %convert_element_type3A_217, %cond3A_218 : i32
      scf.if %cond3A_219 {
        %add3A_686 = arith.constant 8 : i32
        %add3A_687 = arith.addi %add3A_199, %add3A_686 : i32
        %sub3A_688 = arith.constant 1 : i32
        %sub3A_689 = arith.subi %add3A_687, %sub3A_688 : i32
        %dma_start3A_690 = arith.constant 0 : i32
        %dma_start3A_691 = arith.constant 0 : i32
        %dma_start3A_692 = arith.constant 0 : i32
        %dma_start3A_693 = tpu.memref_slice %arg7[%dma_start3A_690, %dma_start3A_691, %dma_start3A_692] : memref<8x50x128xf32, #tpu.memory_space<vmem>> -> memref<1x50x128xf32, #tpu.memory_space<vmem>>
        %dma_start3A_694 = tpu.memref_squeeze %dma_start3A_693 : memref<1x50x128xf32, #tpu.memory_space<vmem>> -> memref<50x128xf32, #tpu.memory_space<vmem>>
        %dma_start3A_695 = arith.constant 0 : i32
        %dma_start3A_696 = tpu.memref_slice %arg6[%sub3A_689, %dma_start3A_695] : memref<128x50xi32, #tpu.memory_space<vmem>> -> memref<1x50xi32, #tpu.memory_space<vmem>>
        %dma_start3A_697 = tpu.memref_squeeze %dma_start3A_696 : memref<1x50xi32, #tpu.memory_space<vmem>> -> memref<50xi32, #tpu.memory_space<vmem>>
        %dma_start3A_698 = arith.constant 0 : i32
        %dma_start3A_699 = arith.constant 0 : i32
        %dma_start3A_700 = tpu.memref_slice %arg3[%dma_start3A_698, %dma_start3A_699] : memref<100000x128xf32, #tpu.memory_space<hbm>> -> memref<100000x128xf32, #tpu.memory_space<hbm>>
        tpu.enqueue_indirect_dma source(%dma_start3A_700 : memref<100000x128xf32, #tpu.memory_space<hbm>>) target(%dma_start3A_694 : memref<50x128xf32, #tpu.memory_space<vmem>>) offsets(%dma_start3A_697 : memref<50xi32, #tpu.memory_space<vmem>>) semaphore(%arg10 : memref<!tpu.dma_semaphore, #tpu.memory_space<semaphore_mem>>)
      } else {
      }
      %scan3A_220 = arith.constant 0 : i32
      %scan3A_221 = arith.constant 10 : i32
      %scan3A_222 = arith.addi %scan3A_220, %scan3A_221 : i32
      %scan3A_223 = arith.constant 1 : i32
      %scan3A_224:8 = scf.for %scan3A_686 = %scan3A_220 to %scan3A_222 step %scan3A_223 iter_args(%scan3A_687 = %get3A_94, %scan3A_688 = %get3A_97, %scan3A_689 = %get3A_100, %scan3A_690 = %get3A_103, %scan3A_691 = %get3A_106, %scan3A_692 = %get3A_109, %scan3A_693 = %get3A_112, %scan3A_694 = %get3A_115) -> (vector<16xf32>, vector<16xf32>, vector<16xf32>, vector<16xf32>, vector<16xf32>, vector<16xf32>, vector<16xf32>, vector<16xf32>)  : i32 {
        %mul3A_695 = arith.constant 5 : i32
        %mul3A_696 = arith.muli %scan3A_686, %mul3A_695 : i32
        %add3A_697 = arith.constant 0 : i32
        %add3A_698 = arith.addi %mul3A_696, %add3A_697 : i32
        %get3A_699 = arith.constant 1 : i32
        %get3A_700 = arith.index_cast %get3A_699 : i32 to index
        %get3A_701 = arith.index_cast %add3A_698 : i32 to index
        %get3A_702 = arith.constant 0 : index
        %get3A_703 = tpu.vector_load %arg7[%get3A_700, %get3A_701, %get3A_702] {strides = array<i32>} : memref<8x50x128xf32, #tpu.memory_space<vmem>>, vector<1x1x16xf32>,
        %get3A_704 = vector.shape_cast %get3A_703 : vector<1x1x16xf32> to vector<16xf32>
        %add3A_705 = arith.addf %scan3A_687, %get3A_704 : vector<16xf32>
        %mul3A_706 = arith.constant 5 : i32
        %mul3A_707 = arith.muli %scan3A_686, %mul3A_706 : i32
        %add3A_708 = arith.constant 0 : i32
        %add3A_709 = arith.addi %mul3A_707, %add3A_708 : i32
        %get3A_710 = arith.constant 1 : i32
        %get3A_711 = arith.index_cast %get3A_710 : i32 to index
        %get3A_712 = arith.index_cast %add3A_709 : i32 to index
        %get3A_713 = arith.constant 16 : index
        %get3A_714 = tpu.vector_load %arg7[%get3A_711, %get3A_712, %get3A_713] {strides = array<i32>} : memref<8x50x128xf32, #tpu.memory_space<vmem>>, vector<1x1x16xf32>,
        %get3A_715 = vector.shape_cast %get3A_714 : vector<1x1x16xf32> to vector<16xf32>
        %add3A_716 = arith.addf %scan3A_688, %get3A_715 : vector<16xf32>
        %mul3A_717 = arith.constant 5 : i32
        %mul3A_718 = arith.muli %scan3A_686, %mul3A_717 : i32
        %add3A_719 = arith.constant 0 : i32
        %add3A_720 = arith.addi %mul3A_718, %add3A_719 : i32
        %get3A_721 = arith.constant 1 : i32
        %get3A_722 = arith.index_cast %get3A_721 : i32 to index
        %get3A_723 = arith.index_cast %add3A_720 : i32 to index
        %get3A_724 = arith.constant 32 : index
        %get3A_725 = tpu.vector_load %arg7[%get3A_722, %get3A_723, %get3A_724] {strides = array<i32>} : memref<8x50x128xf32, #tpu.memory_space<vmem>>, vector<1x1x16xf32>,
        %get3A_726 = vector.shape_cast %get3A_725 : vector<1x1x16xf32> to vector<16xf32>
        %add3A_727 = arith.addf %scan3A_689, %get3A_726 : vector<16xf32>
        %mul3A_728 = arith.constant 5 : i32
        %mul3A_729 = arith.muli %scan3A_686, %mul3A_728 : i32
        %add3A_730 = arith.constant 0 : i32
        %add3A_731 = arith.addi %mul3A_729, %add3A_730 : i32
        %get3A_732 = arith.constant 1 : i32
        %get3A_733 = arith.index_cast %get3A_732 : i32 to index
        %get3A_734 = arith.index_cast %add3A_731 : i32 to index
        %get3A_735 = arith.constant 48 : index
        %get3A_736 = tpu.vector_load %arg7[%get3A_733, %get3A_734, %get3A_735] {strides = array<i32>} : memref<8x50x128xf32, #tpu.memory_space<vmem>>, vector<1x1x16xf32>,
        %get3A_737 = vector.shape_cast %get3A_736 : vector<1x1x16xf32> to vector<16xf32>
        %add3A_738 = arith.addf %scan3A_690, %get3A_737 : vector<16xf32>
        %mul3A_739 = arith.constant 5 : i32
        %mul3A_740 = arith.muli %scan3A_686, %mul3A_739 : i32
        %add3A_741 = arith.constant 0 : i32
        %add3A_742 = arith.addi %mul3A_740, %add3A_741 : i32
        %get3A_743 = arith.constant 1 : i32
        %get3A_744 = arith.index_cast %get3A_743 : i32 to index
        %get3A_745 = arith.index_cast %add3A_742 : i32 to index
        %get3A_746 = arith.constant 64 : index
        %get3A_747 = tpu.vector_load %arg7[%get3A_744, %get3A_745, %get3A_746] {strides = array<i32>} : memref<8x50x128xf32, #tpu.memory_space<vmem>>, vector<1x1x16xf32>,
        %get3A_748 = vector.shape_cast %get3A_747 : vector<1x1x16xf32> to vector<16xf32>
        %add3A_749 = arith.addf %scan3A_691, %get3A_748 : vector<16xf32>
        %mul3A_750 = arith.constant 5 : i32
        %mul3A_751 = arith.muli %scan3A_686, %mul3A_750 : i32
        %add3A_752 = arith.constant 0 : i32
        %add3A_753 = arith.addi %mul3A_751, %add3A_752 : i32
        %get3A_754 = arith.constant 1 : i32
        %get3A_755 = arith.index_cast %get3A_754 : i32 to index
        %get3A_756 = arith.index_cast %add3A_753 : i32 to index
        %get3A_757 = arith.constant 80 : index
        %get3A_758 = tpu.vector_load %arg7[%get3A_755, %get3A_756, %get3A_757] {strides = array<i32>} : memref<8x50x128xf32, #tpu.memory_space<vmem>>, vector<1x1x16xf32>,
        %get3A_759 = vector.shape_cast %get3A_758 : vector<1x1x16xf32> to vector<16xf32>
        %add3A_760 = arith.addf %scan3A_692, %get3A_759 : vector<16xf32>
        %mul3A_761 = arith.constant 5 : i32
        %mul3A_762 = arith.muli %scan3A_686, %mul3A_761 : i32
        %add3A_763 = arith.constant 0 : i32
        %add3A_764 = arith.addi %mul3A_762, %add3A_763 : i32
        %get3A_765 = arith.constant 1 : i32
        %get3A_766 = arith.index_cast %get3A_765 : i32 to index
        %get3A_767 = arith.index_cast %add3A_764 : i32 to index
        %get3A_768 = arith.constant 96 : index
        %get3A_769 = tpu.vector_load %arg7[%get3A_766, %get3A_767, %get3A_768] {strides = array<i32>} : memref<8x50x128xf32, #tpu.memory_space<vmem>>, vector<1x1x16xf32>,
        %get3A_770 = vector.shape_cast %get3A_769 : vector<1x1x16xf32> to vector<16xf32>
        %add3A_771 = arith.addf %scan3A_693, %get3A_770 : vector<16xf32>
        %mul3A_772 = arith.constant 5 : i32
        %mul3A_773 = arith.muli %scan3A_686, %mul3A_772 : i32
        %add3A_774 = arith.constant 0 : i32
        %add3A_775 = arith.addi %mul3A_773, %add3A_774 : i32
        %get3A_776 = arith.constant 1 : i32
        %get3A_777 = arith.index_cast %get3A_776 : i32 to index
        %get3A_778 = arith.index_cast %add3A_775 : i32 to index
        %get3A_779 = arith.constant 112 : index
        %get3A_780 = tpu.vector_load %arg7[%get3A_777, %get3A_778, %get3A_779] {strides = array<i32>} : memref<8x50x128xf32, #tpu.memory_space<vmem>>, vector<1x1x16xf32>,
        %get3A_781 = vector.shape_cast %get3A_780 : vector<1x1x16xf32> to vector<16xf32>
        %add3A_782 = arith.addf %scan3A_694, %get3A_781 : vector<16xf32>
        %mul3A_783 = arith.constant 5 : i32
        %mul3A_784 = arith.muli %scan3A_686, %mul3A_783 : i32
        %add3A_785 = arith.constant 1 : i32
        %add3A_786 = arith.addi %mul3A_784, %add3A_785 : i32
        %get3A_787 = arith.constant 1 : i32
        %get3A_788 = arith.index_cast %get3A_787 : i32 to index
        %get3A_789 = arith.index_cast %add3A_786 : i32 to index
        %get3A_790 = arith.constant 0 : index
        %get3A_791 = tpu.vector_load %arg7[%get3A_788, %get3A_789, %get3A_790] {strides = array<i32>} : memref<8x50x128xf32, #tpu.memory_space<vmem>>, vector<1x1x16xf32>,
        %get3A_792 = vector.shape_cast %get3A_791 : vector<1x1x16xf32> to vector<16xf32>
        %add3A_793 = arith.addf %add3A_705, %get3A_792 : vector<16xf32>
        %mul3A_794 = arith.constant 5 : i32
        %mul3A_795 = arith.muli %scan3A_686, %mul3A_794 : i32
        %add3A_796 = arith.constant 1 : i32
        %add3A_797 = arith.addi %mul3A_795, %add3A_796 : i32
        %get3A_798 = arith.constant 1 : i32
        %get3A_799 = arith.index_cast %get3A_798 : i32 to index
        %get3A_800 = arith.index_cast %add3A_797 : i32 to index
        %get3A_801 = arith.constant 16 : index
        %get3A_802 = tpu.vector_load %arg7[%get3A_799, %get3A_800, %get3A_801] {strides = array<i32>} : memref<8x50x128xf32, #tpu.memory_space<vmem>>, vector<1x1x16xf32>,
        %get3A_803 = vector.shape_cast %get3A_802 : vector<1x1x16xf32> to vector<16xf32>
        %add3A_804 = arith.addf %add3A_716, %get3A_803 : vector<16xf32>
        %mul3A_805 = arith.constant 5 : i32
        %mul3A_806 = arith.muli %scan3A_686, %mul3A_805 : i32
        %add3A_807 = arith.constant 1 : i32
        %add3A_808 = arith.addi %mul3A_806, %add3A_807 : i32
        %get3A_809 = arith.constant 1 : i32
        %get3A_810 = arith.index_cast %get3A_809 : i32 to index
        %get3A_811 = arith.index_cast %add3A_808 : i32 to index
        %get3A_812 = arith.constant 32 : index
        %get3A_813 = tpu.vector_load %arg7[%get3A_810, %get3A_811, %get3A_812] {strides = array<i32>} : memref<8x50x128xf32, #tpu.memory_space<vmem>>, vector<1x1x16xf32>,
        %get3A_814 = vector.shape_cast %get3A_813 : vector<1x1x16xf32> to vector<16xf32>
        %add3A_815 = arith.addf %add3A_727, %get3A_814 : vector<16xf32>
        %mul3A_816 = arith.constant 5 : i32
        %mul3A_817 = arith.muli %scan3A_686, %mul3A_816 : i32
        %add3A_818 = arith.constant 1 : i32
        %add3A_819 = arith.addi %mul3A_817, %add3A_818 : i32
        %get3A_820 = arith.constant 1 : i32
        %get3A_821 = arith.index_cast %get3A_820 : i32 to index
        %get3A_822 = arith.index_cast %add3A_819 : i32 to index
        %get3A_823 = arith.constant 48 : index
        %get3A_824 = tpu.vector_load %arg7[%get3A_821, %get3A_822, %get3A_823] {strides = array<i32>} : memref<8x50x128xf32, #tpu.memory_space<vmem>>, vector<1x1x16xf32>,
        %get3A_825 = vector.shape_cast %get3A_824 : vector<1x1x16xf32> to vector<16xf32>
        %add3A_826 = arith.addf %add3A_738, %get3A_825 : vector<16xf32>
        %mul3A_827 = arith.constant 5 : i32
        %mul3A_828 = arith.muli %scan3A_686, %mul3A_827 : i32
        %add3A_829 = arith.constant 1 : i32
        %add3A_830 = arith.addi %mul3A_828, %add3A_829 : i32
        %get3A_831 = arith.constant 1 : i32
        %get3A_832 = arith.index_cast %get3A_831 : i32 to index
        %get3A_833 = arith.index_cast %add3A_830 : i32 to index
        %get3A_834 = arith.constant 64 : index
        %get3A_835 = tpu.vector_load %arg7[%get3A_832, %get3A_833, %get3A_834] {strides = array<i32>} : memref<8x50x128xf32, #tpu.memory_space<vmem>>, vector<1x1x16xf32>,
        %get3A_836 = vector.shape_cast %get3A_835 : vector<1x1x16xf32> to vector<16xf32>
        %add3A_837 = arith.addf %add3A_749, %get3A_836 : vector<16xf32>
        %mul3A_838 = arith.constant 5 : i32
        %mul3A_839 = arith.muli %scan3A_686, %mul3A_838 : i32
        %add3A_840 = arith.constant 1 : i32
        %add3A_841 = arith.addi %mul3A_839, %add3A_840 : i32
        %get3A_842 = arith.constant 1 : i32
        %get3A_843 = arith.index_cast %get3A_842 : i32 to index
        %get3A_844 = arith.index_cast %add3A_841 : i32 to index
        %get3A_845 = arith.constant 80 : index
        %get3A_846 = tpu.vector_load %arg7[%get3A_843, %get3A_844, %get3A_845] {strides = array<i32>} : memref<8x50x128xf32, #tpu.memory_space<vmem>>, vector<1x1x16xf32>,
        %get3A_847 = vector.shape_cast %get3A_846 : vector<1x1x16xf32> to vector<16xf32>
        %add3A_848 = arith.addf %add3A_760, %get3A_847 : vector<16xf32>
        %mul3A_849 = arith.constant 5 : i32
        %mul3A_850 = arith.muli %scan3A_686, %mul3A_849 : i32
        %add3A_851 = arith.constant 1 : i32
        %add3A_852 = arith.addi %mul3A_850, %add3A_851 : i32
        %get3A_853 = arith.constant 1 : i32
        %get3A_854 = arith.index_cast %get3A_853 : i32 to index
        %get3A_855 = arith.index_cast %add3A_852 : i32 to index
        %get3A_856 = arith.constant 96 : index
        %get3A_857 = tpu.vector_load %arg7[%get3A_854, %get3A_855, %get3A_856] {strides = array<i32>} : memref<8x50x128xf32, #tpu.memory_space<vmem>>, vector<1x1x16xf32>,
        %get3A_858 = vector.shape_cast %get3A_857 : vector<1x1x16xf32> to vector<16xf32>
        %add3A_859 = arith.addf %add3A_771, %get3A_858 : vector<16xf32>
        %mul3A_860 = arith.constant 5 : i32
        %mul3A_861 = arith.muli %scan3A_686, %mul3A_860 : i32
        %add3A_862 = arith.constant 1 : i32
        %add3A_863 = arith.addi %mul3A_861, %add3A_862 : i32
        %get3A_864 = arith.constant 1 : i32
        %get3A_865 = arith.index_cast %get3A_864 : i32 to index
        %get3A_866 = arith.index_cast %add3A_863 : i32 to index
        %get3A_867 = arith.constant 112 : index
        %get3A_868 = tpu.vector_load %arg7[%get3A_865, %get3A_866, %get3A_867] {strides = array<i32>} : memref<8x50x128xf32, #tpu.memory_space<vmem>>, vector<1x1x16xf32>,
        %get3A_869 = vector.shape_cast %get3A_868 : vector<1x1x16xf32> to vector<16xf32>
        %add3A_870 = arith.addf %add3A_782, %get3A_869 : vector<16xf32>
        %mul3A_871 = arith.constant 5 : i32
        %mul3A_872 = arith.muli %scan3A_686, %mul3A_871 : i32
        %add3A_873 = arith.constant 2 : i32
        %add3A_874 = arith.addi %mul3A_872, %add3A_873 : i32
        %get3A_875 = arith.constant 1 : i32
        %get3A_876 = arith.index_cast %get3A_875 : i32 to index
        %get3A_877 = arith.index_cast %add3A_874 : i32 to index
        %get3A_878 = arith.constant 0 : index
        %get3A_879 = tpu.vector_load %arg7[%get3A_876, %get3A_877, %get3A_878] {strides = array<i32>} : memref<8x50x128xf32, #tpu.memory_space<vmem>>, vector<1x1x16xf32>,
        %get3A_880 = vector.shape_cast %get3A_879 : vector<1x1x16xf32> to vector<16xf32>
        %add3A_881 = arith.addf %add3A_793, %get3A_880 : vector<16xf32>
        %mul3A_882 = arith.constant 5 : i32
        %mul3A_883 = arith.muli %scan3A_686, %mul3A_882 : i32
        %add3A_884 = arith.constant 2 : i32
        %add3A_885 = arith.addi %mul3A_883, %add3A_884 : i32
        %get3A_886 = arith.constant 1 : i32
        %get3A_887 = arith.index_cast %get3A_886 : i32 to index
        %get3A_888 = arith.index_cast %add3A_885 : i32 to index
        %get3A_889 = arith.constant 16 : index
        %get3A_890 = tpu.vector_load %arg7[%get3A_887, %get3A_888, %get3A_889] {strides = array<i32>} : memref<8x50x128xf32, #tpu.memory_space<vmem>>, vector<1x1x16xf32>,
        %get3A_891 = vector.shape_cast %get3A_890 : vector<1x1x16xf32> to vector<16xf32>
        %add3A_892 = arith.addf %add3A_804, %get3A_891 : vector<16xf32>
        %mul3A_893 = arith.constant 5 : i32
        %mul3A_894 = arith.muli %scan3A_686, %mul3A_893 : i32
        %add3A_895 = arith.constant 2 : i32
        %add3A_896 = arith.addi %mul3A_894, %add3A_895 : i32
        %get3A_897 = arith.constant 1 : i32
        %get3A_898 = arith.index_cast %get3A_897 : i32 to index
        %get3A_899 = arith.index_cast %add3A_896 : i32 to index
        %get3A_900 = arith.constant 32 : index
        %get3A_901 = tpu.vector_load %arg7[%get3A_898, %get3A_899, %get3A_900] {strides = array<i32>} : memref<8x50x128xf32, #tpu.memory_space<vmem>>, vector<1x1x16xf32>,
        %get3A_902 = vector.shape_cast %get3A_901 : vector<1x1x16xf32> to vector<16xf32>
        %add3A_903 = arith.addf %add3A_815, %get3A_902 : vector<16xf32>
        %mul3A_904 = arith.constant 5 : i32
        %mul3A_905 = arith.muli %scan3A_686, %mul3A_904 : i32
        %add3A_906 = arith.constant 2 : i32
        %add3A_907 = arith.addi %mul3A_905, %add3A_906 : i32
        %get3A_908 = arith.constant 1 : i32
        %get3A_909 = arith.index_cast %get3A_908 : i32 to index
        %get3A_910 = arith.index_cast %add3A_907 : i32 to index
        %get3A_911 = arith.constant 48 : index
        %get3A_912 = tpu.vector_load %arg7[%get3A_909, %get3A_910, %get3A_911] {strides = array<i32>} : memref<8x50x128xf32, #tpu.memory_space<vmem>>, vector<1x1x16xf32>,
        %get3A_913 = vector.shape_cast %get3A_912 : vector<1x1x16xf32> to vector<16xf32>
        %add3A_914 = arith.addf %add3A_826, %get3A_913 : vector<16xf32>
        %mul3A_915 = arith.constant 5 : i32
        %mul3A_916 = arith.muli %scan3A_686, %mul3A_915 : i32
        %add3A_917 = arith.constant 2 : i32
        %add3A_918 = arith.addi %mul3A_916, %add3A_917 : i32
        %get3A_919 = arith.constant 1 : i32
        %get3A_920 = arith.index_cast %get3A_919 : i32 to index
        %get3A_921 = arith.index_cast %add3A_918 : i32 to index
        %get3A_922 = arith.constant 64 : index
        %get3A_923 = tpu.vector_load %arg7[%get3A_920, %get3A_921, %get3A_922] {strides = array<i32>} : memref<8x50x128xf32, #tpu.memory_space<vmem>>, vector<1x1x16xf32>,
        %get3A_924 = vector.shape_cast %get3A_923 : vector<1x1x16xf32> to vector<16xf32>
        %add3A_925 = arith.addf %add3A_837, %get3A_924 : vector<16xf32>
        %mul3A_926 = arith.constant 5 : i32
        %mul3A_927 = arith.muli %scan3A_686, %mul3A_926 : i32
        %add3A_928 = arith.constant 2 : i32
        %add3A_929 = arith.addi %mul3A_927, %add3A_928 : i32
        %get3A_930 = arith.constant 1 : i32
        %get3A_931 = arith.index_cast %get3A_930 : i32 to index
        %get3A_932 = arith.index_cast %add3A_929 : i32 to index
        %get3A_933 = arith.constant 80 : index
        %get3A_934 = tpu.vector_load %arg7[%get3A_931, %get3A_932, %get3A_933] {strides = array<i32>} : memref<8x50x128xf32, #tpu.memory_space<vmem>>, vector<1x1x16xf32>,
        %get3A_935 = vector.shape_cast %get3A_934 : vector<1x1x16xf32> to vector<16xf32>
        %add3A_936 = arith.addf %add3A_848, %get3A_935 : vector<16xf32>
        %mul3A_937 = arith.constant 5 : i32
        %mul3A_938 = arith.muli %scan3A_686, %mul3A_937 : i32
        %add3A_939 = arith.constant 2 : i32
        %add3A_940 = arith.addi %mul3A_938, %add3A_939 : i32
        %get3A_941 = arith.constant 1 : i32
        %get3A_942 = arith.index_cast %get3A_941 : i32 to index
        %get3A_943 = arith.index_cast %add3A_940 : i32 to index
        %get3A_944 = arith.constant 96 : index
        %get3A_945 = tpu.vector_load %arg7[%get3A_942, %get3A_943, %get3A_944] {strides = array<i32>} : memref<8x50x128xf32, #tpu.memory_space<vmem>>, vector<1x1x16xf32>,
        %get3A_946 = vector.shape_cast %get3A_945 : vector<1x1x16xf32> to vector<16xf32>
        %add3A_947 = arith.addf %add3A_859, %get3A_946 : vector<16xf32>
        %mul3A_948 = arith.constant 5 : i32
        %mul3A_949 = arith.muli %scan3A_686, %mul3A_948 : i32
        %add3A_950 = arith.constant 2 : i32
        %add3A_951 = arith.addi %mul3A_949, %add3A_950 : i32
        %get3A_952 = arith.constant 1 : i32
        %get3A_953 = arith.index_cast %get3A_952 : i32 to index
        %get3A_954 = arith.index_cast %add3A_951 : i32 to index
        %get3A_955 = arith.constant 112 : index
        %get3A_956 = tpu.vector_load %arg7[%get3A_953, %get3A_954, %get3A_955] {strides = array<i32>} : memref<8x50x128xf32, #tpu.memory_space<vmem>>, vector<1x1x16xf32>,
        %get3A_957 = vector.shape_cast %get3A_956 : vector<1x1x16xf32> to vector<16xf32>
        %add3A_958 = arith.addf %add3A_870, %get3A_957 : vector<16xf32>
        %mul3A_959 = arith.constant 5 : i32
        %mul3A_960 = arith.muli %scan3A_686, %mul3A_959 : i32
        %add3A_961 = arith.constant 3 : i32
        %add3A_962 = arith.addi %mul3A_960, %add3A_961 : i32
        %get3A_963 = arith.constant 1 : i32
        %get3A_964 = arith.index_cast %get3A_963 : i32 to index
        %get3A_965 = arith.index_cast %add3A_962 : i32 to index
        %get3A_966 = arith.constant 0 : index
        %get3A_967 = tpu.vector_load %arg7[%get3A_964, %get3A_965, %get3A_966] {strides = array<i32>} : memref<8x50x128xf32, #tpu.memory_space<vmem>>, vector<1x1x16xf32>,
        %get3A_968 = vector.shape_cast %get3A_967 : vector<1x1x16xf32> to vector<16xf32>
        %add3A_969 = arith.addf %add3A_881, %get3A_968 : vector<16xf32>
        %mul3A_970 = arith.constant 5 : i32
        %mul3A_971 = arith.muli %scan3A_686, %mul3A_970 : i32
        %add3A_972 = arith.constant 3 : i32
        %add3A_973 = arith.addi %mul3A_971, %add3A_972 : i32
        %get3A_974 = arith.constant 1 : i32
        %get3A_975 = arith.index_cast %get3A_974 : i32 to index
        %get3A_976 = arith.index_cast %add3A_973 : i32 to index
        %get3A_977 = arith.constant 16 : index
        %get3A_978 = tpu.vector_load %arg7[%get3A_975, %get3A_976, %get3A_977] {strides = array<i32>} : memref<8x50x128xf32, #tpu.memory_space<vmem>>, vector<1x1x16xf32>,
        %get3A_979 = vector.shape_cast %get3A_978 : vector<1x1x16xf32> to vector<16xf32>
        %add3A_980 = arith.addf %add3A_892, %get3A_979 : vector<16xf32>
        %mul3A_981 = arith.constant 5 : i32
        %mul3A_982 = arith.muli %scan3A_686, %mul3A_981 : i32
        %add3A_983 = arith.constant 3 : i32
        %add3A_984 = arith.addi %mul3A_982, %add3A_983 : i32
        %get3A_985 = arith.constant 1 : i32
        %get3A_986 = arith.index_cast %get3A_985 : i32 to index
        %get3A_987 = arith.index_cast %add3A_984 : i32 to index
        %get3A_988 = arith.constant 32 : index
        %get3A_989 = tpu.vector_load %arg7[%get3A_986, %get3A_987, %get3A_988] {strides = array<i32>} : memref<8x50x128xf32, #tpu.memory_space<vmem>>, vector<1x1x16xf32>,
        %get3A_990 = vector.shape_cast %get3A_989 : vector<1x1x16xf32> to vector<16xf32>
        %add3A_991 = arith.addf %add3A_903, %get3A_990 : vector<16xf32>
        %mul3A_992 = arith.constant 5 : i32
        %mul3A_993 = arith.muli %scan3A_686, %mul3A_992 : i32
        %add3A_994 = arith.constant 3 : i32
        %add3A_995 = arith.addi %mul3A_993, %add3A_994 : i32
        %get3A_996 = arith.constant 1 : i32
        %get3A_997 = arith.index_cast %get3A_996 : i32 to index
        %get3A_998 = arith.index_cast %add3A_995 : i32 to index
        %get3A_999 = arith.constant 48 : index
        %get3A_1000 = tpu.vector_load %arg7[%get3A_997, %get3A_998, %get3A_999] {strides = array<i32>} : memref<8x50x128xf32, #tpu.memory_space<vmem>>, vector<1x1x16xf32>,
        %get3A_1001 = vector.shape_cast %get3A_1000 : vector<1x1x16xf32> to vector<16xf32>
        %add3A_1002 = arith.addf %add3A_914, %get3A_1001 : vector<16xf32>
        %mul3A_1003 = arith.constant 5 : i32
        %mul3A_1004 = arith.muli %scan3A_686, %mul3A_1003 : i32
        %add3A_1005 = arith.constant 3 : i32
        %add3A_1006 = arith.addi %mul3A_1004, %add3A_1005 : i32
        %get3A_1007 = arith.constant 1 : i32
        %get3A_1008 = arith.index_cast %get3A_1007 : i32 to index
        %get3A_1009 = arith.index_cast %add3A_1006 : i32 to index
        %get3A_1010 = arith.constant 64 : index
        %get3A_1011 = tpu.vector_load %arg7[%get3A_1008, %get3A_1009, %get3A_1010] {strides = array<i32>} : memref<8x50x128xf32, #tpu.memory_space<vmem>>, vector<1x1x16xf32>,
        %get3A_1012 = vector.shape_cast %get3A_1011 : vector<1x1x16xf32> to vector<16xf32>
        %add3A_1013 = arith.addf %add3A_925, %get3A_1012 : vector<16xf32>
        %mul3A_1014 = arith.constant 5 : i32
        %mul3A_1015 = arith.muli %scan3A_686, %mul3A_1014 : i32
        %add3A_1016 = arith.constant 3 : i32
        %add3A_1017 = arith.addi %mul3A_1015, %add3A_1016 : i32
        %get3A_1018 = arith.constant 1 : i32
        %get3A_1019 = arith.index_cast %get3A_1018 : i32 to index
        %get3A_1020 = arith.index_cast %add3A_1017 : i32 to index
        %get3A_1021 = arith.constant 80 : index
        %get3A_1022 = tpu.vector_load %arg7[%get3A_1019, %get3A_1020, %get3A_1021] {strides = array<i32>} : memref<8x50x128xf32, #tpu.memory_space<vmem>>, vector<1x1x16xf32>,
        %get3A_1023 = vector.shape_cast %get3A_1022 : vector<1x1x16xf32> to vector<16xf32>
        %add3A_1024 = arith.addf %add3A_936, %get3A_1023 : vector<16xf32>
        %mul3A_1025 = arith.constant 5 : i32
        %mul3A_1026 = arith.muli %scan3A_686, %mul3A_1025 : i32
        %add3A_1027 = arith.constant 3 : i32
        %add3A_1028 = arith.addi %mul3A_1026, %add3A_1027 : i32
        %get3A_1029 = arith.constant 1 : i32
        %get3A_1030 = arith.index_cast %get3A_1029 : i32 to index
        %get3A_1031 = arith.index_cast %add3A_1028 : i32 to index
        %get3A_1032 = arith.constant 96 : index
        %get3A_1033 = tpu.vector_load %arg7[%get3A_1030, %get3A_1031, %get3A_1032] {strides = array<i32>} : memref<8x50x128xf32, #tpu.memory_space<vmem>>, vector<1x1x16xf32>,
        %get3A_1034 = vector.shape_cast %get3A_1033 : vector<1x1x16xf32> to vector<16xf32>
        %add3A_1035 = arith.addf %add3A_947, %get3A_1034 : vector<16xf32>
        %mul3A_1036 = arith.constant 5 : i32
        %mul3A_1037 = arith.muli %scan3A_686, %mul3A_1036 : i32
        %add3A_1038 = arith.constant 3 : i32
        %add3A_1039 = arith.addi %mul3A_1037, %add3A_1038 : i32
        %get3A_1040 = arith.constant 1 : i32
        %get3A_1041 = arith.index_cast %get3A_1040 : i32 to index
        %get3A_1042 = arith.index_cast %add3A_1039 : i32 to index
        %get3A_1043 = arith.constant 112 : index
        %get3A_1044 = tpu.vector_load %arg7[%get3A_1041, %get3A_1042, %get3A_1043] {strides = array<i32>} : memref<8x50x128xf32, #tpu.memory_space<vmem>>, vector<1x1x16xf32>,
        %get3A_1045 = vector.shape_cast %get3A_1044 : vector<1x1x16xf32> to vector<16xf32>
        %add3A_1046 = arith.addf %add3A_958, %get3A_1045 : vector<16xf32>
        %mul3A_1047 = arith.constant 5 : i32
        %mul3A_1048 = arith.muli %scan3A_686, %mul3A_1047 : i32
        %add3A_1049 = arith.constant 4 : i32
        %add3A_1050 = arith.addi %mul3A_1048, %add3A_1049 : i32
        %get3A_1051 = arith.constant 1 : i32
        %get3A_1052 = arith.index_cast %get3A_1051 : i32 to index
        %get3A_1053 = arith.index_cast %add3A_1050 : i32 to index
        %get3A_1054 = arith.constant 0 : index
        %get3A_1055 = tpu.vector_load %arg7[%get3A_1052, %get3A_1053, %get3A_1054] {strides = array<i32>} : memref<8x50x128xf32, #tpu.memory_space<vmem>>, vector<1x1x16xf32>,
        %get3A_1056 = vector.shape_cast %get3A_1055 : vector<1x1x16xf32> to vector<16xf32>
        %add3A_1057 = arith.addf %add3A_969, %get3A_1056 : vector<16xf32>
        %mul3A_1058 = arith.constant 5 : i32
        %mul3A_1059 = arith.muli %scan3A_686, %mul3A_1058 : i32
        %add3A_1060 = arith.constant 4 : i32
        %add3A_1061 = arith.addi %mul3A_1059, %add3A_1060 : i32
        %get3A_1062 = arith.constant 1 : i32
        %get3A_1063 = arith.index_cast %get3A_1062 : i32 to index
        %get3A_1064 = arith.index_cast %add3A_1061 : i32 to index
        %get3A_1065 = arith.constant 16 : index
        %get3A_1066 = tpu.vector_load %arg7[%get3A_1063, %get3A_1064, %get3A_1065] {strides = array<i32>} : memref<8x50x128xf32, #tpu.memory_space<vmem>>, vector<1x1x16xf32>,
        %get3A_1067 = vector.shape_cast %get3A_1066 : vector<1x1x16xf32> to vector<16xf32>
        %add3A_1068 = arith.addf %add3A_980, %get3A_1067 : vector<16xf32>
        %mul3A_1069 = arith.constant 5 : i32
        %mul3A_1070 = arith.muli %scan3A_686, %mul3A_1069 : i32
        %add3A_1071 = arith.constant 4 : i32
        %add3A_1072 = arith.addi %mul3A_1070, %add3A_1071 : i32
        %get3A_1073 = arith.constant 1 : i32
        %get3A_1074 = arith.index_cast %get3A_1073 : i32 to index
        %get3A_1075 = arith.index_cast %add3A_1072 : i32 to index
        %get3A_1076 = arith.constant 32 : index
        %get3A_1077 = tpu.vector_load %arg7[%get3A_1074, %get3A_1075, %get3A_1076] {strides = array<i32>} : memref<8x50x128xf32, #tpu.memory_space<vmem>>, vector<1x1x16xf32>,
        %get3A_1078 = vector.shape_cast %get3A_1077 : vector<1x1x16xf32> to vector<16xf32>
        %add3A_1079 = arith.addf %add3A_991, %get3A_1078 : vector<16xf32>
        %mul3A_1080 = arith.constant 5 : i32
        %mul3A_1081 = arith.muli %scan3A_686, %mul3A_1080 : i32
        %add3A_1082 = arith.constant 4 : i32
        %add3A_1083 = arith.addi %mul3A_1081, %add3A_1082 : i32
        %get3A_1084 = arith.constant 1 : i32
        %get3A_1085 = arith.index_cast %get3A_1084 : i32 to index
        %get3A_1086 = arith.index_cast %add3A_1083 : i32 to index
        %get3A_1087 = arith.constant 48 : index
        %get3A_1088 = tpu.vector_load %arg7[%get3A_1085, %get3A_1086, %get3A_1087] {strides = array<i32>} : memref<8x50x128xf32, #tpu.memory_space<vmem>>, vector<1x1x16xf32>,
        %get3A_1089 = vector.shape_cast %get3A_1088 : vector<1x1x16xf32> to vector<16xf32>
        %add3A_1090 = arith.addf %add3A_1002, %get3A_1089 : vector<16xf32>
        %mul3A_1091 = arith.constant 5 : i32
        %mul3A_1092 = arith.muli %scan3A_686, %mul3A_1091 : i32
        %add3A_1093 = arith.constant 4 : i32
        %add3A_1094 = arith.addi %mul3A_1092, %add3A_1093 : i32
        %get3A_1095 = arith.constant 1 : i32
        %get3A_1096 = arith.index_cast %get3A_1095 : i32 to index
        %get3A_1097 = arith.index_cast %add3A_1094 : i32 to index
        %get3A_1098 = arith.constant 64 : index
        %get3A_1099 = tpu.vector_load %arg7[%get3A_1096, %get3A_1097, %get3A_1098] {strides = array<i32>} : memref<8x50x128xf32, #tpu.memory_space<vmem>>, vector<1x1x16xf32>,
        %get3A_1100 = vector.shape_cast %get3A_1099 : vector<1x1x16xf32> to vector<16xf32>
        %add3A_1101 = arith.addf %add3A_1013, %get3A_1100 : vector<16xf32>
        %mul3A_1102 = arith.constant 5 : i32
        %mul3A_1103 = arith.muli %scan3A_686, %mul3A_1102 : i32
        %add3A_1104 = arith.constant 4 : i32
        %add3A_1105 = arith.addi %mul3A_1103, %add3A_1104 : i32
        %get3A_1106 = arith.constant 1 : i32
        %get3A_1107 = arith.index_cast %get3A_1106 : i32 to index
        %get3A_1108 = arith.index_cast %add3A_1105 : i32 to index
        %get3A_1109 = arith.constant 80 : index
        %get3A_1110 = tpu.vector_load %arg7[%get3A_1107, %get3A_1108, %get3A_1109] {strides = array<i32>} : memref<8x50x128xf32, #tpu.memory_space<vmem>>, vector<1x1x16xf32>,
        %get3A_1111 = vector.shape_cast %get3A_1110 : vector<1x1x16xf32> to vector<16xf32>
        %add3A_1112 = arith.addf %add3A_1024, %get3A_1111 : vector<16xf32>
        %mul3A_1113 = arith.constant 5 : i32
        %mul3A_1114 = arith.muli %scan3A_686, %mul3A_1113 : i32
        %add3A_1115 = arith.constant 4 : i32
        %add3A_1116 = arith.addi %mul3A_1114, %add3A_1115 : i32
        %get3A_1117 = arith.constant 1 : i32
        %get3A_1118 = arith.index_cast %get3A_1117 : i32 to index
        %get3A_1119 = arith.index_cast %add3A_1116 : i32 to index
        %get3A_1120 = arith.constant 96 : index
        %get3A_1121 = tpu.vector_load %arg7[%get3A_1118, %get3A_1119, %get3A_1120] {strides = array<i32>} : memref<8x50x128xf32, #tpu.memory_space<vmem>>, vector<1x1x16xf32>,
        %get3A_1122 = vector.shape_cast %get3A_1121 : vector<1x1x16xf32> to vector<16xf32>
        %add3A_1123 = arith.addf %add3A_1035, %get3A_1122 : vector<16xf32>
        %mul3A_1124 = arith.constant 5 : i32
        %mul3A_1125 = arith.muli %scan3A_686, %mul3A_1124 : i32
        %add3A_1126 = arith.constant 4 : i32
        %add3A_1127 = arith.addi %mul3A_1125, %add3A_1126 : i32
        %get3A_1128 = arith.constant 1 : i32
        %get3A_1129 = arith.index_cast %get3A_1128 : i32 to index
        %get3A_1130 = arith.index_cast %add3A_1127 : i32 to index
        %get3A_1131 = arith.constant 112 : index
        %get3A_1132 = tpu.vector_load %arg7[%get3A_1129, %get3A_1130, %get3A_1131] {strides = array<i32>} : memref<8x50x128xf32, #tpu.memory_space<vmem>>, vector<1x1x16xf32>,
        %get3A_1133 = vector.shape_cast %get3A_1132 : vector<1x1x16xf32> to vector<16xf32>
        %add3A_1134 = arith.addf %add3A_1046, %get3A_1133 : vector<16xf32>
        scf.yield %add3A_1057, %add3A_1068, %add3A_1079, %add3A_1090, %add3A_1101, %add3A_1112, %add3A_1123, %add3A_1134 : vector<16xf32>, vector<16xf32>, vector<16xf32>, vector<16xf32>, vector<16xf32>, vector<16xf32>, vector<16xf32>, vector<16xf32>
      }
      %scan3A_225 = arith.constant 10 : i32
      %swap3A_226 = arith.index_cast %add3A_199 : i32 to index
      %swap3A_227 = arith.constant 0 : index
      %swap3A_228 = tpu.vector_load %arg8[%swap3A_226, %swap3A_227] {strides = array<i32>} : memref<128x128xf32, #tpu.memory_space<vmem>>, vector<1x16xf32>,
      %swap3A_229 = vector.shape_cast %swap3A_228 : vector<1x16xf32> to vector<16xf32>
      %swap3A_230 = vector.shape_cast %scan3A_224#0 : vector<16xf32> to vector<1x16xf32>
      tpu.vector_store %arg8[%swap3A_226, %swap3A_227], %swap3A_230 {strides = array<i32>} : memref<128x128xf32, #tpu.memory_space<vmem>>, vector<1x16xf32>,
      %swap3A_231 = arith.index_cast %add3A_199 : i32 to index
      %swap3A_232 = arith.constant 16 : index
      %swap3A_233 = tpu.vector_load %arg8[%swap3A_231, %swap3A_232] {strides = array<i32>} : memref<128x128xf32, #tpu.memory_space<vmem>>, vector<1x16xf32>,
      %swap3A_234 = vector.shape_cast %swap3A_233 : vector<1x16xf32> to vector<16xf32>
      %swap3A_235 = vector.shape_cast %scan3A_224#1 : vector<16xf32> to vector<1x16xf32>
      tpu.vector_store %arg8[%swap3A_231, %swap3A_232], %swap3A_235 {strides = array<i32>} : memref<128x128xf32, #tpu.memory_space<vmem>>, vector<1x16xf32>,
      %swap3A_236 = arith.index_cast %add3A_199 : i32 to index
      %swap3A_237 = arith.constant 32 : index
      %swap3A_238 = tpu.vector_load %arg8[%swap3A_236, %swap3A_237] {strides = array<i32>} : memref<128x128xf32, #tpu.memory_space<vmem>>, vector<1x16xf32>,
      %swap3A_239 = vector.shape_cast %swap3A_238 : vector<1x16xf32> to vector<16xf32>
      %swap3A_240 = vector.shape_cast %scan3A_224#2 : vector<16xf32> to vector<1x16xf32>
      tpu.vector_store %arg8[%swap3A_236, %swap3A_237], %swap3A_240 {strides = array<i32>} : memref<128x128xf32, #tpu.memory_space<vmem>>, vector<1x16xf32>,
      %swap3A_241 = arith.index_cast %add3A_199 : i32 to index
      %swap3A_242 = arith.constant 48 : index
      %swap3A_243 = tpu.vector_load %arg8[%swap3A_241, %swap3A_242] {strides = array<i32>} : memref<128x128xf32, #tpu.memory_space<vmem>>, vector<1x16xf32>,
      %swap3A_244 = vector.shape_cast %swap3A_243 : vector<1x16xf32> to vector<16xf32>
      %swap3A_245 = vector.shape_cast %scan3A_224#3 : vector<16xf32> to vector<1x16xf32>
      tpu.vector_store %arg8[%swap3A_241, %swap3A_242], %swap3A_245 {strides = array<i32>} : memref<128x128xf32, #tpu.memory_space<vmem>>, vector<1x16xf32>,
      %swap3A_246 = arith.index_cast %add3A_199 : i32 to index
      %swap3A_247 = arith.constant 64 : index
      %swap3A_248 = tpu.vector_load %arg8[%swap3A_246, %swap3A_247] {strides = array<i32>} : memref<128x128xf32, #tpu.memory_space<vmem>>, vector<1x16xf32>,
      %swap3A_249 = vector.shape_cast %swap3A_248 : vector<1x16xf32> to vector<16xf32>
      %swap3A_250 = vector.shape_cast %scan3A_224#4 : vector<16xf32> to vector<1x16xf32>
      tpu.vector_store %arg8[%swap3A_246, %swap3A_247], %swap3A_250 {strides = array<i32>} : memref<128x128xf32, #tpu.memory_space<vmem>>, vector<1x16xf32>,
      %swap3A_251 = arith.index_cast %add3A_199 : i32 to index
      %swap3A_252 = arith.constant 80 : index
      %swap3A_253 = tpu.vector_load %arg8[%swap3A_251, %swap3A_252] {strides = array<i32>} : memref<128x128xf32, #tpu.memory_space<vmem>>, vector<1x16xf32>,
      %swap3A_254 = vector.shape_cast %swap3A_253 : vector<1x16xf32> to vector<16xf32>
      %swap3A_255 = vector.shape_cast %scan3A_224#5 : vector<16xf32> to vector<1x16xf32>
      tpu.vector_store %arg8[%swap3A_251, %swap3A_252], %swap3A_255 {strides = array<i32>} : memref<128x128xf32, #tpu.memory_space<vmem>>, vector<1x16xf32>,
      %swap3A_256 = arith.index_cast %add3A_199 : i32 to index
      %swap3A_257 = arith.constant 96 : index
      %swap3A_258 = tpu.vector_load %arg8[%swap3A_256, %swap3A_257] {strides = array<i32>} : memref<128x128xf32, #tpu.memory_space<vmem>>, vector<1x16xf32>,
      %swap3A_259 = vector.shape_cast %swap3A_258 : vector<1x16xf32> to vector<16xf32>
      %swap3A_260 = vector.shape_cast %scan3A_224#6 : vector<16xf32> to vector<1x16xf32>
      tpu.vector_store %arg8[%swap3A_256, %swap3A_257], %swap3A_260 {strides = array<i32>} : memref<128x128xf32, #tpu.memory_space<vmem>>, vector<1x16xf32>,
      %swap3A_261 = arith.index_cast %add3A_199 : i32 to index
      %swap3A_262 = arith.constant 112 : index
      %swap3A_263 = tpu.vector_load %arg8[%swap3A_261, %swap3A_262] {strides = array<i32>} : memref<128x128xf32, #tpu.memory_space<vmem>>, vector<1x16xf32>,
      %swap3A_264 = vector.shape_cast %swap3A_263 : vector<1x16xf32> to vector<16xf32>
      %swap3A_265 = vector.shape_cast %scan3A_224#7 : vector<16xf32> to vector<1x16xf32>
      tpu.vector_store %arg8[%swap3A_261, %swap3A_262], %swap3A_265 {strides = array<i32>} : memref<128x128xf32, #tpu.memory_space<vmem>>, vector<1x16xf32>,
      %mul3A_266 = arith.constant 8 : i32
      %mul3A_267 = arith.muli %mul3A_266, %scan3A_130 : i32
      %add3A_268 = arith.constant 2 : i32
      %add3A_269 = arith.addi %mul3A_267, %add3A_268 : i32
      %dma_wait3A_270 = arith.constant 2 : i32
      %dma_wait3A_271 = arith.constant 0 : i32
      %dma_wait3A_272 = arith.constant 0 : i32
      %dma_wait3A_273 = tpu.memref_slice %arg7[%dma_wait3A_270, %dma_wait3A_271, %dma_wait3A_272] : memref<8x50x128xf32, #tpu.memory_space<vmem>> -> memref<1x50x128xf32, #tpu.memory_space<vmem>>
      %dma_wait3A_274 = tpu.memref_squeeze %dma_wait3A_273 : memref<1x50x128xf32, #tpu.memory_space<vmem>> -> memref<50x128xf32, #tpu.memory_space<vmem>>
      %dma_wait3A_275 = arith.constant 0 : i32
      %dma_wait3A_276 = tpu.memref_slice %arg6[%add3A_269, %dma_wait3A_275] : memref<128x50xi32, #tpu.memory_space<vmem>> -> memref<1x50xi32, #tpu.memory_space<vmem>>
      %dma_wait3A_277 = tpu.memref_squeeze %dma_wait3A_276 : memref<1x50xi32, #tpu.memory_space<vmem>> -> memref<50xi32, #tpu.memory_space<vmem>>
      %dma_wait3A_278 = arith.constant 0 : i32
      %dma_wait3A_279 = arith.constant 0 : i32
      %dma_wait3A_280 = tpu.memref_slice %arg3[%dma_wait3A_278, %dma_wait3A_279] : memref<100000x128xf32, #tpu.memory_space<hbm>> -> memref<100000x128xf32, #tpu.memory_space<hbm>>
      tpu.wait_indirect_dma semaphore(%arg12 : memref<!tpu.dma_semaphore, #tpu.memory_space<semaphore_mem>>) src(%dma_wait3A_280 : memref<100000x128xf32, #tpu.memory_space<hbm>>) dst(%dma_wait3A_274 : memref<50x128xf32, #tpu.memory_space<vmem>>)
      %add3A_281 = arith.constant 8 : i32
      %add3A_282 = arith.addi %add3A_269, %add3A_281 : i32
      %sub3A_283 = arith.constant 1 : i32
      %sub3A_284 = arith.subi %add3A_282, %sub3A_283 : i32
      %lt3A_285 = arith.constant 128 : i32
      %lt3A_286 = arith.cmpi slt, %sub3A_284, %lt3A_285 : i32
      %convert_element_type3A_287 = arith.extui %lt3A_286 : i1 to i32
      %cond3A_288 = arith.constant 0 : i32
      %cond3A_289 = arith.cmpi ne, %convert_element_type3A_287, %cond3A_288 : i32
      scf.if %cond3A_289 {
        %add3A_686 = arith.constant 8 : i32
        %add3A_687 = arith.addi %add3A_269, %add3A_686 : i32
        %sub3A_688 = arith.constant 1 : i32
        %sub3A_689 = arith.subi %add3A_687, %sub3A_688 : i32
        %dma_start3A_690 = arith.constant 1 : i32
        %dma_start3A_691 = arith.constant 0 : i32
        %dma_start3A_692 = arith.constant 0 : i32
        %dma_start3A_693 = tpu.memref_slice %arg7[%dma_start3A_690, %dma_start3A_691, %dma_start3A_692] : memref<8x50x128xf32, #tpu.memory_space<vmem>> -> memref<1x50x128xf32, #tpu.memory_space<vmem>>
        %dma_start3A_694 = tpu.memref_squeeze %dma_start3A_693 : memref<1x50x128xf32, #tpu.memory_space<vmem>> -> memref<50x128xf32, #tpu.memory_space<vmem>>
        %dma_start3A_695 = arith.constant 0 : i32
        %dma_start3A_696 = tpu.memref_slice %arg6[%sub3A_689, %dma_start3A_695] : memref<128x50xi32, #tpu.memory_space<vmem>> -> memref<1x50xi32, #tpu.memory_space<vmem>>
        %dma_start3A_697 = tpu.memref_squeeze %dma_start3A_696 : memref<1x50xi32, #tpu.memory_space<vmem>> -> memref<50xi32, #tpu.memory_space<vmem>>
        %dma_start3A_698 = arith.constant 0 : i32
        %dma_start3A_699 = arith.constant 0 : i32
        %dma_start3A_700 = tpu.memref_slice %arg3[%dma_start3A_698, %dma_start3A_699] : memref<100000x128xf32, #tpu.memory_space<hbm>> -> memref<100000x128xf32, #tpu.memory_space<hbm>>
        tpu.enqueue_indirect_dma source(%dma_start3A_700 : memref<100000x128xf32, #tpu.memory_space<hbm>>) target(%dma_start3A_694 : memref<50x128xf32, #tpu.memory_space<vmem>>) offsets(%dma_start3A_697 : memref<50xi32, #tpu.memory_space<vmem>>) semaphore(%arg11 : memref<!tpu.dma_semaphore, #tpu.memory_space<semaphore_mem>>)
      } else {
      }
      %scan3A_290 = arith.constant 0 : i32
      %scan3A_291 = arith.constant 10 : i32
      %scan3A_292 = arith.addi %scan3A_290, %scan3A_291 : i32
      %scan3A_293 = arith.constant 1 : i32
      %scan3A_294:8 = scf.for %scan3A_686 = %scan3A_290 to %scan3A_292 step %scan3A_293 iter_args(%scan3A_687 = %get3A_94, %scan3A_688 = %get3A_97, %scan3A_689 = %get3A_100, %scan3A_690 = %get3A_103, %scan3A_691 = %get3A_106, %scan3A_692 = %get3A_109, %scan3A_693 = %get3A_112, %scan3A_694 = %get3A_115) -> (vector<16xf32>, vector<16xf32>, vector<16xf32>, vector<16xf32>, vector<16xf32>, vector<16xf32>, vector<16xf32>, vector<16xf32>)  : i32 {
        %mul3A_695 = arith.constant 5 : i32
        %mul3A_696 = arith.muli %scan3A_686, %mul3A_695 : i32
        %add3A_697 = arith.constant 0 : i32
        %add3A_698 = arith.addi %mul3A_696, %add3A_697 : i32
        %get3A_699 = arith.constant 2 : i32
        %get3A_700 = arith.index_cast %get3A_699 : i32 to index
        %get3A_701 = arith.index_cast %add3A_698 : i32 to index
        %get3A_702 = arith.constant 0 : index
        %get3A_703 = tpu.vector_load %arg7[%get3A_700, %get3A_701, %get3A_702] {strides = array<i32>} : memref<8x50x128xf32, #tpu.memory_space<vmem>>, vector<1x1x16xf32>,
        %get3A_704 = vector.shape_cast %get3A_703 : vector<1x1x16xf32> to vector<16xf32>
        %add3A_705 = arith.addf %scan3A_687, %get3A_704 : vector<16xf32>
        %mul3A_706 = arith.constant 5 : i32
        %mul3A_707 = arith.muli %scan3A_686, %mul3A_706 : i32
        %add3A_708 = arith.constant 0 : i32
        %add3A_709 = arith.addi %mul3A_707, %add3A_708 : i32
        %get3A_710 = arith.constant 2 : i32
        %get3A_711 = arith.index_cast %get3A_710 : i32 to index
        %get3A_712 = arith.index_cast %add3A_709 : i32 to index
        %get3A_713 = arith.constant 16 : index
        %get3A_714 = tpu.vector_load %arg7[%get3A_711, %get3A_712, %get3A_713] {strides = array<i32>} : memref<8x50x128xf32, #tpu.memory_space<vmem>>, vector<1x1x16xf32>,
        %get3A_715 = vector.shape_cast %get3A_714 : vector<1x1x16xf32> to vector<16xf32>
        %add3A_716 = arith.addf %scan3A_688, %get3A_715 : vector<16xf32>
        %mul3A_717 = arith.constant 5 : i32
        %mul3A_718 = arith.muli %scan3A_686, %mul3A_717 : i32
        %add3A_719 = arith.constant 0 : i32
        %add3A_720 = arith.addi %mul3A_718, %add3A_719 : i32
        %get3A_721 = arith.constant 2 : i32
        %get3A_722 = arith.index_cast %get3A_721 : i32 to index
        %get3A_723 = arith.index_cast %add3A_720 : i32 to index
        %get3A_724 = arith.constant 32 : index
        %get3A_725 = tpu.vector_load %arg7[%get3A_722, %get3A_723, %get3A_724] {strides = array<i32>} : memref<8x50x128xf32, #tpu.memory_space<vmem>>, vector<1x1x16xf32>,
        %get3A_726 = vector.shape_cast %get3A_725 : vector<1x1x16xf32> to vector<16xf32>
        %add3A_727 = arith.addf %scan3A_689, %get3A_726 : vector<16xf32>
        %mul3A_728 = arith.constant 5 : i32
        %mul3A_729 = arith.muli %scan3A_686, %mul3A_728 : i32
        %add3A_730 = arith.constant 0 : i32
        %add3A_731 = arith.addi %mul3A_729, %add3A_730 : i32
        %get3A_732 = arith.constant 2 : i32
        %get3A_733 = arith.index_cast %get3A_732 : i32 to index
        %get3A_734 = arith.index_cast %add3A_731 : i32 to index
        %get3A_735 = arith.constant 48 : index
        %get3A_736 = tpu.vector_load %arg7[%get3A_733, %get3A_734, %get3A_735] {strides = array<i32>} : memref<8x50x128xf32, #tpu.memory_space<vmem>>, vector<1x1x16xf32>,
        %get3A_737 = vector.shape_cast %get3A_736 : vector<1x1x16xf32> to vector<16xf32>
        %add3A_738 = arith.addf %scan3A_690, %get3A_737 : vector<16xf32>
        %mul3A_739 = arith.constant 5 : i32
        %mul3A_740 = arith.muli %scan3A_686, %mul3A_739 : i32
        %add3A_741 = arith.constant 0 : i32
        %add3A_742 = arith.addi %mul3A_740, %add3A_741 : i32
        %get3A_743 = arith.constant 2 : i32
        %get3A_744 = arith.index_cast %get3A_743 : i32 to index
        %get3A_745 = arith.index_cast %add3A_742 : i32 to index
        %get3A_746 = arith.constant 64 : index
        %get3A_747 = tpu.vector_load %arg7[%get3A_744, %get3A_745, %get3A_746] {strides = array<i32>} : memref<8x50x128xf32, #tpu.memory_space<vmem>>, vector<1x1x16xf32>,
        %get3A_748 = vector.shape_cast %get3A_747 : vector<1x1x16xf32> to vector<16xf32>
        %add3A_749 = arith.addf %scan3A_691, %get3A_748 : vector<16xf32>
        %mul3A_750 = arith.constant 5 : i32
        %mul3A_751 = arith.muli %scan3A_686, %mul3A_750 : i32
        %add3A_752 = arith.constant 0 : i32
        %add3A_753 = arith.addi %mul3A_751, %add3A_752 : i32
        %get3A_754 = arith.constant 2 : i32
        %get3A_755 = arith.index_cast %get3A_754 : i32 to index
        %get3A_756 = arith.index_cast %add3A_753 : i32 to index
        %get3A_757 = arith.constant 80 : index
        %get3A_758 = tpu.vector_load %arg7[%get3A_755, %get3A_756, %get3A_757] {strides = array<i32>} : memref<8x50x128xf32, #tpu.memory_space<vmem>>, vector<1x1x16xf32>,
        %get3A_759 = vector.shape_cast %get3A_758 : vector<1x1x16xf32> to vector<16xf32>
        %add3A_760 = arith.addf %scan3A_692, %get3A_759 : vector<16xf32>
        %mul3A_761 = arith.constant 5 : i32
        %mul3A_762 = arith.muli %scan3A_686, %mul3A_761 : i32
        %add3A_763 = arith.constant 0 : i32
        %add3A_764 = arith.addi %mul3A_762, %add3A_763 : i32
        %get3A_765 = arith.constant 2 : i32
        %get3A_766 = arith.index_cast %get3A_765 : i32 to index
        %get3A_767 = arith.index_cast %add3A_764 : i32 to index
        %get3A_768 = arith.constant 96 : index
        %get3A_769 = tpu.vector_load %arg7[%get3A_766, %get3A_767, %get3A_768] {strides = array<i32>} : memref<8x50x128xf32, #tpu.memory_space<vmem>>, vector<1x1x16xf32>,
        %get3A_770 = vector.shape_cast %get3A_769 : vector<1x1x16xf32> to vector<16xf32>
        %add3A_771 = arith.addf %scan3A_693, %get3A_770 : vector<16xf32>
        %mul3A_772 = arith.constant 5 : i32
        %mul3A_773 = arith.muli %scan3A_686, %mul3A_772 : i32
        %add3A_774 = arith.constant 0 : i32
        %add3A_775 = arith.addi %mul3A_773, %add3A_774 : i32
        %get3A_776 = arith.constant 2 : i32
        %get3A_777 = arith.index_cast %get3A_776 : i32 to index
        %get3A_778 = arith.index_cast %add3A_775 : i32 to index
        %get3A_779 = arith.constant 112 : index
        %get3A_780 = tpu.vector_load %arg7[%get3A_777, %get3A_778, %get3A_779] {strides = array<i32>} : memref<8x50x128xf32, #tpu.memory_space<vmem>>, vector<1x1x16xf32>,
        %get3A_781 = vector.shape_cast %get3A_780 : vector<1x1x16xf32> to vector<16xf32>
        %add3A_782 = arith.addf %scan3A_694, %get3A_781 : vector<16xf32>
        %mul3A_783 = arith.constant 5 : i32
        %mul3A_784 = arith.muli %scan3A_686, %mul3A_783 : i32
        %add3A_785 = arith.constant 1 : i32
        %add3A_786 = arith.addi %mul3A_784, %add3A_785 : i32
        %get3A_787 = arith.constant 2 : i32
        %get3A_788 = arith.index_cast %get3A_787 : i32 to index
        %get3A_789 = arith.index_cast %add3A_786 : i32 to index
        %get3A_790 = arith.constant 0 : index
        %get3A_791 = tpu.vector_load %arg7[%get3A_788, %get3A_789, %get3A_790] {strides = array<i32>} : memref<8x50x128xf32, #tpu.memory_space<vmem>>, vector<1x1x16xf32>,
        %get3A_792 = vector.shape_cast %get3A_791 : vector<1x1x16xf32> to vector<16xf32>
        %add3A_793 = arith.addf %add3A_705, %get3A_792 : vector<16xf32>
        %mul3A_794 = arith.constant 5 : i32
        %mul3A_795 = arith.muli %scan3A_686, %mul3A_794 : i32
        %add3A_796 = arith.constant 1 : i32
        %add3A_797 = arith.addi %mul3A_795, %add3A_796 : i32
        %get3A_798 = arith.constant 2 : i32
        %get3A_799 = arith.index_cast %get3A_798 : i32 to index
        %get3A_800 = arith.index_cast %add3A_797 : i32 to index
        %get3A_801 = arith.constant 16 : index
        %get3A_802 = tpu.vector_load %arg7[%get3A_799, %get3A_800, %get3A_801] {strides = array<i32>} : memref<8x50x128xf32, #tpu.memory_space<vmem>>, vector<1x1x16xf32>,
        %get3A_803 = vector.shape_cast %get3A_802 : vector<1x1x16xf32> to vector<16xf32>
        %add3A_804 = arith.addf %add3A_716, %get3A_803 : vector<16xf32>
        %mul3A_805 = arith.constant 5 : i32
        %mul3A_806 = arith.muli %scan3A_686, %mul3A_805 : i32
        %add3A_807 = arith.constant 1 : i32
        %add3A_808 = arith.addi %mul3A_806, %add3A_807 : i32
        %get3A_809 = arith.constant 2 : i32
        %get3A_810 = arith.index_cast %get3A_809 : i32 to index
        %get3A_811 = arith.index_cast %add3A_808 : i32 to index
        %get3A_812 = arith.constant 32 : index
        %get3A_813 = tpu.vector_load %arg7[%get3A_810, %get3A_811, %get3A_812] {strides = array<i32>} : memref<8x50x128xf32, #tpu.memory_space<vmem>>, vector<1x1x16xf32>,
        %get3A_814 = vector.shape_cast %get3A_813 : vector<1x1x16xf32> to vector<16xf32>
        %add3A_815 = arith.addf %add3A_727, %get3A_814 : vector<16xf32>
        %mul3A_816 = arith.constant 5 : i32
        %mul3A_817 = arith.muli %scan3A_686, %mul3A_816 : i32
        %add3A_818 = arith.constant 1 : i32
        %add3A_819 = arith.addi %mul3A_817, %add3A_818 : i32
        %get3A_820 = arith.constant 2 : i32
        %get3A_821 = arith.index_cast %get3A_820 : i32 to index
        %get3A_822 = arith.index_cast %add3A_819 : i32 to index
        %get3A_823 = arith.constant 48 : index
        %get3A_824 = tpu.vector_load %arg7[%get3A_821, %get3A_822, %get3A_823] {strides = array<i32>} : memref<8x50x128xf32, #tpu.memory_space<vmem>>, vector<1x1x16xf32>,
        %get3A_825 = vector.shape_cast %get3A_824 : vector<1x1x16xf32> to vector<16xf32>
        %add3A_826 = arith.addf %add3A_738, %get3A_825 : vector<16xf32>
        %mul3A_827 = arith.constant 5 : i32
        %mul3A_828 = arith.muli %scan3A_686, %mul3A_827 : i32
        %add3A_829 = arith.constant 1 : i32
        %add3A_830 = arith.addi %mul3A_828, %add3A_829 : i32
        %get3A_831 = arith.constant 2 : i32
        %get3A_832 = arith.index_cast %get3A_831 : i32 to index
        %get3A_833 = arith.index_cast %add3A_830 : i32 to index
        %get3A_834 = arith.constant 64 : index
        %get3A_835 = tpu.vector_load %arg7[%get3A_832, %get3A_833, %get3A_834] {strides = array<i32>} : memref<8x50x128xf32, #tpu.memory_space<vmem>>, vector<1x1x16xf32>,
        %get3A_836 = vector.shape_cast %get3A_835 : vector<1x1x16xf32> to vector<16xf32>
        %add3A_837 = arith.addf %add3A_749, %get3A_836 : vector<16xf32>
        %mul3A_838 = arith.constant 5 : i32
        %mul3A_839 = arith.muli %scan3A_686, %mul3A_838 : i32
        %add3A_840 = arith.constant 1 : i32
        %add3A_841 = arith.addi %mul3A_839, %add3A_840 : i32
        %get3A_842 = arith.constant 2 : i32
        %get3A_843 = arith.index_cast %get3A_842 : i32 to index
        %get3A_844 = arith.index_cast %add3A_841 : i32 to index
        %get3A_845 = arith.constant 80 : index
        %get3A_846 = tpu.vector_load %arg7[%get3A_843, %get3A_844, %get3A_845] {strides = array<i32>} : memref<8x50x128xf32, #tpu.memory_space<vmem>>, vector<1x1x16xf32>,
        %get3A_847 = vector.shape_cast %get3A_846 : vector<1x1x16xf32> to vector<16xf32>
        %add3A_848 = arith.addf %add3A_760, %get3A_847 : vector<16xf32>
        %mul3A_849 = arith.constant 5 : i32
        %mul3A_850 = arith.muli %scan3A_686, %mul3A_849 : i32
        %add3A_851 = arith.constant 1 : i32
        %add3A_852 = arith.addi %mul3A_850, %add3A_851 : i32
        %get3A_853 = arith.constant 2 : i32
        %get3A_854 = arith.index_cast %get3A_853 : i32 to index
        %get3A_855 = arith.index_cast %add3A_852 : i32 to index
        %get3A_856 = arith.constant 96 : index
        %get3A_857 = tpu.vector_load %arg7[%get3A_854, %get3A_855, %get3A_856] {strides = array<i32>} : memref<8x50x128xf32, #tpu.memory_space<vmem>>, vector<1x1x16xf32>,
        %get3A_858 = vector.shape_cast %get3A_857 : vector<1x1x16xf32> to vector<16xf32>
        %add3A_859 = arith.addf %add3A_771, %get3A_858 : vector<16xf32>
        %mul3A_860 = arith.constant 5 : i32
        %mul3A_861 = arith.muli %scan3A_686, %mul3A_860 : i32
        %add3A_862 = arith.constant 1 : i32
        %add3A_863 = arith.addi %mul3A_861, %add3A_862 : i32
        %get3A_864 = arith.constant 2 : i32
        %get3A_865 = arith.index_cast %get3A_864 : i32 to index
        %get3A_866 = arith.index_cast %add3A_863 : i32 to index
        %get3A_867 = arith.constant 112 : index
        %get3A_868 = tpu.vector_load %arg7[%get3A_865, %get3A_866, %get3A_867] {strides = array<i32>} : memref<8x50x128xf32, #tpu.memory_space<vmem>>, vector<1x1x16xf32>,
        %get3A_869 = vector.shape_cast %get3A_868 : vector<1x1x16xf32> to vector<16xf32>
        %add3A_870 = arith.addf %add3A_782, %get3A_869 : vector<16xf32>
        %mul3A_871 = arith.constant 5 : i32
        %mul3A_872 = arith.muli %scan3A_686, %mul3A_871 : i32
        %add3A_873 = arith.constant 2 : i32
        %add3A_874 = arith.addi %mul3A_872, %add3A_873 : i32
        %get3A_875 = arith.constant 2 : i32
        %get3A_876 = arith.index_cast %get3A_875 : i32 to index
        %get3A_877 = arith.index_cast %add3A_874 : i32 to index
        %get3A_878 = arith.constant 0 : index
        %get3A_879 = tpu.vector_load %arg7[%get3A_876, %get3A_877, %get3A_878] {strides = array<i32>} : memref<8x50x128xf32, #tpu.memory_space<vmem>>, vector<1x1x16xf32>,
        %get3A_880 = vector.shape_cast %get3A_879 : vector<1x1x16xf32> to vector<16xf32>
        %add3A_881 = arith.addf %add3A_793, %get3A_880 : vector<16xf32>
        %mul3A_882 = arith.constant 5 : i32
        %mul3A_883 = arith.muli %scan3A_686, %mul3A_882 : i32
        %add3A_884 = arith.constant 2 : i32
        %add3A_885 = arith.addi %mul3A_883, %add3A_884 : i32
        %get3A_886 = arith.constant 2 : i32
        %get3A_887 = arith.index_cast %get3A_886 : i32 to index
        %get3A_888 = arith.index_cast %add3A_885 : i32 to index
        %get3A_889 = arith.constant 16 : index
        %get3A_890 = tpu.vector_load %arg7[%get3A_887, %get3A_888, %get3A_889] {strides = array<i32>} : memref<8x50x128xf32, #tpu.memory_space<vmem>>, vector<1x1x16xf32>,
        %get3A_891 = vector.shape_cast %get3A_890 : vector<1x1x16xf32> to vector<16xf32>
        %add3A_892 = arith.addf %add3A_804, %get3A_891 : vector<16xf32>
        %mul3A_893 = arith.constant 5 : i32
        %mul3A_894 = arith.muli %scan3A_686, %mul3A_893 : i32
        %add3A_895 = arith.constant 2 : i32
        %add3A_896 = arith.addi %mul3A_894, %add3A_895 : i32
        %get3A_897 = arith.constant 2 : i32
        %get3A_898 = arith.index_cast %get3A_897 : i32 to index
        %get3A_899 = arith.index_cast %add3A_896 : i32 to index
        %get3A_900 = arith.constant 32 : index
        %get3A_901 = tpu.vector_load %arg7[%get3A_898, %get3A_899, %get3A_900] {strides = array<i32>} : memref<8x50x128xf32, #tpu.memory_space<vmem>>, vector<1x1x16xf32>,
        %get3A_902 = vector.shape_cast %get3A_901 : vector<1x1x16xf32> to vector<16xf32>
        %add3A_903 = arith.addf %add3A_815, %get3A_902 : vector<16xf32>
        %mul3A_904 = arith.constant 5 : i32
        %mul3A_905 = arith.muli %scan3A_686, %mul3A_904 : i32
        %add3A_906 = arith.constant 2 : i32
        %add3A_907 = arith.addi %mul3A_905, %add3A_906 : i32
        %get3A_908 = arith.constant 2 : i32
        %get3A_909 = arith.index_cast %get3A_908 : i32 to index
        %get3A_910 = arith.index_cast %add3A_907 : i32 to index
        %get3A_911 = arith.constant 48 : index
        %get3A_912 = tpu.vector_load %arg7[%get3A_909, %get3A_910, %get3A_911] {strides = array<i32>} : memref<8x50x128xf32, #tpu.memory_space<vmem>>, vector<1x1x16xf32>,
        %get3A_913 = vector.shape_cast %get3A_912 : vector<1x1x16xf32> to vector<16xf32>
        %add3A_914 = arith.addf %add3A_826, %get3A_913 : vector<16xf32>
        %mul3A_915 = arith.constant 5 : i32
        %mul3A_916 = arith.muli %scan3A_686, %mul3A_915 : i32
        %add3A_917 = arith.constant 2 : i32
        %add3A_918 = arith.addi %mul3A_916, %add3A_917 : i32
        %get3A_919 = arith.constant 2 : i32
        %get3A_920 = arith.index_cast %get3A_919 : i32 to index
        %get3A_921 = arith.index_cast %add3A_918 : i32 to index
        %get3A_922 = arith.constant 64 : index
        %get3A_923 = tpu.vector_load %arg7[%get3A_920, %get3A_921, %get3A_922] {strides = array<i32>} : memref<8x50x128xf32, #tpu.memory_space<vmem>>, vector<1x1x16xf32>,
        %get3A_924 = vector.shape_cast %get3A_923 : vector<1x1x16xf32> to vector<16xf32>
        %add3A_925 = arith.addf %add3A_837, %get3A_924 : vector<16xf32>
        %mul3A_926 = arith.constant 5 : i32
        %mul3A_927 = arith.muli %scan3A_686, %mul3A_926 : i32
        %add3A_928 = arith.constant 2 : i32
        %add3A_929 = arith.addi %mul3A_927, %add3A_928 : i32
        %get3A_930 = arith.constant 2 : i32
        %get3A_931 = arith.index_cast %get3A_930 : i32 to index
        %get3A_932 = arith.index_cast %add3A_929 : i32 to index
        %get3A_933 = arith.constant 80 : index
        %get3A_934 = tpu.vector_load %arg7[%get3A_931, %get3A_932, %get3A_933] {strides = array<i32>} : memref<8x50x128xf32, #tpu.memory_space<vmem>>, vector<1x1x16xf32>,
        %get3A_935 = vector.shape_cast %get3A_934 : vector<1x1x16xf32> to vector<16xf32>
        %add3A_936 = arith.addf %add3A_848, %get3A_935 : vector<16xf32>
        %mul3A_937 = arith.constant 5 : i32
        %mul3A_938 = arith.muli %scan3A_686, %mul3A_937 : i32
        %add3A_939 = arith.constant 2 : i32
        %add3A_940 = arith.addi %mul3A_938, %add3A_939 : i32
        %get3A_941 = arith.constant 2 : i32
        %get3A_942 = arith.index_cast %get3A_941 : i32 to index
        %get3A_943 = arith.index_cast %add3A_940 : i32 to index
        %get3A_944 = arith.constant 96 : index
        %get3A_945 = tpu.vector_load %arg7[%get3A_942, %get3A_943, %get3A_944] {strides = array<i32>} : memref<8x50x128xf32, #tpu.memory_space<vmem>>, vector<1x1x16xf32>,
        %get3A_946 = vector.shape_cast %get3A_945 : vector<1x1x16xf32> to vector<16xf32>
        %add3A_947 = arith.addf %add3A_859, %get3A_946 : vector<16xf32>
        %mul3A_948 = arith.constant 5 : i32
        %mul3A_949 = arith.muli %scan3A_686, %mul3A_948 : i32
        %add3A_950 = arith.constant 2 : i32
        %add3A_951 = arith.addi %mul3A_949, %add3A_950 : i32
        %get3A_952 = arith.constant 2 : i32
        %get3A_953 = arith.index_cast %get3A_952 : i32 to index
        %get3A_954 = arith.index_cast %add3A_951 : i32 to index
        %get3A_955 = arith.constant 112 : index
        %get3A_956 = tpu.vector_load %arg7[%get3A_953, %get3A_954, %get3A_955] {strides = array<i32>} : memref<8x50x128xf32, #tpu.memory_space<vmem>>, vector<1x1x16xf32>,
        %get3A_957 = vector.shape_cast %get3A_956 : vector<1x1x16xf32> to vector<16xf32>
        %add3A_958 = arith.addf %add3A_870, %get3A_957 : vector<16xf32>
        %mul3A_959 = arith.constant 5 : i32
        %mul3A_960 = arith.muli %scan3A_686, %mul3A_959 : i32
        %add3A_961 = arith.constant 3 : i32
        %add3A_962 = arith.addi %mul3A_960, %add3A_961 : i32
        %get3A_963 = arith.constant 2 : i32
        %get3A_964 = arith.index_cast %get3A_963 : i32 to index
        %get3A_965 = arith.index_cast %add3A_962 : i32 to index
        %get3A_966 = arith.constant 0 : index
        %get3A_967 = tpu.vector_load %arg7[%get3A_964, %get3A_965, %get3A_966] {strides = array<i32>} : memref<8x50x128xf32, #tpu.memory_space<vmem>>, vector<1x1x16xf32>,
        %get3A_968 = vector.shape_cast %get3A_967 : vector<1x1x16xf32> to vector<16xf32>
        %add3A_969 = arith.addf %add3A_881, %get3A_968 : vector<16xf32>
        %mul3A_970 = arith.constant 5 : i32
        %mul3A_971 = arith.muli %scan3A_686, %mul3A_970 : i32
        %add3A_972 = arith.constant 3 : i32
        %add3A_973 = arith.addi %mul3A_971, %add3A_972 : i32
        %get3A_974 = arith.constant 2 : i32
        %get3A_975 = arith.index_cast %get3A_974 : i32 to index
        %get3A_976 = arith.index_cast %add3A_973 : i32 to index
        %get3A_977 = arith.constant 16 : index
        %get3A_978 = tpu.vector_load %arg7[%get3A_975, %get3A_976, %get3A_977] {strides = array<i32>} : memref<8x50x128xf32, #tpu.memory_space<vmem>>, vector<1x1x16xf32>,
        %get3A_979 = vector.shape_cast %get3A_978 : vector<1x1x16xf32> to vector<16xf32>
        %add3A_980 = arith.addf %add3A_892, %get3A_979 : vector<16xf32>
        %mul3A_981 = arith.constant 5 : i32
        %mul3A_982 = arith.muli %scan3A_686, %mul3A_981 : i32
        %add3A_983 = arith.constant 3 : i32
        %add3A_984 = arith.addi %mul3A_982, %add3A_983 : i32
        %get3A_985 = arith.constant 2 : i32
        %get3A_986 = arith.index_cast %get3A_985 : i32 to index
        %get3A_987 = arith.index_cast %add3A_984 : i32 to index
        %get3A_988 = arith.constant 32 : index
        %get3A_989 = tpu.vector_load %arg7[%get3A_986, %get3A_987, %get3A_988] {strides = array<i32>} : memref<8x50x128xf32, #tpu.memory_space<vmem>>, vector<1x1x16xf32>,
        %get3A_990 = vector.shape_cast %get3A_989 : vector<1x1x16xf32> to vector<16xf32>
        %add3A_991 = arith.addf %add3A_903, %get3A_990 : vector<16xf32>
        %mul3A_992 = arith.constant 5 : i32
        %mul3A_993 = arith.muli %scan3A_686, %mul3A_992 : i32
        %add3A_994 = arith.constant 3 : i32
        %add3A_995 = arith.addi %mul3A_993, %add3A_994 : i32
        %get3A_996 = arith.constant 2 : i32
        %get3A_997 = arith.index_cast %get3A_996 : i32 to index
        %get3A_998 = arith.index_cast %add3A_995 : i32 to index
        %get3A_999 = arith.constant 48 : index
        %get3A_1000 = tpu.vector_load %arg7[%get3A_997, %get3A_998, %get3A_999] {strides = array<i32>} : memref<8x50x128xf32, #tpu.memory_space<vmem>>, vector<1x1x16xf32>,
        %get3A_1001 = vector.shape_cast %get3A_1000 : vector<1x1x16xf32> to vector<16xf32>
        %add3A_1002 = arith.addf %add3A_914, %get3A_1001 : vector<16xf32>
        %mul3A_1003 = arith.constant 5 : i32
        %mul3A_1004 = arith.muli %scan3A_686, %mul3A_1003 : i32
        %add3A_1005 = arith.constant 3 : i32
        %add3A_1006 = arith.addi %mul3A_1004, %add3A_1005 : i32
        %get3A_1007 = arith.constant 2 : i32
        %get3A_1008 = arith.index_cast %get3A_1007 : i32 to index
        %get3A_1009 = arith.index_cast %add3A_1006 : i32 to index
        %get3A_1010 = arith.constant 64 : index
        %get3A_1011 = tpu.vector_load %arg7[%get3A_1008, %get3A_1009, %get3A_1010] {strides = array<i32>} : memref<8x50x128xf32, #tpu.memory_space<vmem>>, vector<1x1x16xf32>,
        %get3A_1012 = vector.shape_cast %get3A_1011 : vector<1x1x16xf32> to vector<16xf32>
        %add3A_1013 = arith.addf %add3A_925, %get3A_1012 : vector<16xf32>
        %mul3A_1014 = arith.constant 5 : i32
        %mul3A_1015 = arith.muli %scan3A_686, %mul3A_1014 : i32
        %add3A_1016 = arith.constant 3 : i32
        %add3A_1017 = arith.addi %mul3A_1015, %add3A_1016 : i32
        %get3A_1018 = arith.constant 2 : i32
        %get3A_1019 = arith.index_cast %get3A_1018 : i32 to index
        %get3A_1020 = arith.index_cast %add3A_1017 : i32 to index
        %get3A_1021 = arith.constant 80 : index
        %get3A_1022 = tpu.vector_load %arg7[%get3A_1019, %get3A_1020, %get3A_1021] {strides = array<i32>} : memref<8x50x128xf32, #tpu.memory_space<vmem>>, vector<1x1x16xf32>,
        %get3A_1023 = vector.shape_cast %get3A_1022 : vector<1x1x16xf32> to vector<16xf32>
        %add3A_1024 = arith.addf %add3A_936, %get3A_1023 : vector<16xf32>
        %mul3A_1025 = arith.constant 5 : i32
        %mul3A_1026 = arith.muli %scan3A_686, %mul3A_1025 : i32
        %add3A_1027 = arith.constant 3 : i32
        %add3A_1028 = arith.addi %mul3A_1026, %add3A_1027 : i32
        %get3A_1029 = arith.constant 2 : i32
        %get3A_1030 = arith.index_cast %get3A_1029 : i32 to index
        %get3A_1031 = arith.index_cast %add3A_1028 : i32 to index
        %get3A_1032 = arith.constant 96 : index
        %get3A_1033 = tpu.vector_load %arg7[%get3A_1030, %get3A_1031, %get3A_1032] {strides = array<i32>} : memref<8x50x128xf32, #tpu.memory_space<vmem>>, vector<1x1x16xf32>,
        %get3A_1034 = vector.shape_cast %get3A_1033 : vector<1x1x16xf32> to vector<16xf32>
        %add3A_1035 = arith.addf %add3A_947, %get3A_1034 : vector<16xf32>
        %mul3A_1036 = arith.constant 5 : i32
        %mul3A_1037 = arith.muli %scan3A_686, %mul3A_1036 : i32
        %add3A_1038 = arith.constant 3 : i32
        %add3A_1039 = arith.addi %mul3A_1037, %add3A_1038 : i32
        %get3A_1040 = arith.constant 2 : i32
        %get3A_1041 = arith.index_cast %get3A_1040 : i32 to index
        %get3A_1042 = arith.index_cast %add3A_1039 : i32 to index
        %get3A_1043 = arith.constant 112 : index
        %get3A_1044 = tpu.vector_load %arg7[%get3A_1041, %get3A_1042, %get3A_1043] {strides = array<i32>} : memref<8x50x128xf32, #tpu.memory_space<vmem>>, vector<1x1x16xf32>,
        %get3A_1045 = vector.shape_cast %get3A_1044 : vector<1x1x16xf32> to vector<16xf32>
        %add3A_1046 = arith.addf %add3A_958, %get3A_1045 : vector<16xf32>
        %mul3A_1047 = arith.constant 5 : i32
        %mul3A_1048 = arith.muli %scan3A_686, %mul3A_1047 : i32
        %add3A_1049 = arith.constant 4 : i32
        %add3A_1050 = arith.addi %mul3A_1048, %add3A_1049 : i32
        %get3A_1051 = arith.constant 2 : i32
        %get3A_1052 = arith.index_cast %get3A_1051 : i32 to index
        %get3A_1053 = arith.index_cast %add3A_1050 : i32 to index
        %get3A_1054 = arith.constant 0 : index
        %get3A_1055 = tpu.vector_load %arg7[%get3A_1052, %get3A_1053, %get3A_1054] {strides = array<i32>} : memref<8x50x128xf32, #tpu.memory_space<vmem>>, vector<1x1x16xf32>,
        %get3A_1056 = vector.shape_cast %get3A_1055 : vector<1x1x16xf32> to vector<16xf32>
        %add3A_1057 = arith.addf %add3A_969, %get3A_1056 : vector<16xf32>
        %mul3A_1058 = arith.constant 5 : i32
        %mul3A_1059 = arith.muli %scan3A_686, %mul3A_1058 : i32
        %add3A_1060 = arith.constant 4 : i32
        %add3A_1061 = arith.addi %mul3A_1059, %add3A_1060 : i32
        %get3A_1062 = arith.constant 2 : i32
        %get3A_1063 = arith.index_cast %get3A_1062 : i32 to index
        %get3A_1064 = arith.index_cast %add3A_1061 : i32 to index
        %get3A_1065 = arith.constant 16 : index
        %get3A_1066 = tpu.vector_load %arg7[%get3A_1063, %get3A_1064, %get3A_1065] {strides = array<i32>} : memref<8x50x128xf32, #tpu.memory_space<vmem>>, vector<1x1x16xf32>,
        %get3A_1067 = vector.shape_cast %get3A_1066 : vector<1x1x16xf32> to vector<16xf32>
        %add3A_1068 = arith.addf %add3A_980, %get3A_1067 : vector<16xf32>
        %mul3A_1069 = arith.constant 5 : i32
        %mul3A_1070 = arith.muli %scan3A_686, %mul3A_1069 : i32
        %add3A_1071 = arith.constant 4 : i32
        %add3A_1072 = arith.addi %mul3A_1070, %add3A_1071 : i32
        %get3A_1073 = arith.constant 2 : i32
        %get3A_1074 = arith.index_cast %get3A_1073 : i32 to index
        %get3A_1075 = arith.index_cast %add3A_1072 : i32 to index
        %get3A_1076 = arith.constant 32 : index
        %get3A_1077 = tpu.vector_load %arg7[%get3A_1074, %get3A_1075, %get3A_1076] {strides = array<i32>} : memref<8x50x128xf32, #tpu.memory_space<vmem>>, vector<1x1x16xf32>,
        %get3A_1078 = vector.shape_cast %get3A_1077 : vector<1x1x16xf32> to vector<16xf32>
        %add3A_1079 = arith.addf %add3A_991, %get3A_1078 : vector<16xf32>
        %mul3A_1080 = arith.constant 5 : i32
        %mul3A_1081 = arith.muli %scan3A_686, %mul3A_1080 : i32
        %add3A_1082 = arith.constant 4 : i32
        %add3A_1083 = arith.addi %mul3A_1081, %add3A_1082 : i32
        %get3A_1084 = arith.constant 2 : i32
        %get3A_1085 = arith.index_cast %get3A_1084 : i32 to index
        %get3A_1086 = arith.index_cast %add3A_1083 : i32 to index
        %get3A_1087 = arith.constant 48 : index
        %get3A_1088 = tpu.vector_load %arg7[%get3A_1085, %get3A_1086, %get3A_1087] {strides = array<i32>} : memref<8x50x128xf32, #tpu.memory_space<vmem>>, vector<1x1x16xf32>,
        %get3A_1089 = vector.shape_cast %get3A_1088 : vector<1x1x16xf32> to vector<16xf32>
        %add3A_1090 = arith.addf %add3A_1002, %get3A_1089 : vector<16xf32>
        %mul3A_1091 = arith.constant 5 : i32
        %mul3A_1092 = arith.muli %scan3A_686, %mul3A_1091 : i32
        %add3A_1093 = arith.constant 4 : i32
        %add3A_1094 = arith.addi %mul3A_1092, %add3A_1093 : i32
        %get3A_1095 = arith.constant 2 : i32
        %get3A_1096 = arith.index_cast %get3A_1095 : i32 to index
        %get3A_1097 = arith.index_cast %add3A_1094 : i32 to index
        %get3A_1098 = arith.constant 64 : index
        %get3A_1099 = tpu.vector_load %arg7[%get3A_1096, %get3A_1097, %get3A_1098] {strides = array<i32>} : memref<8x50x128xf32, #tpu.memory_space<vmem>>, vector<1x1x16xf32>,
        %get3A_1100 = vector.shape_cast %get3A_1099 : vector<1x1x16xf32> to vector<16xf32>
        %add3A_1101 = arith.addf %add3A_1013, %get3A_1100 : vector<16xf32>
        %mul3A_1102 = arith.constant 5 : i32
        %mul3A_1103 = arith.muli %scan3A_686, %mul3A_1102 : i32
        %add3A_1104 = arith.constant 4 : i32
        %add3A_1105 = arith.addi %mul3A_1103, %add3A_1104 : i32
        %get3A_1106 = arith.constant 2 : i32
        %get3A_1107 = arith.index_cast %get3A_1106 : i32 to index
        %get3A_1108 = arith.index_cast %add3A_1105 : i32 to index
        %get3A_1109 = arith.constant 80 : index
        %get3A_1110 = tpu.vector_load %arg7[%get3A_1107, %get3A_1108, %get3A_1109] {strides = array<i32>} : memref<8x50x128xf32, #tpu.memory_space<vmem>>, vector<1x1x16xf32>,
        %get3A_1111 = vector.shape_cast %get3A_1110 : vector<1x1x16xf32> to vector<16xf32>
        %add3A_1112 = arith.addf %add3A_1024, %get3A_1111 : vector<16xf32>
        %mul3A_1113 = arith.constant 5 : i32
        %mul3A_1114 = arith.muli %scan3A_686, %mul3A_1113 : i32
        %add3A_1115 = arith.constant 4 : i32
        %add3A_1116 = arith.addi %mul3A_1114, %add3A_1115 : i32
        %get3A_1117 = arith.constant 2 : i32
        %get3A_1118 = arith.index_cast %get3A_1117 : i32 to index
        %get3A_1119 = arith.index_cast %add3A_1116 : i32 to index
        %get3A_1120 = arith.constant 96 : index
        %get3A_1121 = tpu.vector_load %arg7[%get3A_1118, %get3A_1119, %get3A_1120] {strides = array<i32>} : memref<8x50x128xf32, #tpu.memory_space<vmem>>, vector<1x1x16xf32>,
        %get3A_1122 = vector.shape_cast %get3A_1121 : vector<1x1x16xf32> to vector<16xf32>
        %add3A_1123 = arith.addf %add3A_1035, %get3A_1122 : vector<16xf32>
        %mul3A_1124 = arith.constant 5 : i32
        %mul3A_1125 = arith.muli %scan3A_686, %mul3A_1124 : i32
        %add3A_1126 = arith.constant 4 : i32
        %add3A_1127 = arith.addi %mul3A_1125, %add3A_1126 : i32
        %get3A_1128 = arith.constant 2 : i32
        %get3A_1129 = arith.index_cast %get3A_1128 : i32 to index
        %get3A_1130 = arith.index_cast %add3A_1127 : i32 to index
        %get3A_1131 = arith.constant 112 : index
        %get3A_1132 = tpu.vector_load %arg7[%get3A_1129, %get3A_1130, %get3A_1131] {strides = array<i32>} : memref<8x50x128xf32, #tpu.memory_space<vmem>>, vector<1x1x16xf32>,
        %get3A_1133 = vector.shape_cast %get3A_1132 : vector<1x1x16xf32> to vector<16xf32>
        %add3A_1134 = arith.addf %add3A_1046, %get3A_1133 : vector<16xf32>
        scf.yield %add3A_1057, %add3A_1068, %add3A_1079, %add3A_1090, %add3A_1101, %add3A_1112, %add3A_1123, %add3A_1134 : vector<16xf32>, vector<16xf32>, vector<16xf32>, vector<16xf32>, vector<16xf32>, vector<16xf32>, vector<16xf32>, vector<16xf32>
      }
      %scan3A_295 = arith.constant 10 : i32
      %swap3A_296 = arith.index_cast %add3A_269 : i32 to index
      %swap3A_297 = arith.constant 0 : index
      %swap3A_298 = tpu.vector_load %arg8[%swap3A_296, %swap3A_297] {strides = array<i32>} : memref<128x128xf32, #tpu.memory_space<vmem>>, vector<1x16xf32>,
      %swap3A_299 = vector.shape_cast %swap3A_298 : vector<1x16xf32> to vector<16xf32>
      %swap3A_300 = vector.shape_cast %scan3A_294#0 : vector<16xf32> to vector<1x16xf32>
      tpu.vector_store %arg8[%swap3A_296, %swap3A_297], %swap3A_300 {strides = array<i32>} : memref<128x128xf32, #tpu.memory_space<vmem>>, vector<1x16xf32>,
      %swap3A_301 = arith.index_cast %add3A_269 : i32 to index
      %swap3A_302 = arith.constant 16 : index
      %swap3A_303 = tpu.vector_load %arg8[%swap3A_301, %swap3A_302] {strides = array<i32>} : memref<128x128xf32, #tpu.memory_space<vmem>>, vector<1x16xf32>,
      %swap3A_304 = vector.shape_cast %swap3A_303 : vector<1x16xf32> to vector<16xf32>
      %swap3A_305 = vector.shape_cast %scan3A_294#1 : vector<16xf32> to vector<1x16xf32>
      tpu.vector_store %arg8[%swap3A_301, %swap3A_302], %swap3A_305 {strides = array<i32>} : memref<128x128xf32, #tpu.memory_space<vmem>>, vector<1x16xf32>,
      %swap3A_306 = arith.index_cast %add3A_269 : i32 to index
      %swap3A_307 = arith.constant 32 : index
      %swap3A_308 = tpu.vector_load %arg8[%swap3A_306, %swap3A_307] {strides = array<i32>} : memref<128x128xf32, #tpu.memory_space<vmem>>, vector<1x16xf32>,
      %swap3A_309 = vector.shape_cast %swap3A_308 : vector<1x16xf32> to vector<16xf32>
      %swap3A_310 = vector.shape_cast %scan3A_294#2 : vector<16xf32> to vector<1x16xf32>
      tpu.vector_store %arg8[%swap3A_306, %swap3A_307], %swap3A_310 {strides = array<i32>} : memref<128x128xf32, #tpu.memory_space<vmem>>, vector<1x16xf32>,
      %swap3A_311 = arith.index_cast %add3A_269 : i32 to index
      %swap3A_312 = arith.constant 48 : index
      %swap3A_313 = tpu.vector_load %arg8[%swap3A_311, %swap3A_312] {strides = array<i32>} : memref<128x128xf32, #tpu.memory_space<vmem>>, vector<1x16xf32>,
      %swap3A_314 = vector.shape_cast %swap3A_313 : vector<1x16xf32> to vector<16xf32>
      %swap3A_315 = vector.shape_cast %scan3A_294#3 : vector<16xf32> to vector<1x16xf32>
      tpu.vector_store %arg8[%swap3A_311, %swap3A_312], %swap3A_315 {strides = array<i32>} : memref<128x128xf32, #tpu.memory_space<vmem>>, vector<1x16xf32>,
      %swap3A_316 = arith.index_cast %add3A_269 : i32 to index
      %swap3A_317 = arith.constant 64 : index
      %swap3A_318 = tpu.vector_load %arg8[%swap3A_316, %swap3A_317] {strides = array<i32>} : memref<128x128xf32, #tpu.memory_space<vmem>>, vector<1x16xf32>,
      %swap3A_319 = vector.shape_cast %swap3A_318 : vector<1x16xf32> to vector<16xf32>
      %swap3A_320 = vector.shape_cast %scan3A_294#4 : vector<16xf32> to vector<1x16xf32>
      tpu.vector_store %arg8[%swap3A_316, %swap3A_317], %swap3A_320 {strides = array<i32>} : memref<128x128xf32, #tpu.memory_space<vmem>>, vector<1x16xf32>,
      %swap3A_321 = arith.index_cast %add3A_269 : i32 to index
      %swap3A_322 = arith.constant 80 : index
      %swap3A_323 = tpu.vector_load %arg8[%swap3A_321, %swap3A_322] {strides = array<i32>} : memref<128x128xf32, #tpu.memory_space<vmem>>, vector<1x16xf32>,
      %swap3A_324 = vector.shape_cast %swap3A_323 : vector<1x16xf32> to vector<16xf32>
      %swap3A_325 = vector.shape_cast %scan3A_294#5 : vector<16xf32> to vector<1x16xf32>
      tpu.vector_store %arg8[%swap3A_321, %swap3A_322], %swap3A_325 {strides = array<i32>} : memref<128x128xf32, #tpu.memory_space<vmem>>, vector<1x16xf32>,
      %swap3A_326 = arith.index_cast %add3A_269 : i32 to index
      %swap3A_327 = arith.constant 96 : index
      %swap3A_328 = tpu.vector_load %arg8[%swap3A_326, %swap3A_327] {strides = array<i32>} : memref<128x128xf32, #tpu.memory_space<vmem>>, vector<1x16xf32>,
      %swap3A_329 = vector.shape_cast %swap3A_328 : vector<1x16xf32> to vector<16xf32>
      %swap3A_330 = vector.shape_cast %scan3A_294#6 : vector<16xf32> to vector<1x16xf32>
      tpu.vector_store %arg8[%swap3A_326, %swap3A_327], %swap3A_330 {strides = array<i32>} : memref<128x128xf32, #tpu.memory_space<vmem>>, vector<1x16xf32>,
      %swap3A_331 = arith.index_cast %add3A_269 : i32 to index
      %swap3A_332 = arith.constant 112 : index
      %swap3A_333 = tpu.vector_load %arg8[%swap3A_331, %swap3A_332] {strides = array<i32>} : memref<128x128xf32, #tpu.memory_space<vmem>>, vector<1x16xf32>,
      %swap3A_334 = vector.shape_cast %swap3A_333 : vector<1x16xf32> to vector<16xf32>
      %swap3A_335 = vector.shape_cast %scan3A_294#7 : vector<16xf32> to vector<1x16xf32>
      tpu.vector_store %arg8[%swap3A_331, %swap3A_332], %swap3A_335 {strides = array<i32>} : memref<128x128xf32, #tpu.memory_space<vmem>>, vector<1x16xf32>,
      %mul3A_336 = arith.constant 8 : i32
      %mul3A_337 = arith.muli %mul3A_336, %scan3A_130 : i32
      %add3A_338 = arith.constant 3 : i32
      %add3A_339 = arith.addi %mul3A_337, %add3A_338 : i32
      %dma_wait3A_340 = arith.constant 3 : i32
      %dma_wait3A_341 = arith.constant 0 : i32
      %dma_wait3A_342 = arith.constant 0 : i32
      %dma_wait3A_343 = tpu.memref_slice %arg7[%dma_wait3A_340, %dma_wait3A_341, %dma_wait3A_342] : memref<8x50x128xf32, #tpu.memory_space<vmem>> -> memref<1x50x128xf32, #tpu.memory_space<vmem>>
      %dma_wait3A_344 = tpu.memref_squeeze %dma_wait3A_343 : memref<1x50x128xf32, #tpu.memory_space<vmem>> -> memref<50x128xf32, #tpu.memory_space<vmem>>
      %dma_wait3A_345 = arith.constant 0 : i32
      %dma_wait3A_346 = tpu.memref_slice %arg6[%add3A_339, %dma_wait3A_345] : memref<128x50xi32, #tpu.memory_space<vmem>> -> memref<1x50xi32, #tpu.memory_space<vmem>>
      %dma_wait3A_347 = tpu.memref_squeeze %dma_wait3A_346 : memref<1x50xi32, #tpu.memory_space<vmem>> -> memref<50xi32, #tpu.memory_space<vmem>>
      %dma_wait3A_348 = arith.constant 0 : i32
      %dma_wait3A_349 = arith.constant 0 : i32
      %dma_wait3A_350 = tpu.memref_slice %arg3[%dma_wait3A_348, %dma_wait3A_349] : memref<100000x128xf32, #tpu.memory_space<hbm>> -> memref<100000x128xf32, #tpu.memory_space<hbm>>
      tpu.wait_indirect_dma semaphore(%arg13 : memref<!tpu.dma_semaphore, #tpu.memory_space<semaphore_mem>>) src(%dma_wait3A_350 : memref<100000x128xf32, #tpu.memory_space<hbm>>) dst(%dma_wait3A_344 : memref<50x128xf32, #tpu.memory_space<vmem>>)
      %add3A_351 = arith.constant 8 : i32
      %add3A_352 = arith.addi %add3A_339, %add3A_351 : i32
      %sub3A_353 = arith.constant 1 : i32
      %sub3A_354 = arith.subi %add3A_352, %sub3A_353 : i32
      %lt3A_355 = arith.constant 128 : i32
      %lt3A_356 = arith.cmpi slt, %sub3A_354, %lt3A_355 : i32
      %convert_element_type3A_357 = arith.extui %lt3A_356 : i1 to i32
      %cond3A_358 = arith.constant 0 : i32
      %cond3A_359 = arith.cmpi ne, %convert_element_type3A_357, %cond3A_358 : i32
      scf.if %cond3A_359 {
        %add3A_686 = arith.constant 8 : i32
        %add3A_687 = arith.addi %add3A_339, %add3A_686 : i32
        %sub3A_688 = arith.constant 1 : i32
        %sub3A_689 = arith.subi %add3A_687, %sub3A_688 : i32
        %dma_start3A_690 = arith.constant 2 : i32
        %dma_start3A_691 = arith.constant 0 : i32
        %dma_start3A_692 = arith.constant 0 : i32
        %dma_start3A_693 = tpu.memref_slice %arg7[%dma_start3A_690, %dma_start3A_691, %dma_start3A_692] : memref<8x50x128xf32, #tpu.memory_space<vmem>> -> memref<1x50x128xf32, #tpu.memory_space<vmem>>
        %dma_start3A_694 = tpu.memref_squeeze %dma_start3A_693 : memref<1x50x128xf32, #tpu.memory_space<vmem>> -> memref<50x128xf32, #tpu.memory_space<vmem>>
        %dma_start3A_695 = arith.constant 0 : i32
        %dma_start3A_696 = tpu.memref_slice %arg6[%sub3A_689, %dma_start3A_695] : memref<128x50xi32, #tpu.memory_space<vmem>> -> memref<1x50xi32, #tpu.memory_space<vmem>>
        %dma_start3A_697 = tpu.memref_squeeze %dma_start3A_696 : memref<1x50xi32, #tpu.memory_space<vmem>> -> memref<50xi32, #tpu.memory_space<vmem>>
        %dma_start3A_698 = arith.constant 0 : i32
        %dma_start3A_699 = arith.constant 0 : i32
        %dma_start3A_700 = tpu.memref_slice %arg3[%dma_start3A_698, %dma_start3A_699] : memref<100000x128xf32, #tpu.memory_space<hbm>> -> memref<100000x128xf32, #tpu.memory_space<hbm>>
        tpu.enqueue_indirect_dma source(%dma_start3A_700 : memref<100000x128xf32, #tpu.memory_space<hbm>>) target(%dma_start3A_694 : memref<50x128xf32, #tpu.memory_space<vmem>>) offsets(%dma_start3A_697 : memref<50xi32, #tpu.memory_space<vmem>>) semaphore(%arg12 : memref<!tpu.dma_semaphore, #tpu.memory_space<semaphore_mem>>)
      } else {
      }
      %scan3A_360 = arith.constant 0 : i32
      %scan3A_361 = arith.constant 10 : i32
      %scan3A_362 = arith.addi %scan3A_360, %scan3A_361 : i32
      %scan3A_363 = arith.constant 1 : i32
      %scan3A_364:8 = scf.for %scan3A_686 = %scan3A_360 to %scan3A_362 step %scan3A_363 iter_args(%scan3A_687 = %get3A_94, %scan3A_688 = %get3A_97, %scan3A_689 = %get3A_100, %scan3A_690 = %get3A_103, %scan3A_691 = %get3A_106, %scan3A_692 = %get3A_109, %scan3A_693 = %get3A_112, %scan3A_694 = %get3A_115) -> (vector<16xf32>, vector<16xf32>, vector<16xf32>, vector<16xf32>, vector<16xf32>, vector<16xf32>, vector<16xf32>, vector<16xf32>)  : i32 {
        %mul3A_695 = arith.constant 5 : i32
        %mul3A_696 = arith.muli %scan3A_686, %mul3A_695 : i32
        %add3A_697 = arith.constant 0 : i32
        %add3A_698 = arith.addi %mul3A_696, %add3A_697 : i32
        %get3A_699 = arith.constant 3 : i32
        %get3A_700 = arith.index_cast %get3A_699 : i32 to index
        %get3A_701 = arith.index_cast %add3A_698 : i32 to index
        %get3A_702 = arith.constant 0 : index
        %get3A_703 = tpu.vector_load %arg7[%get3A_700, %get3A_701, %get3A_702] {strides = array<i32>} : memref<8x50x128xf32, #tpu.memory_space<vmem>>, vector<1x1x16xf32>,
        %get3A_704 = vector.shape_cast %get3A_703 : vector<1x1x16xf32> to vector<16xf32>
        %add3A_705 = arith.addf %scan3A_687, %get3A_704 : vector<16xf32>
        %mul3A_706 = arith.constant 5 : i32
        %mul3A_707 = arith.muli %scan3A_686, %mul3A_706 : i32
        %add3A_708 = arith.constant 0 : i32
        %add3A_709 = arith.addi %mul3A_707, %add3A_708 : i32
        %get3A_710 = arith.constant 3 : i32
        %get3A_711 = arith.index_cast %get3A_710 : i32 to index
        %get3A_712 = arith.index_cast %add3A_709 : i32 to index
        %get3A_713 = arith.constant 16 : index
        %get3A_714 = tpu.vector_load %arg7[%get3A_711, %get3A_712, %get3A_713] {strides = array<i32>} : memref<8x50x128xf32, #tpu.memory_space<vmem>>, vector<1x1x16xf32>,
        %get3A_715 = vector.shape_cast %get3A_714 : vector<1x1x16xf32> to vector<16xf32>
        %add3A_716 = arith.addf %scan3A_688, %get3A_715 : vector<16xf32>
        %mul3A_717 = arith.constant 5 : i32
        %mul3A_718 = arith.muli %scan3A_686, %mul3A_717 : i32
        %add3A_719 = arith.constant 0 : i32
        %add3A_720 = arith.addi %mul3A_718, %add3A_719 : i32
        %get3A_721 = arith.constant 3 : i32
        %get3A_722 = arith.index_cast %get3A_721 : i32 to index
        %get3A_723 = arith.index_cast %add3A_720 : i32 to index
        %get3A_724 = arith.constant 32 : index
        %get3A_725 = tpu.vector_load %arg7[%get3A_722, %get3A_723, %get3A_724] {strides = array<i32>} : memref<8x50x128xf32, #tpu.memory_space<vmem>>, vector<1x1x16xf32>,
        %get3A_726 = vector.shape_cast %get3A_725 : vector<1x1x16xf32> to vector<16xf32>
        %add3A_727 = arith.addf %scan3A_689, %get3A_726 : vector<16xf32>
        %mul3A_728 = arith.constant 5 : i32
        %mul3A_729 = arith.muli %scan3A_686, %mul3A_728 : i32
        %add3A_730 = arith.constant 0 : i32
        %add3A_731 = arith.addi %mul3A_729, %add3A_730 : i32
        %get3A_732 = arith.constant 3 : i32
        %get3A_733 = arith.index_cast %get3A_732 : i32 to index
        %get3A_734 = arith.index_cast %add3A_731 : i32 to index
        %get3A_735 = arith.constant 48 : index
        %get3A_736 = tpu.vector_load %arg7[%get3A_733, %get3A_734, %get3A_735] {strides = array<i32>} : memref<8x50x128xf32, #tpu.memory_space<vmem>>, vector<1x1x16xf32>,
        %get3A_737 = vector.shape_cast %get3A_736 : vector<1x1x16xf32> to vector<16xf32>
        %add3A_738 = arith.addf %scan3A_690, %get3A_737 : vector<16xf32>
        %mul3A_739 = arith.constant 5 : i32
        %mul3A_740 = arith.muli %scan3A_686, %mul3A_739 : i32
        %add3A_741 = arith.constant 0 : i32
        %add3A_742 = arith.addi %mul3A_740, %add3A_741 : i32
        %get3A_743 = arith.constant 3 : i32
        %get3A_744 = arith.index_cast %get3A_743 : i32 to index
        %get3A_745 = arith.index_cast %add3A_742 : i32 to index
        %get3A_746 = arith.constant 64 : index
        %get3A_747 = tpu.vector_load %arg7[%get3A_744, %get3A_745, %get3A_746] {strides = array<i32>} : memref<8x50x128xf32, #tpu.memory_space<vmem>>, vector<1x1x16xf32>,
        %get3A_748 = vector.shape_cast %get3A_747 : vector<1x1x16xf32> to vector<16xf32>
        %add3A_749 = arith.addf %scan3A_691, %get3A_748 : vector<16xf32>
        %mul3A_750 = arith.constant 5 : i32
        %mul3A_751 = arith.muli %scan3A_686, %mul3A_750 : i32
        %add3A_752 = arith.constant 0 : i32
        %add3A_753 = arith.addi %mul3A_751, %add3A_752 : i32
        %get3A_754 = arith.constant 3 : i32
        %get3A_755 = arith.index_cast %get3A_754 : i32 to index
        %get3A_756 = arith.index_cast %add3A_753 : i32 to index
        %get3A_757 = arith.constant 80 : index
        %get3A_758 = tpu.vector_load %arg7[%get3A_755, %get3A_756, %get3A_757] {strides = array<i32>} : memref<8x50x128xf32, #tpu.memory_space<vmem>>, vector<1x1x16xf32>,
        %get3A_759 = vector.shape_cast %get3A_758 : vector<1x1x16xf32> to vector<16xf32>
        %add3A_760 = arith.addf %scan3A_692, %get3A_759 : vector<16xf32>
        %mul3A_761 = arith.constant 5 : i32
        %mul3A_762 = arith.muli %scan3A_686, %mul3A_761 : i32
        %add3A_763 = arith.constant 0 : i32
        %add3A_764 = arith.addi %mul3A_762, %add3A_763 : i32
        %get3A_765 = arith.constant 3 : i32
        %get3A_766 = arith.index_cast %get3A_765 : i32 to index
        %get3A_767 = arith.index_cast %add3A_764 : i32 to index
        %get3A_768 = arith.constant 96 : index
        %get3A_769 = tpu.vector_load %arg7[%get3A_766, %get3A_767, %get3A_768] {strides = array<i32>} : memref<8x50x128xf32, #tpu.memory_space<vmem>>, vector<1x1x16xf32>,
        %get3A_770 = vector.shape_cast %get3A_769 : vector<1x1x16xf32> to vector<16xf32>
        %add3A_771 = arith.addf %scan3A_693, %get3A_770 : vector<16xf32>
        %mul3A_772 = arith.constant 5 : i32
        %mul3A_773 = arith.muli %scan3A_686, %mul3A_772 : i32
        %add3A_774 = arith.constant 0 : i32
        %add3A_775 = arith.addi %mul3A_773, %add3A_774 : i32
        %get3A_776 = arith.constant 3 : i32
        %get3A_777 = arith.index_cast %get3A_776 : i32 to index
        %get3A_778 = arith.index_cast %add3A_775 : i32 to index
        %get3A_779 = arith.constant 112 : index
        %get3A_780 = tpu.vector_load %arg7[%get3A_777, %get3A_778, %get3A_779] {strides = array<i32>} : memref<8x50x128xf32, #tpu.memory_space<vmem>>, vector<1x1x16xf32>,
        %get3A_781 = vector.shape_cast %get3A_780 : vector<1x1x16xf32> to vector<16xf32>
        %add3A_782 = arith.addf %scan3A_694, %get3A_781 : vector<16xf32>
        %mul3A_783 = arith.constant 5 : i32
        %mul3A_784 = arith.muli %scan3A_686, %mul3A_783 : i32
        %add3A_785 = arith.constant 1 : i32
        %add3A_786 = arith.addi %mul3A_784, %add3A_785 : i32
        %get3A_787 = arith.constant 3 : i32
        %get3A_788 = arith.index_cast %get3A_787 : i32 to index
        %get3A_789 = arith.index_cast %add3A_786 : i32 to index
        %get3A_790 = arith.constant 0 : index
        %get3A_791 = tpu.vector_load %arg7[%get3A_788, %get3A_789, %get3A_790] {strides = array<i32>} : memref<8x50x128xf32, #tpu.memory_space<vmem>>, vector<1x1x16xf32>,
        %get3A_792 = vector.shape_cast %get3A_791 : vector<1x1x16xf32> to vector<16xf32>
        %add3A_793 = arith.addf %add3A_705, %get3A_792 : vector<16xf32>
        %mul3A_794 = arith.constant 5 : i32
        %mul3A_795 = arith.muli %scan3A_686, %mul3A_794 : i32
        %add3A_796 = arith.constant 1 : i32
        %add3A_797 = arith.addi %mul3A_795, %add3A_796 : i32
        %get3A_798 = arith.constant 3 : i32
        %get3A_799 = arith.index_cast %get3A_798 : i32 to index
        %get3A_800 = arith.index_cast %add3A_797 : i32 to index
        %get3A_801 = arith.constant 16 : index
        %get3A_802 = tpu.vector_load %arg7[%get3A_799, %get3A_800, %get3A_801] {strides = array<i32>} : memref<8x50x128xf32, #tpu.memory_space<vmem>>, vector<1x1x16xf32>,
        %get3A_803 = vector.shape_cast %get3A_802 : vector<1x1x16xf32> to vector<16xf32>
        %add3A_804 = arith.addf %add3A_716, %get3A_803 : vector<16xf32>
        %mul3A_805 = arith.constant 5 : i32
        %mul3A_806 = arith.muli %scan3A_686, %mul3A_805 : i32
        %add3A_807 = arith.constant 1 : i32
        %add3A_808 = arith.addi %mul3A_806, %add3A_807 : i32
        %get3A_809 = arith.constant 3 : i32
        %get3A_810 = arith.index_cast %get3A_809 : i32 to index
        %get3A_811 = arith.index_cast %add3A_808 : i32 to index
        %get3A_812 = arith.constant 32 : index
        %get3A_813 = tpu.vector_load %arg7[%get3A_810, %get3A_811, %get3A_812] {strides = array<i32>} : memref<8x50x128xf32, #tpu.memory_space<vmem>>, vector<1x1x16xf32>,
        %get3A_814 = vector.shape_cast %get3A_813 : vector<1x1x16xf32> to vector<16xf32>
        %add3A_815 = arith.addf %add3A_727, %get3A_814 : vector<16xf32>
        %mul3A_816 = arith.constant 5 : i32
        %mul3A_817 = arith.muli %scan3A_686, %mul3A_816 : i32
        %add3A_818 = arith.constant 1 : i32
        %add3A_819 = arith.addi %mul3A_817, %add3A_818 : i32
        %get3A_820 = arith.constant 3 : i32
        %get3A_821 = arith.index_cast %get3A_820 : i32 to index
        %get3A_822 = arith.index_cast %add3A_819 : i32 to index
        %get3A_823 = arith.constant 48 : index
        %get3A_824 = tpu.vector_load %arg7[%get3A_821, %get3A_822, %get3A_823] {strides = array<i32>} : memref<8x50x128xf32, #tpu.memory_space<vmem>>, vector<1x1x16xf32>,
        %get3A_825 = vector.shape_cast %get3A_824 : vector<1x1x16xf32> to vector<16xf32>
        %add3A_826 = arith.addf %add3A_738, %get3A_825 : vector<16xf32>
        %mul3A_827 = arith.constant 5 : i32
        %mul3A_828 = arith.muli %scan3A_686, %mul3A_827 : i32
        %add3A_829 = arith.constant 1 : i32
        %add3A_830 = arith.addi %mul3A_828, %add3A_829 : i32
        %get3A_831 = arith.constant 3 : i32
        %get3A_832 = arith.index_cast %get3A_831 : i32 to index
        %get3A_833 = arith.index_cast %add3A_830 : i32 to index
        %get3A_834 = arith.constant 64 : index
        %get3A_835 = tpu.vector_load %arg7[%get3A_832, %get3A_833, %get3A_834] {strides = array<i32>} : memref<8x50x128xf32, #tpu.memory_space<vmem>>, vector<1x1x16xf32>,
        %get3A_836 = vector.shape_cast %get3A_835 : vector<1x1x16xf32> to vector<16xf32>
        %add3A_837 = arith.addf %add3A_749, %get3A_836 : vector<16xf32>
        %mul3A_838 = arith.constant 5 : i32
        %mul3A_839 = arith.muli %scan3A_686, %mul3A_838 : i32
        %add3A_840 = arith.constant 1 : i32
        %add3A_841 = arith.addi %mul3A_839, %add3A_840 : i32
        %get3A_842 = arith.constant 3 : i32
        %get3A_843 = arith.index_cast %get3A_842 : i32 to index
        %get3A_844 = arith.index_cast %add3A_841 : i32 to index
        %get3A_845 = arith.constant 80 : index
        %get3A_846 = tpu.vector_load %arg7[%get3A_843, %get3A_844, %get3A_845] {strides = array<i32>} : memref<8x50x128xf32, #tpu.memory_space<vmem>>, vector<1x1x16xf32>,
        %get3A_847 = vector.shape_cast %get3A_846 : vector<1x1x16xf32> to vector<16xf32>
        %add3A_848 = arith.addf %add3A_760, %get3A_847 : vector<16xf32>
        %mul3A_849 = arith.constant 5 : i32
        %mul3A_850 = arith.muli %scan3A_686, %mul3A_849 : i32
        %add3A_851 = arith.constant 1 : i32
        %add3A_852 = arith.addi %mul3A_850, %add3A_851 : i32
        %get3A_853 = arith.constant 3 : i32
        %get3A_854 = arith.index_cast %get3A_853 : i32 to index
        %get3A_855 = arith.index_cast %add3A_852 : i32 to index
        %get3A_856 = arith.constant 96 : index
        %get3A_857 = tpu.vector_load %arg7[%get3A_854, %get3A_855, %get3A_856] {strides = array<i32>} : memref<8x50x128xf32, #tpu.memory_space<vmem>>, vector<1x1x16xf32>,
        %get3A_858 = vector.shape_cast %get3A_857 : vector<1x1x16xf32> to vector<16xf32>
        %add3A_859 = arith.addf %add3A_771, %get3A_858 : vector<16xf32>
        %mul3A_860 = arith.constant 5 : i32
        %mul3A_861 = arith.muli %scan3A_686, %mul3A_860 : i32
        %add3A_862 = arith.constant 1 : i32
        %add3A_863 = arith.addi %mul3A_861, %add3A_862 : i32
        %get3A_864 = arith.constant 3 : i32
        %get3A_865 = arith.index_cast %get3A_864 : i32 to index
        %get3A_866 = arith.index_cast %add3A_863 : i32 to index
        %get3A_867 = arith.constant 112 : index
        %get3A_868 = tpu.vector_load %arg7[%get3A_865, %get3A_866, %get3A_867] {strides = array<i32>} : memref<8x50x128xf32, #tpu.memory_space<vmem>>, vector<1x1x16xf32>,
        %get3A_869 = vector.shape_cast %get3A_868 : vector<1x1x16xf32> to vector<16xf32>
        %add3A_870 = arith.addf %add3A_782, %get3A_869 : vector<16xf32>
        %mul3A_871 = arith.constant 5 : i32
        %mul3A_872 = arith.muli %scan3A_686, %mul3A_871 : i32
        %add3A_873 = arith.constant 2 : i32
        %add3A_874 = arith.addi %mul3A_872, %add3A_873 : i32
        %get3A_875 = arith.constant 3 : i32
        %get3A_876 = arith.index_cast %get3A_875 : i32 to index
        %get3A_877 = arith.index_cast %add3A_874 : i32 to index
        %get3A_878 = arith.constant 0 : index
        %get3A_879 = tpu.vector_load %arg7[%get3A_876, %get3A_877, %get3A_878] {strides = array<i32>} : memref<8x50x128xf32, #tpu.memory_space<vmem>>, vector<1x1x16xf32>,
        %get3A_880 = vector.shape_cast %get3A_879 : vector<1x1x16xf32> to vector<16xf32>
        %add3A_881 = arith.addf %add3A_793, %get3A_880 : vector<16xf32>
        %mul3A_882 = arith.constant 5 : i32
        %mul3A_883 = arith.muli %scan3A_686, %mul3A_882 : i32
        %add3A_884 = arith.constant 2 : i32
        %add3A_885 = arith.addi %mul3A_883, %add3A_884 : i32
        %get3A_886 = arith.constant 3 : i32
        %get3A_887 = arith.index_cast %get3A_886 : i32 to index
        %get3A_888 = arith.index_cast %add3A_885 : i32 to index
        %get3A_889 = arith.constant 16 : index
        %get3A_890 = tpu.vector_load %arg7[%get3A_887, %get3A_888, %get3A_889] {strides = array<i32>} : memref<8x50x128xf32, #tpu.memory_space<vmem>>, vector<1x1x16xf32>,
        %get3A_891 = vector.shape_cast %get3A_890 : vector<1x1x16xf32> to vector<16xf32>
        %add3A_892 = arith.addf %add3A_804, %get3A_891 : vector<16xf32>
        %mul3A_893 = arith.constant 5 : i32
        %mul3A_894 = arith.muli %scan3A_686, %mul3A_893 : i32
        %add3A_895 = arith.constant 2 : i32
        %add3A_896 = arith.addi %mul3A_894, %add3A_895 : i32
        %get3A_897 = arith.constant 3 : i32
        %get3A_898 = arith.index_cast %get3A_897 : i32 to index
        %get3A_899 = arith.index_cast %add3A_896 : i32 to index
        %get3A_900 = arith.constant 32 : index
        %get3A_901 = tpu.vector_load %arg7[%get3A_898, %get3A_899, %get3A_900] {strides = array<i32>} : memref<8x50x128xf32, #tpu.memory_space<vmem>>, vector<1x1x16xf32>,
        %get3A_902 = vector.shape_cast %get3A_901 : vector<1x1x16xf32> to vector<16xf32>
        %add3A_903 = arith.addf %add3A_815, %get3A_902 : vector<16xf32>
        %mul3A_904 = arith.constant 5 : i32
        %mul3A_905 = arith.muli %scan3A_686, %mul3A_904 : i32
        %add3A_906 = arith.constant 2 : i32
        %add3A_907 = arith.addi %mul3A_905, %add3A_906 : i32
        %get3A_908 = arith.constant 3 : i32
        %get3A_909 = arith.index_cast %get3A_908 : i32 to index
        %get3A_910 = arith.index_cast %add3A_907 : i32 to index
        %get3A_911 = arith.constant 48 : index
        %get3A_912 = tpu.vector_load %arg7[%get3A_909, %get3A_910, %get3A_911] {strides = array<i32>} : memref<8x50x128xf32, #tpu.memory_space<vmem>>, vector<1x1x16xf32>,
        %get3A_913 = vector.shape_cast %get3A_912 : vector<1x1x16xf32> to vector<16xf32>
        %add3A_914 = arith.addf %add3A_826, %get3A_913 : vector<16xf32>
        %mul3A_915 = arith.constant 5 : i32
        %mul3A_916 = arith.muli %scan3A_686, %mul3A_915 : i32
        %add3A_917 = arith.constant 2 : i32
        %add3A_918 = arith.addi %mul3A_916, %add3A_917 : i32
        %get3A_919 = arith.constant 3 : i32
        %get3A_920 = arith.index_cast %get3A_919 : i32 to index
        %get3A_921 = arith.index_cast %add3A_918 : i32 to index
        %get3A_922 = arith.constant 64 : index
        %get3A_923 = tpu.vector_load %arg7[%get3A_920, %get3A_921, %get3A_922] {strides = array<i32>} : memref<8x50x128xf32, #tpu.memory_space<vmem>>, vector<1x1x16xf32>,
        %get3A_924 = vector.shape_cast %get3A_923 : vector<1x1x16xf32> to vector<16xf32>
        %add3A_925 = arith.addf %add3A_837, %get3A_924 : vector<16xf32>
        %mul3A_926 = arith.constant 5 : i32
        %mul3A_927 = arith.muli %scan3A_686, %mul3A_926 : i32
        %add3A_928 = arith.constant 2 : i32
        %add3A_929 = arith.addi %mul3A_927, %add3A_928 : i32
        %get3A_930 = arith.constant 3 : i32
        %get3A_931 = arith.index_cast %get3A_930 : i32 to index
        %get3A_932 = arith.index_cast %add3A_929 : i32 to index
        %get3A_933 = arith.constant 80 : index
        %get3A_934 = tpu.vector_load %arg7[%get3A_931, %get3A_932, %get3A_933] {strides = array<i32>} : memref<8x50x128xf32, #tpu.memory_space<vmem>>, vector<1x1x16xf32>,
        %get3A_935 = vector.shape_cast %get3A_934 : vector<1x1x16xf32> to vector<16xf32>
        %add3A_936 = arith.addf %add3A_848, %get3A_935 : vector<16xf32>
        %mul3A_937 = arith.constant 5 : i32
        %mul3A_938 = arith.muli %scan3A_686, %mul3A_937 : i32
        %add3A_939 = arith.constant 2 : i32
        %add3A_940 = arith.addi %mul3A_938, %add3A_939 : i32
        %get3A_941 = arith.constant 3 : i32
        %get3A_942 = arith.index_cast %get3A_941 : i32 to index
        %get3A_943 = arith.index_cast %add3A_940 : i32 to index
        %get3A_944 = arith.constant 96 : index
        %get3A_945 = tpu.vector_load %arg7[%get3A_942, %get3A_943, %get3A_944] {strides = array<i32>} : memref<8x50x128xf32, #tpu.memory_space<vmem>>, vector<1x1x16xf32>,
        %get3A_946 = vector.shape_cast %get3A_945 : vector<1x1x16xf32> to vector<16xf32>
        %add3A_947 = arith.addf %add3A_859, %get3A_946 : vector<16xf32>
        %mul3A_948 = arith.constant 5 : i32
        %mul3A_949 = arith.muli %scan3A_686, %mul3A_948 : i32
        %add3A_950 = arith.constant 2 : i32
        %add3A_951 = arith.addi %mul3A_949, %add3A_950 : i32
        %get3A_952 = arith.constant 3 : i32
        %get3A_953 = arith.index_cast %get3A_952 : i32 to index
        %get3A_954 = arith.index_cast %add3A_951 : i32 to index
        %get3A_955 = arith.constant 112 : index
        %get3A_956 = tpu.vector_load %arg7[%get3A_953, %get3A_954, %get3A_955] {strides = array<i32>} : memref<8x50x128xf32, #tpu.memory_space<vmem>>, vector<1x1x16xf32>,
        %get3A_957 = vector.shape_cast %get3A_956 : vector<1x1x16xf32> to vector<16xf32>
        %add3A_958 = arith.addf %add3A_870, %get3A_957 : vector<16xf32>
        %mul3A_959 = arith.constant 5 : i32
        %mul3A_960 = arith.muli %scan3A_686, %mul3A_959 : i32
        %add3A_961 = arith.constant 3 : i32
        %add3A_962 = arith.addi %mul3A_960, %add3A_961 : i32
        %get3A_963 = arith.constant 3 : i32
        %get3A_964 = arith.index_cast %get3A_963 : i32 to index
        %get3A_965 = arith.index_cast %add3A_962 : i32 to index
        %get3A_966 = arith.constant 0 : index
        %get3A_967 = tpu.vector_load %arg7[%get3A_964, %get3A_965, %get3A_966] {strides = array<i32>} : memref<8x50x128xf32, #tpu.memory_space<vmem>>, vector<1x1x16xf32>,
        %get3A_968 = vector.shape_cast %get3A_967 : vector<1x1x16xf32> to vector<16xf32>
        %add3A_969 = arith.addf %add3A_881, %get3A_968 : vector<16xf32>
        %mul3A_970 = arith.constant 5 : i32
        %mul3A_971 = arith.muli %scan3A_686, %mul3A_970 : i32
        %add3A_972 = arith.constant 3 : i32
        %add3A_973 = arith.addi %mul3A_971, %add3A_972 : i32
        %get3A_974 = arith.constant 3 : i32
        %get3A_975 = arith.index_cast %get3A_974 : i32 to index
        %get3A_976 = arith.index_cast %add3A_973 : i32 to index
        %get3A_977 = arith.constant 16 : index
        %get3A_978 = tpu.vector_load %arg7[%get3A_975, %get3A_976, %get3A_977] {strides = array<i32>} : memref<8x50x128xf32, #tpu.memory_space<vmem>>, vector<1x1x16xf32>,
        %get3A_979 = vector.shape_cast %get3A_978 : vector<1x1x16xf32> to vector<16xf32>
        %add3A_980 = arith.addf %add3A_892, %get3A_979 : vector<16xf32>
        %mul3A_981 = arith.constant 5 : i32
        %mul3A_982 = arith.muli %scan3A_686, %mul3A_981 : i32
        %add3A_983 = arith.constant 3 : i32
        %add3A_984 = arith.addi %mul3A_982, %add3A_983 : i32
        %get3A_985 = arith.constant 3 : i32
        %get3A_986 = arith.index_cast %get3A_985 : i32 to index
        %get3A_987 = arith.index_cast %add3A_984 : i32 to index
        %get3A_988 = arith.constant 32 : index
        %get3A_989 = tpu.vector_load %arg7[%get3A_986, %get3A_987, %get3A_988] {strides = array<i32>} : memref<8x50x128xf32, #tpu.memory_space<vmem>>, vector<1x1x16xf32>,
        %get3A_990 = vector.shape_cast %get3A_989 : vector<1x1x16xf32> to vector<16xf32>
        %add3A_991 = arith.addf %add3A_903, %get3A_990 : vector<16xf32>
        %mul3A_992 = arith.constant 5 : i32
        %mul3A_993 = arith.muli %scan3A_686, %mul3A_992 : i32
        %add3A_994 = arith.constant 3 : i32
        %add3A_995 = arith.addi %mul3A_993, %add3A_994 : i32
        %get3A_996 = arith.constant 3 : i32
        %get3A_997 = arith.index_cast %get3A_996 : i32 to index
        %get3A_998 = arith.index_cast %add3A_995 : i32 to index
        %get3A_999 = arith.constant 48 : index
        %get3A_1000 = tpu.vector_load %arg7[%get3A_997, %get3A_998, %get3A_999] {strides = array<i32>} : memref<8x50x128xf32, #tpu.memory_space<vmem>>, vector<1x1x16xf32>,
        %get3A_1001 = vector.shape_cast %get3A_1000 : vector<1x1x16xf32> to vector<16xf32>
        %add3A_1002 = arith.addf %add3A_914, %get3A_1001 : vector<16xf32>
        %mul3A_1003 = arith.constant 5 : i32
        %mul3A_1004 = arith.muli %scan3A_686, %mul3A_1003 : i32
        %add3A_1005 = arith.constant 3 : i32
        %add3A_1006 = arith.addi %mul3A_1004, %add3A_1005 : i32
        %get3A_1007 = arith.constant 3 : i32
        %get3A_1008 = arith.index_cast %get3A_1007 : i32 to index
        %get3A_1009 = arith.index_cast %add3A_1006 : i32 to index
        %get3A_1010 = arith.constant 64 : index
        %get3A_1011 = tpu.vector_load %arg7[%get3A_1008, %get3A_1009, %get3A_1010] {strides = array<i32>} : memref<8x50x128xf32, #tpu.memory_space<vmem>>, vector<1x1x16xf32>,
        %get3A_1012 = vector.shape_cast %get3A_1011 : vector<1x1x16xf32> to vector<16xf32>
        %add3A_1013 = arith.addf %add3A_925, %get3A_1012 : vector<16xf32>
        %mul3A_1014 = arith.constant 5 : i32
        %mul3A_1015 = arith.muli %scan3A_686, %mul3A_1014 : i32
        %add3A_1016 = arith.constant 3 : i32
        %add3A_1017 = arith.addi %mul3A_1015, %add3A_1016 : i32
        %get3A_1018 = arith.constant 3 : i32
        %get3A_1019 = arith.index_cast %get3A_1018 : i32 to index
        %get3A_1020 = arith.index_cast %add3A_1017 : i32 to index
        %get3A_1021 = arith.constant 80 : index
        %get3A_1022 = tpu.vector_load %arg7[%get3A_1019, %get3A_1020, %get3A_1021] {strides = array<i32>} : memref<8x50x128xf32, #tpu.memory_space<vmem>>, vector<1x1x16xf32>,
        %get3A_1023 = vector.shape_cast %get3A_1022 : vector<1x1x16xf32> to vector<16xf32>
        %add3A_1024 = arith.addf %add3A_936, %get3A_1023 : vector<16xf32>
        %mul3A_1025 = arith.constant 5 : i32
        %mul3A_1026 = arith.muli %scan3A_686, %mul3A_1025 : i32
        %add3A_1027 = arith.constant 3 : i32
        %add3A_1028 = arith.addi %mul3A_1026, %add3A_1027 : i32
        %get3A_1029 = arith.constant 3 : i32
        %get3A_1030 = arith.index_cast %get3A_1029 : i32 to index
        %get3A_1031 = arith.index_cast %add3A_1028 : i32 to index
        %get3A_1032 = arith.constant 96 : index
        %get3A_1033 = tpu.vector_load %arg7[%get3A_1030, %get3A_1031, %get3A_1032] {strides = array<i32>} : memref<8x50x128xf32, #tpu.memory_space<vmem>>, vector<1x1x16xf32>,
        %get3A_1034 = vector.shape_cast %get3A_1033 : vector<1x1x16xf32> to vector<16xf32>
        %add3A_1035 = arith.addf %add3A_947, %get3A_1034 : vector<16xf32>
        %mul3A_1036 = arith.constant 5 : i32
        %mul3A_1037 = arith.muli %scan3A_686, %mul3A_1036 : i32
        %add3A_1038 = arith.constant 3 : i32
        %add3A_1039 = arith.addi %mul3A_1037, %add3A_1038 : i32
        %get3A_1040 = arith.constant 3 : i32
        %get3A_1041 = arith.index_cast %get3A_1040 : i32 to index
        %get3A_1042 = arith.index_cast %add3A_1039 : i32 to index
        %get3A_1043 = arith.constant 112 : index
        %get3A_1044 = tpu.vector_load %arg7[%get3A_1041, %get3A_1042, %get3A_1043] {strides = array<i32>} : memref<8x50x128xf32, #tpu.memory_space<vmem>>, vector<1x1x16xf32>,
        %get3A_1045 = vector.shape_cast %get3A_1044 : vector<1x1x16xf32> to vector<16xf32>
        %add3A_1046 = arith.addf %add3A_958, %get3A_1045 : vector<16xf32>
        %mul3A_1047 = arith.constant 5 : i32
        %mul3A_1048 = arith.muli %scan3A_686, %mul3A_1047 : i32
        %add3A_1049 = arith.constant 4 : i32
        %add3A_1050 = arith.addi %mul3A_1048, %add3A_1049 : i32
        %get3A_1051 = arith.constant 3 : i32
        %get3A_1052 = arith.index_cast %get3A_1051 : i32 to index
        %get3A_1053 = arith.index_cast %add3A_1050 : i32 to index
        %get3A_1054 = arith.constant 0 : index
        %get3A_1055 = tpu.vector_load %arg7[%get3A_1052, %get3A_1053, %get3A_1054] {strides = array<i32>} : memref<8x50x128xf32, #tpu.memory_space<vmem>>, vector<1x1x16xf32>,
        %get3A_1056 = vector.shape_cast %get3A_1055 : vector<1x1x16xf32> to vector<16xf32>
        %add3A_1057 = arith.addf %add3A_969, %get3A_1056 : vector<16xf32>
        %mul3A_1058 = arith.constant 5 : i32
        %mul3A_1059 = arith.muli %scan3A_686, %mul3A_1058 : i32
        %add3A_1060 = arith.constant 4 : i32
        %add3A_1061 = arith.addi %mul3A_1059, %add3A_1060 : i32
        %get3A_1062 = arith.constant 3 : i32
        %get3A_1063 = arith.index_cast %get3A_1062 : i32 to index
        %get3A_1064 = arith.index_cast %add3A_1061 : i32 to index
        %get3A_1065 = arith.constant 16 : index
        %get3A_1066 = tpu.vector_load %arg7[%get3A_1063, %get3A_1064, %get3A_1065] {strides = array<i32>} : memref<8x50x128xf32, #tpu.memory_space<vmem>>, vector<1x1x16xf32>,
        %get3A_1067 = vector.shape_cast %get3A_1066 : vector<1x1x16xf32> to vector<16xf32>
        %add3A_1068 = arith.addf %add3A_980, %get3A_1067 : vector<16xf32>
        %mul3A_1069 = arith.constant 5 : i32
        %mul3A_1070 = arith.muli %scan3A_686, %mul3A_1069 : i32
        %add3A_1071 = arith.constant 4 : i32
        %add3A_1072 = arith.addi %mul3A_1070, %add3A_1071 : i32
        %get3A_1073 = arith.constant 3 : i32
        %get3A_1074 = arith.index_cast %get3A_1073 : i32 to index
        %get3A_1075 = arith.index_cast %add3A_1072 : i32 to index
        %get3A_1076 = arith.constant 32 : index
        %get3A_1077 = tpu.vector_load %arg7[%get3A_1074, %get3A_1075, %get3A_1076] {strides = array<i32>} : memref<8x50x128xf32, #tpu.memory_space<vmem>>, vector<1x1x16xf32>,
        %get3A_1078 = vector.shape_cast %get3A_1077 : vector<1x1x16xf32> to vector<16xf32>
        %add3A_1079 = arith.addf %add3A_991, %get3A_1078 : vector<16xf32>
        %mul3A_1080 = arith.constant 5 : i32
        %mul3A_1081 = arith.muli %scan3A_686, %mul3A_1080 : i32
        %add3A_1082 = arith.constant 4 : i32
        %add3A_1083 = arith.addi %mul3A_1081, %add3A_1082 : i32
        %get3A_1084 = arith.constant 3 : i32
        %get3A_1085 = arith.index_cast %get3A_1084 : i32 to index
        %get3A_1086 = arith.index_cast %add3A_1083 : i32 to index
        %get3A_1087 = arith.constant 48 : index
        %get3A_1088 = tpu.vector_load %arg7[%get3A_1085, %get3A_1086, %get3A_1087] {strides = array<i32>} : memref<8x50x128xf32, #tpu.memory_space<vmem>>, vector<1x1x16xf32>,
        %get3A_1089 = vector.shape_cast %get3A_1088 : vector<1x1x16xf32> to vector<16xf32>
        %add3A_1090 = arith.addf %add3A_1002, %get3A_1089 : vector<16xf32>
        %mul3A_1091 = arith.constant 5 : i32
        %mul3A_1092 = arith.muli %scan3A_686, %mul3A_1091 : i32
        %add3A_1093 = arith.constant 4 : i32
        %add3A_1094 = arith.addi %mul3A_1092, %add3A_1093 : i32
        %get3A_1095 = arith.constant 3 : i32
        %get3A_1096 = arith.index_cast %get3A_1095 : i32 to index
        %get3A_1097 = arith.index_cast %add3A_1094 : i32 to index
        %get3A_1098 = arith.constant 64 : index
        %get3A_1099 = tpu.vector_load %arg7[%get3A_1096, %get3A_1097, %get3A_1098] {strides = array<i32>} : memref<8x50x128xf32, #tpu.memory_space<vmem>>, vector<1x1x16xf32>,
        %get3A_1100 = vector.shape_cast %get3A_1099 : vector<1x1x16xf32> to vector<16xf32>
        %add3A_1101 = arith.addf %add3A_1013, %get3A_1100 : vector<16xf32>
        %mul3A_1102 = arith.constant 5 : i32
        %mul3A_1103 = arith.muli %scan3A_686, %mul3A_1102 : i32
        %add3A_1104 = arith.constant 4 : i32
        %add3A_1105 = arith.addi %mul3A_1103, %add3A_1104 : i32
        %get3A_1106 = arith.constant 3 : i32
        %get3A_1107 = arith.index_cast %get3A_1106 : i32 to index
        %get3A_1108 = arith.index_cast %add3A_1105 : i32 to index
        %get3A_1109 = arith.constant 80 : index
        %get3A_1110 = tpu.vector_load %arg7[%get3A_1107, %get3A_1108, %get3A_1109] {strides = array<i32>} : memref<8x50x128xf32, #tpu.memory_space<vmem>>, vector<1x1x16xf32>,
        %get3A_1111 = vector.shape_cast %get3A_1110 : vector<1x1x16xf32> to vector<16xf32>
        %add3A_1112 = arith.addf %add3A_1024, %get3A_1111 : vector<16xf32>
        %mul3A_1113 = arith.constant 5 : i32
        %mul3A_1114 = arith.muli %scan3A_686, %mul3A_1113 : i32
        %add3A_1115 = arith.constant 4 : i32
        %add3A_1116 = arith.addi %mul3A_1114, %add3A_1115 : i32
        %get3A_1117 = arith.constant 3 : i32
        %get3A_1118 = arith.index_cast %get3A_1117 : i32 to index
        %get3A_1119 = arith.index_cast %add3A_1116 : i32 to index
        %get3A_1120 = arith.constant 96 : index
        %get3A_1121 = tpu.vector_load %arg7[%get3A_1118, %get3A_1119, %get3A_1120] {strides = array<i32>} : memref<8x50x128xf32, #tpu.memory_space<vmem>>, vector<1x1x16xf32>,
        %get3A_1122 = vector.shape_cast %get3A_1121 : vector<1x1x16xf32> to vector<16xf32>
        %add3A_1123 = arith.addf %add3A_1035, %get3A_1122 : vector<16xf32>
        %mul3A_1124 = arith.constant 5 : i32
        %mul3A_1125 = arith.muli %scan3A_686, %mul3A_1124 : i32
        %add3A_1126 = arith.constant 4 : i32
        %add3A_1127 = arith.addi %mul3A_1125, %add3A_1126 : i32
        %get3A_1128 = arith.constant 3 : i32
        %get3A_1129 = arith.index_cast %get3A_1128 : i32 to index
        %get3A_1130 = arith.index_cast %add3A_1127 : i32 to index
        %get3A_1131 = arith.constant 112 : index
        %get3A_1132 = tpu.vector_load %arg7[%get3A_1129, %get3A_1130, %get3A_1131] {strides = array<i32>} : memref<8x50x128xf32, #tpu.memory_space<vmem>>, vector<1x1x16xf32>,
        %get3A_1133 = vector.shape_cast %get3A_1132 : vector<1x1x16xf32> to vector<16xf32>
        %add3A_1134 = arith.addf %add3A_1046, %get3A_1133 : vector<16xf32>
        scf.yield %add3A_1057, %add3A_1068, %add3A_1079, %add3A_1090, %add3A_1101, %add3A_1112, %add3A_1123, %add3A_1134 : vector<16xf32>, vector<16xf32>, vector<16xf32>, vector<16xf32>, vector<16xf32>, vector<16xf32>, vector<16xf32>, vector<16xf32>
      }
      %scan3A_365 = arith.constant 10 : i32
      %swap3A_366 = arith.index_cast %add3A_339 : i32 to index
      %swap3A_367 = arith.constant 0 : index
      %swap3A_368 = tpu.vector_load %arg8[%swap3A_366, %swap3A_367] {strides = array<i32>} : memref<128x128xf32, #tpu.memory_space<vmem>>, vector<1x16xf32>,
      %swap3A_369 = vector.shape_cast %swap3A_368 : vector<1x16xf32> to vector<16xf32>
      %swap3A_370 = vector.shape_cast %scan3A_364#0 : vector<16xf32> to vector<1x16xf32>
      tpu.vector_store %arg8[%swap3A_366, %swap3A_367], %swap3A_370 {strides = array<i32>} : memref<128x128xf32, #tpu.memory_space<vmem>>, vector<1x16xf32>,
      %swap3A_371 = arith.index_cast %add3A_339 : i32 to index
      %swap3A_372 = arith.constant 16 : index
      %swap3A_373 = tpu.vector_load %arg8[%swap3A_371, %swap3A_372] {strides = array<i32>} : memref<128x128xf32, #tpu.memory_space<vmem>>, vector<1x16xf32>,
      %swap3A_374 = vector.shape_cast %swap3A_373 : vector<1x16xf32> to vector<16xf32>
      %swap3A_375 = vector.shape_cast %scan3A_364#1 : vector<16xf32> to vector<1x16xf32>
      tpu.vector_store %arg8[%swap3A_371, %swap3A_372], %swap3A_375 {strides = array<i32>} : memref<128x128xf32, #tpu.memory_space<vmem>>, vector<1x16xf32>,
      %swap3A_376 = arith.index_cast %add3A_339 : i32 to index
      %swap3A_377 = arith.constant 32 : index
      %swap3A_378 = tpu.vector_load %arg8[%swap3A_376, %swap3A_377] {strides = array<i32>} : memref<128x128xf32, #tpu.memory_space<vmem>>, vector<1x16xf32>,
      %swap3A_379 = vector.shape_cast %swap3A_378 : vector<1x16xf32> to vector<16xf32>
      %swap3A_380 = vector.shape_cast %scan3A_364#2 : vector<16xf32> to vector<1x16xf32>
      tpu.vector_store %arg8[%swap3A_376, %swap3A_377], %swap3A_380 {strides = array<i32>} : memref<128x128xf32, #tpu.memory_space<vmem>>, vector<1x16xf32>,
      %swap3A_381 = arith.index_cast %add3A_339 : i32 to index
      %swap3A_382 = arith.constant 48 : index
      %swap3A_383 = tpu.vector_load %arg8[%swap3A_381, %swap3A_382] {strides = array<i32>} : memref<128x128xf32, #tpu.memory_space<vmem>>, vector<1x16xf32>,
      %swap3A_384 = vector.shape_cast %swap3A_383 : vector<1x16xf32> to vector<16xf32>
      %swap3A_385 = vector.shape_cast %scan3A_364#3 : vector<16xf32> to vector<1x16xf32>
      tpu.vector_store %arg8[%swap3A_381, %swap3A_382], %swap3A_385 {strides = array<i32>} : memref<128x128xf32, #tpu.memory_space<vmem>>, vector<1x16xf32>,
      %swap3A_386 = arith.index_cast %add3A_339 : i32 to index
      %swap3A_387 = arith.constant 64 : index
      %swap3A_388 = tpu.vector_load %arg8[%swap3A_386, %swap3A_387] {strides = array<i32>} : memref<128x128xf32, #tpu.memory_space<vmem>>, vector<1x16xf32>,
      %swap3A_389 = vector.shape_cast %swap3A_388 : vector<1x16xf32> to vector<16xf32>
      %swap3A_390 = vector.shape_cast %scan3A_364#4 : vector<16xf32> to vector<1x16xf32>
      tpu.vector_store %arg8[%swap3A_386, %swap3A_387], %swap3A_390 {strides = array<i32>} : memref<128x128xf32, #tpu.memory_space<vmem>>, vector<1x16xf32>,
      %swap3A_391 = arith.index_cast %add3A_339 : i32 to index
      %swap3A_392 = arith.constant 80 : index
      %swap3A_393 = tpu.vector_load %arg8[%swap3A_391, %swap3A_392] {strides = array<i32>} : memref<128x128xf32, #tpu.memory_space<vmem>>, vector<1x16xf32>,
      %swap3A_394 = vector.shape_cast %swap3A_393 : vector<1x16xf32> to vector<16xf32>
      %swap3A_395 = vector.shape_cast %scan3A_364#5 : vector<16xf32> to vector<1x16xf32>
      tpu.vector_store %arg8[%swap3A_391, %swap3A_392], %swap3A_395 {strides = array<i32>} : memref<128x128xf32, #tpu.memory_space<vmem>>, vector<1x16xf32>,
      %swap3A_396 = arith.index_cast %add3A_339 : i32 to index
      %swap3A_397 = arith.constant 96 : index
      %swap3A_398 = tpu.vector_load %arg8[%swap3A_396, %swap3A_397] {strides = array<i32>} : memref<128x128xf32, #tpu.memory_space<vmem>>, vector<1x16xf32>,
      %swap3A_399 = vector.shape_cast %swap3A_398 : vector<1x16xf32> to vector<16xf32>
      %swap3A_400 = vector.shape_cast %scan3A_364#6 : vector<16xf32> to vector<1x16xf32>
      tpu.vector_store %arg8[%swap3A_396, %swap3A_397], %swap3A_400 {strides = array<i32>} : memref<128x128xf32, #tpu.memory_space<vmem>>, vector<1x16xf32>,
      %swap3A_401 = arith.index_cast %add3A_339 : i32 to index
      %swap3A_402 = arith.constant 112 : index
      %swap3A_403 = tpu.vector_load %arg8[%swap3A_401, %swap3A_402] {strides = array<i32>} : memref<128x128xf32, #tpu.memory_space<vmem>>, vector<1x16xf32>,
      %swap3A_404 = vector.shape_cast %swap3A_403 : vector<1x16xf32> to vector<16xf32>
      %swap3A_405 = vector.shape_cast %scan3A_364#7 : vector<16xf32> to vector<1x16xf32>
      tpu.vector_store %arg8[%swap3A_401, %swap3A_402], %swap3A_405 {strides = array<i32>} : memref<128x128xf32, #tpu.memory_space<vmem>>, vector<1x16xf32>,
      %mul3A_406 = arith.constant 8 : i32
      %mul3A_407 = arith.muli %mul3A_406, %scan3A_130 : i32
      %add3A_408 = arith.constant 4 : i32
      %add3A_409 = arith.addi %mul3A_407, %add3A_408 : i32
      %dma_wait3A_410 = arith.constant 4 : i32
      %dma_wait3A_411 = arith.constant 0 : i32
      %dma_wait3A_412 = arith.constant 0 : i32
      %dma_wait3A_413 = tpu.memref_slice %arg7[%dma_wait3A_410, %dma_wait3A_411, %dma_wait3A_412] : memref<8x50x128xf32, #tpu.memory_space<vmem>> -> memref<1x50x128xf32, #tpu.memory_space<vmem>>
      %dma_wait3A_414 = tpu.memref_squeeze %dma_wait3A_413 : memref<1x50x128xf32, #tpu.memory_space<vmem>> -> memref<50x128xf32, #tpu.memory_space<vmem>>
      %dma_wait3A_415 = arith.constant 0 : i32
      %dma_wait3A_416 = tpu.memref_slice %arg6[%add3A_409, %dma_wait3A_415] : memref<128x50xi32, #tpu.memory_space<vmem>> -> memref<1x50xi32, #tpu.memory_space<vmem>>
      %dma_wait3A_417 = tpu.memref_squeeze %dma_wait3A_416 : memref<1x50xi32, #tpu.memory_space<vmem>> -> memref<50xi32, #tpu.memory_space<vmem>>
      %dma_wait3A_418 = arith.constant 0 : i32
      %dma_wait3A_419 = arith.constant 0 : i32
      %dma_wait3A_420 = tpu.memref_slice %arg3[%dma_wait3A_418, %dma_wait3A_419] : memref<100000x128xf32, #tpu.memory_space<hbm>> -> memref<100000x128xf32, #tpu.memory_space<hbm>>
      tpu.wait_indirect_dma semaphore(%arg14 : memref<!tpu.dma_semaphore, #tpu.memory_space<semaphore_mem>>) src(%dma_wait3A_420 : memref<100000x128xf32, #tpu.memory_space<hbm>>) dst(%dma_wait3A_414 : memref<50x128xf32, #tpu.memory_space<vmem>>)
      %add3A_421 = arith.constant 8 : i32
      %add3A_422 = arith.addi %add3A_409, %add3A_421 : i32
      %sub3A_423 = arith.constant 1 : i32
      %sub3A_424 = arith.subi %add3A_422, %sub3A_423 : i32
      %lt3A_425 = arith.constant 128 : i32
      %lt3A_426 = arith.cmpi slt, %sub3A_424, %lt3A_425 : i32
      %convert_element_type3A_427 = arith.extui %lt3A_426 : i1 to i32
      %cond3A_428 = arith.constant 0 : i32
      %cond3A_429 = arith.cmpi ne, %convert_element_type3A_427, %cond3A_428 : i32
      scf.if %cond3A_429 {
        %add3A_686 = arith.constant 8 : i32
        %add3A_687 = arith.addi %add3A_409, %add3A_686 : i32
        %sub3A_688 = arith.constant 1 : i32
        %sub3A_689 = arith.subi %add3A_687, %sub3A_688 : i32
        %dma_start3A_690 = arith.constant 3 : i32
        %dma_start3A_691 = arith.constant 0 : i32
        %dma_start3A_692 = arith.constant 0 : i32
        %dma_start3A_693 = tpu.memref_slice %arg7[%dma_start3A_690, %dma_start3A_691, %dma_start3A_692] : memref<8x50x128xf32, #tpu.memory_space<vmem>> -> memref<1x50x128xf32, #tpu.memory_space<vmem>>
        %dma_start3A_694 = tpu.memref_squeeze %dma_start3A_693 : memref<1x50x128xf32, #tpu.memory_space<vmem>> -> memref<50x128xf32, #tpu.memory_space<vmem>>
        %dma_start3A_695 = arith.constant 0 : i32
        %dma_start3A_696 = tpu.memref_slice %arg6[%sub3A_689, %dma_start3A_695] : memref<128x50xi32, #tpu.memory_space<vmem>> -> memref<1x50xi32, #tpu.memory_space<vmem>>
        %dma_start3A_697 = tpu.memref_squeeze %dma_start3A_696 : memref<1x50xi32, #tpu.memory_space<vmem>> -> memref<50xi32, #tpu.memory_space<vmem>>
        %dma_start3A_698 = arith.constant 0 : i32
        %dma_start3A_699 = arith.constant 0 : i32
        %dma_start3A_700 = tpu.memref_slice %arg3[%dma_start3A_698, %dma_start3A_699] : memref<100000x128xf32, #tpu.memory_space<hbm>> -> memref<100000x128xf32, #tpu.memory_space<hbm>>
        tpu.enqueue_indirect_dma source(%dma_start3A_700 : memref<100000x128xf32, #tpu.memory_space<hbm>>) target(%dma_start3A_694 : memref<50x128xf32, #tpu.memory_space<vmem>>) offsets(%dma_start3A_697 : memref<50xi32, #tpu.memory_space<vmem>>) semaphore(%arg13 : memref<!tpu.dma_semaphore, #tpu.memory_space<semaphore_mem>>)
      } else {
      }
      %scan3A_430 = arith.constant 0 : i32
      %scan3A_431 = arith.constant 10 : i32
      %scan3A_432 = arith.addi %scan3A_430, %scan3A_431 : i32
      %scan3A_433 = arith.constant 1 : i32
      %scan3A_434:8 = scf.for %scan3A_686 = %scan3A_430 to %scan3A_432 step %scan3A_433 iter_args(%scan3A_687 = %get3A_94, %scan3A_688 = %get3A_97, %scan3A_689 = %get3A_100, %scan3A_690 = %get3A_103, %scan3A_691 = %get3A_106, %scan3A_692 = %get3A_109, %scan3A_693 = %get3A_112, %scan3A_694 = %get3A_115) -> (vector<16xf32>, vector<16xf32>, vector<16xf32>, vector<16xf32>, vector<16xf32>, vector<16xf32>, vector<16xf32>, vector<16xf32>)  : i32 {
        %mul3A_695 = arith.constant 5 : i32
        %mul3A_696 = arith.muli %scan3A_686, %mul3A_695 : i32
        %add3A_697 = arith.constant 0 : i32
        %add3A_698 = arith.addi %mul3A_696, %add3A_697 : i32
        %get3A_699 = arith.constant 4 : i32
        %get3A_700 = arith.index_cast %get3A_699 : i32 to index
        %get3A_701 = arith.index_cast %add3A_698 : i32 to index
        %get3A_702 = arith.constant 0 : index
        %get3A_703 = tpu.vector_load %arg7[%get3A_700, %get3A_701, %get3A_702] {strides = array<i32>} : memref<8x50x128xf32, #tpu.memory_space<vmem>>, vector<1x1x16xf32>,
        %get3A_704 = vector.shape_cast %get3A_703 : vector<1x1x16xf32> to vector<16xf32>
        %add3A_705 = arith.addf %scan3A_687, %get3A_704 : vector<16xf32>
        %mul3A_706 = arith.constant 5 : i32
        %mul3A_707 = arith.muli %scan3A_686, %mul3A_706 : i32
        %add3A_708 = arith.constant 0 : i32
        %add3A_709 = arith.addi %mul3A_707, %add3A_708 : i32
        %get3A_710 = arith.constant 4 : i32
        %get3A_711 = arith.index_cast %get3A_710 : i32 to index
        %get3A_712 = arith.index_cast %add3A_709 : i32 to index
        %get3A_713 = arith.constant 16 : index
        %get3A_714 = tpu.vector_load %arg7[%get3A_711, %get3A_712, %get3A_713] {strides = array<i32>} : memref<8x50x128xf32, #tpu.memory_space<vmem>>, vector<1x1x16xf32>,
        %get3A_715 = vector.shape_cast %get3A_714 : vector<1x1x16xf32> to vector<16xf32>
        %add3A_716 = arith.addf %scan3A_688, %get3A_715 : vector<16xf32>
        %mul3A_717 = arith.constant 5 : i32
        %mul3A_718 = arith.muli %scan3A_686, %mul3A_717 : i32
        %add3A_719 = arith.constant 0 : i32
        %add3A_720 = arith.addi %mul3A_718, %add3A_719 : i32
        %get3A_721 = arith.constant 4 : i32
        %get3A_722 = arith.index_cast %get3A_721 : i32 to index
        %get3A_723 = arith.index_cast %add3A_720 : i32 to index
        %get3A_724 = arith.constant 32 : index
        %get3A_725 = tpu.vector_load %arg7[%get3A_722, %get3A_723, %get3A_724] {strides = array<i32>} : memref<8x50x128xf32, #tpu.memory_space<vmem>>, vector<1x1x16xf32>,
        %get3A_726 = vector.shape_cast %get3A_725 : vector<1x1x16xf32> to vector<16xf32>
        %add3A_727 = arith.addf %scan3A_689, %get3A_726 : vector<16xf32>
        %mul3A_728 = arith.constant 5 : i32
        %mul3A_729 = arith.muli %scan3A_686, %mul3A_728 : i32
        %add3A_730 = arith.constant 0 : i32
        %add3A_731 = arith.addi %mul3A_729, %add3A_730 : i32
        %get3A_732 = arith.constant 4 : i32
        %get3A_733 = arith.index_cast %get3A_732 : i32 to index
        %get3A_734 = arith.index_cast %add3A_731 : i32 to index
        %get3A_735 = arith.constant 48 : index
        %get3A_736 = tpu.vector_load %arg7[%get3A_733, %get3A_734, %get3A_735] {strides = array<i32>} : memref<8x50x128xf32, #tpu.memory_space<vmem>>, vector<1x1x16xf32>,
        %get3A_737 = vector.shape_cast %get3A_736 : vector<1x1x16xf32> to vector<16xf32>
        %add3A_738 = arith.addf %scan3A_690, %get3A_737 : vector<16xf32>
        %mul3A_739 = arith.constant 5 : i32
        %mul3A_740 = arith.muli %scan3A_686, %mul3A_739 : i32
        %add3A_741 = arith.constant 0 : i32
        %add3A_742 = arith.addi %mul3A_740, %add3A_741 : i32
        %get3A_743 = arith.constant 4 : i32
        %get3A_744 = arith.index_cast %get3A_743 : i32 to index
        %get3A_745 = arith.index_cast %add3A_742 : i32 to index
        %get3A_746 = arith.constant 64 : index
        %get3A_747 = tpu.vector_load %arg7[%get3A_744, %get3A_745, %get3A_746] {strides = array<i32>} : memref<8x50x128xf32, #tpu.memory_space<vmem>>, vector<1x1x16xf32>,
        %get3A_748 = vector.shape_cast %get3A_747 : vector<1x1x16xf32> to vector<16xf32>
        %add3A_749 = arith.addf %scan3A_691, %get3A_748 : vector<16xf32>
        %mul3A_750 = arith.constant 5 : i32
        %mul3A_751 = arith.muli %scan3A_686, %mul3A_750 : i32
        %add3A_752 = arith.constant 0 : i32
        %add3A_753 = arith.addi %mul3A_751, %add3A_752 : i32
        %get3A_754 = arith.constant 4 : i32
        %get3A_755 = arith.index_cast %get3A_754 : i32 to index
        %get3A_756 = arith.index_cast %add3A_753 : i32 to index
        %get3A_757 = arith.constant 80 : index
        %get3A_758 = tpu.vector_load %arg7[%get3A_755, %get3A_756, %get3A_757] {strides = array<i32>} : memref<8x50x128xf32, #tpu.memory_space<vmem>>, vector<1x1x16xf32>,
        %get3A_759 = vector.shape_cast %get3A_758 : vector<1x1x16xf32> to vector<16xf32>
        %add3A_760 = arith.addf %scan3A_692, %get3A_759 : vector<16xf32>
        %mul3A_761 = arith.constant 5 : i32
        %mul3A_762 = arith.muli %scan3A_686, %mul3A_761 : i32
        %add3A_763 = arith.constant 0 : i32
        %add3A_764 = arith.addi %mul3A_762, %add3A_763 : i32
        %get3A_765 = arith.constant 4 : i32
        %get3A_766 = arith.index_cast %get3A_765 : i32 to index
        %get3A_767 = arith.index_cast %add3A_764 : i32 to index
        %get3A_768 = arith.constant 96 : index
        %get3A_769 = tpu.vector_load %arg7[%get3A_766, %get3A_767, %get3A_768] {strides = array<i32>} : memref<8x50x128xf32, #tpu.memory_space<vmem>>, vector<1x1x16xf32>,
        %get3A_770 = vector.shape_cast %get3A_769 : vector<1x1x16xf32> to vector<16xf32>
        %add3A_771 = arith.addf %scan3A_693, %get3A_770 : vector<16xf32>
        %mul3A_772 = arith.constant 5 : i32
        %mul3A_773 = arith.muli %scan3A_686, %mul3A_772 : i32
        %add3A_774 = arith.constant 0 : i32
        %add3A_775 = arith.addi %mul3A_773, %add3A_774 : i32
        %get3A_776 = arith.constant 4 : i32
        %get3A_777 = arith.index_cast %get3A_776 : i32 to index
        %get3A_778 = arith.index_cast %add3A_775 : i32 to index
        %get3A_779 = arith.constant 112 : index
        %get3A_780 = tpu.vector_load %arg7[%get3A_777, %get3A_778, %get3A_779] {strides = array<i32>} : memref<8x50x128xf32, #tpu.memory_space<vmem>>, vector<1x1x16xf32>,
        %get3A_781 = vector.shape_cast %get3A_780 : vector<1x1x16xf32> to vector<16xf32>
        %add3A_782 = arith.addf %scan3A_694, %get3A_781 : vector<16xf32>
        %mul3A_783 = arith.constant 5 : i32
        %mul3A_784 = arith.muli %scan3A_686, %mul3A_783 : i32
        %add3A_785 = arith.constant 1 : i32
        %add3A_786 = arith.addi %mul3A_784, %add3A_785 : i32
        %get3A_787 = arith.constant 4 : i32
        %get3A_788 = arith.index_cast %get3A_787 : i32 to index
        %get3A_789 = arith.index_cast %add3A_786 : i32 to index
        %get3A_790 = arith.constant 0 : index
        %get3A_791 = tpu.vector_load %arg7[%get3A_788, %get3A_789, %get3A_790] {strides = array<i32>} : memref<8x50x128xf32, #tpu.memory_space<vmem>>, vector<1x1x16xf32>,
        %get3A_792 = vector.shape_cast %get3A_791 : vector<1x1x16xf32> to vector<16xf32>
        %add3A_793 = arith.addf %add3A_705, %get3A_792 : vector<16xf32>
        %mul3A_794 = arith.constant 5 : i32
        %mul3A_795 = arith.muli %scan3A_686, %mul3A_794 : i32
        %add3A_796 = arith.constant 1 : i32
        %add3A_797 = arith.addi %mul3A_795, %add3A_796 : i32
        %get3A_798 = arith.constant 4 : i32
        %get3A_799 = arith.index_cast %get3A_798 : i32 to index
        %get3A_800 = arith.index_cast %add3A_797 : i32 to index
        %get3A_801 = arith.constant 16 : index
        %get3A_802 = tpu.vector_load %arg7[%get3A_799, %get3A_800, %get3A_801] {strides = array<i32>} : memref<8x50x128xf32, #tpu.memory_space<vmem>>, vector<1x1x16xf32>,
        %get3A_803 = vector.shape_cast %get3A_802 : vector<1x1x16xf32> to vector<16xf32>
        %add3A_804 = arith.addf %add3A_716, %get3A_803 : vector<16xf32>
        %mul3A_805 = arith.constant 5 : i32
        %mul3A_806 = arith.muli %scan3A_686, %mul3A_805 : i32
        %add3A_807 = arith.constant 1 : i32
        %add3A_808 = arith.addi %mul3A_806, %add3A_807 : i32
        %get3A_809 = arith.constant 4 : i32
        %get3A_810 = arith.index_cast %get3A_809 : i32 to index
        %get3A_811 = arith.index_cast %add3A_808 : i32 to index
        %get3A_812 = arith.constant 32 : index
        %get3A_813 = tpu.vector_load %arg7[%get3A_810, %get3A_811, %get3A_812] {strides = array<i32>} : memref<8x50x128xf32, #tpu.memory_space<vmem>>, vector<1x1x16xf32>,
        %get3A_814 = vector.shape_cast %get3A_813 : vector<1x1x16xf32> to vector<16xf32>
        %add3A_815 = arith.addf %add3A_727, %get3A_814 : vector<16xf32>
        %mul3A_816 = arith.constant 5 : i32
        %mul3A_817 = arith.muli %scan3A_686, %mul3A_816 : i32
        %add3A_818 = arith.constant 1 : i32
        %add3A_819 = arith.addi %mul3A_817, %add3A_818 : i32
        %get3A_820 = arith.constant 4 : i32
        %get3A_821 = arith.index_cast %get3A_820 : i32 to index
        %get3A_822 = arith.index_cast %add3A_819 : i32 to index
        %get3A_823 = arith.constant 48 : index
        %get3A_824 = tpu.vector_load %arg7[%get3A_821, %get3A_822, %get3A_823] {strides = array<i32>} : memref<8x50x128xf32, #tpu.memory_space<vmem>>, vector<1x1x16xf32>,
        %get3A_825 = vector.shape_cast %get3A_824 : vector<1x1x16xf32> to vector<16xf32>
        %add3A_826 = arith.addf %add3A_738, %get3A_825 : vector<16xf32>
        %mul3A_827 = arith.constant 5 : i32
        %mul3A_828 = arith.muli %scan3A_686, %mul3A_827 : i32
        %add3A_829 = arith.constant 1 : i32
        %add3A_830 = arith.addi %mul3A_828, %add3A_829 : i32
        %get3A_831 = arith.constant 4 : i32
        %get3A_832 = arith.index_cast %get3A_831 : i32 to index
        %get3A_833 = arith.index_cast %add3A_830 : i32 to index
        %get3A_834 = arith.constant 64 : index
        %get3A_835 = tpu.vector_load %arg7[%get3A_832, %get3A_833, %get3A_834] {strides = array<i32>} : memref<8x50x128xf32, #tpu.memory_space<vmem>>, vector<1x1x16xf32>,
        %get3A_836 = vector.shape_cast %get3A_835 : vector<1x1x16xf32> to vector<16xf32>
        %add3A_837 = arith.addf %add3A_749, %get3A_836 : vector<16xf32>
        %mul3A_838 = arith.constant 5 : i32
        %mul3A_839 = arith.muli %scan3A_686, %mul3A_838 : i32
        %add3A_840 = arith.constant 1 : i32
        %add3A_841 = arith.addi %mul3A_839, %add3A_840 : i32
        %get3A_842 = arith.constant 4 : i32
        %get3A_843 = arith.index_cast %get3A_842 : i32 to index
        %get3A_844 = arith.index_cast %add3A_841 : i32 to index
        %get3A_845 = arith.constant 80 : index
        %get3A_846 = tpu.vector_load %arg7[%get3A_843, %get3A_844, %get3A_845] {strides = array<i32>} : memref<8x50x128xf32, #tpu.memory_space<vmem>>, vector<1x1x16xf32>,
        %get3A_847 = vector.shape_cast %get3A_846 : vector<1x1x16xf32> to vector<16xf32>
        %add3A_848 = arith.addf %add3A_760, %get3A_847 : vector<16xf32>
        %mul3A_849 = arith.constant 5 : i32
        %mul3A_850 = arith.muli %scan3A_686, %mul3A_849 : i32
        %add3A_851 = arith.constant 1 : i32
        %add3A_852 = arith.addi %mul3A_850, %add3A_851 : i32
        %get3A_853 = arith.constant 4 : i32
        %get3A_854 = arith.index_cast %get3A_853 : i32 to index
        %get3A_855 = arith.index_cast %add3A_852 : i32 to index
        %get3A_856 = arith.constant 96 : index
        %get3A_857 = tpu.vector_load %arg7[%get3A_854, %get3A_855, %get3A_856] {strides = array<i32>} : memref<8x50x128xf32, #tpu.memory_space<vmem>>, vector<1x1x16xf32>,
        %get3A_858 = vector.shape_cast %get3A_857 : vector<1x1x16xf32> to vector<16xf32>
        %add3A_859 = arith.addf %add3A_771, %get3A_858 : vector<16xf32>
        %mul3A_860 = arith.constant 5 : i32
        %mul3A_861 = arith.muli %scan3A_686, %mul3A_860 : i32
        %add3A_862 = arith.constant 1 : i32
        %add3A_863 = arith.addi %mul3A_861, %add3A_862 : i32
        %get3A_864 = arith.constant 4 : i32
        %get3A_865 = arith.index_cast %get3A_864 : i32 to index
        %get3A_866 = arith.index_cast %add3A_863 : i32 to index
        %get3A_867 = arith.constant 112 : index
        %get3A_868 = tpu.vector_load %arg7[%get3A_865, %get3A_866, %get3A_867] {strides = array<i32>} : memref<8x50x128xf32, #tpu.memory_space<vmem>>, vector<1x1x16xf32>,
        %get3A_869 = vector.shape_cast %get3A_868 : vector<1x1x16xf32> to vector<16xf32>
        %add3A_870 = arith.addf %add3A_782, %get3A_869 : vector<16xf32>
        %mul3A_871 = arith.constant 5 : i32
        %mul3A_872 = arith.muli %scan3A_686, %mul3A_871 : i32
        %add3A_873 = arith.constant 2 : i32
        %add3A_874 = arith.addi %mul3A_872, %add3A_873 : i32
        %get3A_875 = arith.constant 4 : i32
        %get3A_876 = arith.index_cast %get3A_875 : i32 to index
        %get3A_877 = arith.index_cast %add3A_874 : i32 to index
        %get3A_878 = arith.constant 0 : index
        %get3A_879 = tpu.vector_load %arg7[%get3A_876, %get3A_877, %get3A_878] {strides = array<i32>} : memref<8x50x128xf32, #tpu.memory_space<vmem>>, vector<1x1x16xf32>,
        %get3A_880 = vector.shape_cast %get3A_879 : vector<1x1x16xf32> to vector<16xf32>
        %add3A_881 = arith.addf %add3A_793, %get3A_880 : vector<16xf32>
        %mul3A_882 = arith.constant 5 : i32
        %mul3A_883 = arith.muli %scan3A_686, %mul3A_882 : i32
        %add3A_884 = arith.constant 2 : i32
        %add3A_885 = arith.addi %mul3A_883, %add3A_884 : i32
        %get3A_886 = arith.constant 4 : i32
        %get3A_887 = arith.index_cast %get3A_886 : i32 to index
        %get3A_888 = arith.index_cast %add3A_885 : i32 to index
        %get3A_889 = arith.constant 16 : index
        %get3A_890 = tpu.vector_load %arg7[%get3A_887, %get3A_888, %get3A_889] {strides = array<i32>} : memref<8x50x128xf32, #tpu.memory_space<vmem>>, vector<1x1x16xf32>,
        %get3A_891 = vector.shape_cast %get3A_890 : vector<1x1x16xf32> to vector<16xf32>
        %add3A_892 = arith.addf %add3A_804, %get3A_891 : vector<16xf32>
        %mul3A_893 = arith.constant 5 : i32
        %mul3A_894 = arith.muli %scan3A_686, %mul3A_893 : i32
        %add3A_895 = arith.constant 2 : i32
        %add3A_896 = arith.addi %mul3A_894, %add3A_895 : i32
        %get3A_897 = arith.constant 4 : i32
        %get3A_898 = arith.index_cast %get3A_897 : i32 to index
        %get3A_899 = arith.index_cast %add3A_896 : i32 to index
        %get3A_900 = arith.constant 32 : index
        %get3A_901 = tpu.vector_load %arg7[%get3A_898, %get3A_899, %get3A_900] {strides = array<i32>} : memref<8x50x128xf32, #tpu.memory_space<vmem>>, vector<1x1x16xf32>,
        %get3A_902 = vector.shape_cast %get3A_901 : vector<1x1x16xf32> to vector<16xf32>
        %add3A_903 = arith.addf %add3A_815, %get3A_902 : vector<16xf32>
        %mul3A_904 = arith.constant 5 : i32
        %mul3A_905 = arith.muli %scan3A_686, %mul3A_904 : i32
        %add3A_906 = arith.constant 2 : i32
        %add3A_907 = arith.addi %mul3A_905, %add3A_906 : i32
        %get3A_908 = arith.constant 4 : i32
        %get3A_909 = arith.index_cast %get3A_908 : i32 to index
        %get3A_910 = arith.index_cast %add3A_907 : i32 to index
        %get3A_911 = arith.constant 48 : index
        %get3A_912 = tpu.vector_load %arg7[%get3A_909, %get3A_910, %get3A_911] {strides = array<i32>} : memref<8x50x128xf32, #tpu.memory_space<vmem>>, vector<1x1x16xf32>,
        %get3A_913 = vector.shape_cast %get3A_912 : vector<1x1x16xf32> to vector<16xf32>
        %add3A_914 = arith.addf %add3A_826, %get3A_913 : vector<16xf32>
        %mul3A_915 = arith.constant 5 : i32
        %mul3A_916 = arith.muli %scan3A_686, %mul3A_915 : i32
        %add3A_917 = arith.constant 2 : i32
        %add3A_918 = arith.addi %mul3A_916, %add3A_917 : i32
        %get3A_919 = arith.constant 4 : i32
        %get3A_920 = arith.index_cast %get3A_919 : i32 to index
        %get3A_921 = arith.index_cast %add3A_918 : i32 to index
        %get3A_922 = arith.constant 64 : index
        %get3A_923 = tpu.vector_load %arg7[%get3A_920, %get3A_921, %get3A_922] {strides = array<i32>} : memref<8x50x128xf32, #tpu.memory_space<vmem>>, vector<1x1x16xf32>,
        %get3A_924 = vector.shape_cast %get3A_923 : vector<1x1x16xf32> to vector<16xf32>
        %add3A_925 = arith.addf %add3A_837, %get3A_924 : vector<16xf32>
        %mul3A_926 = arith.constant 5 : i32
        %mul3A_927 = arith.muli %scan3A_686, %mul3A_926 : i32
        %add3A_928 = arith.constant 2 : i32
        %add3A_929 = arith.addi %mul3A_927, %add3A_928 : i32
        %get3A_930 = arith.constant 4 : i32
        %get3A_931 = arith.index_cast %get3A_930 : i32 to index
        %get3A_932 = arith.index_cast %add3A_929 : i32 to index
        %get3A_933 = arith.constant 80 : index
        %get3A_934 = tpu.vector_load %arg7[%get3A_931, %get3A_932, %get3A_933] {strides = array<i32>} : memref<8x50x128xf32, #tpu.memory_space<vmem>>, vector<1x1x16xf32>,
        %get3A_935 = vector.shape_cast %get3A_934 : vector<1x1x16xf32> to vector<16xf32>
        %add3A_936 = arith.addf %add3A_848, %get3A_935 : vector<16xf32>
        %mul3A_937 = arith.constant 5 : i32
        %mul3A_938 = arith.muli %scan3A_686, %mul3A_937 : i32
        %add3A_939 = arith.constant 2 : i32
        %add3A_940 = arith.addi %mul3A_938, %add3A_939 : i32
        %get3A_941 = arith.constant 4 : i32
        %get3A_942 = arith.index_cast %get3A_941 : i32 to index
        %get3A_943 = arith.index_cast %add3A_940 : i32 to index
        %get3A_944 = arith.constant 96 : index
        %get3A_945 = tpu.vector_load %arg7[%get3A_942, %get3A_943, %get3A_944] {strides = array<i32>} : memref<8x50x128xf32, #tpu.memory_space<vmem>>, vector<1x1x16xf32>,
        %get3A_946 = vector.shape_cast %get3A_945 : vector<1x1x16xf32> to vector<16xf32>
        %add3A_947 = arith.addf %add3A_859, %get3A_946 : vector<16xf32>
        %mul3A_948 = arith.constant 5 : i32
        %mul3A_949 = arith.muli %scan3A_686, %mul3A_948 : i32
        %add3A_950 = arith.constant 2 : i32
        %add3A_951 = arith.addi %mul3A_949, %add3A_950 : i32
        %get3A_952 = arith.constant 4 : i32
        %get3A_953 = arith.index_cast %get3A_952 : i32 to index
        %get3A_954 = arith.index_cast %add3A_951 : i32 to index
        %get3A_955 = arith.constant 112 : index
        %get3A_956 = tpu.vector_load %arg7[%get3A_953, %get3A_954, %get3A_955] {strides = array<i32>} : memref<8x50x128xf32, #tpu.memory_space<vmem>>, vector<1x1x16xf32>,
        %get3A_957 = vector.shape_cast %get3A_956 : vector<1x1x16xf32> to vector<16xf32>
        %add3A_958 = arith.addf %add3A_870, %get3A_957 : vector<16xf32>
        %mul3A_959 = arith.constant 5 : i32
        %mul3A_960 = arith.muli %scan3A_686, %mul3A_959 : i32
        %add3A_961 = arith.constant 3 : i32
        %add3A_962 = arith.addi %mul3A_960, %add3A_961 : i32
        %get3A_963 = arith.constant 4 : i32
        %get3A_964 = arith.index_cast %get3A_963 : i32 to index
        %get3A_965 = arith.index_cast %add3A_962 : i32 to index
        %get3A_966 = arith.constant 0 : index
        %get3A_967 = tpu.vector_load %arg7[%get3A_964, %get3A_965, %get3A_966] {strides = array<i32>} : memref<8x50x128xf32, #tpu.memory_space<vmem>>, vector<1x1x16xf32>,
        %get3A_968 = vector.shape_cast %get3A_967 : vector<1x1x16xf32> to vector<16xf32>
        %add3A_969 = arith.addf %add3A_881, %get3A_968 : vector<16xf32>
        %mul3A_970 = arith.constant 5 : i32
        %mul3A_971 = arith.muli %scan3A_686, %mul3A_970 : i32
        %add3A_972 = arith.constant 3 : i32
        %add3A_973 = arith.addi %mul3A_971, %add3A_972 : i32
        %get3A_974 = arith.constant 4 : i32
        %get3A_975 = arith.index_cast %get3A_974 : i32 to index
        %get3A_976 = arith.index_cast %add3A_973 : i32 to index
        %get3A_977 = arith.constant 16 : index
        %get3A_978 = tpu.vector_load %arg7[%get3A_975, %get3A_976, %get3A_977] {strides = array<i32>} : memref<8x50x128xf32, #tpu.memory_space<vmem>>, vector<1x1x16xf32>,
        %get3A_979 = vector.shape_cast %get3A_978 : vector<1x1x16xf32> to vector<16xf32>
        %add3A_980 = arith.addf %add3A_892, %get3A_979 : vector<16xf32>
        %mul3A_981 = arith.constant 5 : i32
        %mul3A_982 = arith.muli %scan3A_686, %mul3A_981 : i32
        %add3A_983 = arith.constant 3 : i32
        %add3A_984 = arith.addi %mul3A_982, %add3A_983 : i32
        %get3A_985 = arith.constant 4 : i32
        %get3A_986 = arith.index_cast %get3A_985 : i32 to index
        %get3A_987 = arith.index_cast %add3A_984 : i32 to index
        %get3A_988 = arith.constant 32 : index
        %get3A_989 = tpu.vector_load %arg7[%get3A_986, %get3A_987, %get3A_988] {strides = array<i32>} : memref<8x50x128xf32, #tpu.memory_space<vmem>>, vector<1x1x16xf32>,
        %get3A_990 = vector.shape_cast %get3A_989 : vector<1x1x16xf32> to vector<16xf32>
        %add3A_991 = arith.addf %add3A_903, %get3A_990 : vector<16xf32>
        %mul3A_992 = arith.constant 5 : i32
        %mul3A_993 = arith.muli %scan3A_686, %mul3A_992 : i32
        %add3A_994 = arith.constant 3 : i32
        %add3A_995 = arith.addi %mul3A_993, %add3A_994 : i32
        %get3A_996 = arith.constant 4 : i32
        %get3A_997 = arith.index_cast %get3A_996 : i32 to index
        %get3A_998 = arith.index_cast %add3A_995 : i32 to index
        %get3A_999 = arith.constant 48 : index
        %get3A_1000 = tpu.vector_load %arg7[%get3A_997, %get3A_998, %get3A_999] {strides = array<i32>} : memref<8x50x128xf32, #tpu.memory_space<vmem>>, vector<1x1x16xf32>,
        %get3A_1001 = vector.shape_cast %get3A_1000 : vector<1x1x16xf32> to vector<16xf32>
        %add3A_1002 = arith.addf %add3A_914, %get3A_1001 : vector<16xf32>
        %mul3A_1003 = arith.constant 5 : i32
        %mul3A_1004 = arith.muli %scan3A_686, %mul3A_1003 : i32
        %add3A_1005 = arith.constant 3 : i32
        %add3A_1006 = arith.addi %mul3A_1004, %add3A_1005 : i32
        %get3A_1007 = arith.constant 4 : i32
        %get3A_1008 = arith.index_cast %get3A_1007 : i32 to index
        %get3A_1009 = arith.index_cast %add3A_1006 : i32 to index
        %get3A_1010 = arith.constant 64 : index
        %get3A_1011 = tpu.vector_load %arg7[%get3A_1008, %get3A_1009, %get3A_1010] {strides = array<i32>} : memref<8x50x128xf32, #tpu.memory_space<vmem>>, vector<1x1x16xf32>,
        %get3A_1012 = vector.shape_cast %get3A_1011 : vector<1x1x16xf32> to vector<16xf32>
        %add3A_1013 = arith.addf %add3A_925, %get3A_1012 : vector<16xf32>
        %mul3A_1014 = arith.constant 5 : i32
        %mul3A_1015 = arith.muli %scan3A_686, %mul3A_1014 : i32
        %add3A_1016 = arith.constant 3 : i32
        %add3A_1017 = arith.addi %mul3A_1015, %add3A_1016 : i32
        %get3A_1018 = arith.constant 4 : i32
        %get3A_1019 = arith.index_cast %get3A_1018 : i32 to index
        %get3A_1020 = arith.index_cast %add3A_1017 : i32 to index
        %get3A_1021 = arith.constant 80 : index
        %get3A_1022 = tpu.vector_load %arg7[%get3A_1019, %get3A_1020, %get3A_1021] {strides = array<i32>} : memref<8x50x128xf32, #tpu.memory_space<vmem>>, vector<1x1x16xf32>,
        %get3A_1023 = vector.shape_cast %get3A_1022 : vector<1x1x16xf32> to vector<16xf32>
        %add3A_1024 = arith.addf %add3A_936, %get3A_1023 : vector<16xf32>
        %mul3A_1025 = arith.constant 5 : i32
        %mul3A_1026 = arith.muli %scan3A_686, %mul3A_1025 : i32
        %add3A_1027 = arith.constant 3 : i32
        %add3A_1028 = arith.addi %mul3A_1026, %add3A_1027 : i32
        %get3A_1029 = arith.constant 4 : i32
        %get3A_1030 = arith.index_cast %get3A_1029 : i32 to index
        %get3A_1031 = arith.index_cast %add3A_1028 : i32 to index
        %get3A_1032 = arith.constant 96 : index
        %get3A_1033 = tpu.vector_load %arg7[%get3A_1030, %get3A_1031, %get3A_1032] {strides = array<i32>} : memref<8x50x128xf32, #tpu.memory_space<vmem>>, vector<1x1x16xf32>,
        %get3A_1034 = vector.shape_cast %get3A_1033 : vector<1x1x16xf32> to vector<16xf32>
        %add3A_1035 = arith.addf %add3A_947, %get3A_1034 : vector<16xf32>
        %mul3A_1036 = arith.constant 5 : i32
        %mul3A_1037 = arith.muli %scan3A_686, %mul3A_1036 : i32
        %add3A_1038 = arith.constant 3 : i32
        %add3A_1039 = arith.addi %mul3A_1037, %add3A_1038 : i32
        %get3A_1040 = arith.constant 4 : i32
        %get3A_1041 = arith.index_cast %get3A_1040 : i32 to index
        %get3A_1042 = arith.index_cast %add3A_1039 : i32 to index
        %get3A_1043 = arith.constant 112 : index
        %get3A_1044 = tpu.vector_load %arg7[%get3A_1041, %get3A_1042, %get3A_1043] {strides = array<i32>} : memref<8x50x128xf32, #tpu.memory_space<vmem>>, vector<1x1x16xf32>,
        %get3A_1045 = vector.shape_cast %get3A_1044 : vector<1x1x16xf32> to vector<16xf32>
        %add3A_1046 = arith.addf %add3A_958, %get3A_1045 : vector<16xf32>
        %mul3A_1047 = arith.constant 5 : i32
        %mul3A_1048 = arith.muli %scan3A_686, %mul3A_1047 : i32
        %add3A_1049 = arith.constant 4 : i32
        %add3A_1050 = arith.addi %mul3A_1048, %add3A_1049 : i32
        %get3A_1051 = arith.constant 4 : i32
        %get3A_1052 = arith.index_cast %get3A_1051 : i32 to index
        %get3A_1053 = arith.index_cast %add3A_1050 : i32 to index
        %get3A_1054 = arith.constant 0 : index
        %get3A_1055 = tpu.vector_load %arg7[%get3A_1052, %get3A_1053, %get3A_1054] {strides = array<i32>} : memref<8x50x128xf32, #tpu.memory_space<vmem>>, vector<1x1x16xf32>,
        %get3A_1056 = vector.shape_cast %get3A_1055 : vector<1x1x16xf32> to vector<16xf32>
        %add3A_1057 = arith.addf %add3A_969, %get3A_1056 : vector<16xf32>
        %mul3A_1058 = arith.constant 5 : i32
        %mul3A_1059 = arith.muli %scan3A_686, %mul3A_1058 : i32
        %add3A_1060 = arith.constant 4 : i32
        %add3A_1061 = arith.addi %mul3A_1059, %add3A_1060 : i32
        %get3A_1062 = arith.constant 4 : i32
        %get3A_1063 = arith.index_cast %get3A_1062 : i32 to index
        %get3A_1064 = arith.index_cast %add3A_1061 : i32 to index
        %get3A_1065 = arith.constant 16 : index
        %get3A_1066 = tpu.vector_load %arg7[%get3A_1063, %get3A_1064, %get3A_1065] {strides = array<i32>} : memref<8x50x128xf32, #tpu.memory_space<vmem>>, vector<1x1x16xf32>,
        %get3A_1067 = vector.shape_cast %get3A_1066 : vector<1x1x16xf32> to vector<16xf32>
        %add3A_1068 = arith.addf %add3A_980, %get3A_1067 : vector<16xf32>
        %mul3A_1069 = arith.constant 5 : i32
        %mul3A_1070 = arith.muli %scan3A_686, %mul3A_1069 : i32
        %add3A_1071 = arith.constant 4 : i32
        %add3A_1072 = arith.addi %mul3A_1070, %add3A_1071 : i32
        %get3A_1073 = arith.constant 4 : i32
        %get3A_1074 = arith.index_cast %get3A_1073 : i32 to index
        %get3A_1075 = arith.index_cast %add3A_1072 : i32 to index
        %get3A_1076 = arith.constant 32 : index
        %get3A_1077 = tpu.vector_load %arg7[%get3A_1074, %get3A_1075, %get3A_1076] {strides = array<i32>} : memref<8x50x128xf32, #tpu.memory_space<vmem>>, vector<1x1x16xf32>,
        %get3A_1078 = vector.shape_cast %get3A_1077 : vector<1x1x16xf32> to vector<16xf32>
        %add3A_1079 = arith.addf %add3A_991, %get3A_1078 : vector<16xf32>
        %mul3A_1080 = arith.constant 5 : i32
        %mul3A_1081 = arith.muli %scan3A_686, %mul3A_1080 : i32
        %add3A_1082 = arith.constant 4 : i32
        %add3A_1083 = arith.addi %mul3A_1081, %add3A_1082 : i32
        %get3A_1084 = arith.constant 4 : i32
        %get3A_1085 = arith.index_cast %get3A_1084 : i32 to index
        %get3A_1086 = arith.index_cast %add3A_1083 : i32 to index
        %get3A_1087 = arith.constant 48 : index
        %get3A_1088 = tpu.vector_load %arg7[%get3A_1085, %get3A_1086, %get3A_1087] {strides = array<i32>} : memref<8x50x128xf32, #tpu.memory_space<vmem>>, vector<1x1x16xf32>,
        %get3A_1089 = vector.shape_cast %get3A_1088 : vector<1x1x16xf32> to vector<16xf32>
        %add3A_1090 = arith.addf %add3A_1002, %get3A_1089 : vector<16xf32>
        %mul3A_1091 = arith.constant 5 : i32
        %mul3A_1092 = arith.muli %scan3A_686, %mul3A_1091 : i32
        %add3A_1093 = arith.constant 4 : i32
        %add3A_1094 = arith.addi %mul3A_1092, %add3A_1093 : i32
        %get3A_1095 = arith.constant 4 : i32
        %get3A_1096 = arith.index_cast %get3A_1095 : i32 to index
        %get3A_1097 = arith.index_cast %add3A_1094 : i32 to index
        %get3A_1098 = arith.constant 64 : index
        %get3A_1099 = tpu.vector_load %arg7[%get3A_1096, %get3A_1097, %get3A_1098] {strides = array<i32>} : memref<8x50x128xf32, #tpu.memory_space<vmem>>, vector<1x1x16xf32>,
        %get3A_1100 = vector.shape_cast %get3A_1099 : vector<1x1x16xf32> to vector<16xf32>
        %add3A_1101 = arith.addf %add3A_1013, %get3A_1100 : vector<16xf32>
        %mul3A_1102 = arith.constant 5 : i32
        %mul3A_1103 = arith.muli %scan3A_686, %mul3A_1102 : i32
        %add3A_1104 = arith.constant 4 : i32
        %add3A_1105 = arith.addi %mul3A_1103, %add3A_1104 : i32
        %get3A_1106 = arith.constant 4 : i32
        %get3A_1107 = arith.index_cast %get3A_1106 : i32 to index
        %get3A_1108 = arith.index_cast %add3A_1105 : i32 to index
        %get3A_1109 = arith.constant 80 : index
        %get3A_1110 = tpu.vector_load %arg7[%get3A_1107, %get3A_1108, %get3A_1109] {strides = array<i32>} : memref<8x50x128xf32, #tpu.memory_space<vmem>>, vector<1x1x16xf32>,
        %get3A_1111 = vector.shape_cast %get3A_1110 : vector<1x1x16xf32> to vector<16xf32>
        %add3A_1112 = arith.addf %add3A_1024, %get3A_1111 : vector<16xf32>
        %mul3A_1113 = arith.constant 5 : i32
        %mul3A_1114 = arith.muli %scan3A_686, %mul3A_1113 : i32
        %add3A_1115 = arith.constant 4 : i32
        %add3A_1116 = arith.addi %mul3A_1114, %add3A_1115 : i32
        %get3A_1117 = arith.constant 4 : i32
        %get3A_1118 = arith.index_cast %get3A_1117 : i32 to index
        %get3A_1119 = arith.index_cast %add3A_1116 : i32 to index
        %get3A_1120 = arith.constant 96 : index
        %get3A_1121 = tpu.vector_load %arg7[%get3A_1118, %get3A_1119, %get3A_1120] {strides = array<i32>} : memref<8x50x128xf32, #tpu.memory_space<vmem>>, vector<1x1x16xf32>,
        %get3A_1122 = vector.shape_cast %get3A_1121 : vector<1x1x16xf32> to vector<16xf32>
        %add3A_1123 = arith.addf %add3A_1035, %get3A_1122 : vector<16xf32>
        %mul3A_1124 = arith.constant 5 : i32
        %mul3A_1125 = arith.muli %scan3A_686, %mul3A_1124 : i32
        %add3A_1126 = arith.constant 4 : i32
        %add3A_1127 = arith.addi %mul3A_1125, %add3A_1126 : i32
        %get3A_1128 = arith.constant 4 : i32
        %get3A_1129 = arith.index_cast %get3A_1128 : i32 to index
        %get3A_1130 = arith.index_cast %add3A_1127 : i32 to index
        %get3A_1131 = arith.constant 112 : index
        %get3A_1132 = tpu.vector_load %arg7[%get3A_1129, %get3A_1130, %get3A_1131] {strides = array<i32>} : memref<8x50x128xf32, #tpu.memory_space<vmem>>, vector<1x1x16xf32>,
        %get3A_1133 = vector.shape_cast %get3A_1132 : vector<1x1x16xf32> to vector<16xf32>
        %add3A_1134 = arith.addf %add3A_1046, %get3A_1133 : vector<16xf32>
        scf.yield %add3A_1057, %add3A_1068, %add3A_1079, %add3A_1090, %add3A_1101, %add3A_1112, %add3A_1123, %add3A_1134 : vector<16xf32>, vector<16xf32>, vector<16xf32>, vector<16xf32>, vector<16xf32>, vector<16xf32>, vector<16xf32>, vector<16xf32>
      }
      %scan3A_435 = arith.constant 10 : i32
      %swap3A_436 = arith.index_cast %add3A_409 : i32 to index
      %swap3A_437 = arith.constant 0 : index
      %swap3A_438 = tpu.vector_load %arg8[%swap3A_436, %swap3A_437] {strides = array<i32>} : memref<128x128xf32, #tpu.memory_space<vmem>>, vector<1x16xf32>,
      %swap3A_439 = vector.shape_cast %swap3A_438 : vector<1x16xf32> to vector<16xf32>
      %swap3A_440 = vector.shape_cast %scan3A_434#0 : vector<16xf32> to vector<1x16xf32>
      tpu.vector_store %arg8[%swap3A_436, %swap3A_437], %swap3A_440 {strides = array<i32>} : memref<128x128xf32, #tpu.memory_space<vmem>>, vector<1x16xf32>,
      %swap3A_441 = arith.index_cast %add3A_409 : i32 to index
      %swap3A_442 = arith.constant 16 : index
      %swap3A_443 = tpu.vector_load %arg8[%swap3A_441, %swap3A_442] {strides = array<i32>} : memref<128x128xf32, #tpu.memory_space<vmem>>, vector<1x16xf32>,
      %swap3A_444 = vector.shape_cast %swap3A_443 : vector<1x16xf32> to vector<16xf32>
      %swap3A_445 = vector.shape_cast %scan3A_434#1 : vector<16xf32> to vector<1x16xf32>
      tpu.vector_store %arg8[%swap3A_441, %swap3A_442], %swap3A_445 {strides = array<i32>} : memref<128x128xf32, #tpu.memory_space<vmem>>, vector<1x16xf32>,
      %swap3A_446 = arith.index_cast %add3A_409 : i32 to index
      %swap3A_447 = arith.constant 32 : index
      %swap3A_448 = tpu.vector_load %arg8[%swap3A_446, %swap3A_447] {strides = array<i32>} : memref<128x128xf32, #tpu.memory_space<vmem>>, vector<1x16xf32>,
      %swap3A_449 = vector.shape_cast %swap3A_448 : vector<1x16xf32> to vector<16xf32>
      %swap3A_450 = vector.shape_cast %scan3A_434#2 : vector<16xf32> to vector<1x16xf32>
      tpu.vector_store %arg8[%swap3A_446, %swap3A_447], %swap3A_450 {strides = array<i32>} : memref<128x128xf32, #tpu.memory_space<vmem>>, vector<1x16xf32>,
      %swap3A_451 = arith.index_cast %add3A_409 : i32 to index
      %swap3A_452 = arith.constant 48 : index
      %swap3A_453 = tpu.vector_load %arg8[%swap3A_451, %swap3A_452] {strides = array<i32>} : memref<128x128xf32, #tpu.memory_space<vmem>>, vector<1x16xf32>,
      %swap3A_454 = vector.shape_cast %swap3A_453 : vector<1x16xf32> to vector<16xf32>
      %swap3A_455 = vector.shape_cast %scan3A_434#3 : vector<16xf32> to vector<1x16xf32>
      tpu.vector_store %arg8[%swap3A_451, %swap3A_452], %swap3A_455 {strides = array<i32>} : memref<128x128xf32, #tpu.memory_space<vmem>>, vector<1x16xf32>,
      %swap3A_456 = arith.index_cast %add3A_409 : i32 to index
      %swap3A_457 = arith.constant 64 : index
      %swap3A_458 = tpu.vector_load %arg8[%swap3A_456, %swap3A_457] {strides = array<i32>} : memref<128x128xf32, #tpu.memory_space<vmem>>, vector<1x16xf32>,
      %swap3A_459 = vector.shape_cast %swap3A_458 : vector<1x16xf32> to vector<16xf32>
      %swap3A_460 = vector.shape_cast %scan3A_434#4 : vector<16xf32> to vector<1x16xf32>
      tpu.vector_store %arg8[%swap3A_456, %swap3A_457], %swap3A_460 {strides = array<i32>} : memref<128x128xf32, #tpu.memory_space<vmem>>, vector<1x16xf32>,
      %swap3A_461 = arith.index_cast %add3A_409 : i32 to index
      %swap3A_462 = arith.constant 80 : index
      %swap3A_463 = tpu.vector_load %arg8[%swap3A_461, %swap3A_462] {strides = array<i32>} : memref<128x128xf32, #tpu.memory_space<vmem>>, vector<1x16xf32>,
      %swap3A_464 = vector.shape_cast %swap3A_463 : vector<1x16xf32> to vector<16xf32>
      %swap3A_465 = vector.shape_cast %scan3A_434#5 : vector<16xf32> to vector<1x16xf32>
      tpu.vector_store %arg8[%swap3A_461, %swap3A_462], %swap3A_465 {strides = array<i32>} : memref<128x128xf32, #tpu.memory_space<vmem>>, vector<1x16xf32>,
      %swap3A_466 = arith.index_cast %add3A_409 : i32 to index
      %swap3A_467 = arith.constant 96 : index
      %swap3A_468 = tpu.vector_load %arg8[%swap3A_466, %swap3A_467] {strides = array<i32>} : memref<128x128xf32, #tpu.memory_space<vmem>>, vector<1x16xf32>,
      %swap3A_469 = vector.shape_cast %swap3A_468 : vector<1x16xf32> to vector<16xf32>
      %swap3A_470 = vector.shape_cast %scan3A_434#6 : vector<16xf32> to vector<1x16xf32>
      tpu.vector_store %arg8[%swap3A_466, %swap3A_467], %swap3A_470 {strides = array<i32>} : memref<128x128xf32, #tpu.memory_space<vmem>>, vector<1x16xf32>,
      %swap3A_471 = arith.index_cast %add3A_409 : i32 to index
      %swap3A_472 = arith.constant 112 : index
      %swap3A_473 = tpu.vector_load %arg8[%swap3A_471, %swap3A_472] {strides = array<i32>} : memref<128x128xf32, #tpu.memory_space<vmem>>, vector<1x16xf32>,
      %swap3A_474 = vector.shape_cast %swap3A_473 : vector<1x16xf32> to vector<16xf32>
      %swap3A_475 = vector.shape_cast %scan3A_434#7 : vector<16xf32> to vector<1x16xf32>
      tpu.vector_store %arg8[%swap3A_471, %swap3A_472], %swap3A_475 {strides = array<i32>} : memref<128x128xf32, #tpu.memory_space<vmem>>, vector<1x16xf32>,
      %mul3A_476 = arith.constant 8 : i32
      %mul3A_477 = arith.muli %mul3A_476, %scan3A_130 : i32
      %add3A_478 = arith.constant 5 : i32
      %add3A_479 = arith.addi %mul3A_477, %add3A_478 : i32
      %dma_wait3A_480 = arith.constant 5 : i32
      %dma_wait3A_481 = arith.constant 0 : i32
      %dma_wait3A_482 = arith.constant 0 : i32
      %dma_wait3A_483 = tpu.memref_slice %arg7[%dma_wait3A_480, %dma_wait3A_481, %dma_wait3A_482] : memref<8x50x128xf32, #tpu.memory_space<vmem>> -> memref<1x50x128xf32, #tpu.memory_space<vmem>>
      %dma_wait3A_484 = tpu.memref_squeeze %dma_wait3A_483 : memref<1x50x128xf32, #tpu.memory_space<vmem>> -> memref<50x128xf32, #tpu.memory_space<vmem>>
      %dma_wait3A_485 = arith.constant 0 : i32
      %dma_wait3A_486 = tpu.memref_slice %arg6[%add3A_479, %dma_wait3A_485] : memref<128x50xi32, #tpu.memory_space<vmem>> -> memref<1x50xi32, #tpu.memory_space<vmem>>
      %dma_wait3A_487 = tpu.memref_squeeze %dma_wait3A_486 : memref<1x50xi32, #tpu.memory_space<vmem>> -> memref<50xi32, #tpu.memory_space<vmem>>
      %dma_wait3A_488 = arith.constant 0 : i32
      %dma_wait3A_489 = arith.constant 0 : i32
      %dma_wait3A_490 = tpu.memref_slice %arg3[%dma_wait3A_488, %dma_wait3A_489] : memref<100000x128xf32, #tpu.memory_space<hbm>> -> memref<100000x128xf32, #tpu.memory_space<hbm>>
      tpu.wait_indirect_dma semaphore(%arg15 : memref<!tpu.dma_semaphore, #tpu.memory_space<semaphore_mem>>) src(%dma_wait3A_490 : memref<100000x128xf32, #tpu.memory_space<hbm>>) dst(%dma_wait3A_484 : memref<50x128xf32, #tpu.memory_space<vmem>>)
      %add3A_491 = arith.constant 8 : i32
      %add3A_492 = arith.addi %add3A_479, %add3A_491 : i32
      %sub3A_493 = arith.constant 1 : i32
      %sub3A_494 = arith.subi %add3A_492, %sub3A_493 : i32
      %lt3A_495 = arith.constant 128 : i32
      %lt3A_496 = arith.cmpi slt, %sub3A_494, %lt3A_495 : i32
      %convert_element_type3A_497 = arith.extui %lt3A_496 : i1 to i32
      %cond3A_498 = arith.constant 0 : i32
      %cond3A_499 = arith.cmpi ne, %convert_element_type3A_497, %cond3A_498 : i32
      scf.if %cond3A_499 {
        %add3A_686 = arith.constant 8 : i32
        %add3A_687 = arith.addi %add3A_479, %add3A_686 : i32
        %sub3A_688 = arith.constant 1 : i32
        %sub3A_689 = arith.subi %add3A_687, %sub3A_688 : i32
        %dma_start3A_690 = arith.constant 4 : i32
        %dma_start3A_691 = arith.constant 0 : i32
        %dma_start3A_692 = arith.constant 0 : i32
        %dma_start3A_693 = tpu.memref_slice %arg7[%dma_start3A_690, %dma_start3A_691, %dma_start3A_692] : memref<8x50x128xf32, #tpu.memory_space<vmem>> -> memref<1x50x128xf32, #tpu.memory_space<vmem>>
        %dma_start3A_694 = tpu.memref_squeeze %dma_start3A_693 : memref<1x50x128xf32, #tpu.memory_space<vmem>> -> memref<50x128xf32, #tpu.memory_space<vmem>>
        %dma_start3A_695 = arith.constant 0 : i32
        %dma_start3A_696 = tpu.memref_slice %arg6[%sub3A_689, %dma_start3A_695] : memref<128x50xi32, #tpu.memory_space<vmem>> -> memref<1x50xi32, #tpu.memory_space<vmem>>
        %dma_start3A_697 = tpu.memref_squeeze %dma_start3A_696 : memref<1x50xi32, #tpu.memory_space<vmem>> -> memref<50xi32, #tpu.memory_space<vmem>>
        %dma_start3A_698 = arith.constant 0 : i32
        %dma_start3A_699 = arith.constant 0 : i32
        %dma_start3A_700 = tpu.memref_slice %arg3[%dma_start3A_698, %dma_start3A_699] : memref<100000x128xf32, #tpu.memory_space<hbm>> -> memref<100000x128xf32, #tpu.memory_space<hbm>>
        tpu.enqueue_indirect_dma source(%dma_start3A_700 : memref<100000x128xf32, #tpu.memory_space<hbm>>) target(%dma_start3A_694 : memref<50x128xf32, #tpu.memory_space<vmem>>) offsets(%dma_start3A_697 : memref<50xi32, #tpu.memory_space<vmem>>) semaphore(%arg14 : memref<!tpu.dma_semaphore, #tpu.memory_space<semaphore_mem>>)
      } else {
      }
      %scan3A_500 = arith.constant 0 : i32
      %scan3A_501 = arith.constant 10 : i32
      %scan3A_502 = arith.addi %scan3A_500, %scan3A_501 : i32
      %scan3A_503 = arith.constant 1 : i32
      %scan3A_504:8 = scf.for %scan3A_686 = %scan3A_500 to %scan3A_502 step %scan3A_503 iter_args(%scan3A_687 = %get3A_94, %scan3A_688 = %get3A_97, %scan3A_689 = %get3A_100, %scan3A_690 = %get3A_103, %scan3A_691 = %get3A_106, %scan3A_692 = %get3A_109, %scan3A_693 = %get3A_112, %scan3A_694 = %get3A_115) -> (vector<16xf32>, vector<16xf32>, vector<16xf32>, vector<16xf32>, vector<16xf32>, vector<16xf32>, vector<16xf32>, vector<16xf32>)  : i32 {
        %mul3A_695 = arith.constant 5 : i32
        %mul3A_696 = arith.muli %scan3A_686, %mul3A_695 : i32
        %add3A_697 = arith.constant 0 : i32
        %add3A_698 = arith.addi %mul3A_696, %add3A_697 : i32
        %get3A_699 = arith.constant 5 : i32
        %get3A_700 = arith.index_cast %get3A_699 : i32 to index
        %get3A_701 = arith.index_cast %add3A_698 : i32 to index
        %get3A_702 = arith.constant 0 : index
        %get3A_703 = tpu.vector_load %arg7[%get3A_700, %get3A_701, %get3A_702] {strides = array<i32>} : memref<8x50x128xf32, #tpu.memory_space<vmem>>, vector<1x1x16xf32>,
        %get3A_704 = vector.shape_cast %get3A_703 : vector<1x1x16xf32> to vector<16xf32>
        %add3A_705 = arith.addf %scan3A_687, %get3A_704 : vector<16xf32>
        %mul3A_706 = arith.constant 5 : i32
        %mul3A_707 = arith.muli %scan3A_686, %mul3A_706 : i32
        %add3A_708 = arith.constant 0 : i32
        %add3A_709 = arith.addi %mul3A_707, %add3A_708 : i32
        %get3A_710 = arith.constant 5 : i32
        %get3A_711 = arith.index_cast %get3A_710 : i32 to index
        %get3A_712 = arith.index_cast %add3A_709 : i32 to index
        %get3A_713 = arith.constant 16 : index
        %get3A_714 = tpu.vector_load %arg7[%get3A_711, %get3A_712, %get3A_713] {strides = array<i32>} : memref<8x50x128xf32, #tpu.memory_space<vmem>>, vector<1x1x16xf32>,
        %get3A_715 = vector.shape_cast %get3A_714 : vector<1x1x16xf32> to vector<16xf32>
        %add3A_716 = arith.addf %scan3A_688, %get3A_715 : vector<16xf32>
        %mul3A_717 = arith.constant 5 : i32
        %mul3A_718 = arith.muli %scan3A_686, %mul3A_717 : i32
        %add3A_719 = arith.constant 0 : i32
        %add3A_720 = arith.addi %mul3A_718, %add3A_719 : i32
        %get3A_721 = arith.constant 5 : i32
        %get3A_722 = arith.index_cast %get3A_721 : i32 to index
        %get3A_723 = arith.index_cast %add3A_720 : i32 to index
        %get3A_724 = arith.constant 32 : index
        %get3A_725 = tpu.vector_load %arg7[%get3A_722, %get3A_723, %get3A_724] {strides = array<i32>} : memref<8x50x128xf32, #tpu.memory_space<vmem>>, vector<1x1x16xf32>,
        %get3A_726 = vector.shape_cast %get3A_725 : vector<1x1x16xf32> to vector<16xf32>
        %add3A_727 = arith.addf %scan3A_689, %get3A_726 : vector<16xf32>
        %mul3A_728 = arith.constant 5 : i32
        %mul3A_729 = arith.muli %scan3A_686, %mul3A_728 : i32
        %add3A_730 = arith.constant 0 : i32
        %add3A_731 = arith.addi %mul3A_729, %add3A_730 : i32
        %get3A_732 = arith.constant 5 : i32
        %get3A_733 = arith.index_cast %get3A_732 : i32 to index
        %get3A_734 = arith.index_cast %add3A_731 : i32 to index
        %get3A_735 = arith.constant 48 : index
        %get3A_736 = tpu.vector_load %arg7[%get3A_733, %get3A_734, %get3A_735] {strides = array<i32>} : memref<8x50x128xf32, #tpu.memory_space<vmem>>, vector<1x1x16xf32>,
        %get3A_737 = vector.shape_cast %get3A_736 : vector<1x1x16xf32> to vector<16xf32>
        %add3A_738 = arith.addf %scan3A_690, %get3A_737 : vector<16xf32>
        %mul3A_739 = arith.constant 5 : i32
        %mul3A_740 = arith.muli %scan3A_686, %mul3A_739 : i32
        %add3A_741 = arith.constant 0 : i32
        %add3A_742 = arith.addi %mul3A_740, %add3A_741 : i32
        %get3A_743 = arith.constant 5 : i32
        %get3A_744 = arith.index_cast %get3A_743 : i32 to index
        %get3A_745 = arith.index_cast %add3A_742 : i32 to index
        %get3A_746 = arith.constant 64 : index
        %get3A_747 = tpu.vector_load %arg7[%get3A_744, %get3A_745, %get3A_746] {strides = array<i32>} : memref<8x50x128xf32, #tpu.memory_space<vmem>>, vector<1x1x16xf32>,
        %get3A_748 = vector.shape_cast %get3A_747 : vector<1x1x16xf32> to vector<16xf32>
        %add3A_749 = arith.addf %scan3A_691, %get3A_748 : vector<16xf32>
        %mul3A_750 = arith.constant 5 : i32
        %mul3A_751 = arith.muli %scan3A_686, %mul3A_750 : i32
        %add3A_752 = arith.constant 0 : i32
        %add3A_753 = arith.addi %mul3A_751, %add3A_752 : i32
        %get3A_754 = arith.constant 5 : i32
        %get3A_755 = arith.index_cast %get3A_754 : i32 to index
        %get3A_756 = arith.index_cast %add3A_753 : i32 to index
        %get3A_757 = arith.constant 80 : index
        %get3A_758 = tpu.vector_load %arg7[%get3A_755, %get3A_756, %get3A_757] {strides = array<i32>} : memref<8x50x128xf32, #tpu.memory_space<vmem>>, vector<1x1x16xf32>,
        %get3A_759 = vector.shape_cast %get3A_758 : vector<1x1x16xf32> to vector<16xf32>
        %add3A_760 = arith.addf %scan3A_692, %get3A_759 : vector<16xf32>
        %mul3A_761 = arith.constant 5 : i32
        %mul3A_762 = arith.muli %scan3A_686, %mul3A_761 : i32
        %add3A_763 = arith.constant 0 : i32
        %add3A_764 = arith.addi %mul3A_762, %add3A_763 : i32
        %get3A_765 = arith.constant 5 : i32
        %get3A_766 = arith.index_cast %get3A_765 : i32 to index
        %get3A_767 = arith.index_cast %add3A_764 : i32 to index
        %get3A_768 = arith.constant 96 : index
        %get3A_769 = tpu.vector_load %arg7[%get3A_766, %get3A_767, %get3A_768] {strides = array<i32>} : memref<8x50x128xf32, #tpu.memory_space<vmem>>, vector<1x1x16xf32>,
        %get3A_770 = vector.shape_cast %get3A_769 : vector<1x1x16xf32> to vector<16xf32>
        %add3A_771 = arith.addf %scan3A_693, %get3A_770 : vector<16xf32>
        %mul3A_772 = arith.constant 5 : i32
        %mul3A_773 = arith.muli %scan3A_686, %mul3A_772 : i32
        %add3A_774 = arith.constant 0 : i32
        %add3A_775 = arith.addi %mul3A_773, %add3A_774 : i32
        %get3A_776 = arith.constant 5 : i32
        %get3A_777 = arith.index_cast %get3A_776 : i32 to index
        %get3A_778 = arith.index_cast %add3A_775 : i32 to index
        %get3A_779 = arith.constant 112 : index
        %get3A_780 = tpu.vector_load %arg7[%get3A_777, %get3A_778, %get3A_779] {strides = array<i32>} : memref<8x50x128xf32, #tpu.memory_space<vmem>>, vector<1x1x16xf32>,
        %get3A_781 = vector.shape_cast %get3A_780 : vector<1x1x16xf32> to vector<16xf32>
        %add3A_782 = arith.addf %scan3A_694, %get3A_781 : vector<16xf32>
        %mul3A_783 = arith.constant 5 : i32
        %mul3A_784 = arith.muli %scan3A_686, %mul3A_783 : i32
        %add3A_785 = arith.constant 1 : i32
        %add3A_786 = arith.addi %mul3A_784, %add3A_785 : i32
        %get3A_787 = arith.constant 5 : i32
        %get3A_788 = arith.index_cast %get3A_787 : i32 to index
        %get3A_789 = arith.index_cast %add3A_786 : i32 to index
        %get3A_790 = arith.constant 0 : index
        %get3A_791 = tpu.vector_load %arg7[%get3A_788, %get3A_789, %get3A_790] {strides = array<i32>} : memref<8x50x128xf32, #tpu.memory_space<vmem>>, vector<1x1x16xf32>,
        %get3A_792 = vector.shape_cast %get3A_791 : vector<1x1x16xf32> to vector<16xf32>
        %add3A_793 = arith.addf %add3A_705, %get3A_792 : vector<16xf32>
        %mul3A_794 = arith.constant 5 : i32
        %mul3A_795 = arith.muli %scan3A_686, %mul3A_794 : i32
        %add3A_796 = arith.constant 1 : i32
        %add3A_797 = arith.addi %mul3A_795, %add3A_796 : i32
        %get3A_798 = arith.constant 5 : i32
        %get3A_799 = arith.index_cast %get3A_798 : i32 to index
        %get3A_800 = arith.index_cast %add3A_797 : i32 to index
        %get3A_801 = arith.constant 16 : index
        %get3A_802 = tpu.vector_load %arg7[%get3A_799, %get3A_800, %get3A_801] {strides = array<i32>} : memref<8x50x128xf32, #tpu.memory_space<vmem>>, vector<1x1x16xf32>,
        %get3A_803 = vector.shape_cast %get3A_802 : vector<1x1x16xf32> to vector<16xf32>
        %add3A_804 = arith.addf %add3A_716, %get3A_803 : vector<16xf32>
        %mul3A_805 = arith.constant 5 : i32
        %mul3A_806 = arith.muli %scan3A_686, %mul3A_805 : i32
        %add3A_807 = arith.constant 1 : i32
        %add3A_808 = arith.addi %mul3A_806, %add3A_807 : i32
        %get3A_809 = arith.constant 5 : i32
        %get3A_810 = arith.index_cast %get3A_809 : i32 to index
        %get3A_811 = arith.index_cast %add3A_808 : i32 to index
        %get3A_812 = arith.constant 32 : index
        %get3A_813 = tpu.vector_load %arg7[%get3A_810, %get3A_811, %get3A_812] {strides = array<i32>} : memref<8x50x128xf32, #tpu.memory_space<vmem>>, vector<1x1x16xf32>,
        %get3A_814 = vector.shape_cast %get3A_813 : vector<1x1x16xf32> to vector<16xf32>
        %add3A_815 = arith.addf %add3A_727, %get3A_814 : vector<16xf32>
        %mul3A_816 = arith.constant 5 : i32
        %mul3A_817 = arith.muli %scan3A_686, %mul3A_816 : i32
        %add3A_818 = arith.constant 1 : i32
        %add3A_819 = arith.addi %mul3A_817, %add3A_818 : i32
        %get3A_820 = arith.constant 5 : i32
        %get3A_821 = arith.index_cast %get3A_820 : i32 to index
        %get3A_822 = arith.index_cast %add3A_819 : i32 to index
        %get3A_823 = arith.constant 48 : index
        %get3A_824 = tpu.vector_load %arg7[%get3A_821, %get3A_822, %get3A_823] {strides = array<i32>} : memref<8x50x128xf32, #tpu.memory_space<vmem>>, vector<1x1x16xf32>,
        %get3A_825 = vector.shape_cast %get3A_824 : vector<1x1x16xf32> to vector<16xf32>
        %add3A_826 = arith.addf %add3A_738, %get3A_825 : vector<16xf32>
        %mul3A_827 = arith.constant 5 : i32
        %mul3A_828 = arith.muli %scan3A_686, %mul3A_827 : i32
        %add3A_829 = arith.constant 1 : i32
        %add3A_830 = arith.addi %mul3A_828, %add3A_829 : i32
        %get3A_831 = arith.constant 5 : i32
        %get3A_832 = arith.index_cast %get3A_831 : i32 to index
        %get3A_833 = arith.index_cast %add3A_830 : i32 to index
        %get3A_834 = arith.constant 64 : index
        %get3A_835 = tpu.vector_load %arg7[%get3A_832, %get3A_833, %get3A_834] {strides = array<i32>} : memref<8x50x128xf32, #tpu.memory_space<vmem>>, vector<1x1x16xf32>,
        %get3A_836 = vector.shape_cast %get3A_835 : vector<1x1x16xf32> to vector<16xf32>
        %add3A_837 = arith.addf %add3A_749, %get3A_836 : vector<16xf32>
        %mul3A_838 = arith.constant 5 : i32
        %mul3A_839 = arith.muli %scan3A_686, %mul3A_838 : i32
        %add3A_840 = arith.constant 1 : i32
        %add3A_841 = arith.addi %mul3A_839, %add3A_840 : i32
        %get3A_842 = arith.constant 5 : i32
        %get3A_843 = arith.index_cast %get3A_842 : i32 to index
        %get3A_844 = arith.index_cast %add3A_841 : i32 to index
        %get3A_845 = arith.constant 80 : index
        %get3A_846 = tpu.vector_load %arg7[%get3A_843, %get3A_844, %get3A_845] {strides = array<i32>} : memref<8x50x128xf32, #tpu.memory_space<vmem>>, vector<1x1x16xf32>,
        %get3A_847 = vector.shape_cast %get3A_846 : vector<1x1x16xf32> to vector<16xf32>
        %add3A_848 = arith.addf %add3A_760, %get3A_847 : vector<16xf32>
        %mul3A_849 = arith.constant 5 : i32
        %mul3A_850 = arith.muli %scan3A_686, %mul3A_849 : i32
        %add3A_851 = arith.constant 1 : i32
        %add3A_852 = arith.addi %mul3A_850, %add3A_851 : i32
        %get3A_853 = arith.constant 5 : i32
        %get3A_854 = arith.index_cast %get3A_853 : i32 to index
        %get3A_855 = arith.index_cast %add3A_852 : i32 to index
        %get3A_856 = arith.constant 96 : index
        %get3A_857 = tpu.vector_load %arg7[%get3A_854, %get3A_855, %get3A_856] {strides = array<i32>} : memref<8x50x128xf32, #tpu.memory_space<vmem>>, vector<1x1x16xf32>,
        %get3A_858 = vector.shape_cast %get3A_857 : vector<1x1x16xf32> to vector<16xf32>
        %add3A_859 = arith.addf %add3A_771, %get3A_858 : vector<16xf32>
        %mul3A_860 = arith.constant 5 : i32
        %mul3A_861 = arith.muli %scan3A_686, %mul3A_860 : i32
        %add3A_862 = arith.constant 1 : i32
        %add3A_863 = arith.addi %mul3A_861, %add3A_862 : i32
        %get3A_864 = arith.constant 5 : i32
        %get3A_865 = arith.index_cast %get3A_864 : i32 to index
        %get3A_866 = arith.index_cast %add3A_863 : i32 to index
        %get3A_867 = arith.constant 112 : index
        %get3A_868 = tpu.vector_load %arg7[%get3A_865, %get3A_866, %get3A_867] {strides = array<i32>} : memref<8x50x128xf32, #tpu.memory_space<vmem>>, vector<1x1x16xf32>,
        %get3A_869 = vector.shape_cast %get3A_868 : vector<1x1x16xf32> to vector<16xf32>
        %add3A_870 = arith.addf %add3A_782, %get3A_869 : vector<16xf32>
        %mul3A_871 = arith.constant 5 : i32
        %mul3A_872 = arith.muli %scan3A_686, %mul3A_871 : i32
        %add3A_873 = arith.constant 2 : i32
        %add3A_874 = arith.addi %mul3A_872, %add3A_873 : i32
        %get3A_875 = arith.constant 5 : i32
        %get3A_876 = arith.index_cast %get3A_875 : i32 to index
        %get3A_877 = arith.index_cast %add3A_874 : i32 to index
        %get3A_878 = arith.constant 0 : index
        %get3A_879 = tpu.vector_load %arg7[%get3A_876, %get3A_877, %get3A_878] {strides = array<i32>} : memref<8x50x128xf32, #tpu.memory_space<vmem>>, vector<1x1x16xf32>,
        %get3A_880 = vector.shape_cast %get3A_879 : vector<1x1x16xf32> to vector<16xf32>
        %add3A_881 = arith.addf %add3A_793, %get3A_880 : vector<16xf32>
        %mul3A_882 = arith.constant 5 : i32
        %mul3A_883 = arith.muli %scan3A_686, %mul3A_882 : i32
        %add3A_884 = arith.constant 2 : i32
        %add3A_885 = arith.addi %mul3A_883, %add3A_884 : i32
        %get3A_886 = arith.constant 5 : i32
        %get3A_887 = arith.index_cast %get3A_886 : i32 to index
        %get3A_888 = arith.index_cast %add3A_885 : i32 to index
        %get3A_889 = arith.constant 16 : index
        %get3A_890 = tpu.vector_load %arg7[%get3A_887, %get3A_888, %get3A_889] {strides = array<i32>} : memref<8x50x128xf32, #tpu.memory_space<vmem>>, vector<1x1x16xf32>,
        %get3A_891 = vector.shape_cast %get3A_890 : vector<1x1x16xf32> to vector<16xf32>
        %add3A_892 = arith.addf %add3A_804, %get3A_891 : vector<16xf32>
        %mul3A_893 = arith.constant 5 : i32
        %mul3A_894 = arith.muli %scan3A_686, %mul3A_893 : i32
        %add3A_895 = arith.constant 2 : i32
        %add3A_896 = arith.addi %mul3A_894, %add3A_895 : i32
        %get3A_897 = arith.constant 5 : i32
        %get3A_898 = arith.index_cast %get3A_897 : i32 to index
        %get3A_899 = arith.index_cast %add3A_896 : i32 to index
        %get3A_900 = arith.constant 32 : index
        %get3A_901 = tpu.vector_load %arg7[%get3A_898, %get3A_899, %get3A_900] {strides = array<i32>} : memref<8x50x128xf32, #tpu.memory_space<vmem>>, vector<1x1x16xf32>,
        %get3A_902 = vector.shape_cast %get3A_901 : vector<1x1x16xf32> to vector<16xf32>
        %add3A_903 = arith.addf %add3A_815, %get3A_902 : vector<16xf32>
        %mul3A_904 = arith.constant 5 : i32
        %mul3A_905 = arith.muli %scan3A_686, %mul3A_904 : i32
        %add3A_906 = arith.constant 2 : i32
        %add3A_907 = arith.addi %mul3A_905, %add3A_906 : i32
        %get3A_908 = arith.constant 5 : i32
        %get3A_909 = arith.index_cast %get3A_908 : i32 to index
        %get3A_910 = arith.index_cast %add3A_907 : i32 to index
        %get3A_911 = arith.constant 48 : index
        %get3A_912 = tpu.vector_load %arg7[%get3A_909, %get3A_910, %get3A_911] {strides = array<i32>} : memref<8x50x128xf32, #tpu.memory_space<vmem>>, vector<1x1x16xf32>,
        %get3A_913 = vector.shape_cast %get3A_912 : vector<1x1x16xf32> to vector<16xf32>
        %add3A_914 = arith.addf %add3A_826, %get3A_913 : vector<16xf32>
        %mul3A_915 = arith.constant 5 : i32
        %mul3A_916 = arith.muli %scan3A_686, %mul3A_915 : i32
        %add3A_917 = arith.constant 2 : i32
        %add3A_918 = arith.addi %mul3A_916, %add3A_917 : i32
        %get3A_919 = arith.constant 5 : i32
        %get3A_920 = arith.index_cast %get3A_919 : i32 to index
        %get3A_921 = arith.index_cast %add3A_918 : i32 to index
        %get3A_922 = arith.constant 64 : index
        %get3A_923 = tpu.vector_load %arg7[%get3A_920, %get3A_921, %get3A_922] {strides = array<i32>} : memref<8x50x128xf32, #tpu.memory_space<vmem>>, vector<1x1x16xf32>,
        %get3A_924 = vector.shape_cast %get3A_923 : vector<1x1x16xf32> to vector<16xf32>
        %add3A_925 = arith.addf %add3A_837, %get3A_924 : vector<16xf32>
        %mul3A_926 = arith.constant 5 : i32
        %mul3A_927 = arith.muli %scan3A_686, %mul3A_926 : i32
        %add3A_928 = arith.constant 2 : i32
        %add3A_929 = arith.addi %mul3A_927, %add3A_928 : i32
        %get3A_930 = arith.constant 5 : i32
        %get3A_931 = arith.index_cast %get3A_930 : i32 to index
        %get3A_932 = arith.index_cast %add3A_929 : i32 to index
        %get3A_933 = arith.constant 80 : index
        %get3A_934 = tpu.vector_load %arg7[%get3A_931, %get3A_932, %get3A_933] {strides = array<i32>} : memref<8x50x128xf32, #tpu.memory_space<vmem>>, vector<1x1x16xf32>,
        %get3A_935 = vector.shape_cast %get3A_934 : vector<1x1x16xf32> to vector<16xf32>
        %add3A_936 = arith.addf %add3A_848, %get3A_935 : vector<16xf32>
        %mul3A_937 = arith.constant 5 : i32
        %mul3A_938 = arith.muli %scan3A_686, %mul3A_937 : i32
        %add3A_939 = arith.constant 2 : i32
        %add3A_940 = arith.addi %mul3A_938, %add3A_939 : i32
        %get3A_941 = arith.constant 5 : i32
        %get3A_942 = arith.index_cast %get3A_941 : i32 to index
        %get3A_943 = arith.index_cast %add3A_940 : i32 to index
        %get3A_944 = arith.constant 96 : index
        %get3A_945 = tpu.vector_load %arg7[%get3A_942, %get3A_943, %get3A_944] {strides = array<i32>} : memref<8x50x128xf32, #tpu.memory_space<vmem>>, vector<1x1x16xf32>,
        %get3A_946 = vector.shape_cast %get3A_945 : vector<1x1x16xf32> to vector<16xf32>
        %add3A_947 = arith.addf %add3A_859, %get3A_946 : vector<16xf32>
        %mul3A_948 = arith.constant 5 : i32
        %mul3A_949 = arith.muli %scan3A_686, %mul3A_948 : i32
        %add3A_950 = arith.constant 2 : i32
        %add3A_951 = arith.addi %mul3A_949, %add3A_950 : i32
        %get3A_952 = arith.constant 5 : i32
        %get3A_953 = arith.index_cast %get3A_952 : i32 to index
        %get3A_954 = arith.index_cast %add3A_951 : i32 to index
        %get3A_955 = arith.constant 112 : index
        %get3A_956 = tpu.vector_load %arg7[%get3A_953, %get3A_954, %get3A_955] {strides = array<i32>} : memref<8x50x128xf32, #tpu.memory_space<vmem>>, vector<1x1x16xf32>,
        %get3A_957 = vector.shape_cast %get3A_956 : vector<1x1x16xf32> to vector<16xf32>
        %add3A_958 = arith.addf %add3A_870, %get3A_957 : vector<16xf32>
        %mul3A_959 = arith.constant 5 : i32
        %mul3A_960 = arith.muli %scan3A_686, %mul3A_959 : i32
        %add3A_961 = arith.constant 3 : i32
        %add3A_962 = arith.addi %mul3A_960, %add3A_961 : i32
        %get3A_963 = arith.constant 5 : i32
        %get3A_964 = arith.index_cast %get3A_963 : i32 to index
        %get3A_965 = arith.index_cast %add3A_962 : i32 to index
        %get3A_966 = arith.constant 0 : index
        %get3A_967 = tpu.vector_load %arg7[%get3A_964, %get3A_965, %get3A_966] {strides = array<i32>} : memref<8x50x128xf32, #tpu.memory_space<vmem>>, vector<1x1x16xf32>,
        %get3A_968 = vector.shape_cast %get3A_967 : vector<1x1x16xf32> to vector<16xf32>
        %add3A_969 = arith.addf %add3A_881, %get3A_968 : vector<16xf32>
        %mul3A_970 = arith.constant 5 : i32
        %mul3A_971 = arith.muli %scan3A_686, %mul3A_970 : i32
        %add3A_972 = arith.constant 3 : i32
        %add3A_973 = arith.addi %mul3A_971, %add3A_972 : i32
        %get3A_974 = arith.constant 5 : i32
        %get3A_975 = arith.index_cast %get3A_974 : i32 to index
        %get3A_976 = arith.index_cast %add3A_973 : i32 to index
        %get3A_977 = arith.constant 16 : index
        %get3A_978 = tpu.vector_load %arg7[%get3A_975, %get3A_976, %get3A_977] {strides = array<i32>} : memref<8x50x128xf32, #tpu.memory_space<vmem>>, vector<1x1x16xf32>,
        %get3A_979 = vector.shape_cast %get3A_978 : vector<1x1x16xf32> to vector<16xf32>
        %add3A_980 = arith.addf %add3A_892, %get3A_979 : vector<16xf32>
        %mul3A_981 = arith.constant 5 : i32
        %mul3A_982 = arith.muli %scan3A_686, %mul3A_981 : i32
        %add3A_983 = arith.constant 3 : i32
        %add3A_984 = arith.addi %mul3A_982, %add3A_983 : i32
        %get3A_985 = arith.constant 5 : i32
        %get3A_986 = arith.index_cast %get3A_985 : i32 to index
        %get3A_987 = arith.index_cast %add3A_984 : i32 to index
        %get3A_988 = arith.constant 32 : index
        %get3A_989 = tpu.vector_load %arg7[%get3A_986, %get3A_987, %get3A_988] {strides = array<i32>} : memref<8x50x128xf32, #tpu.memory_space<vmem>>, vector<1x1x16xf32>,
        %get3A_990 = vector.shape_cast %get3A_989 : vector<1x1x16xf32> to vector<16xf32>
        %add3A_991 = arith.addf %add3A_903, %get3A_990 : vector<16xf32>
        %mul3A_992 = arith.constant 5 : i32
        %mul3A_993 = arith.muli %scan3A_686, %mul3A_992 : i32
        %add3A_994 = arith.constant 3 : i32
        %add3A_995 = arith.addi %mul3A_993, %add3A_994 : i32
        %get3A_996 = arith.constant 5 : i32
        %get3A_997 = arith.index_cast %get3A_996 : i32 to index
        %get3A_998 = arith.index_cast %add3A_995 : i32 to index
        %get3A_999 = arith.constant 48 : index
        %get3A_1000 = tpu.vector_load %arg7[%get3A_997, %get3A_998, %get3A_999] {strides = array<i32>} : memref<8x50x128xf32, #tpu.memory_space<vmem>>, vector<1x1x16xf32>,
        %get3A_1001 = vector.shape_cast %get3A_1000 : vector<1x1x16xf32> to vector<16xf32>
        %add3A_1002 = arith.addf %add3A_914, %get3A_1001 : vector<16xf32>
        %mul3A_1003 = arith.constant 5 : i32
        %mul3A_1004 = arith.muli %scan3A_686, %mul3A_1003 : i32
        %add3A_1005 = arith.constant 3 : i32
        %add3A_1006 = arith.addi %mul3A_1004, %add3A_1005 : i32
        %get3A_1007 = arith.constant 5 : i32
        %get3A_1008 = arith.index_cast %get3A_1007 : i32 to index
        %get3A_1009 = arith.index_cast %add3A_1006 : i32 to index
        %get3A_1010 = arith.constant 64 : index
        %get3A_1011 = tpu.vector_load %arg7[%get3A_1008, %get3A_1009, %get3A_1010] {strides = array<i32>} : memref<8x50x128xf32, #tpu.memory_space<vmem>>, vector<1x1x16xf32>,
        %get3A_1012 = vector.shape_cast %get3A_1011 : vector<1x1x16xf32> to vector<16xf32>
        %add3A_1013 = arith.addf %add3A_925, %get3A_1012 : vector<16xf32>
        %mul3A_1014 = arith.constant 5 : i32
        %mul3A_1015 = arith.muli %scan3A_686, %mul3A_1014 : i32
        %add3A_1016 = arith.constant 3 : i32
        %add3A_1017 = arith.addi %mul3A_1015, %add3A_1016 : i32
        %get3A_1018 = arith.constant 5 : i32
        %get3A_1019 = arith.index_cast %get3A_1018 : i32 to index
        %get3A_1020 = arith.index_cast %add3A_1017 : i32 to index
        %get3A_1021 = arith.constant 80 : index
        %get3A_1022 = tpu.vector_load %arg7[%get3A_1019, %get3A_1020, %get3A_1021] {strides = array<i32>} : memref<8x50x128xf32, #tpu.memory_space<vmem>>, vector<1x1x16xf32>,
        %get3A_1023 = vector.shape_cast %get3A_1022 : vector<1x1x16xf32> to vector<16xf32>
        %add3A_1024 = arith.addf %add3A_936, %get3A_1023 : vector<16xf32>
        %mul3A_1025 = arith.constant 5 : i32
        %mul3A_1026 = arith.muli %scan3A_686, %mul3A_1025 : i32
        %add3A_1027 = arith.constant 3 : i32
        %add3A_1028 = arith.addi %mul3A_1026, %add3A_1027 : i32
        %get3A_1029 = arith.constant 5 : i32
        %get3A_1030 = arith.index_cast %get3A_1029 : i32 to index
        %get3A_1031 = arith.index_cast %add3A_1028 : i32 to index
        %get3A_1032 = arith.constant 96 : index
        %get3A_1033 = tpu.vector_load %arg7[%get3A_1030, %get3A_1031, %get3A_1032] {strides = array<i32>} : memref<8x50x128xf32, #tpu.memory_space<vmem>>, vector<1x1x16xf32>,
        %get3A_1034 = vector.shape_cast %get3A_1033 : vector<1x1x16xf32> to vector<16xf32>
        %add3A_1035 = arith.addf %add3A_947, %get3A_1034 : vector<16xf32>
        %mul3A_1036 = arith.constant 5 : i32
        %mul3A_1037 = arith.muli %scan3A_686, %mul3A_1036 : i32
        %add3A_1038 = arith.constant 3 : i32
        %add3A_1039 = arith.addi %mul3A_1037, %add3A_1038 : i32
        %get3A_1040 = arith.constant 5 : i32
        %get3A_1041 = arith.index_cast %get3A_1040 : i32 to index
        %get3A_1042 = arith.index_cast %add3A_1039 : i32 to index
        %get3A_1043 = arith.constant 112 : index
        %get3A_1044 = tpu.vector_load %arg7[%get3A_1041, %get3A_1042, %get3A_1043] {strides = array<i32>} : memref<8x50x128xf32, #tpu.memory_space<vmem>>, vector<1x1x16xf32>,
        %get3A_1045 = vector.shape_cast %get3A_1044 : vector<1x1x16xf32> to vector<16xf32>
        %add3A_1046 = arith.addf %add3A_958, %get3A_1045 : vector<16xf32>
        %mul3A_1047 = arith.constant 5 : i32
        %mul3A_1048 = arith.muli %scan3A_686, %mul3A_1047 : i32
        %add3A_1049 = arith.constant 4 : i32
        %add3A_1050 = arith.addi %mul3A_1048, %add3A_1049 : i32
        %get3A_1051 = arith.constant 5 : i32
        %get3A_1052 = arith.index_cast %get3A_1051 : i32 to index
        %get3A_1053 = arith.index_cast %add3A_1050 : i32 to index
        %get3A_1054 = arith.constant 0 : index
        %get3A_1055 = tpu.vector_load %arg7[%get3A_1052, %get3A_1053, %get3A_1054] {strides = array<i32>} : memref<8x50x128xf32, #tpu.memory_space<vmem>>, vector<1x1x16xf32>,
        %get3A_1056 = vector.shape_cast %get3A_1055 : vector<1x1x16xf32> to vector<16xf32>
        %add3A_1057 = arith.addf %add3A_969, %get3A_1056 : vector<16xf32>
        %mul3A_1058 = arith.constant 5 : i32
        %mul3A_1059 = arith.muli %scan3A_686, %mul3A_1058 : i32
        %add3A_1060 = arith.constant 4 : i32
        %add3A_1061 = arith.addi %mul3A_1059, %add3A_1060 : i32
        %get3A_1062 = arith.constant 5 : i32
        %get3A_1063 = arith.index_cast %get3A_1062 : i32 to index
        %get3A_1064 = arith.index_cast %add3A_1061 : i32 to index
        %get3A_1065 = arith.constant 16 : index
        %get3A_1066 = tpu.vector_load %arg7[%get3A_1063, %get3A_1064, %get3A_1065] {strides = array<i32>} : memref<8x50x128xf32, #tpu.memory_space<vmem>>, vector<1x1x16xf32>,
        %get3A_1067 = vector.shape_cast %get3A_1066 : vector<1x1x16xf32> to vector<16xf32>
        %add3A_1068 = arith.addf %add3A_980, %get3A_1067 : vector<16xf32>
        %mul3A_1069 = arith.constant 5 : i32
        %mul3A_1070 = arith.muli %scan3A_686, %mul3A_1069 : i32
        %add3A_1071 = arith.constant 4 : i32
        %add3A_1072 = arith.addi %mul3A_1070, %add3A_1071 : i32
        %get3A_1073 = arith.constant 5 : i32
        %get3A_1074 = arith.index_cast %get3A_1073 : i32 to index
        %get3A_1075 = arith.index_cast %add3A_1072 : i32 to index
        %get3A_1076 = arith.constant 32 : index
        %get3A_1077 = tpu.vector_load %arg7[%get3A_1074, %get3A_1075, %get3A_1076] {strides = array<i32>} : memref<8x50x128xf32, #tpu.memory_space<vmem>>, vector<1x1x16xf32>,
        %get3A_1078 = vector.shape_cast %get3A_1077 : vector<1x1x16xf32> to vector<16xf32>
        %add3A_1079 = arith.addf %add3A_991, %get3A_1078 : vector<16xf32>
        %mul3A_1080 = arith.constant 5 : i32
        %mul3A_1081 = arith.muli %scan3A_686, %mul3A_1080 : i32
        %add3A_1082 = arith.constant 4 : i32
        %add3A_1083 = arith.addi %mul3A_1081, %add3A_1082 : i32
        %get3A_1084 = arith.constant 5 : i32
        %get3A_1085 = arith.index_cast %get3A_1084 : i32 to index
        %get3A_1086 = arith.index_cast %add3A_1083 : i32 to index
        %get3A_1087 = arith.constant 48 : index
        %get3A_1088 = tpu.vector_load %arg7[%get3A_1085, %get3A_1086, %get3A_1087] {strides = array<i32>} : memref<8x50x128xf32, #tpu.memory_space<vmem>>, vector<1x1x16xf32>,
        %get3A_1089 = vector.shape_cast %get3A_1088 : vector<1x1x16xf32> to vector<16xf32>
        %add3A_1090 = arith.addf %add3A_1002, %get3A_1089 : vector<16xf32>
        %mul3A_1091 = arith.constant 5 : i32
        %mul3A_1092 = arith.muli %scan3A_686, %mul3A_1091 : i32
        %add3A_1093 = arith.constant 4 : i32
        %add3A_1094 = arith.addi %mul3A_1092, %add3A_1093 : i32
        %get3A_1095 = arith.constant 5 : i32
        %get3A_1096 = arith.index_cast %get3A_1095 : i32 to index
        %get3A_1097 = arith.index_cast %add3A_1094 : i32 to index
        %get3A_1098 = arith.constant 64 : index
        %get3A_1099 = tpu.vector_load %arg7[%get3A_1096, %get3A_1097, %get3A_1098] {strides = array<i32>} : memref<8x50x128xf32, #tpu.memory_space<vmem>>, vector<1x1x16xf32>,
        %get3A_1100 = vector.shape_cast %get3A_1099 : vector<1x1x16xf32> to vector<16xf32>
        %add3A_1101 = arith.addf %add3A_1013, %get3A_1100 : vector<16xf32>
        %mul3A_1102 = arith.constant 5 : i32
        %mul3A_1103 = arith.muli %scan3A_686, %mul3A_1102 : i32
        %add3A_1104 = arith.constant 4 : i32
        %add3A_1105 = arith.addi %mul3A_1103, %add3A_1104 : i32
        %get3A_1106 = arith.constant 5 : i32
        %get3A_1107 = arith.index_cast %get3A_1106 : i32 to index
        %get3A_1108 = arith.index_cast %add3A_1105 : i32 to index
        %get3A_1109 = arith.constant 80 : index
        %get3A_1110 = tpu.vector_load %arg7[%get3A_1107, %get3A_1108, %get3A_1109] {strides = array<i32>} : memref<8x50x128xf32, #tpu.memory_space<vmem>>, vector<1x1x16xf32>,
        %get3A_1111 = vector.shape_cast %get3A_1110 : vector<1x1x16xf32> to vector<16xf32>
        %add3A_1112 = arith.addf %add3A_1024, %get3A_1111 : vector<16xf32>
        %mul3A_1113 = arith.constant 5 : i32
        %mul3A_1114 = arith.muli %scan3A_686, %mul3A_1113 : i32
        %add3A_1115 = arith.constant 4 : i32
        %add3A_1116 = arith.addi %mul3A_1114, %add3A_1115 : i32
        %get3A_1117 = arith.constant 5 : i32
        %get3A_1118 = arith.index_cast %get3A_1117 : i32 to index
        %get3A_1119 = arith.index_cast %add3A_1116 : i32 to index
        %get3A_1120 = arith.constant 96 : index
        %get3A_1121 = tpu.vector_load %arg7[%get3A_1118, %get3A_1119, %get3A_1120] {strides = array<i32>} : memref<8x50x128xf32, #tpu.memory_space<vmem>>, vector<1x1x16xf32>,
        %get3A_1122 = vector.shape_cast %get3A_1121 : vector<1x1x16xf32> to vector<16xf32>
        %add3A_1123 = arith.addf %add3A_1035, %get3A_1122 : vector<16xf32>
        %mul3A_1124 = arith.constant 5 : i32
        %mul3A_1125 = arith.muli %scan3A_686, %mul3A_1124 : i32
        %add3A_1126 = arith.constant 4 : i32
        %add3A_1127 = arith.addi %mul3A_1125, %add3A_1126 : i32
        %get3A_1128 = arith.constant 5 : i32
        %get3A_1129 = arith.index_cast %get3A_1128 : i32 to index
        %get3A_1130 = arith.index_cast %add3A_1127 : i32 to index
        %get3A_1131 = arith.constant 112 : index
        %get3A_1132 = tpu.vector_load %arg7[%get3A_1129, %get3A_1130, %get3A_1131] {strides = array<i32>} : memref<8x50x128xf32, #tpu.memory_space<vmem>>, vector<1x1x16xf32>,
        %get3A_1133 = vector.shape_cast %get3A_1132 : vector<1x1x16xf32> to vector<16xf32>
        %add3A_1134 = arith.addf %add3A_1046, %get3A_1133 : vector<16xf32>
        scf.yield %add3A_1057, %add3A_1068, %add3A_1079, %add3A_1090, %add3A_1101, %add3A_1112, %add3A_1123, %add3A_1134 : vector<16xf32>, vector<16xf32>, vector<16xf32>, vector<16xf32>, vector<16xf32>, vector<16xf32>, vector<16xf32>, vector<16xf32>
      }
      %scan3A_505 = arith.constant 10 : i32
      %swap3A_506 = arith.index_cast %add3A_479 : i32 to index
      %swap3A_507 = arith.constant 0 : index
      %swap3A_508 = tpu.vector_load %arg8[%swap3A_506, %swap3A_507] {strides = array<i32>} : memref<128x128xf32, #tpu.memory_space<vmem>>, vector<1x16xf32>,
      %swap3A_509 = vector.shape_cast %swap3A_508 : vector<1x16xf32> to vector<16xf32>
      %swap3A_510 = vector.shape_cast %scan3A_504#0 : vector<16xf32> to vector<1x16xf32>
      tpu.vector_store %arg8[%swap3A_506, %swap3A_507], %swap3A_510 {strides = array<i32>} : memref<128x128xf32, #tpu.memory_space<vmem>>, vector<1x16xf32>,
      %swap3A_511 = arith.index_cast %add3A_479 : i32 to index
      %swap3A_512 = arith.constant 16 : index
      %swap3A_513 = tpu.vector_load %arg8[%swap3A_511, %swap3A_512] {strides = array<i32>} : memref<128x128xf32, #tpu.memory_space<vmem>>, vector<1x16xf32>,
      %swap3A_514 = vector.shape_cast %swap3A_513 : vector<1x16xf32> to vector<16xf32>
      %swap3A_515 = vector.shape_cast %scan3A_504#1 : vector<16xf32> to vector<1x16xf32>
      tpu.vector_store %arg8[%swap3A_511, %swap3A_512], %swap3A_515 {strides = array<i32>} : memref<128x128xf32, #tpu.memory_space<vmem>>, vector<1x16xf32>,
      %swap3A_516 = arith.index_cast %add3A_479 : i32 to index
      %swap3A_517 = arith.constant 32 : index
      %swap3A_518 = tpu.vector_load %arg8[%swap3A_516, %swap3A_517] {strides = array<i32>} : memref<128x128xf32, #tpu.memory_space<vmem>>, vector<1x16xf32>,
      %swap3A_519 = vector.shape_cast %swap3A_518 : vector<1x16xf32> to vector<16xf32>
      %swap3A_520 = vector.shape_cast %scan3A_504#2 : vector<16xf32> to vector<1x16xf32>
      tpu.vector_store %arg8[%swap3A_516, %swap3A_517], %swap3A_520 {strides = array<i32>} : memref<128x128xf32, #tpu.memory_space<vmem>>, vector<1x16xf32>,
      %swap3A_521 = arith.index_cast %add3A_479 : i32 to index
      %swap3A_522 = arith.constant 48 : index
      %swap3A_523 = tpu.vector_load %arg8[%swap3A_521, %swap3A_522] {strides = array<i32>} : memref<128x128xf32, #tpu.memory_space<vmem>>, vector<1x16xf32>,
      %swap3A_524 = vector.shape_cast %swap3A_523 : vector<1x16xf32> to vector<16xf32>
      %swap3A_525 = vector.shape_cast %scan3A_504#3 : vector<16xf32> to vector<1x16xf32>
      tpu.vector_store %arg8[%swap3A_521, %swap3A_522], %swap3A_525 {strides = array<i32>} : memref<128x128xf32, #tpu.memory_space<vmem>>, vector<1x16xf32>,
      %swap3A_526 = arith.index_cast %add3A_479 : i32 to index
      %swap3A_527 = arith.constant 64 : index
      %swap3A_528 = tpu.vector_load %arg8[%swap3A_526, %swap3A_527] {strides = array<i32>} : memref<128x128xf32, #tpu.memory_space<vmem>>, vector<1x16xf32>,
      %swap3A_529 = vector.shape_cast %swap3A_528 : vector<1x16xf32> to vector<16xf32>
      %swap3A_530 = vector.shape_cast %scan3A_504#4 : vector<16xf32> to vector<1x16xf32>
      tpu.vector_store %arg8[%swap3A_526, %swap3A_527], %swap3A_530 {strides = array<i32>} : memref<128x128xf32, #tpu.memory_space<vmem>>, vector<1x16xf32>,
      %swap3A_531 = arith.index_cast %add3A_479 : i32 to index
      %swap3A_532 = arith.constant 80 : index
      %swap3A_533 = tpu.vector_load %arg8[%swap3A_531, %swap3A_532] {strides = array<i32>} : memref<128x128xf32, #tpu.memory_space<vmem>>, vector<1x16xf32>,
      %swap3A_534 = vector.shape_cast %swap3A_533 : vector<1x16xf32> to vector<16xf32>
      %swap3A_535 = vector.shape_cast %scan3A_504#5 : vector<16xf32> to vector<1x16xf32>
      tpu.vector_store %arg8[%swap3A_531, %swap3A_532], %swap3A_535 {strides = array<i32>} : memref<128x128xf32, #tpu.memory_space<vmem>>, vector<1x16xf32>,
      %swap3A_536 = arith.index_cast %add3A_479 : i32 to index
      %swap3A_537 = arith.constant 96 : index
      %swap3A_538 = tpu.vector_load %arg8[%swap3A_536, %swap3A_537] {strides = array<i32>} : memref<128x128xf32, #tpu.memory_space<vmem>>, vector<1x16xf32>,
      %swap3A_539 = vector.shape_cast %swap3A_538 : vector<1x16xf32> to vector<16xf32>
      %swap3A_540 = vector.shape_cast %scan3A_504#6 : vector<16xf32> to vector<1x16xf32>
      tpu.vector_store %arg8[%swap3A_536, %swap3A_537], %swap3A_540 {strides = array<i32>} : memref<128x128xf32, #tpu.memory_space<vmem>>, vector<1x16xf32>,
      %swap3A_541 = arith.index_cast %add3A_479 : i32 to index
      %swap3A_542 = arith.constant 112 : index
      %swap3A_543 = tpu.vector_load %arg8[%swap3A_541, %swap3A_542] {strides = array<i32>} : memref<128x128xf32, #tpu.memory_space<vmem>>, vector<1x16xf32>,
      %swap3A_544 = vector.shape_cast %swap3A_543 : vector<1x16xf32> to vector<16xf32>
      %swap3A_545 = vector.shape_cast %scan3A_504#7 : vector<16xf32> to vector<1x16xf32>
      tpu.vector_store %arg8[%swap3A_541, %swap3A_542], %swap3A_545 {strides = array<i32>} : memref<128x128xf32, #tpu.memory_space<vmem>>, vector<1x16xf32>,
      %mul3A_546 = arith.constant 8 : i32
      %mul3A_547 = arith.muli %mul3A_546, %scan3A_130 : i32
      %add3A_548 = arith.constant 6 : i32
      %add3A_549 = arith.addi %mul3A_547, %add3A_548 : i32
      %dma_wait3A_550 = arith.constant 6 : i32
      %dma_wait3A_551 = arith.constant 0 : i32
      %dma_wait3A_552 = arith.constant 0 : i32
      %dma_wait3A_553 = tpu.memref_slice %arg7[%dma_wait3A_550, %dma_wait3A_551, %dma_wait3A_552] : memref<8x50x128xf32, #tpu.memory_space<vmem>> -> memref<1x50x128xf32, #tpu.memory_space<vmem>>
      %dma_wait3A_554 = tpu.memref_squeeze %dma_wait3A_553 : memref<1x50x128xf32, #tpu.memory_space<vmem>> -> memref<50x128xf32, #tpu.memory_space<vmem>>
      %dma_wait3A_555 = arith.constant 0 : i32
      %dma_wait3A_556 = tpu.memref_slice %arg6[%add3A_549, %dma_wait3A_555] : memref<128x50xi32, #tpu.memory_space<vmem>> -> memref<1x50xi32, #tpu.memory_space<vmem>>
      %dma_wait3A_557 = tpu.memref_squeeze %dma_wait3A_556 : memref<1x50xi32, #tpu.memory_space<vmem>> -> memref<50xi32, #tpu.memory_space<vmem>>
      %dma_wait3A_558 = arith.constant 0 : i32
      %dma_wait3A_559 = arith.constant 0 : i32
      %dma_wait3A_560 = tpu.memref_slice %arg3[%dma_wait3A_558, %dma_wait3A_559] : memref<100000x128xf32, #tpu.memory_space<hbm>> -> memref<100000x128xf32, #tpu.memory_space<hbm>>
      tpu.wait_indirect_dma semaphore(%arg16 : memref<!tpu.dma_semaphore, #tpu.memory_space<semaphore_mem>>) src(%dma_wait3A_560 : memref<100000x128xf32, #tpu.memory_space<hbm>>) dst(%dma_wait3A_554 : memref<50x128xf32, #tpu.memory_space<vmem>>)
      %add3A_561 = arith.constant 8 : i32
      %add3A_562 = arith.addi %add3A_549, %add3A_561 : i32
      %sub3A_563 = arith.constant 1 : i32
      %sub3A_564 = arith.subi %add3A_562, %sub3A_563 : i32
      %lt3A_565 = arith.constant 128 : i32
      %lt3A_566 = arith.cmpi slt, %sub3A_564, %lt3A_565 : i32
      %convert_element_type3A_567 = arith.extui %lt3A_566 : i1 to i32
      %cond3A_568 = arith.constant 0 : i32
      %cond3A_569 = arith.cmpi ne, %convert_element_type3A_567, %cond3A_568 : i32
      scf.if %cond3A_569 {
        %add3A_686 = arith.constant 8 : i32
        %add3A_687 = arith.addi %add3A_549, %add3A_686 : i32
        %sub3A_688 = arith.constant 1 : i32
        %sub3A_689 = arith.subi %add3A_687, %sub3A_688 : i32
        %dma_start3A_690 = arith.constant 5 : i32
        %dma_start3A_691 = arith.constant 0 : i32
        %dma_start3A_692 = arith.constant 0 : i32
        %dma_start3A_693 = tpu.memref_slice %arg7[%dma_start3A_690, %dma_start3A_691, %dma_start3A_692] : memref<8x50x128xf32, #tpu.memory_space<vmem>> -> memref<1x50x128xf32, #tpu.memory_space<vmem>>
        %dma_start3A_694 = tpu.memref_squeeze %dma_start3A_693 : memref<1x50x128xf32, #tpu.memory_space<vmem>> -> memref<50x128xf32, #tpu.memory_space<vmem>>
        %dma_start3A_695 = arith.constant 0 : i32
        %dma_start3A_696 = tpu.memref_slice %arg6[%sub3A_689, %dma_start3A_695] : memref<128x50xi32, #tpu.memory_space<vmem>> -> memref<1x50xi32, #tpu.memory_space<vmem>>
        %dma_start3A_697 = tpu.memref_squeeze %dma_start3A_696 : memref<1x50xi32, #tpu.memory_space<vmem>> -> memref<50xi32, #tpu.memory_space<vmem>>
        %dma_start3A_698 = arith.constant 0 : i32
        %dma_start3A_699 = arith.constant 0 : i32
        %dma_start3A_700 = tpu.memref_slice %arg3[%dma_start3A_698, %dma_start3A_699] : memref<100000x128xf32, #tpu.memory_space<hbm>> -> memref<100000x128xf32, #tpu.memory_space<hbm>>
        tpu.enqueue_indirect_dma source(%dma_start3A_700 : memref<100000x128xf32, #tpu.memory_space<hbm>>) target(%dma_start3A_694 : memref<50x128xf32, #tpu.memory_space<vmem>>) offsets(%dma_start3A_697 : memref<50xi32, #tpu.memory_space<vmem>>) semaphore(%arg15 : memref<!tpu.dma_semaphore, #tpu.memory_space<semaphore_mem>>)
      } else {
      }
      %scan3A_570 = arith.constant 0 : i32
      %scan3A_571 = arith.constant 10 : i32
      %scan3A_572 = arith.addi %scan3A_570, %scan3A_571 : i32
      %scan3A_573 = arith.constant 1 : i32
      %scan3A_574:8 = scf.for %scan3A_686 = %scan3A_570 to %scan3A_572 step %scan3A_573 iter_args(%scan3A_687 = %get3A_94, %scan3A_688 = %get3A_97, %scan3A_689 = %get3A_100, %scan3A_690 = %get3A_103, %scan3A_691 = %get3A_106, %scan3A_692 = %get3A_109, %scan3A_693 = %get3A_112, %scan3A_694 = %get3A_115) -> (vector<16xf32>, vector<16xf32>, vector<16xf32>, vector<16xf32>, vector<16xf32>, vector<16xf32>, vector<16xf32>, vector<16xf32>)  : i32 {
        %mul3A_695 = arith.constant 5 : i32
        %mul3A_696 = arith.muli %scan3A_686, %mul3A_695 : i32
        %add3A_697 = arith.constant 0 : i32
        %add3A_698 = arith.addi %mul3A_696, %add3A_697 : i32
        %get3A_699 = arith.constant 6 : i32
        %get3A_700 = arith.index_cast %get3A_699 : i32 to index
        %get3A_701 = arith.index_cast %add3A_698 : i32 to index
        %get3A_702 = arith.constant 0 : index
        %get3A_703 = tpu.vector_load %arg7[%get3A_700, %get3A_701, %get3A_702] {strides = array<i32>} : memref<8x50x128xf32, #tpu.memory_space<vmem>>, vector<1x1x16xf32>,
        %get3A_704 = vector.shape_cast %get3A_703 : vector<1x1x16xf32> to vector<16xf32>
        %add3A_705 = arith.addf %scan3A_687, %get3A_704 : vector<16xf32>
        %mul3A_706 = arith.constant 5 : i32
        %mul3A_707 = arith.muli %scan3A_686, %mul3A_706 : i32
        %add3A_708 = arith.constant 0 : i32
        %add3A_709 = arith.addi %mul3A_707, %add3A_708 : i32
        %get3A_710 = arith.constant 6 : i32
        %get3A_711 = arith.index_cast %get3A_710 : i32 to index
        %get3A_712 = arith.index_cast %add3A_709 : i32 to index
        %get3A_713 = arith.constant 16 : index
        %get3A_714 = tpu.vector_load %arg7[%get3A_711, %get3A_712, %get3A_713] {strides = array<i32>} : memref<8x50x128xf32, #tpu.memory_space<vmem>>, vector<1x1x16xf32>,
        %get3A_715 = vector.shape_cast %get3A_714 : vector<1x1x16xf32> to vector<16xf32>
        %add3A_716 = arith.addf %scan3A_688, %get3A_715 : vector<16xf32>
        %mul3A_717 = arith.constant 5 : i32
        %mul3A_718 = arith.muli %scan3A_686, %mul3A_717 : i32
        %add3A_719 = arith.constant 0 : i32
        %add3A_720 = arith.addi %mul3A_718, %add3A_719 : i32
        %get3A_721 = arith.constant 6 : i32
        %get3A_722 = arith.index_cast %get3A_721 : i32 to index
        %get3A_723 = arith.index_cast %add3A_720 : i32 to index
        %get3A_724 = arith.constant 32 : index
        %get3A_725 = tpu.vector_load %arg7[%get3A_722, %get3A_723, %get3A_724] {strides = array<i32>} : memref<8x50x128xf32, #tpu.memory_space<vmem>>, vector<1x1x16xf32>,
        %get3A_726 = vector.shape_cast %get3A_725 : vector<1x1x16xf32> to vector<16xf32>
        %add3A_727 = arith.addf %scan3A_689, %get3A_726 : vector<16xf32>
        %mul3A_728 = arith.constant 5 : i32
        %mul3A_729 = arith.muli %scan3A_686, %mul3A_728 : i32
        %add3A_730 = arith.constant 0 : i32
        %add3A_731 = arith.addi %mul3A_729, %add3A_730 : i32
        %get3A_732 = arith.constant 6 : i32
        %get3A_733 = arith.index_cast %get3A_732 : i32 to index
        %get3A_734 = arith.index_cast %add3A_731 : i32 to index
        %get3A_735 = arith.constant 48 : index
        %get3A_736 = tpu.vector_load %arg7[%get3A_733, %get3A_734, %get3A_735] {strides = array<i32>} : memref<8x50x128xf32, #tpu.memory_space<vmem>>, vector<1x1x16xf32>,
        %get3A_737 = vector.shape_cast %get3A_736 : vector<1x1x16xf32> to vector<16xf32>
        %add3A_738 = arith.addf %scan3A_690, %get3A_737 : vector<16xf32>
        %mul3A_739 = arith.constant 5 : i32
        %mul3A_740 = arith.muli %scan3A_686, %mul3A_739 : i32
        %add3A_741 = arith.constant 0 : i32
        %add3A_742 = arith.addi %mul3A_740, %add3A_741 : i32
        %get3A_743 = arith.constant 6 : i32
        %get3A_744 = arith.index_cast %get3A_743 : i32 to index
        %get3A_745 = arith.index_cast %add3A_742 : i32 to index
        %get3A_746 = arith.constant 64 : index
        %get3A_747 = tpu.vector_load %arg7[%get3A_744, %get3A_745, %get3A_746] {strides = array<i32>} : memref<8x50x128xf32, #tpu.memory_space<vmem>>, vector<1x1x16xf32>,
        %get3A_748 = vector.shape_cast %get3A_747 : vector<1x1x16xf32> to vector<16xf32>
        %add3A_749 = arith.addf %scan3A_691, %get3A_748 : vector<16xf32>
        %mul3A_750 = arith.constant 5 : i32
        %mul3A_751 = arith.muli %scan3A_686, %mul3A_750 : i32
        %add3A_752 = arith.constant 0 : i32
        %add3A_753 = arith.addi %mul3A_751, %add3A_752 : i32
        %get3A_754 = arith.constant 6 : i32
        %get3A_755 = arith.index_cast %get3A_754 : i32 to index
        %get3A_756 = arith.index_cast %add3A_753 : i32 to index
        %get3A_757 = arith.constant 80 : index
        %get3A_758 = tpu.vector_load %arg7[%get3A_755, %get3A_756, %get3A_757] {strides = array<i32>} : memref<8x50x128xf32, #tpu.memory_space<vmem>>, vector<1x1x16xf32>,
        %get3A_759 = vector.shape_cast %get3A_758 : vector<1x1x16xf32> to vector<16xf32>
        %add3A_760 = arith.addf %scan3A_692, %get3A_759 : vector<16xf32>
        %mul3A_761 = arith.constant 5 : i32
        %mul3A_762 = arith.muli %scan3A_686, %mul3A_761 : i32
        %add3A_763 = arith.constant 0 : i32
        %add3A_764 = arith.addi %mul3A_762, %add3A_763 : i32
        %get3A_765 = arith.constant 6 : i32
        %get3A_766 = arith.index_cast %get3A_765 : i32 to index
        %get3A_767 = arith.index_cast %add3A_764 : i32 to index
        %get3A_768 = arith.constant 96 : index
        %get3A_769 = tpu.vector_load %arg7[%get3A_766, %get3A_767, %get3A_768] {strides = array<i32>} : memref<8x50x128xf32, #tpu.memory_space<vmem>>, vector<1x1x16xf32>,
        %get3A_770 = vector.shape_cast %get3A_769 : vector<1x1x16xf32> to vector<16xf32>
        %add3A_771 = arith.addf %scan3A_693, %get3A_770 : vector<16xf32>
        %mul3A_772 = arith.constant 5 : i32
        %mul3A_773 = arith.muli %scan3A_686, %mul3A_772 : i32
        %add3A_774 = arith.constant 0 : i32
        %add3A_775 = arith.addi %mul3A_773, %add3A_774 : i32
        %get3A_776 = arith.constant 6 : i32
        %get3A_777 = arith.index_cast %get3A_776 : i32 to index
        %get3A_778 = arith.index_cast %add3A_775 : i32 to index
        %get3A_779 = arith.constant 112 : index
        %get3A_780 = tpu.vector_load %arg7[%get3A_777, %get3A_778, %get3A_779] {strides = array<i32>} : memref<8x50x128xf32, #tpu.memory_space<vmem>>, vector<1x1x16xf32>,
        %get3A_781 = vector.shape_cast %get3A_780 : vector<1x1x16xf32> to vector<16xf32>
        %add3A_782 = arith.addf %scan3A_694, %get3A_781 : vector<16xf32>
        %mul3A_783 = arith.constant 5 : i32
        %mul3A_784 = arith.muli %scan3A_686, %mul3A_783 : i32
        %add3A_785 = arith.constant 1 : i32
        %add3A_786 = arith.addi %mul3A_784, %add3A_785 : i32
        %get3A_787 = arith.constant 6 : i32
        %get3A_788 = arith.index_cast %get3A_787 : i32 to index
        %get3A_789 = arith.index_cast %add3A_786 : i32 to index
        %get3A_790 = arith.constant 0 : index
        %get3A_791 = tpu.vector_load %arg7[%get3A_788, %get3A_789, %get3A_790] {strides = array<i32>} : memref<8x50x128xf32, #tpu.memory_space<vmem>>, vector<1x1x16xf32>,
        %get3A_792 = vector.shape_cast %get3A_791 : vector<1x1x16xf32> to vector<16xf32>
        %add3A_793 = arith.addf %add3A_705, %get3A_792 : vector<16xf32>
        %mul3A_794 = arith.constant 5 : i32
        %mul3A_795 = arith.muli %scan3A_686, %mul3A_794 : i32
        %add3A_796 = arith.constant 1 : i32
        %add3A_797 = arith.addi %mul3A_795, %add3A_796 : i32
        %get3A_798 = arith.constant 6 : i32
        %get3A_799 = arith.index_cast %get3A_798 : i32 to index
        %get3A_800 = arith.index_cast %add3A_797 : i32 to index
        %get3A_801 = arith.constant 16 : index
        %get3A_802 = tpu.vector_load %arg7[%get3A_799, %get3A_800, %get3A_801] {strides = array<i32>} : memref<8x50x128xf32, #tpu.memory_space<vmem>>, vector<1x1x16xf32>,
        %get3A_803 = vector.shape_cast %get3A_802 : vector<1x1x16xf32> to vector<16xf32>
        %add3A_804 = arith.addf %add3A_716, %get3A_803 : vector<16xf32>
        %mul3A_805 = arith.constant 5 : i32
        %mul3A_806 = arith.muli %scan3A_686, %mul3A_805 : i32
        %add3A_807 = arith.constant 1 : i32
        %add3A_808 = arith.addi %mul3A_806, %add3A_807 : i32
        %get3A_809 = arith.constant 6 : i32
        %get3A_810 = arith.index_cast %get3A_809 : i32 to index
        %get3A_811 = arith.index_cast %add3A_808 : i32 to index
        %get3A_812 = arith.constant 32 : index
        %get3A_813 = tpu.vector_load %arg7[%get3A_810, %get3A_811, %get3A_812] {strides = array<i32>} : memref<8x50x128xf32, #tpu.memory_space<vmem>>, vector<1x1x16xf32>,
        %get3A_814 = vector.shape_cast %get3A_813 : vector<1x1x16xf32> to vector<16xf32>
        %add3A_815 = arith.addf %add3A_727, %get3A_814 : vector<16xf32>
        %mul3A_816 = arith.constant 5 : i32
        %mul3A_817 = arith.muli %scan3A_686, %mul3A_816 : i32
        %add3A_818 = arith.constant 1 : i32
        %add3A_819 = arith.addi %mul3A_817, %add3A_818 : i32
        %get3A_820 = arith.constant 6 : i32
        %get3A_821 = arith.index_cast %get3A_820 : i32 to index
        %get3A_822 = arith.index_cast %add3A_819 : i32 to index
        %get3A_823 = arith.constant 48 : index
        %get3A_824 = tpu.vector_load %arg7[%get3A_821, %get3A_822, %get3A_823] {strides = array<i32>} : memref<8x50x128xf32, #tpu.memory_space<vmem>>, vector<1x1x16xf32>,
        %get3A_825 = vector.shape_cast %get3A_824 : vector<1x1x16xf32> to vector<16xf32>
        %add3A_826 = arith.addf %add3A_738, %get3A_825 : vector<16xf32>
        %mul3A_827 = arith.constant 5 : i32
        %mul3A_828 = arith.muli %scan3A_686, %mul3A_827 : i32
        %add3A_829 = arith.constant 1 : i32
        %add3A_830 = arith.addi %mul3A_828, %add3A_829 : i32
        %get3A_831 = arith.constant 6 : i32
        %get3A_832 = arith.index_cast %get3A_831 : i32 to index
        %get3A_833 = arith.index_cast %add3A_830 : i32 to index
        %get3A_834 = arith.constant 64 : index
        %get3A_835 = tpu.vector_load %arg7[%get3A_832, %get3A_833, %get3A_834] {strides = array<i32>} : memref<8x50x128xf32, #tpu.memory_space<vmem>>, vector<1x1x16xf32>,
        %get3A_836 = vector.shape_cast %get3A_835 : vector<1x1x16xf32> to vector<16xf32>
        %add3A_837 = arith.addf %add3A_749, %get3A_836 : vector<16xf32>
        %mul3A_838 = arith.constant 5 : i32
        %mul3A_839 = arith.muli %scan3A_686, %mul3A_838 : i32
        %add3A_840 = arith.constant 1 : i32
        %add3A_841 = arith.addi %mul3A_839, %add3A_840 : i32
        %get3A_842 = arith.constant 6 : i32
        %get3A_843 = arith.index_cast %get3A_842 : i32 to index
        %get3A_844 = arith.index_cast %add3A_841 : i32 to index
        %get3A_845 = arith.constant 80 : index
        %get3A_846 = tpu.vector_load %arg7[%get3A_843, %get3A_844, %get3A_845] {strides = array<i32>} : memref<8x50x128xf32, #tpu.memory_space<vmem>>, vector<1x1x16xf32>,
        %get3A_847 = vector.shape_cast %get3A_846 : vector<1x1x16xf32> to vector<16xf32>
        %add3A_848 = arith.addf %add3A_760, %get3A_847 : vector<16xf32>
        %mul3A_849 = arith.constant 5 : i32
        %mul3A_850 = arith.muli %scan3A_686, %mul3A_849 : i32
        %add3A_851 = arith.constant 1 : i32
        %add3A_852 = arith.addi %mul3A_850, %add3A_851 : i32
        %get3A_853 = arith.constant 6 : i32
        %get3A_854 = arith.index_cast %get3A_853 : i32 to index
        %get3A_855 = arith.index_cast %add3A_852 : i32 to index
        %get3A_856 = arith.constant 96 : index
        %get3A_857 = tpu.vector_load %arg7[%get3A_854, %get3A_855, %get3A_856] {strides = array<i32>} : memref<8x50x128xf32, #tpu.memory_space<vmem>>, vector<1x1x16xf32>,
        %get3A_858 = vector.shape_cast %get3A_857 : vector<1x1x16xf32> to vector<16xf32>
        %add3A_859 = arith.addf %add3A_771, %get3A_858 : vector<16xf32>
        %mul3A_860 = arith.constant 5 : i32
        %mul3A_861 = arith.muli %scan3A_686, %mul3A_860 : i32
        %add3A_862 = arith.constant 1 : i32
        %add3A_863 = arith.addi %mul3A_861, %add3A_862 : i32
        %get3A_864 = arith.constant 6 : i32
        %get3A_865 = arith.index_cast %get3A_864 : i32 to index
        %get3A_866 = arith.index_cast %add3A_863 : i32 to index
        %get3A_867 = arith.constant 112 : index
        %get3A_868 = tpu.vector_load %arg7[%get3A_865, %get3A_866, %get3A_867] {strides = array<i32>} : memref<8x50x128xf32, #tpu.memory_space<vmem>>, vector<1x1x16xf32>,
        %get3A_869 = vector.shape_cast %get3A_868 : vector<1x1x16xf32> to vector<16xf32>
        %add3A_870 = arith.addf %add3A_782, %get3A_869 : vector<16xf32>
        %mul3A_871 = arith.constant 5 : i32
        %mul3A_872 = arith.muli %scan3A_686, %mul3A_871 : i32
        %add3A_873 = arith.constant 2 : i32
        %add3A_874 = arith.addi %mul3A_872, %add3A_873 : i32
        %get3A_875 = arith.constant 6 : i32
        %get3A_876 = arith.index_cast %get3A_875 : i32 to index
        %get3A_877 = arith.index_cast %add3A_874 : i32 to index
        %get3A_878 = arith.constant 0 : index
        %get3A_879 = tpu.vector_load %arg7[%get3A_876, %get3A_877, %get3A_878] {strides = array<i32>} : memref<8x50x128xf32, #tpu.memory_space<vmem>>, vector<1x1x16xf32>,
        %get3A_880 = vector.shape_cast %get3A_879 : vector<1x1x16xf32> to vector<16xf32>
        %add3A_881 = arith.addf %add3A_793, %get3A_880 : vector<16xf32>
        %mul3A_882 = arith.constant 5 : i32
        %mul3A_883 = arith.muli %scan3A_686, %mul3A_882 : i32
        %add3A_884 = arith.constant 2 : i32
        %add3A_885 = arith.addi %mul3A_883, %add3A_884 : i32
        %get3A_886 = arith.constant 6 : i32
        %get3A_887 = arith.index_cast %get3A_886 : i32 to index
        %get3A_888 = arith.index_cast %add3A_885 : i32 to index
        %get3A_889 = arith.constant 16 : index
        %get3A_890 = tpu.vector_load %arg7[%get3A_887, %get3A_888, %get3A_889] {strides = array<i32>} : memref<8x50x128xf32, #tpu.memory_space<vmem>>, vector<1x1x16xf32>,
        %get3A_891 = vector.shape_cast %get3A_890 : vector<1x1x16xf32> to vector<16xf32>
        %add3A_892 = arith.addf %add3A_804, %get3A_891 : vector<16xf32>
        %mul3A_893 = arith.constant 5 : i32
        %mul3A_894 = arith.muli %scan3A_686, %mul3A_893 : i32
        %add3A_895 = arith.constant 2 : i32
        %add3A_896 = arith.addi %mul3A_894, %add3A_895 : i32
        %get3A_897 = arith.constant 6 : i32
        %get3A_898 = arith.index_cast %get3A_897 : i32 to index
        %get3A_899 = arith.index_cast %add3A_896 : i32 to index
        %get3A_900 = arith.constant 32 : index
        %get3A_901 = tpu.vector_load %arg7[%get3A_898, %get3A_899, %get3A_900] {strides = array<i32>} : memref<8x50x128xf32, #tpu.memory_space<vmem>>, vector<1x1x16xf32>,
        %get3A_902 = vector.shape_cast %get3A_901 : vector<1x1x16xf32> to vector<16xf32>
        %add3A_903 = arith.addf %add3A_815, %get3A_902 : vector<16xf32>
        %mul3A_904 = arith.constant 5 : i32
        %mul3A_905 = arith.muli %scan3A_686, %mul3A_904 : i32
        %add3A_906 = arith.constant 2 : i32
        %add3A_907 = arith.addi %mul3A_905, %add3A_906 : i32
        %get3A_908 = arith.constant 6 : i32
        %get3A_909 = arith.index_cast %get3A_908 : i32 to index
        %get3A_910 = arith.index_cast %add3A_907 : i32 to index
        %get3A_911 = arith.constant 48 : index
        %get3A_912 = tpu.vector_load %arg7[%get3A_909, %get3A_910, %get3A_911] {strides = array<i32>} : memref<8x50x128xf32, #tpu.memory_space<vmem>>, vector<1x1x16xf32>,
        %get3A_913 = vector.shape_cast %get3A_912 : vector<1x1x16xf32> to vector<16xf32>
        %add3A_914 = arith.addf %add3A_826, %get3A_913 : vector<16xf32>
        %mul3A_915 = arith.constant 5 : i32
        %mul3A_916 = arith.muli %scan3A_686, %mul3A_915 : i32
        %add3A_917 = arith.constant 2 : i32
        %add3A_918 = arith.addi %mul3A_916, %add3A_917 : i32
        %get3A_919 = arith.constant 6 : i32
        %get3A_920 = arith.index_cast %get3A_919 : i32 to index
        %get3A_921 = arith.index_cast %add3A_918 : i32 to index
        %get3A_922 = arith.constant 64 : index
        %get3A_923 = tpu.vector_load %arg7[%get3A_920, %get3A_921, %get3A_922] {strides = array<i32>} : memref<8x50x128xf32, #tpu.memory_space<vmem>>, vector<1x1x16xf32>,
        %get3A_924 = vector.shape_cast %get3A_923 : vector<1x1x16xf32> to vector<16xf32>
        %add3A_925 = arith.addf %add3A_837, %get3A_924 : vector<16xf32>
        %mul3A_926 = arith.constant 5 : i32
        %mul3A_927 = arith.muli %scan3A_686, %mul3A_926 : i32
        %add3A_928 = arith.constant 2 : i32
        %add3A_929 = arith.addi %mul3A_927, %add3A_928 : i32
        %get3A_930 = arith.constant 6 : i32
        %get3A_931 = arith.index_cast %get3A_930 : i32 to index
        %get3A_932 = arith.index_cast %add3A_929 : i32 to index
        %get3A_933 = arith.constant 80 : index
        %get3A_934 = tpu.vector_load %arg7[%get3A_931, %get3A_932, %get3A_933] {strides = array<i32>} : memref<8x50x128xf32, #tpu.memory_space<vmem>>, vector<1x1x16xf32>,
        %get3A_935 = vector.shape_cast %get3A_934 : vector<1x1x16xf32> to vector<16xf32>
        %add3A_936 = arith.addf %add3A_848, %get3A_935 : vector<16xf32>
        %mul3A_937 = arith.constant 5 : i32
        %mul3A_938 = arith.muli %scan3A_686, %mul3A_937 : i32
        %add3A_939 = arith.constant 2 : i32
        %add3A_940 = arith.addi %mul3A_938, %add3A_939 : i32
        %get3A_941 = arith.constant 6 : i32
        %get3A_942 = arith.index_cast %get3A_941 : i32 to index
        %get3A_943 = arith.index_cast %add3A_940 : i32 to index
        %get3A_944 = arith.constant 96 : index
        %get3A_945 = tpu.vector_load %arg7[%get3A_942, %get3A_943, %get3A_944] {strides = array<i32>} : memref<8x50x128xf32, #tpu.memory_space<vmem>>, vector<1x1x16xf32>,
        %get3A_946 = vector.shape_cast %get3A_945 : vector<1x1x16xf32> to vector<16xf32>
        %add3A_947 = arith.addf %add3A_859, %get3A_946 : vector<16xf32>
        %mul3A_948 = arith.constant 5 : i32
        %mul3A_949 = arith.muli %scan3A_686, %mul3A_948 : i32
        %add3A_950 = arith.constant 2 : i32
        %add3A_951 = arith.addi %mul3A_949, %add3A_950 : i32
        %get3A_952 = arith.constant 6 : i32
        %get3A_953 = arith.index_cast %get3A_952 : i32 to index
        %get3A_954 = arith.index_cast %add3A_951 : i32 to index
        %get3A_955 = arith.constant 112 : index
        %get3A_956 = tpu.vector_load %arg7[%get3A_953, %get3A_954, %get3A_955] {strides = array<i32>} : memref<8x50x128xf32, #tpu.memory_space<vmem>>, vector<1x1x16xf32>,
        %get3A_957 = vector.shape_cast %get3A_956 : vector<1x1x16xf32> to vector<16xf32>
        %add3A_958 = arith.addf %add3A_870, %get3A_957 : vector<16xf32>
        %mul3A_959 = arith.constant 5 : i32
        %mul3A_960 = arith.muli %scan3A_686, %mul3A_959 : i32
        %add3A_961 = arith.constant 3 : i32
        %add3A_962 = arith.addi %mul3A_960, %add3A_961 : i32
        %get3A_963 = arith.constant 6 : i32
        %get3A_964 = arith.index_cast %get3A_963 : i32 to index
        %get3A_965 = arith.index_cast %add3A_962 : i32 to index
        %get3A_966 = arith.constant 0 : index
        %get3A_967 = tpu.vector_load %arg7[%get3A_964, %get3A_965, %get3A_966] {strides = array<i32>} : memref<8x50x128xf32, #tpu.memory_space<vmem>>, vector<1x1x16xf32>,
        %get3A_968 = vector.shape_cast %get3A_967 : vector<1x1x16xf32> to vector<16xf32>
        %add3A_969 = arith.addf %add3A_881, %get3A_968 : vector<16xf32>
        %mul3A_970 = arith.constant 5 : i32
        %mul3A_971 = arith.muli %scan3A_686, %mul3A_970 : i32
        %add3A_972 = arith.constant 3 : i32
        %add3A_973 = arith.addi %mul3A_971, %add3A_972 : i32
        %get3A_974 = arith.constant 6 : i32
        %get3A_975 = arith.index_cast %get3A_974 : i32 to index
        %get3A_976 = arith.index_cast %add3A_973 : i32 to index
        %get3A_977 = arith.constant 16 : index
        %get3A_978 = tpu.vector_load %arg7[%get3A_975, %get3A_976, %get3A_977] {strides = array<i32>} : memref<8x50x128xf32, #tpu.memory_space<vmem>>, vector<1x1x16xf32>,
        %get3A_979 = vector.shape_cast %get3A_978 : vector<1x1x16xf32> to vector<16xf32>
        %add3A_980 = arith.addf %add3A_892, %get3A_979 : vector<16xf32>
        %mul3A_981 = arith.constant 5 : i32
        %mul3A_982 = arith.muli %scan3A_686, %mul3A_981 : i32
        %add3A_983 = arith.constant 3 : i32
        %add3A_984 = arith.addi %mul3A_982, %add3A_983 : i32
        %get3A_985 = arith.constant 6 : i32
        %get3A_986 = arith.index_cast %get3A_985 : i32 to index
        %get3A_987 = arith.index_cast %add3A_984 : i32 to index
        %get3A_988 = arith.constant 32 : index
        %get3A_989 = tpu.vector_load %arg7[%get3A_986, %get3A_987, %get3A_988] {strides = array<i32>} : memref<8x50x128xf32, #tpu.memory_space<vmem>>, vector<1x1x16xf32>,
        %get3A_990 = vector.shape_cast %get3A_989 : vector<1x1x16xf32> to vector<16xf32>
        %add3A_991 = arith.addf %add3A_903, %get3A_990 : vector<16xf32>
        %mul3A_992 = arith.constant 5 : i32
        %mul3A_993 = arith.muli %scan3A_686, %mul3A_992 : i32
        %add3A_994 = arith.constant 3 : i32
        %add3A_995 = arith.addi %mul3A_993, %add3A_994 : i32
        %get3A_996 = arith.constant 6 : i32
        %get3A_997 = arith.index_cast %get3A_996 : i32 to index
        %get3A_998 = arith.index_cast %add3A_995 : i32 to index
        %get3A_999 = arith.constant 48 : index
        %get3A_1000 = tpu.vector_load %arg7[%get3A_997, %get3A_998, %get3A_999] {strides = array<i32>} : memref<8x50x128xf32, #tpu.memory_space<vmem>>, vector<1x1x16xf32>,
        %get3A_1001 = vector.shape_cast %get3A_1000 : vector<1x1x16xf32> to vector<16xf32>
        %add3A_1002 = arith.addf %add3A_914, %get3A_1001 : vector<16xf32>
        %mul3A_1003 = arith.constant 5 : i32
        %mul3A_1004 = arith.muli %scan3A_686, %mul3A_1003 : i32
        %add3A_1005 = arith.constant 3 : i32
        %add3A_1006 = arith.addi %mul3A_1004, %add3A_1005 : i32
        %get3A_1007 = arith.constant 6 : i32
        %get3A_1008 = arith.index_cast %get3A_1007 : i32 to index
        %get3A_1009 = arith.index_cast %add3A_1006 : i32 to index
        %get3A_1010 = arith.constant 64 : index
        %get3A_1011 = tpu.vector_load %arg7[%get3A_1008, %get3A_1009, %get3A_1010] {strides = array<i32>} : memref<8x50x128xf32, #tpu.memory_space<vmem>>, vector<1x1x16xf32>,
        %get3A_1012 = vector.shape_cast %get3A_1011 : vector<1x1x16xf32> to vector<16xf32>
        %add3A_1013 = arith.addf %add3A_925, %get3A_1012 : vector<16xf32>
        %mul3A_1014 = arith.constant 5 : i32
        %mul3A_1015 = arith.muli %scan3A_686, %mul3A_1014 : i32
        %add3A_1016 = arith.constant 3 : i32
        %add3A_1017 = arith.addi %mul3A_1015, %add3A_1016 : i32
        %get3A_1018 = arith.constant 6 : i32
        %get3A_1019 = arith.index_cast %get3A_1018 : i32 to index
        %get3A_1020 = arith.index_cast %add3A_1017 : i32 to index
        %get3A_1021 = arith.constant 80 : index
        %get3A_1022 = tpu.vector_load %arg7[%get3A_1019, %get3A_1020, %get3A_1021] {strides = array<i32>} : memref<8x50x128xf32, #tpu.memory_space<vmem>>, vector<1x1x16xf32>,
        %get3A_1023 = vector.shape_cast %get3A_1022 : vector<1x1x16xf32> to vector<16xf32>
        %add3A_1024 = arith.addf %add3A_936, %get3A_1023 : vector<16xf32>
        %mul3A_1025 = arith.constant 5 : i32
        %mul3A_1026 = arith.muli %scan3A_686, %mul3A_1025 : i32
        %add3A_1027 = arith.constant 3 : i32
        %add3A_1028 = arith.addi %mul3A_1026, %add3A_1027 : i32
        %get3A_1029 = arith.constant 6 : i32
        %get3A_1030 = arith.index_cast %get3A_1029 : i32 to index
        %get3A_1031 = arith.index_cast %add3A_1028 : i32 to index
        %get3A_1032 = arith.constant 96 : index
        %get3A_1033 = tpu.vector_load %arg7[%get3A_1030, %get3A_1031, %get3A_1032] {strides = array<i32>} : memref<8x50x128xf32, #tpu.memory_space<vmem>>, vector<1x1x16xf32>,
        %get3A_1034 = vector.shape_cast %get3A_1033 : vector<1x1x16xf32> to vector<16xf32>
        %add3A_1035 = arith.addf %add3A_947, %get3A_1034 : vector<16xf32>
        %mul3A_1036 = arith.constant 5 : i32
        %mul3A_1037 = arith.muli %scan3A_686, %mul3A_1036 : i32
        %add3A_1038 = arith.constant 3 : i32
        %add3A_1039 = arith.addi %mul3A_1037, %add3A_1038 : i32
        %get3A_1040 = arith.constant 6 : i32
        %get3A_1041 = arith.index_cast %get3A_1040 : i32 to index
        %get3A_1042 = arith.index_cast %add3A_1039 : i32 to index
        %get3A_1043 = arith.constant 112 : index
        %get3A_1044 = tpu.vector_load %arg7[%get3A_1041, %get3A_1042, %get3A_1043] {strides = array<i32>} : memref<8x50x128xf32, #tpu.memory_space<vmem>>, vector<1x1x16xf32>,
        %get3A_1045 = vector.shape_cast %get3A_1044 : vector<1x1x16xf32> to vector<16xf32>
        %add3A_1046 = arith.addf %add3A_958, %get3A_1045 : vector<16xf32>
        %mul3A_1047 = arith.constant 5 : i32
        %mul3A_1048 = arith.muli %scan3A_686, %mul3A_1047 : i32
        %add3A_1049 = arith.constant 4 : i32
        %add3A_1050 = arith.addi %mul3A_1048, %add3A_1049 : i32
        %get3A_1051 = arith.constant 6 : i32
        %get3A_1052 = arith.index_cast %get3A_1051 : i32 to index
        %get3A_1053 = arith.index_cast %add3A_1050 : i32 to index
        %get3A_1054 = arith.constant 0 : index
        %get3A_1055 = tpu.vector_load %arg7[%get3A_1052, %get3A_1053, %get3A_1054] {strides = array<i32>} : memref<8x50x128xf32, #tpu.memory_space<vmem>>, vector<1x1x16xf32>,
        %get3A_1056 = vector.shape_cast %get3A_1055 : vector<1x1x16xf32> to vector<16xf32>
        %add3A_1057 = arith.addf %add3A_969, %get3A_1056 : vector<16xf32>
        %mul3A_1058 = arith.constant 5 : i32
        %mul3A_1059 = arith.muli %scan3A_686, %mul3A_1058 : i32
        %add3A_1060 = arith.constant 4 : i32
        %add3A_1061 = arith.addi %mul3A_1059, %add3A_1060 : i32
        %get3A_1062 = arith.constant 6 : i32
        %get3A_1063 = arith.index_cast %get3A_1062 : i32 to index
        %get3A_1064 = arith.index_cast %add3A_1061 : i32 to index
        %get3A_1065 = arith.constant 16 : index
        %get3A_1066 = tpu.vector_load %arg7[%get3A_1063, %get3A_1064, %get3A_1065] {strides = array<i32>} : memref<8x50x128xf32, #tpu.memory_space<vmem>>, vector<1x1x16xf32>,
        %get3A_1067 = vector.shape_cast %get3A_1066 : vector<1x1x16xf32> to vector<16xf32>
        %add3A_1068 = arith.addf %add3A_980, %get3A_1067 : vector<16xf32>
        %mul3A_1069 = arith.constant 5 : i32
        %mul3A_1070 = arith.muli %scan3A_686, %mul3A_1069 : i32
        %add3A_1071 = arith.constant 4 : i32
        %add3A_1072 = arith.addi %mul3A_1070, %add3A_1071 : i32
        %get3A_1073 = arith.constant 6 : i32
        %get3A_1074 = arith.index_cast %get3A_1073 : i32 to index
        %get3A_1075 = arith.index_cast %add3A_1072 : i32 to index
        %get3A_1076 = arith.constant 32 : index
        %get3A_1077 = tpu.vector_load %arg7[%get3A_1074, %get3A_1075, %get3A_1076] {strides = array<i32>} : memref<8x50x128xf32, #tpu.memory_space<vmem>>, vector<1x1x16xf32>,
        %get3A_1078 = vector.shape_cast %get3A_1077 : vector<1x1x16xf32> to vector<16xf32>
        %add3A_1079 = arith.addf %add3A_991, %get3A_1078 : vector<16xf32>
        %mul3A_1080 = arith.constant 5 : i32
        %mul3A_1081 = arith.muli %scan3A_686, %mul3A_1080 : i32
        %add3A_1082 = arith.constant 4 : i32
        %add3A_1083 = arith.addi %mul3A_1081, %add3A_1082 : i32
        %get3A_1084 = arith.constant 6 : i32
        %get3A_1085 = arith.index_cast %get3A_1084 : i32 to index
        %get3A_1086 = arith.index_cast %add3A_1083 : i32 to index
        %get3A_1087 = arith.constant 48 : index
        %get3A_1088 = tpu.vector_load %arg7[%get3A_1085, %get3A_1086, %get3A_1087] {strides = array<i32>} : memref<8x50x128xf32, #tpu.memory_space<vmem>>, vector<1x1x16xf32>,
        %get3A_1089 = vector.shape_cast %get3A_1088 : vector<1x1x16xf32> to vector<16xf32>
        %add3A_1090 = arith.addf %add3A_1002, %get3A_1089 : vector<16xf32>
        %mul3A_1091 = arith.constant 5 : i32
        %mul3A_1092 = arith.muli %scan3A_686, %mul3A_1091 : i32
        %add3A_1093 = arith.constant 4 : i32
        %add3A_1094 = arith.addi %mul3A_1092, %add3A_1093 : i32
        %get3A_1095 = arith.constant 6 : i32
        %get3A_1096 = arith.index_cast %get3A_1095 : i32 to index
        %get3A_1097 = arith.index_cast %add3A_1094 : i32 to index
        %get3A_1098 = arith.constant 64 : index
        %get3A_1099 = tpu.vector_load %arg7[%get3A_1096, %get3A_1097, %get3A_1098] {strides = array<i32>} : memref<8x50x128xf32, #tpu.memory_space<vmem>>, vector<1x1x16xf32>,
        %get3A_1100 = vector.shape_cast %get3A_1099 : vector<1x1x16xf32> to vector<16xf32>
        %add3A_1101 = arith.addf %add3A_1013, %get3A_1100 : vector<16xf32>
        %mul3A_1102 = arith.constant 5 : i32
        %mul3A_1103 = arith.muli %scan3A_686, %mul3A_1102 : i32
        %add3A_1104 = arith.constant 4 : i32
        %add3A_1105 = arith.addi %mul3A_1103, %add3A_1104 : i32
        %get3A_1106 = arith.constant 6 : i32
        %get3A_1107 = arith.index_cast %get3A_1106 : i32 to index
        %get3A_1108 = arith.index_cast %add3A_1105 : i32 to index
        %get3A_1109 = arith.constant 80 : index
        %get3A_1110 = tpu.vector_load %arg7[%get3A_1107, %get3A_1108, %get3A_1109] {strides = array<i32>} : memref<8x50x128xf32, #tpu.memory_space<vmem>>, vector<1x1x16xf32>,
        %get3A_1111 = vector.shape_cast %get3A_1110 : vector<1x1x16xf32> to vector<16xf32>
        %add3A_1112 = arith.addf %add3A_1024, %get3A_1111 : vector<16xf32>
        %mul3A_1113 = arith.constant 5 : i32
        %mul3A_1114 = arith.muli %scan3A_686, %mul3A_1113 : i32
        %add3A_1115 = arith.constant 4 : i32
        %add3A_1116 = arith.addi %mul3A_1114, %add3A_1115 : i32
        %get3A_1117 = arith.constant 6 : i32
        %get3A_1118 = arith.index_cast %get3A_1117 : i32 to index
        %get3A_1119 = arith.index_cast %add3A_1116 : i32 to index
        %get3A_1120 = arith.constant 96 : index
        %get3A_1121 = tpu.vector_load %arg7[%get3A_1118, %get3A_1119, %get3A_1120] {strides = array<i32>} : memref<8x50x128xf32, #tpu.memory_space<vmem>>, vector<1x1x16xf32>,
        %get3A_1122 = vector.shape_cast %get3A_1121 : vector<1x1x16xf32> to vector<16xf32>
        %add3A_1123 = arith.addf %add3A_1035, %get3A_1122 : vector<16xf32>
        %mul3A_1124 = arith.constant 5 : i32
        %mul3A_1125 = arith.muli %scan3A_686, %mul3A_1124 : i32
        %add3A_1126 = arith.constant 4 : i32
        %add3A_1127 = arith.addi %mul3A_1125, %add3A_1126 : i32
        %get3A_1128 = arith.constant 6 : i32
        %get3A_1129 = arith.index_cast %get3A_1128 : i32 to index
        %get3A_1130 = arith.index_cast %add3A_1127 : i32 to index
        %get3A_1131 = arith.constant 112 : index
        %get3A_1132 = tpu.vector_load %arg7[%get3A_1129, %get3A_1130, %get3A_1131] {strides = array<i32>} : memref<8x50x128xf32, #tpu.memory_space<vmem>>, vector<1x1x16xf32>,
        %get3A_1133 = vector.shape_cast %get3A_1132 : vector<1x1x16xf32> to vector<16xf32>
        %add3A_1134 = arith.addf %add3A_1046, %get3A_1133 : vector<16xf32>
        scf.yield %add3A_1057, %add3A_1068, %add3A_1079, %add3A_1090, %add3A_1101, %add3A_1112, %add3A_1123, %add3A_1134 : vector<16xf32>, vector<16xf32>, vector<16xf32>, vector<16xf32>, vector<16xf32>, vector<16xf32>, vector<16xf32>, vector<16xf32>
      }
      %scan3A_575 = arith.constant 10 : i32
      %swap3A_576 = arith.index_cast %add3A_549 : i32 to index
      %swap3A_577 = arith.constant 0 : index
      %swap3A_578 = tpu.vector_load %arg8[%swap3A_576, %swap3A_577] {strides = array<i32>} : memref<128x128xf32, #tpu.memory_space<vmem>>, vector<1x16xf32>,
      %swap3A_579 = vector.shape_cast %swap3A_578 : vector<1x16xf32> to vector<16xf32>
      %swap3A_580 = vector.shape_cast %scan3A_574#0 : vector<16xf32> to vector<1x16xf32>
      tpu.vector_store %arg8[%swap3A_576, %swap3A_577], %swap3A_580 {strides = array<i32>} : memref<128x128xf32, #tpu.memory_space<vmem>>, vector<1x16xf32>,
      %swap3A_581 = arith.index_cast %add3A_549 : i32 to index
      %swap3A_582 = arith.constant 16 : index
      %swap3A_583 = tpu.vector_load %arg8[%swap3A_581, %swap3A_582] {strides = array<i32>} : memref<128x128xf32, #tpu.memory_space<vmem>>, vector<1x16xf32>,
      %swap3A_584 = vector.shape_cast %swap3A_583 : vector<1x16xf32> to vector<16xf32>
      %swap3A_585 = vector.shape_cast %scan3A_574#1 : vector<16xf32> to vector<1x16xf32>
      tpu.vector_store %arg8[%swap3A_581, %swap3A_582], %swap3A_585 {strides = array<i32>} : memref<128x128xf32, #tpu.memory_space<vmem>>, vector<1x16xf32>,
      %swap3A_586 = arith.index_cast %add3A_549 : i32 to index
      %swap3A_587 = arith.constant 32 : index
      %swap3A_588 = tpu.vector_load %arg8[%swap3A_586, %swap3A_587] {strides = array<i32>} : memref<128x128xf32, #tpu.memory_space<vmem>>, vector<1x16xf32>,
      %swap3A_589 = vector.shape_cast %swap3A_588 : vector<1x16xf32> to vector<16xf32>
      %swap3A_590 = vector.shape_cast %scan3A_574#2 : vector<16xf32> to vector<1x16xf32>
      tpu.vector_store %arg8[%swap3A_586, %swap3A_587], %swap3A_590 {strides = array<i32>} : memref<128x128xf32, #tpu.memory_space<vmem>>, vector<1x16xf32>,
      %swap3A_591 = arith.index_cast %add3A_549 : i32 to index
      %swap3A_592 = arith.constant 48 : index
      %swap3A_593 = tpu.vector_load %arg8[%swap3A_591, %swap3A_592] {strides = array<i32>} : memref<128x128xf32, #tpu.memory_space<vmem>>, vector<1x16xf32>,
      %swap3A_594 = vector.shape_cast %swap3A_593 : vector<1x16xf32> to vector<16xf32>
      %swap3A_595 = vector.shape_cast %scan3A_574#3 : vector<16xf32> to vector<1x16xf32>
      tpu.vector_store %arg8[%swap3A_591, %swap3A_592], %swap3A_595 {strides = array<i32>} : memref<128x128xf32, #tpu.memory_space<vmem>>, vector<1x16xf32>,
      %swap3A_596 = arith.index_cast %add3A_549 : i32 to index
      %swap3A_597 = arith.constant 64 : index
      %swap3A_598 = tpu.vector_load %arg8[%swap3A_596, %swap3A_597] {strides = array<i32>} : memref<128x128xf32, #tpu.memory_space<vmem>>, vector<1x16xf32>,
      %swap3A_599 = vector.shape_cast %swap3A_598 : vector<1x16xf32> to vector<16xf32>
      %swap3A_600 = vector.shape_cast %scan3A_574#4 : vector<16xf32> to vector<1x16xf32>
      tpu.vector_store %arg8[%swap3A_596, %swap3A_597], %swap3A_600 {strides = array<i32>} : memref<128x128xf32, #tpu.memory_space<vmem>>, vector<1x16xf32>,
      %swap3A_601 = arith.index_cast %add3A_549 : i32 to index
      %swap3A_602 = arith.constant 80 : index
      %swap3A_603 = tpu.vector_load %arg8[%swap3A_601, %swap3A_602] {strides = array<i32>} : memref<128x128xf32, #tpu.memory_space<vmem>>, vector<1x16xf32>,
      %swap3A_604 = vector.shape_cast %swap3A_603 : vector<1x16xf32> to vector<16xf32>
      %swap3A_605 = vector.shape_cast %scan3A_574#5 : vector<16xf32> to vector<1x16xf32>
      tpu.vector_store %arg8[%swap3A_601, %swap3A_602], %swap3A_605 {strides = array<i32>} : memref<128x128xf32, #tpu.memory_space<vmem>>, vector<1x16xf32>,
      %swap3A_606 = arith.index_cast %add3A_549 : i32 to index
      %swap3A_607 = arith.constant 96 : index
      %swap3A_608 = tpu.vector_load %arg8[%swap3A_606, %swap3A_607] {strides = array<i32>} : memref<128x128xf32, #tpu.memory_space<vmem>>, vector<1x16xf32>,
      %swap3A_609 = vector.shape_cast %swap3A_608 : vector<1x16xf32> to vector<16xf32>
      %swap3A_610 = vector.shape_cast %scan3A_574#6 : vector<16xf32> to vector<1x16xf32>
      tpu.vector_store %arg8[%swap3A_606, %swap3A_607], %swap3A_610 {strides = array<i32>} : memref<128x128xf32, #tpu.memory_space<vmem>>, vector<1x16xf32>,
      %swap3A_611 = arith.index_cast %add3A_549 : i32 to index
      %swap3A_612 = arith.constant 112 : index
      %swap3A_613 = tpu.vector_load %arg8[%swap3A_611, %swap3A_612] {strides = array<i32>} : memref<128x128xf32, #tpu.memory_space<vmem>>, vector<1x16xf32>,
      %swap3A_614 = vector.shape_cast %swap3A_613 : vector<1x16xf32> to vector<16xf32>
      %swap3A_615 = vector.shape_cast %scan3A_574#7 : vector<16xf32> to vector<1x16xf32>
      tpu.vector_store %arg8[%swap3A_611, %swap3A_612], %swap3A_615 {strides = array<i32>} : memref<128x128xf32, #tpu.memory_space<vmem>>, vector<1x16xf32>,
      %mul3A_616 = arith.constant 8 : i32
      %mul3A_617 = arith.muli %mul3A_616, %scan3A_130 : i32
      %add3A_618 = arith.constant 7 : i32
      %add3A_619 = arith.addi %mul3A_617, %add3A_618 : i32
      %dma_wait3A_620 = arith.constant 7 : i32
      %dma_wait3A_621 = arith.constant 0 : i32
      %dma_wait3A_622 = arith.constant 0 : i32
      %dma_wait3A_623 = tpu.memref_slice %arg7[%dma_wait3A_620, %dma_wait3A_621, %dma_wait3A_622] : memref<8x50x128xf32, #tpu.memory_space<vmem>> -> memref<1x50x128xf32, #tpu.memory_space<vmem>>
      %dma_wait3A_624 = tpu.memref_squeeze %dma_wait3A_623 : memref<1x50x128xf32, #tpu.memory_space<vmem>> -> memref<50x128xf32, #tpu.memory_space<vmem>>
      %dma_wait3A_625 = arith.constant 0 : i32
      %dma_wait3A_626 = tpu.memref_slice %arg6[%add3A_619, %dma_wait3A_625] : memref<128x50xi32, #tpu.memory_space<vmem>> -> memref<1x50xi32, #tpu.memory_space<vmem>>
      %dma_wait3A_627 = tpu.memref_squeeze %dma_wait3A_626 : memref<1x50xi32, #tpu.memory_space<vmem>> -> memref<50xi32, #tpu.memory_space<vmem>>
      %dma_wait3A_628 = arith.constant 0 : i32
      %dma_wait3A_629 = arith.constant 0 : i32
      %dma_wait3A_630 = tpu.memref_slice %arg3[%dma_wait3A_628, %dma_wait3A_629] : memref<100000x128xf32, #tpu.memory_space<hbm>> -> memref<100000x128xf32, #tpu.memory_space<hbm>>
      tpu.wait_indirect_dma semaphore(%arg17 : memref<!tpu.dma_semaphore, #tpu.memory_space<semaphore_mem>>) src(%dma_wait3A_630 : memref<100000x128xf32, #tpu.memory_space<hbm>>) dst(%dma_wait3A_624 : memref<50x128xf32, #tpu.memory_space<vmem>>)
      %add3A_631 = arith.constant 8 : i32
      %add3A_632 = arith.addi %add3A_619, %add3A_631 : i32
      %sub3A_633 = arith.constant 1 : i32
      %sub3A_634 = arith.subi %add3A_632, %sub3A_633 : i32
      %lt3A_635 = arith.constant 128 : i32
      %lt3A_636 = arith.cmpi slt, %sub3A_634, %lt3A_635 : i32
      %convert_element_type3A_637 = arith.extui %lt3A_636 : i1 to i32
      %cond3A_638 = arith.constant 0 : i32
      %cond3A_639 = arith.cmpi ne, %convert_element_type3A_637, %cond3A_638 : i32
      scf.if %cond3A_639 {
        %add3A_686 = arith.constant 8 : i32
        %add3A_687 = arith.addi %add3A_619, %add3A_686 : i32
        %sub3A_688 = arith.constant 1 : i32
        %sub3A_689 = arith.subi %add3A_687, %sub3A_688 : i32
        %dma_start3A_690 = arith.constant 6 : i32
        %dma_start3A_691 = arith.constant 0 : i32
        %dma_start3A_692 = arith.constant 0 : i32
        %dma_start3A_693 = tpu.memref_slice %arg7[%dma_start3A_690, %dma_start3A_691, %dma_start3A_692] : memref<8x50x128xf32, #tpu.memory_space<vmem>> -> memref<1x50x128xf32, #tpu.memory_space<vmem>>
        %dma_start3A_694 = tpu.memref_squeeze %dma_start3A_693 : memref<1x50x128xf32, #tpu.memory_space<vmem>> -> memref<50x128xf32, #tpu.memory_space<vmem>>
        %dma_start3A_695 = arith.constant 0 : i32
        %dma_start3A_696 = tpu.memref_slice %arg6[%sub3A_689, %dma_start3A_695] : memref<128x50xi32, #tpu.memory_space<vmem>> -> memref<1x50xi32, #tpu.memory_space<vmem>>
        %dma_start3A_697 = tpu.memref_squeeze %dma_start3A_696 : memref<1x50xi32, #tpu.memory_space<vmem>> -> memref<50xi32, #tpu.memory_space<vmem>>
        %dma_start3A_698 = arith.constant 0 : i32
        %dma_start3A_699 = arith.constant 0 : i32
        %dma_start3A_700 = tpu.memref_slice %arg3[%dma_start3A_698, %dma_start3A_699] : memref<100000x128xf32, #tpu.memory_space<hbm>> -> memref<100000x128xf32, #tpu.memory_space<hbm>>
        tpu.enqueue_indirect_dma source(%dma_start3A_700 : memref<100000x128xf32, #tpu.memory_space<hbm>>) target(%dma_start3A_694 : memref<50x128xf32, #tpu.memory_space<vmem>>) offsets(%dma_start3A_697 : memref<50xi32, #tpu.memory_space<vmem>>) semaphore(%arg16 : memref<!tpu.dma_semaphore, #tpu.memory_space<semaphore_mem>>)
      } else {
      }
      %scan3A_640 = arith.constant 0 : i32
      %scan3A_641 = arith.constant 10 : i32
      %scan3A_642 = arith.addi %scan3A_640, %scan3A_641 : i32
      %scan3A_643 = arith.constant 1 : i32
      %scan3A_644:8 = scf.for %scan3A_686 = %scan3A_640 to %scan3A_642 step %scan3A_643 iter_args(%scan3A_687 = %get3A_94, %scan3A_688 = %get3A_97, %scan3A_689 = %get3A_100, %scan3A_690 = %get3A_103, %scan3A_691 = %get3A_106, %scan3A_692 = %get3A_109, %scan3A_693 = %get3A_112, %scan3A_694 = %get3A_115) -> (vector<16xf32>, vector<16xf32>, vector<16xf32>, vector<16xf32>, vector<16xf32>, vector<16xf32>, vector<16xf32>, vector<16xf32>)  : i32 {
        %mul3A_695 = arith.constant 5 : i32
        %mul3A_696 = arith.muli %scan3A_686, %mul3A_695 : i32
        %add3A_697 = arith.constant 0 : i32
        %add3A_698 = arith.addi %mul3A_696, %add3A_697 : i32
        %get3A_699 = arith.constant 7 : i32
        %get3A_700 = arith.index_cast %get3A_699 : i32 to index
        %get3A_701 = arith.index_cast %add3A_698 : i32 to index
        %get3A_702 = arith.constant 0 : index
        %get3A_703 = tpu.vector_load %arg7[%get3A_700, %get3A_701, %get3A_702] {strides = array<i32>} : memref<8x50x128xf32, #tpu.memory_space<vmem>>, vector<1x1x16xf32>,
        %get3A_704 = vector.shape_cast %get3A_703 : vector<1x1x16xf32> to vector<16xf32>
        %add3A_705 = arith.addf %scan3A_687, %get3A_704 : vector<16xf32>
        %mul3A_706 = arith.constant 5 : i32
        %mul3A_707 = arith.muli %scan3A_686, %mul3A_706 : i32
        %add3A_708 = arith.constant 0 : i32
        %add3A_709 = arith.addi %mul3A_707, %add3A_708 : i32
        %get3A_710 = arith.constant 7 : i32
        %get3A_711 = arith.index_cast %get3A_710 : i32 to index
        %get3A_712 = arith.index_cast %add3A_709 : i32 to index
        %get3A_713 = arith.constant 16 : index
        %get3A_714 = tpu.vector_load %arg7[%get3A_711, %get3A_712, %get3A_713] {strides = array<i32>} : memref<8x50x128xf32, #tpu.memory_space<vmem>>, vector<1x1x16xf32>,
        %get3A_715 = vector.shape_cast %get3A_714 : vector<1x1x16xf32> to vector<16xf32>
        %add3A_716 = arith.addf %scan3A_688, %get3A_715 : vector<16xf32>
        %mul3A_717 = arith.constant 5 : i32
        %mul3A_718 = arith.muli %scan3A_686, %mul3A_717 : i32
        %add3A_719 = arith.constant 0 : i32
        %add3A_720 = arith.addi %mul3A_718, %add3A_719 : i32
        %get3A_721 = arith.constant 7 : i32
        %get3A_722 = arith.index_cast %get3A_721 : i32 to index
        %get3A_723 = arith.index_cast %add3A_720 : i32 to index
        %get3A_724 = arith.constant 32 : index
        %get3A_725 = tpu.vector_load %arg7[%get3A_722, %get3A_723, %get3A_724] {strides = array<i32>} : memref<8x50x128xf32, #tpu.memory_space<vmem>>, vector<1x1x16xf32>,
        %get3A_726 = vector.shape_cast %get3A_725 : vector<1x1x16xf32> to vector<16xf32>
        %add3A_727 = arith.addf %scan3A_689, %get3A_726 : vector<16xf32>
        %mul3A_728 = arith.constant 5 : i32
        %mul3A_729 = arith.muli %scan3A_686, %mul3A_728 : i32
        %add3A_730 = arith.constant 0 : i32
        %add3A_731 = arith.addi %mul3A_729, %add3A_730 : i32
        %get3A_732 = arith.constant 7 : i32
        %get3A_733 = arith.index_cast %get3A_732 : i32 to index
        %get3A_734 = arith.index_cast %add3A_731 : i32 to index
        %get3A_735 = arith.constant 48 : index
        %get3A_736 = tpu.vector_load %arg7[%get3A_733, %get3A_734, %get3A_735] {strides = array<i32>} : memref<8x50x128xf32, #tpu.memory_space<vmem>>, vector<1x1x16xf32>,
        %get3A_737 = vector.shape_cast %get3A_736 : vector<1x1x16xf32> to vector<16xf32>
        %add3A_738 = arith.addf %scan3A_690, %get3A_737 : vector<16xf32>
        %mul3A_739 = arith.constant 5 : i32
        %mul3A_740 = arith.muli %scan3A_686, %mul3A_739 : i32
        %add3A_741 = arith.constant 0 : i32
        %add3A_742 = arith.addi %mul3A_740, %add3A_741 : i32
        %get3A_743 = arith.constant 7 : i32
        %get3A_744 = arith.index_cast %get3A_743 : i32 to index
        %get3A_745 = arith.index_cast %add3A_742 : i32 to index
        %get3A_746 = arith.constant 64 : index
        %get3A_747 = tpu.vector_load %arg7[%get3A_744, %get3A_745, %get3A_746] {strides = array<i32>} : memref<8x50x128xf32, #tpu.memory_space<vmem>>, vector<1x1x16xf32>,
        %get3A_748 = vector.shape_cast %get3A_747 : vector<1x1x16xf32> to vector<16xf32>
        %add3A_749 = arith.addf %scan3A_691, %get3A_748 : vector<16xf32>
        %mul3A_750 = arith.constant 5 : i32
        %mul3A_751 = arith.muli %scan3A_686, %mul3A_750 : i32
        %add3A_752 = arith.constant 0 : i32
        %add3A_753 = arith.addi %mul3A_751, %add3A_752 : i32
        %get3A_754 = arith.constant 7 : i32
        %get3A_755 = arith.index_cast %get3A_754 : i32 to index
        %get3A_756 = arith.index_cast %add3A_753 : i32 to index
        %get3A_757 = arith.constant 80 : index
        %get3A_758 = tpu.vector_load %arg7[%get3A_755, %get3A_756, %get3A_757] {strides = array<i32>} : memref<8x50x128xf32, #tpu.memory_space<vmem>>, vector<1x1x16xf32>,
        %get3A_759 = vector.shape_cast %get3A_758 : vector<1x1x16xf32> to vector<16xf32>
        %add3A_760 = arith.addf %scan3A_692, %get3A_759 : vector<16xf32>
        %mul3A_761 = arith.constant 5 : i32
        %mul3A_762 = arith.muli %scan3A_686, %mul3A_761 : i32
        %add3A_763 = arith.constant 0 : i32
        %add3A_764 = arith.addi %mul3A_762, %add3A_763 : i32
        %get3A_765 = arith.constant 7 : i32
        %get3A_766 = arith.index_cast %get3A_765 : i32 to index
        %get3A_767 = arith.index_cast %add3A_764 : i32 to index
        %get3A_768 = arith.constant 96 : index
        %get3A_769 = tpu.vector_load %arg7[%get3A_766, %get3A_767, %get3A_768] {strides = array<i32>} : memref<8x50x128xf32, #tpu.memory_space<vmem>>, vector<1x1x16xf32>,
        %get3A_770 = vector.shape_cast %get3A_769 : vector<1x1x16xf32> to vector<16xf32>
        %add3A_771 = arith.addf %scan3A_693, %get3A_770 : vector<16xf32>
        %mul3A_772 = arith.constant 5 : i32
        %mul3A_773 = arith.muli %scan3A_686, %mul3A_772 : i32
        %add3A_774 = arith.constant 0 : i32
        %add3A_775 = arith.addi %mul3A_773, %add3A_774 : i32
        %get3A_776 = arith.constant 7 : i32
        %get3A_777 = arith.index_cast %get3A_776 : i32 to index
        %get3A_778 = arith.index_cast %add3A_775 : i32 to index
        %get3A_779 = arith.constant 112 : index
        %get3A_780 = tpu.vector_load %arg7[%get3A_777, %get3A_778, %get3A_779] {strides = array<i32>} : memref<8x50x128xf32, #tpu.memory_space<vmem>>, vector<1x1x16xf32>,
        %get3A_781 = vector.shape_cast %get3A_780 : vector<1x1x16xf32> to vector<16xf32>
        %add3A_782 = arith.addf %scan3A_694, %get3A_781 : vector<16xf32>
        %mul3A_783 = arith.constant 5 : i32
        %mul3A_784 = arith.muli %scan3A_686, %mul3A_783 : i32
        %add3A_785 = arith.constant 1 : i32
        %add3A_786 = arith.addi %mul3A_784, %add3A_785 : i32
        %get3A_787 = arith.constant 7 : i32
        %get3A_788 = arith.index_cast %get3A_787 : i32 to index
        %get3A_789 = arith.index_cast %add3A_786 : i32 to index
        %get3A_790 = arith.constant 0 : index
        %get3A_791 = tpu.vector_load %arg7[%get3A_788, %get3A_789, %get3A_790] {strides = array<i32>} : memref<8x50x128xf32, #tpu.memory_space<vmem>>, vector<1x1x16xf32>,
        %get3A_792 = vector.shape_cast %get3A_791 : vector<1x1x16xf32> to vector<16xf32>
        %add3A_793 = arith.addf %add3A_705, %get3A_792 : vector<16xf32>
        %mul3A_794 = arith.constant 5 : i32
        %mul3A_795 = arith.muli %scan3A_686, %mul3A_794 : i32
        %add3A_796 = arith.constant 1 : i32
        %add3A_797 = arith.addi %mul3A_795, %add3A_796 : i32
        %get3A_798 = arith.constant 7 : i32
        %get3A_799 = arith.index_cast %get3A_798 : i32 to index
        %get3A_800 = arith.index_cast %add3A_797 : i32 to index
        %get3A_801 = arith.constant 16 : index
        %get3A_802 = tpu.vector_load %arg7[%get3A_799, %get3A_800, %get3A_801] {strides = array<i32>} : memref<8x50x128xf32, #tpu.memory_space<vmem>>, vector<1x1x16xf32>,
        %get3A_803 = vector.shape_cast %get3A_802 : vector<1x1x16xf32> to vector<16xf32>
        %add3A_804 = arith.addf %add3A_716, %get3A_803 : vector<16xf32>
        %mul3A_805 = arith.constant 5 : i32
        %mul3A_806 = arith.muli %scan3A_686, %mul3A_805 : i32
        %add3A_807 = arith.constant 1 : i32
        %add3A_808 = arith.addi %mul3A_806, %add3A_807 : i32
        %get3A_809 = arith.constant 7 : i32
        %get3A_810 = arith.index_cast %get3A_809 : i32 to index
        %get3A_811 = arith.index_cast %add3A_808 : i32 to index
        %get3A_812 = arith.constant 32 : index
        %get3A_813 = tpu.vector_load %arg7[%get3A_810, %get3A_811, %get3A_812] {strides = array<i32>} : memref<8x50x128xf32, #tpu.memory_space<vmem>>, vector<1x1x16xf32>,
        %get3A_814 = vector.shape_cast %get3A_813 : vector<1x1x16xf32> to vector<16xf32>
        %add3A_815 = arith.addf %add3A_727, %get3A_814 : vector<16xf32>
        %mul3A_816 = arith.constant 5 : i32
        %mul3A_817 = arith.muli %scan3A_686, %mul3A_816 : i32
        %add3A_818 = arith.constant 1 : i32
        %add3A_819 = arith.addi %mul3A_817, %add3A_818 : i32
        %get3A_820 = arith.constant 7 : i32
        %get3A_821 = arith.index_cast %get3A_820 : i32 to index
        %get3A_822 = arith.index_cast %add3A_819 : i32 to index
        %get3A_823 = arith.constant 48 : index
        %get3A_824 = tpu.vector_load %arg7[%get3A_821, %get3A_822, %get3A_823] {strides = array<i32>} : memref<8x50x128xf32, #tpu.memory_space<vmem>>, vector<1x1x16xf32>,
        %get3A_825 = vector.shape_cast %get3A_824 : vector<1x1x16xf32> to vector<16xf32>
        %add3A_826 = arith.addf %add3A_738, %get3A_825 : vector<16xf32>
        %mul3A_827 = arith.constant 5 : i32
        %mul3A_828 = arith.muli %scan3A_686, %mul3A_827 : i32
        %add3A_829 = arith.constant 1 : i32
        %add3A_830 = arith.addi %mul3A_828, %add3A_829 : i32
        %get3A_831 = arith.constant 7 : i32
        %get3A_832 = arith.index_cast %get3A_831 : i32 to index
        %get3A_833 = arith.index_cast %add3A_830 : i32 to index
        %get3A_834 = arith.constant 64 : index
        %get3A_835 = tpu.vector_load %arg7[%get3A_832, %get3A_833, %get3A_834] {strides = array<i32>} : memref<8x50x128xf32, #tpu.memory_space<vmem>>, vector<1x1x16xf32>,
        %get3A_836 = vector.shape_cast %get3A_835 : vector<1x1x16xf32> to vector<16xf32>
        %add3A_837 = arith.addf %add3A_749, %get3A_836 : vector<16xf32>
        %mul3A_838 = arith.constant 5 : i32
        %mul3A_839 = arith.muli %scan3A_686, %mul3A_838 : i32
        %add3A_840 = arith.constant 1 : i32
        %add3A_841 = arith.addi %mul3A_839, %add3A_840 : i32
        %get3A_842 = arith.constant 7 : i32
        %get3A_843 = arith.index_cast %get3A_842 : i32 to index
        %get3A_844 = arith.index_cast %add3A_841 : i32 to index
        %get3A_845 = arith.constant 80 : index
        %get3A_846 = tpu.vector_load %arg7[%get3A_843, %get3A_844, %get3A_845] {strides = array<i32>} : memref<8x50x128xf32, #tpu.memory_space<vmem>>, vector<1x1x16xf32>,
        %get3A_847 = vector.shape_cast %get3A_846 : vector<1x1x16xf32> to vector<16xf32>
        %add3A_848 = arith.addf %add3A_760, %get3A_847 : vector<16xf32>
        %mul3A_849 = arith.constant 5 : i32
        %mul3A_850 = arith.muli %scan3A_686, %mul3A_849 : i32
        %add3A_851 = arith.constant 1 : i32
        %add3A_852 = arith.addi %mul3A_850, %add3A_851 : i32
        %get3A_853 = arith.constant 7 : i32
        %get3A_854 = arith.index_cast %get3A_853 : i32 to index
        %get3A_855 = arith.index_cast %add3A_852 : i32 to index
        %get3A_856 = arith.constant 96 : index
        %get3A_857 = tpu.vector_load %arg7[%get3A_854, %get3A_855, %get3A_856] {strides = array<i32>} : memref<8x50x128xf32, #tpu.memory_space<vmem>>, vector<1x1x16xf32>,
        %get3A_858 = vector.shape_cast %get3A_857 : vector<1x1x16xf32> to vector<16xf32>
        %add3A_859 = arith.addf %add3A_771, %get3A_858 : vector<16xf32>
        %mul3A_860 = arith.constant 5 : i32
        %mul3A_861 = arith.muli %scan3A_686, %mul3A_860 : i32
        %add3A_862 = arith.constant 1 : i32
        %add3A_863 = arith.addi %mul3A_861, %add3A_862 : i32
        %get3A_864 = arith.constant 7 : i32
        %get3A_865 = arith.index_cast %get3A_864 : i32 to index
        %get3A_866 = arith.index_cast %add3A_863 : i32 to index
        %get3A_867 = arith.constant 112 : index
        %get3A_868 = tpu.vector_load %arg7[%get3A_865, %get3A_866, %get3A_867] {strides = array<i32>} : memref<8x50x128xf32, #tpu.memory_space<vmem>>, vector<1x1x16xf32>,
        %get3A_869 = vector.shape_cast %get3A_868 : vector<1x1x16xf32> to vector<16xf32>
        %add3A_870 = arith.addf %add3A_782, %get3A_869 : vector<16xf32>
        %mul3A_871 = arith.constant 5 : i32
        %mul3A_872 = arith.muli %scan3A_686, %mul3A_871 : i32
        %add3A_873 = arith.constant 2 : i32
        %add3A_874 = arith.addi %mul3A_872, %add3A_873 : i32
        %get3A_875 = arith.constant 7 : i32
        %get3A_876 = arith.index_cast %get3A_875 : i32 to index
        %get3A_877 = arith.index_cast %add3A_874 : i32 to index
        %get3A_878 = arith.constant 0 : index
        %get3A_879 = tpu.vector_load %arg7[%get3A_876, %get3A_877, %get3A_878] {strides = array<i32>} : memref<8x50x128xf32, #tpu.memory_space<vmem>>, vector<1x1x16xf32>,
        %get3A_880 = vector.shape_cast %get3A_879 : vector<1x1x16xf32> to vector<16xf32>
        %add3A_881 = arith.addf %add3A_793, %get3A_880 : vector<16xf32>
        %mul3A_882 = arith.constant 5 : i32
        %mul3A_883 = arith.muli %scan3A_686, %mul3A_882 : i32
        %add3A_884 = arith.constant 2 : i32
        %add3A_885 = arith.addi %mul3A_883, %add3A_884 : i32
        %get3A_886 = arith.constant 7 : i32
        %get3A_887 = arith.index_cast %get3A_886 : i32 to index
        %get3A_888 = arith.index_cast %add3A_885 : i32 to index
        %get3A_889 = arith.constant 16 : index
        %get3A_890 = tpu.vector_load %arg7[%get3A_887, %get3A_888, %get3A_889] {strides = array<i32>} : memref<8x50x128xf32, #tpu.memory_space<vmem>>, vector<1x1x16xf32>,
        %get3A_891 = vector.shape_cast %get3A_890 : vector<1x1x16xf32> to vector<16xf32>
        %add3A_892 = arith.addf %add3A_804, %get3A_891 : vector<16xf32>
        %mul3A_893 = arith.constant 5 : i32
        %mul3A_894 = arith.muli %scan3A_686, %mul3A_893 : i32
        %add3A_895 = arith.constant 2 : i32
        %add3A_896 = arith.addi %mul3A_894, %add3A_895 : i32
        %get3A_897 = arith.constant 7 : i32
        %get3A_898 = arith.index_cast %get3A_897 : i32 to index
        %get3A_899 = arith.index_cast %add3A_896 : i32 to index
        %get3A_900 = arith.constant 32 : index
        %get3A_901 = tpu.vector_load %arg7[%get3A_898, %get3A_899, %get3A_900] {strides = array<i32>} : memref<8x50x128xf32, #tpu.memory_space<vmem>>, vector<1x1x16xf32>,
        %get3A_902 = vector.shape_cast %get3A_901 : vector<1x1x16xf32> to vector<16xf32>
        %add3A_903 = arith.addf %add3A_815, %get3A_902 : vector<16xf32>
        %mul3A_904 = arith.constant 5 : i32
        %mul3A_905 = arith.muli %scan3A_686, %mul3A_904 : i32
        %add3A_906 = arith.constant 2 : i32
        %add3A_907 = arith.addi %mul3A_905, %add3A_906 : i32
        %get3A_908 = arith.constant 7 : i32
        %get3A_909 = arith.index_cast %get3A_908 : i32 to index
        %get3A_910 = arith.index_cast %add3A_907 : i32 to index
        %get3A_911 = arith.constant 48 : index
        %get3A_912 = tpu.vector_load %arg7[%get3A_909, %get3A_910, %get3A_911] {strides = array<i32>} : memref<8x50x128xf32, #tpu.memory_space<vmem>>, vector<1x1x16xf32>,
        %get3A_913 = vector.shape_cast %get3A_912 : vector<1x1x16xf32> to vector<16xf32>
        %add3A_914 = arith.addf %add3A_826, %get3A_913 : vector<16xf32>
        %mul3A_915 = arith.constant 5 : i32
        %mul3A_916 = arith.muli %scan3A_686, %mul3A_915 : i32
        %add3A_917 = arith.constant 2 : i32
        %add3A_918 = arith.addi %mul3A_916, %add3A_917 : i32
        %get3A_919 = arith.constant 7 : i32
        %get3A_920 = arith.index_cast %get3A_919 : i32 to index
        %get3A_921 = arith.index_cast %add3A_918 : i32 to index
        %get3A_922 = arith.constant 64 : index
        %get3A_923 = tpu.vector_load %arg7[%get3A_920, %get3A_921, %get3A_922] {strides = array<i32>} : memref<8x50x128xf32, #tpu.memory_space<vmem>>, vector<1x1x16xf32>,
        %get3A_924 = vector.shape_cast %get3A_923 : vector<1x1x16xf32> to vector<16xf32>
        %add3A_925 = arith.addf %add3A_837, %get3A_924 : vector<16xf32>
        %mul3A_926 = arith.constant 5 : i32
        %mul3A_927 = arith.muli %scan3A_686, %mul3A_926 : i32
        %add3A_928 = arith.constant 2 : i32
        %add3A_929 = arith.addi %mul3A_927, %add3A_928 : i32
        %get3A_930 = arith.constant 7 : i32
        %get3A_931 = arith.index_cast %get3A_930 : i32 to index
        %get3A_932 = arith.index_cast %add3A_929 : i32 to index
        %get3A_933 = arith.constant 80 : index
        %get3A_934 = tpu.vector_load %arg7[%get3A_931, %get3A_932, %get3A_933] {strides = array<i32>} : memref<8x50x128xf32, #tpu.memory_space<vmem>>, vector<1x1x16xf32>,
        %get3A_935 = vector.shape_cast %get3A_934 : vector<1x1x16xf32> to vector<16xf32>
        %add3A_936 = arith.addf %add3A_848, %get3A_935 : vector<16xf32>
        %mul3A_937 = arith.constant 5 : i32
        %mul3A_938 = arith.muli %scan3A_686, %mul3A_937 : i32
        %add3A_939 = arith.constant 2 : i32
        %add3A_940 = arith.addi %mul3A_938, %add3A_939 : i32
        %get3A_941 = arith.constant 7 : i32
        %get3A_942 = arith.index_cast %get3A_941 : i32 to index
        %get3A_943 = arith.index_cast %add3A_940 : i32 to index
        %get3A_944 = arith.constant 96 : index
        %get3A_945 = tpu.vector_load %arg7[%get3A_942, %get3A_943, %get3A_944] {strides = array<i32>} : memref<8x50x128xf32, #tpu.memory_space<vmem>>, vector<1x1x16xf32>,
        %get3A_946 = vector.shape_cast %get3A_945 : vector<1x1x16xf32> to vector<16xf32>
        %add3A_947 = arith.addf %add3A_859, %get3A_946 : vector<16xf32>
        %mul3A_948 = arith.constant 5 : i32
        %mul3A_949 = arith.muli %scan3A_686, %mul3A_948 : i32
        %add3A_950 = arith.constant 2 : i32
        %add3A_951 = arith.addi %mul3A_949, %add3A_950 : i32
        %get3A_952 = arith.constant 7 : i32
        %get3A_953 = arith.index_cast %get3A_952 : i32 to index
        %get3A_954 = arith.index_cast %add3A_951 : i32 to index
        %get3A_955 = arith.constant 112 : index
        %get3A_956 = tpu.vector_load %arg7[%get3A_953, %get3A_954, %get3A_955] {strides = array<i32>} : memref<8x50x128xf32, #tpu.memory_space<vmem>>, vector<1x1x16xf32>,
        %get3A_957 = vector.shape_cast %get3A_956 : vector<1x1x16xf32> to vector<16xf32>
        %add3A_958 = arith.addf %add3A_870, %get3A_957 : vector<16xf32>
        %mul3A_959 = arith.constant 5 : i32
        %mul3A_960 = arith.muli %scan3A_686, %mul3A_959 : i32
        %add3A_961 = arith.constant 3 : i32
        %add3A_962 = arith.addi %mul3A_960, %add3A_961 : i32
        %get3A_963 = arith.constant 7 : i32
        %get3A_964 = arith.index_cast %get3A_963 : i32 to index
        %get3A_965 = arith.index_cast %add3A_962 : i32 to index
        %get3A_966 = arith.constant 0 : index
        %get3A_967 = tpu.vector_load %arg7[%get3A_964, %get3A_965, %get3A_966] {strides = array<i32>} : memref<8x50x128xf32, #tpu.memory_space<vmem>>, vector<1x1x16xf32>,
        %get3A_968 = vector.shape_cast %get3A_967 : vector<1x1x16xf32> to vector<16xf32>
        %add3A_969 = arith.addf %add3A_881, %get3A_968 : vector<16xf32>
        %mul3A_970 = arith.constant 5 : i32
        %mul3A_971 = arith.muli %scan3A_686, %mul3A_970 : i32
        %add3A_972 = arith.constant 3 : i32
        %add3A_973 = arith.addi %mul3A_971, %add3A_972 : i32
        %get3A_974 = arith.constant 7 : i32
        %get3A_975 = arith.index_cast %get3A_974 : i32 to index
        %get3A_976 = arith.index_cast %add3A_973 : i32 to index
        %get3A_977 = arith.constant 16 : index
        %get3A_978 = tpu.vector_load %arg7[%get3A_975, %get3A_976, %get3A_977] {strides = array<i32>} : memref<8x50x128xf32, #tpu.memory_space<vmem>>, vector<1x1x16xf32>,
        %get3A_979 = vector.shape_cast %get3A_978 : vector<1x1x16xf32> to vector<16xf32>
        %add3A_980 = arith.addf %add3A_892, %get3A_979 : vector<16xf32>
        %mul3A_981 = arith.constant 5 : i32
        %mul3A_982 = arith.muli %scan3A_686, %mul3A_981 : i32
        %add3A_983 = arith.constant 3 : i32
        %add3A_984 = arith.addi %mul3A_982, %add3A_983 : i32
        %get3A_985 = arith.constant 7 : i32
        %get3A_986 = arith.index_cast %get3A_985 : i32 to index
        %get3A_987 = arith.index_cast %add3A_984 : i32 to index
        %get3A_988 = arith.constant 32 : index
        %get3A_989 = tpu.vector_load %arg7[%get3A_986, %get3A_987, %get3A_988] {strides = array<i32>} : memref<8x50x128xf32, #tpu.memory_space<vmem>>, vector<1x1x16xf32>,
        %get3A_990 = vector.shape_cast %get3A_989 : vector<1x1x16xf32> to vector<16xf32>
        %add3A_991 = arith.addf %add3A_903, %get3A_990 : vector<16xf32>
        %mul3A_992 = arith.constant 5 : i32
        %mul3A_993 = arith.muli %scan3A_686, %mul3A_992 : i32
        %add3A_994 = arith.constant 3 : i32
        %add3A_995 = arith.addi %mul3A_993, %add3A_994 : i32
        %get3A_996 = arith.constant 7 : i32
        %get3A_997 = arith.index_cast %get3A_996 : i32 to index
        %get3A_998 = arith.index_cast %add3A_995 : i32 to index
        %get3A_999 = arith.constant 48 : index
        %get3A_1000 = tpu.vector_load %arg7[%get3A_997, %get3A_998, %get3A_999] {strides = array<i32>} : memref<8x50x128xf32, #tpu.memory_space<vmem>>, vector<1x1x16xf32>,
        %get3A_1001 = vector.shape_cast %get3A_1000 : vector<1x1x16xf32> to vector<16xf32>
        %add3A_1002 = arith.addf %add3A_914, %get3A_1001 : vector<16xf32>
        %mul3A_1003 = arith.constant 5 : i32
        %mul3A_1004 = arith.muli %scan3A_686, %mul3A_1003 : i32
        %add3A_1005 = arith.constant 3 : i32
        %add3A_1006 = arith.addi %mul3A_1004, %add3A_1005 : i32
        %get3A_1007 = arith.constant 7 : i32
        %get3A_1008 = arith.index_cast %get3A_1007 : i32 to index
        %get3A_1009 = arith.index_cast %add3A_1006 : i32 to index
        %get3A_1010 = arith.constant 64 : index
        %get3A_1011 = tpu.vector_load %arg7[%get3A_1008, %get3A_1009, %get3A_1010] {strides = array<i32>} : memref<8x50x128xf32, #tpu.memory_space<vmem>>, vector<1x1x16xf32>,
        %get3A_1012 = vector.shape_cast %get3A_1011 : vector<1x1x16xf32> to vector<16xf32>
        %add3A_1013 = arith.addf %add3A_925, %get3A_1012 : vector<16xf32>
        %mul3A_1014 = arith.constant 5 : i32
        %mul3A_1015 = arith.muli %scan3A_686, %mul3A_1014 : i32
        %add3A_1016 = arith.constant 3 : i32
        %add3A_1017 = arith.addi %mul3A_1015, %add3A_1016 : i32
        %get3A_1018 = arith.constant 7 : i32
        %get3A_1019 = arith.index_cast %get3A_1018 : i32 to index
        %get3A_1020 = arith.index_cast %add3A_1017 : i32 to index
        %get3A_1021 = arith.constant 80 : index
        %get3A_1022 = tpu.vector_load %arg7[%get3A_1019, %get3A_1020, %get3A_1021] {strides = array<i32>} : memref<8x50x128xf32, #tpu.memory_space<vmem>>, vector<1x1x16xf32>,
        %get3A_1023 = vector.shape_cast %get3A_1022 : vector<1x1x16xf32> to vector<16xf32>
        %add3A_1024 = arith.addf %add3A_936, %get3A_1023 : vector<16xf32>
        %mul3A_1025 = arith.constant 5 : i32
        %mul3A_1026 = arith.muli %scan3A_686, %mul3A_1025 : i32
        %add3A_1027 = arith.constant 3 : i32
        %add3A_1028 = arith.addi %mul3A_1026, %add3A_1027 : i32
        %get3A_1029 = arith.constant 7 : i32
        %get3A_1030 = arith.index_cast %get3A_1029 : i32 to index
        %get3A_1031 = arith.index_cast %add3A_1028 : i32 to index
        %get3A_1032 = arith.constant 96 : index
        %get3A_1033 = tpu.vector_load %arg7[%get3A_1030, %get3A_1031, %get3A_1032] {strides = array<i32>} : memref<8x50x128xf32, #tpu.memory_space<vmem>>, vector<1x1x16xf32>,
        %get3A_1034 = vector.shape_cast %get3A_1033 : vector<1x1x16xf32> to vector<16xf32>
        %add3A_1035 = arith.addf %add3A_947, %get3A_1034 : vector<16xf32>
        %mul3A_1036 = arith.constant 5 : i32
        %mul3A_1037 = arith.muli %scan3A_686, %mul3A_1036 : i32
        %add3A_1038 = arith.constant 3 : i32
        %add3A_1039 = arith.addi %mul3A_1037, %add3A_1038 : i32
        %get3A_1040 = arith.constant 7 : i32
        %get3A_1041 = arith.index_cast %get3A_1040 : i32 to index
        %get3A_1042 = arith.index_cast %add3A_1039 : i32 to index
        %get3A_1043 = arith.constant 112 : index
        %get3A_1044 = tpu.vector_load %arg7[%get3A_1041, %get3A_1042, %get3A_1043] {strides = array<i32>} : memref<8x50x128xf32, #tpu.memory_space<vmem>>, vector<1x1x16xf32>,
        %get3A_1045 = vector.shape_cast %get3A_1044 : vector<1x1x16xf32> to vector<16xf32>
        %add3A_1046 = arith.addf %add3A_958, %get3A_1045 : vector<16xf32>
        %mul3A_1047 = arith.constant 5 : i32
        %mul3A_1048 = arith.muli %scan3A_686, %mul3A_1047 : i32
        %add3A_1049 = arith.constant 4 : i32
        %add3A_1050 = arith.addi %mul3A_1048, %add3A_1049 : i32
        %get3A_1051 = arith.constant 7 : i32
        %get3A_1052 = arith.index_cast %get3A_1051 : i32 to index
        %get3A_1053 = arith.index_cast %add3A_1050 : i32 to index
        %get3A_1054 = arith.constant 0 : index
        %get3A_1055 = tpu.vector_load %arg7[%get3A_1052, %get3A_1053, %get3A_1054] {strides = array<i32>} : memref<8x50x128xf32, #tpu.memory_space<vmem>>, vector<1x1x16xf32>,
        %get3A_1056 = vector.shape_cast %get3A_1055 : vector<1x1x16xf32> to vector<16xf32>
        %add3A_1057 = arith.addf %add3A_969, %get3A_1056 : vector<16xf32>
        %mul3A_1058 = arith.constant 5 : i32
        %mul3A_1059 = arith.muli %scan3A_686, %mul3A_1058 : i32
        %add3A_1060 = arith.constant 4 : i32
        %add3A_1061 = arith.addi %mul3A_1059, %add3A_1060 : i32
        %get3A_1062 = arith.constant 7 : i32
        %get3A_1063 = arith.index_cast %get3A_1062 : i32 to index
        %get3A_1064 = arith.index_cast %add3A_1061 : i32 to index
        %get3A_1065 = arith.constant 16 : index
        %get3A_1066 = tpu.vector_load %arg7[%get3A_1063, %get3A_1064, %get3A_1065] {strides = array<i32>} : memref<8x50x128xf32, #tpu.memory_space<vmem>>, vector<1x1x16xf32>,
        %get3A_1067 = vector.shape_cast %get3A_1066 : vector<1x1x16xf32> to vector<16xf32>
        %add3A_1068 = arith.addf %add3A_980, %get3A_1067 : vector<16xf32>
        %mul3A_1069 = arith.constant 5 : i32
        %mul3A_1070 = arith.muli %scan3A_686, %mul3A_1069 : i32
        %add3A_1071 = arith.constant 4 : i32
        %add3A_1072 = arith.addi %mul3A_1070, %add3A_1071 : i32
        %get3A_1073 = arith.constant 7 : i32
        %get3A_1074 = arith.index_cast %get3A_1073 : i32 to index
        %get3A_1075 = arith.index_cast %add3A_1072 : i32 to index
        %get3A_1076 = arith.constant 32 : index
        %get3A_1077 = tpu.vector_load %arg7[%get3A_1074, %get3A_1075, %get3A_1076] {strides = array<i32>} : memref<8x50x128xf32, #tpu.memory_space<vmem>>, vector<1x1x16xf32>,
        %get3A_1078 = vector.shape_cast %get3A_1077 : vector<1x1x16xf32> to vector<16xf32>
        %add3A_1079 = arith.addf %add3A_991, %get3A_1078 : vector<16xf32>
        %mul3A_1080 = arith.constant 5 : i32
        %mul3A_1081 = arith.muli %scan3A_686, %mul3A_1080 : i32
        %add3A_1082 = arith.constant 4 : i32
        %add3A_1083 = arith.addi %mul3A_1081, %add3A_1082 : i32
        %get3A_1084 = arith.constant 7 : i32
        %get3A_1085 = arith.index_cast %get3A_1084 : i32 to index
        %get3A_1086 = arith.index_cast %add3A_1083 : i32 to index
        %get3A_1087 = arith.constant 48 : index
        %get3A_1088 = tpu.vector_load %arg7[%get3A_1085, %get3A_1086, %get3A_1087] {strides = array<i32>} : memref<8x50x128xf32, #tpu.memory_space<vmem>>, vector<1x1x16xf32>,
        %get3A_1089 = vector.shape_cast %get3A_1088 : vector<1x1x16xf32> to vector<16xf32>
        %add3A_1090 = arith.addf %add3A_1002, %get3A_1089 : vector<16xf32>
        %mul3A_1091 = arith.constant 5 : i32
        %mul3A_1092 = arith.muli %scan3A_686, %mul3A_1091 : i32
        %add3A_1093 = arith.constant 4 : i32
        %add3A_1094 = arith.addi %mul3A_1092, %add3A_1093 : i32
        %get3A_1095 = arith.constant 7 : i32
        %get3A_1096 = arith.index_cast %get3A_1095 : i32 to index
        %get3A_1097 = arith.index_cast %add3A_1094 : i32 to index
        %get3A_1098 = arith.constant 64 : index
        %get3A_1099 = tpu.vector_load %arg7[%get3A_1096, %get3A_1097, %get3A_1098] {strides = array<i32>} : memref<8x50x128xf32, #tpu.memory_space<vmem>>, vector<1x1x16xf32>,
        %get3A_1100 = vector.shape_cast %get3A_1099 : vector<1x1x16xf32> to vector<16xf32>
        %add3A_1101 = arith.addf %add3A_1013, %get3A_1100 : vector<16xf32>
        %mul3A_1102 = arith.constant 5 : i32
        %mul3A_1103 = arith.muli %scan3A_686, %mul3A_1102 : i32
        %add3A_1104 = arith.constant 4 : i32
        %add3A_1105 = arith.addi %mul3A_1103, %add3A_1104 : i32
        %get3A_1106 = arith.constant 7 : i32
        %get3A_1107 = arith.index_cast %get3A_1106 : i32 to index
        %get3A_1108 = arith.index_cast %add3A_1105 : i32 to index
        %get3A_1109 = arith.constant 80 : index
        %get3A_1110 = tpu.vector_load %arg7[%get3A_1107, %get3A_1108, %get3A_1109] {strides = array<i32>} : memref<8x50x128xf32, #tpu.memory_space<vmem>>, vector<1x1x16xf32>,
        %get3A_1111 = vector.shape_cast %get3A_1110 : vector<1x1x16xf32> to vector<16xf32>
        %add3A_1112 = arith.addf %add3A_1024, %get3A_1111 : vector<16xf32>
        %mul3A_1113 = arith.constant 5 : i32
        %mul3A_1114 = arith.muli %scan3A_686, %mul3A_1113 : i32
        %add3A_1115 = arith.constant 4 : i32
        %add3A_1116 = arith.addi %mul3A_1114, %add3A_1115 : i32
        %get3A_1117 = arith.constant 7 : i32
        %get3A_1118 = arith.index_cast %get3A_1117 : i32 to index
        %get3A_1119 = arith.index_cast %add3A_1116 : i32 to index
        %get3A_1120 = arith.constant 96 : index
        %get3A_1121 = tpu.vector_load %arg7[%get3A_1118, %get3A_1119, %get3A_1120] {strides = array<i32>} : memref<8x50x128xf32, #tpu.memory_space<vmem>>, vector<1x1x16xf32>,
        %get3A_1122 = vector.shape_cast %get3A_1121 : vector<1x1x16xf32> to vector<16xf32>
        %add3A_1123 = arith.addf %add3A_1035, %get3A_1122 : vector<16xf32>
        %mul3A_1124 = arith.constant 5 : i32
        %mul3A_1125 = arith.muli %scan3A_686, %mul3A_1124 : i32
        %add3A_1126 = arith.constant 4 : i32
        %add3A_1127 = arith.addi %mul3A_1125, %add3A_1126 : i32
        %get3A_1128 = arith.constant 7 : i32
        %get3A_1129 = arith.index_cast %get3A_1128 : i32 to index
        %get3A_1130 = arith.index_cast %add3A_1127 : i32 to index
        %get3A_1131 = arith.constant 112 : index
        %get3A_1132 = tpu.vector_load %arg7[%get3A_1129, %get3A_1130, %get3A_1131] {strides = array<i32>} : memref<8x50x128xf32, #tpu.memory_space<vmem>>, vector<1x1x16xf32>,
        %get3A_1133 = vector.shape_cast %get3A_1132 : vector<1x1x16xf32> to vector<16xf32>
        %add3A_1134 = arith.addf %add3A_1046, %get3A_1133 : vector<16xf32>
        scf.yield %add3A_1057, %add3A_1068, %add3A_1079, %add3A_1090, %add3A_1101, %add3A_1112, %add3A_1123, %add3A_1134 : vector<16xf32>, vector<16xf32>, vector<16xf32>, vector<16xf32>, vector<16xf32>, vector<16xf32>, vector<16xf32>, vector<16xf32>
      }
      %scan3A_645 = arith.constant 10 : i32
      %swap3A_646 = arith.index_cast %add3A_619 : i32 to index
      %swap3A_647 = arith.constant 0 : index
      %swap3A_648 = tpu.vector_load %arg8[%swap3A_646, %swap3A_647] {strides = array<i32>} : memref<128x128xf32, #tpu.memory_space<vmem>>, vector<1x16xf32>,
      %swap3A_649 = vector.shape_cast %swap3A_648 : vector<1x16xf32> to vector<16xf32>
      %swap3A_650 = vector.shape_cast %scan3A_644#0 : vector<16xf32> to vector<1x16xf32>
      tpu.vector_store %arg8[%swap3A_646, %swap3A_647], %swap3A_650 {strides = array<i32>} : memref<128x128xf32, #tpu.memory_space<vmem>>, vector<1x16xf32>,
      %swap3A_651 = arith.index_cast %add3A_619 : i32 to index
      %swap3A_652 = arith.constant 16 : index
      %swap3A_653 = tpu.vector_load %arg8[%swap3A_651, %swap3A_652] {strides = array<i32>} : memref<128x128xf32, #tpu.memory_space<vmem>>, vector<1x16xf32>,
      %swap3A_654 = vector.shape_cast %swap3A_653 : vector<1x16xf32> to vector<16xf32>
      %swap3A_655 = vector.shape_cast %scan3A_644#1 : vector<16xf32> to vector<1x16xf32>
      tpu.vector_store %arg8[%swap3A_651, %swap3A_652], %swap3A_655 {strides = array<i32>} : memref<128x128xf32, #tpu.memory_space<vmem>>, vector<1x16xf32>,
      %swap3A_656 = arith.index_cast %add3A_619 : i32 to index
      %swap3A_657 = arith.constant 32 : index
      %swap3A_658 = tpu.vector_load %arg8[%swap3A_656, %swap3A_657] {strides = array<i32>} : memref<128x128xf32, #tpu.memory_space<vmem>>, vector<1x16xf32>,
      %swap3A_659 = vector.shape_cast %swap3A_658 : vector<1x16xf32> to vector<16xf32>
      %swap3A_660 = vector.shape_cast %scan3A_644#2 : vector<16xf32> to vector<1x16xf32>
      tpu.vector_store %arg8[%swap3A_656, %swap3A_657], %swap3A_660 {strides = array<i32>} : memref<128x128xf32, #tpu.memory_space<vmem>>, vector<1x16xf32>,
      %swap3A_661 = arith.index_cast %add3A_619 : i32 to index
      %swap3A_662 = arith.constant 48 : index
      %swap3A_663 = tpu.vector_load %arg8[%swap3A_661, %swap3A_662] {strides = array<i32>} : memref<128x128xf32, #tpu.memory_space<vmem>>, vector<1x16xf32>,
      %swap3A_664 = vector.shape_cast %swap3A_663 : vector<1x16xf32> to vector<16xf32>
      %swap3A_665 = vector.shape_cast %scan3A_644#3 : vector<16xf32> to vector<1x16xf32>
      tpu.vector_store %arg8[%swap3A_661, %swap3A_662], %swap3A_665 {strides = array<i32>} : memref<128x128xf32, #tpu.memory_space<vmem>>, vector<1x16xf32>,
      %swap3A_666 = arith.index_cast %add3A_619 : i32 to index
      %swap3A_667 = arith.constant 64 : index
      %swap3A_668 = tpu.vector_load %arg8[%swap3A_666, %swap3A_667] {strides = array<i32>} : memref<128x128xf32, #tpu.memory_space<vmem>>, vector<1x16xf32>,
      %swap3A_669 = vector.shape_cast %swap3A_668 : vector<1x16xf32> to vector<16xf32>
      %swap3A_670 = vector.shape_cast %scan3A_644#4 : vector<16xf32> to vector<1x16xf32>
      tpu.vector_store %arg8[%swap3A_666, %swap3A_667], %swap3A_670 {strides = array<i32>} : memref<128x128xf32, #tpu.memory_space<vmem>>, vector<1x16xf32>,
      %swap3A_671 = arith.index_cast %add3A_619 : i32 to index
      %swap3A_672 = arith.constant 80 : index
      %swap3A_673 = tpu.vector_load %arg8[%swap3A_671, %swap3A_672] {strides = array<i32>} : memref<128x128xf32, #tpu.memory_space<vmem>>, vector<1x16xf32>,
      %swap3A_674 = vector.shape_cast %swap3A_673 : vector<1x16xf32> to vector<16xf32>
      %swap3A_675 = vector.shape_cast %scan3A_644#5 : vector<16xf32> to vector<1x16xf32>
      tpu.vector_store %arg8[%swap3A_671, %swap3A_672], %swap3A_675 {strides = array<i32>} : memref<128x128xf32, #tpu.memory_space<vmem>>, vector<1x16xf32>,
      %swap3A_676 = arith.index_cast %add3A_619 : i32 to index
      %swap3A_677 = arith.constant 96 : index
      %swap3A_678 = tpu.vector_load %arg8[%swap3A_676, %swap3A_677] {strides = array<i32>} : memref<128x128xf32, #tpu.memory_space<vmem>>, vector<1x16xf32>,
      %swap3A_679 = vector.shape_cast %swap3A_678 : vector<1x16xf32> to vector<16xf32>
      %swap3A_680 = vector.shape_cast %scan3A_644#6 : vector<16xf32> to vector<1x16xf32>
      tpu.vector_store %arg8[%swap3A_676, %swap3A_677], %swap3A_680 {strides = array<i32>} : memref<128x128xf32, #tpu.memory_space<vmem>>, vector<1x16xf32>,
      %swap3A_681 = arith.index_cast %add3A_619 : i32 to index
      %swap3A_682 = arith.constant 112 : index
      %swap3A_683 = tpu.vector_load %arg8[%swap3A_681, %swap3A_682] {strides = array<i32>} : memref<128x128xf32, #tpu.memory_space<vmem>>, vector<1x16xf32>,
      %swap3A_684 = vector.shape_cast %swap3A_683 : vector<1x16xf32> to vector<16xf32>
      %swap3A_685 = vector.shape_cast %scan3A_644#7 : vector<16xf32> to vector<1x16xf32>
      tpu.vector_store %arg8[%swap3A_681, %swap3A_682], %swap3A_685 {strides = array<i32>} : memref<128x128xf32, #tpu.memory_space<vmem>>, vector<1x16xf32>,
    }
    %scan3A_119 = arith.constant 16 : i32
    %mul3A_120 = arith.constant 128 : i32
    %mul3A_121 = arith.muli %add3A, %mul3A_120 : i32
    %dma_start3A_122 = arith.constant 0 : i32
    %dma_start3A_123 = tpu.memref_slice %arg5[%mul3A_121, %dma_start3A_122] : memref<4096x128xf32, #tpu.memory_space<hbm>> -> memref<128x128xf32, #tpu.memory_space<hbm>>
    %dma_start3A_124 = arith.constant 0 : i32
    %dma_start3A_125 = tpu.memref_slice %arg5[%mul3A_121, %dma_start3A_124] : memref<4096x128xf32, #tpu.memory_space<hbm>> -> memref<128x128xf32, #tpu.memory_space<hbm>>
    tpu.enqueue_dma source(%arg8 : memref<128x128xf32, #tpu.memory_space<vmem>>) target(%dma_start3A_125 : memref<128x128xf32, #tpu.memory_space<hbm>>) target_semaphore(%arg18 : memref<!tpu.dma_semaphore, #tpu.memory_space<semaphore_mem>>)
    %dma_wait3A_126 = arith.constant 0 : i32
    %dma_wait3A_127 = tpu.memref_slice %arg5[%mul3A_121, %dma_wait3A_126] : memref<4096x128xf32, #tpu.memory_space<hbm>> -> memref<128x128xf32, #tpu.memory_space<hbm>>
    %dma_wait3A_128 = arith.constant 0 : i32
    %dma_wait3A_129 = tpu.memref_slice %arg5[%mul3A_121, %dma_wait3A_128] : memref<4096x128xf32, #tpu.memory_space<hbm>> -> memref<128x128xf32, #tpu.memory_space<hbm>>
    tpu.wait_dma2 semaphore(%arg18 : memref<!tpu.dma_semaphore, #tpu.memory_space<semaphore_mem>>) src(%arg8 : memref<128x128xf32, #tpu.memory_space<vmem>>) dst(%dma_wait3A_129 : memref<128x128xf32, #tpu.memory_space<hbm>>)
    return
  }
}

</mosaic_0001>

<sc_bundles>
// kernel: kernel.3.cloned.1.call-start
scs
__scs_entry_jumppad:
0x0: {  	(pc) =	sbr.rel $0x88, $3  }
0x1: {  	(tag) =	ssettag $0x0;
	lr =	simm.s32 $0x1  }
0x2: {  	[smem:$0x3F9E] =	sst lr;
	_ =	strace $0xD0000000  }
0x3: {  	_ = 	snop  }
0x4: {  	_ = 	snop  }
0x5: {  	_ = 	snop  }
0x6: {  	_ = 	snop  }
0x7: {  	_ = 	snop  }
__scs_overlays_trampoline_lowered:
0x8: {  	[smem:$0x3FAD] =	sst s0  }
0x9: {  	[smem:$0x3FAE] =	sst s1  }
0xa: {  	[smem:$0x3FAF] =	sst s2  }
0xb: {  	[smem:$0x3FB0] =	sst s3  }
0xc: {  	[smem:$0x3FB1] =	sst s4  }
0xd: {  	[smem:$0x3FB2] =	sst s5  }
0xe: {  	[smem:$0x3FB3] =	sst s6  }
0xf: {  	[smem:$0x3FB4] =	sst s7  }
0x10: {  	[smem:$0x3FB5] =	sst s8  }
0x11: {  	[smem:$0x3FB6] =	sst s9;
	s0 =	simm.s32 @!p0 $0x0  }
0x12: {  	s1 =	sld [smem:$0x3F9C];
	s0 =	simm.s32 @p0 $0x1  }
0x13: {  	[smem:$0x3FB7] =	sst s0;
	s0 =	simm.s32 @!p1 $0x0  }
0x14: {  	s2 =	sld [smem:$0x3F9B];
	s0 =	simm.s32 @p1 $0x1  }
0x15: {  	[smem:$0x3FB8] =	sst s0;
	s0 =	simm.s32 @!p2 $0x0  }
0x16: {  	s3 =	sld [smem:$0x3FDB];
	s0 =	simm.s32 @p2 $0x1  }
0x17: {  	s4 =	simm.s32 $0x1BF5;
	[smem:$0x3FBA] =	sst s0  }
0x18: {  	s0 =	sld [smem:$0x3F9D];
	_ =	swait.ge [sflag:s4], $0x0  }
0x19: {  	s7 =	sld [smem:$0x3F9E]  }
0x1a: {  	s8 =	sadd.s32 $0xFFFFE003, lr  }
0x1b: {  	s9 =	sadd.s32 $0xFFFFFEF7, lr;
	s5 =	simm.s32 $0xFFFFFFFF;
	p2 =	slt.u32 s8, $0xFFFFF086  }
0x1c: {  	p1 =	slt.u32 s9, $0xF7A;
	s5 =	simm.s32 @!p2 $0x0  }
0x1d: {  	s5 =	simm.s32 @p1 $0x1;
	p0 =	seq.s32 s7, s2  }
0x1e: {  	s7 =	smul.u32 @!p0 $0xF7A, s2;
	p2 =	seq.s32 @!p0 s5, $0x0  }
0x1f: {  	s9 =	smul.u32 $0xF7A, s1;
	s8 =	simm.s32 @!p0 $0x1BF5;
	p2 =	por !p2, p0  }
0x20: {  	[sflag:s8] =	ssyncset.s32 @!p0 $0xFFFFF086;
	s6 =	sadd.s32 @!p0 s3, s7;
	s7 =	simm.s32 @!p0 $0x108  }
0x21: {  	s3 =	sadd.s32 s3, s9;
	s6 =	sadd.s32 @!p0 $0x88, s6;
	s7 =	simm.s32 @p2 $0x1082  }
0x22: {  	[simem:s7], [sflag:s8] =	dma.local @!p0 [hbm:s6], $0xF7A  }
0x23: {  	s9 =	sor.u32 $0xD0000000, s2;
	s6 =	simm.s32 $0x108;
	_ =	swait.ge @!p0 [sflag:s8], $0x0  }
0x24: {  	s3 =	sadd.s32 $0x88, s3;
	s6 =	simm.s32 @!p1 $0x1082;
	[sflag:s4] =	ssyncset.s32 $0xFFFFF086  }
0x25: {  	[simem:s6], [sflag:s4] =	dma.local [hbm:s3], $0xF7A  }
0x26: {  	[smem:$0x3F9E] =	sst s1;
	(tag) =	ssettag s2;
	_ =	strace s9  }
0x27: {  	s1 =	sld [smem:$0x3FAE]  }
0x28: {  	s2 =	sld [smem:$0x3FAF]  }
0x29: {  	s4 =	sld [smem:$0x3FB1]  }
0x2a: {  	p0 =	seq.s32 s5, $0x0;
	s5 =	sld [smem:$0x3FB2]  }
0x2b: {  	s6 =	sld [smem:$0x3FB3]  }
0x2c: {  	s7 =	sld [smem:$0x3FB4]  }
0x2d: {  	s3 =	simm.s32 $0x108;
	s8 =	sld [smem:$0x3FB5]  }
0x2e: {  	s3 =	simm.s32 @!p0 $0x1082;
	s9 =	sld [smem:$0x3FB6]  }
0x2f: {  	lr =	sadd.s32 s0, s3;
	s0 =	sld [smem:$0x3FAD]  }
0x30: {  	s3 =	sld [smem:$0x3FB0]  }
0x31: {  	[smem:$0x3FB9] =	sst s10  }
0x32: {  	s10 =	sld [smem:$0x3FB7];
	_ =	sdelay $0x3  }
0x33: {  	p0 =	seq.s32 s10, $0x1;
	s10 =	sld [smem:$0x3FB9];
	_ =	sdelay $0x3  }
0x34: {  	[smem:$0x3FB9] =	sst s10  }
0x35: {  	s10 =	sld [smem:$0x3FB8];
	_ =	sdelay $0x3  }
0x36: {  	p1 =	seq.s32 s10, $0x1;
	s10 =	sld [smem:$0x3FB9];
	_ =	sdelay $0x3  }
0x37: {  	[smem:$0x3FB9] =	sst s10  }
0x38: {  	s10 =	sld [smem:$0x3FBA]  }
0x39: {  	_ = 	snop;
	(pc) =	sbr.ind lr, $3  }
0x3a: {  	_ = 	snop  }
0x3b: {  	_ = 	snop  }
0x3c: {  	p2 =	seq.s32 s10, $0x1;
	s10 =	sld [smem:$0x3FB9]  }
0x3d: {  	_ =	shalt  }
0x3e: {  	_ =	shalt  }
0x3f: {  	_ =	shalt  }
0x40: {  	_ =	shalt  }
0x41: {  	_ =	shalt  }
0x42: {  	_ =	shalt  }
0x43: {  	_ =	shalt  }
0x44: {  	_ =	shalt  }
0x45: {  	_ =	shalt  }
0x46: {  	_ =	shalt  }
0x47: {  	_ =	shalt  }
0x48: {  	_ =	shalt  }
0x49: {  	_ =	shalt  }
0x4a: {  	_ =	shalt  }
0x4b: {  	_ =	shalt  }
0x4c: {  	_ =	shalt  }
0x4d: {  	_ =	shalt  }
0x4e: {  	_ =	shalt  }
0x4f: {  	_ =	shalt  }
0x50: {  	_ =	shalt  }
0x51: {  	_ =	shalt  }
0x52: {  	_ =	shalt  }
0x53: {  	_ =	shalt  }
0x54: {  	_ =	shalt  }
0x55: {  	_ =	shalt  }
0x56: {  	_ =	shalt  }
0x57: {  	_ =	shalt  }
0x58: {  	_ =	shalt  }
0x59: {  	_ =	shalt  }
0x5a: {  	_ =	shalt  }
0x5b: {  	_ =	shalt  }
0x5c: {  	_ =	shalt  }
0x5d: {  	_ =	shalt  }
0x5e: {  	_ =	shalt  }
0x5f: {  	_ =	shalt  }
0x60: {  	_ =	shalt  }
0x61: {  	_ =	shalt  }
0x62: {  	_ =	shalt  }
0x63: {  	_ =	shalt  }
0x64: {  	_ =	shalt  }
0x65: {  	_ =	shalt  }
0x66: {  	_ =	shalt  }
0x67: {  	_ =	shalt  }
0x68: {  	_ =	shalt  }
0x69: {  	_ =	shalt  }
0x6a: {  	_ =	shalt  }
0x6b: {  	_ =	shalt  }
0x6c: {  	_ =	shalt  }
0x6d: {  	_ =	shalt  }
0x6e: {  	_ =	shalt  }
0x6f: {  	_ =	shalt  }
0x70: {  	_ =	shalt  }
0x71: {  	_ =	shalt  }
0x72: {  	_ =	shalt  }
0x73: {  	_ =	shalt  }
0x74: {  	_ =	shalt  }
0x75: {  	_ =	shalt  }
0x76: {  	_ =	shalt  }
0x77: {  	_ =	shalt  }
0x78: {  	_ =	shalt  }
0x79: {  	_ =	shalt  }
0x7a: {  	_ =	shalt  }
0x7b: {  	_ =	shalt  }
0x7c: {  	_ =	shalt  }
0x7d: {  	_ =	shalt  }
0x7e: {  	_ =	shalt  }
0x7f: {  	_ =	shalt  }
0x80: {  	_ =	shalt  }
0x81: {  	_ =	shalt  }
0x82: {  	_ =	shalt  }
0x83: {  	_ =	shalt  }
0x84: {  	_ =	shalt  }
0x85: {  	_ =	shalt  }
0x86: {  	_ =	shalt  }
0x87: {  	_ =	shalt  }
.Lfunc_end0:
.L_simem_size_0:
called_computation_lowered:
.L_overlay_start_0:
0x88: {  	s2 =	sld [smem:$0x3FD9]  }
0x89: {  	s3 =	sld [smem:$0x3FFE];
	_ =	sdelay $0x1  }
0x8a: {  	s1 =	srdreg.scid  }
0x8b: {  	s0 =	sand.u32 $0x1, s1  }
0x8c: {  	s17 =	sshll.u32 s0, $0xA;
	s2 =	sadd.s32 s3, s2  }
0x8d: {  	s2 =	sadd.s32 s2, s17  }
0x8e: {  	[smem:$0x3FC5] =	sst s2  }
0x8f: {  	_ = 	snop  }
0x90: {  	s2 =	sld [smem:$0x3FC8]  }
0x91: {  	s18 =	sld [smem:$0x3FC7]  }
0x92: {  	s4 =	sld [smem:$0x3FD0];
	(tm) =	ssettm $0x1  }
0x93: {  	s5 =	sld [smem:$0x3FFB];
	_ =	sdelay $0x3  }
0x94: {  	_ =	strace s5  }
0x95: {  	s5 =	sld [smem:$0x3FFC];
	_ =	sdelay $0x3  }
0x96: {  	_ =	strace s5  }
0x97: {  	s5 =	sld [smem:$0x3FFD];
	_ =	sdelay $0x3  }
0x98: {  	_ =	strace s5  }
0x99: {  	_ =	strace $0x8FFFFFFF  }
0x9a: {  	s19 =	sld [smem:$0x3FDB];
	_ =	sdelay $0x1  }
0x9b: {  	s6 =	simm.s32 $_scs_section_size  }
0x9c: {  	s7 =	simm.s32 $_size__tile_overlayer_lowered;
	s8 =	simm.s32 $_tile_overlayer_lowered  }
0x9d: {  	s22 =	simm.s32 $0x1BFF;
	s21 =	sshll.u32 s8, $0x1;
	s5 =	sadd.s32 s6, s19  }
0x9e: {  	s9 =	simm.s32 $0x0;
	s20 =	sshll.u32 s7, $0x1;
	s7 =	sadd.s32 s21, s5  }
0x9f: {  	[timem:s9], [sflag:s22] =	dma.local [hbm:s7], s20  }
0xa0: {  	_ =	swait.ge [sflag:s22], s20  }
0xa1: {  	s6 =	ssub.s32 $0x0, s20;
	[sflag:s22] =	ssyncset.done $0x0  }
0xa2: {  	[sflag:s22] =	ssyncadd.s32 s6;
	_ =	sdelay $0x1  }
0xa3: {  	s23 =	simm.s32 $0x1B8B  }
0xa4: {  	_ =	swait.ge [sflag:s23], $0x1  }
0xa5: {  	[sflag:s23] =	ssyncset.done $0x0  }
0xa6: {  	s25 =	simm.s32 $0x1B8E;
	s24 =	sld [smem:$0x3FFE];
	[sflag:s23] =	ssyncadd.s32 $0xFFFFFFFF  }
0xa7: {  	s26 =	simm.s32 $execute0_lowered;
	[smem:$0x3FD2] =	sst s25  }
0xa8: {  	s7 =	sshll.u32 s26, $0x1;
	_ =	strace $0x80000046;
	[dreg:$0x1] =	wrdreg $0xFFFFFFFF  }
0xa9: {  	s28 =	simm.s32 $_size_execute0_lowered;
	s5 =	sadd.s32 s5, s7;
	[dreg:$0x0] =	wrdreg $0x0  }
0xaa: {  	s7 =	sshll.u32 s28, $0x1;
	[dreg:$0x2] =	wrdreg s5  }
0xab: {  	[dreg:$0x3] =	wrdreg s7  }
0xac: {  	[dreg:$0x4] =	wrdreg $0xC0  }
0xad: {  	_ =	task [dreg:s9], $0x5FFFF  }
0xae: {  	[dreg:$0x1] =	wrdreg $0xFFFFFFFF  }
0xaf: {  	[dreg:$0x0] =	wrdreg $0x60  }
0xb0: {  	[dreg:$0x2] =	wrdreg s24  }
0xb1: {  	[dreg:$0x3] =	wrdreg s2  }
0xb2: {  	[dreg:$0x4] =	wrdreg s18  }
0xb3: {  	[dreg:$0x5] =	wrdreg s4  }
0xb4: {  	[dreg:$0x6] =	wrdreg $0x9  }
0xb5: {  	_ =	task.clear_ibuf [dreg:s9], $0x7FFFF;
	_ =	strace $0x90000046  }
0xb6: {  	s29 =	simm.s32 $0x9;
	_ =	strace $0x80000048  }
0xb7: {  	_ =	swait.ge [sflag:s29], $0x1  }
0xb8: {  	[sflag:s29] =	ssyncadd.s32 $0xFFFFFFFF  }
0xb9: {  	_ =	strace $0x90000048  }
0xba: {  	_ =	sfence  }
0xbb: {  	s30 =	sld [smem:$0x0];
	_ =	sdelay $0x2  }
0xbc: {  	s31 =	sshll.u32 s1, $0xD;
	s1 =	sshrl.u32 s1, $0x2  }
0xbd: {  	s3 =	sand.u32 $0x4000, s31;
	s1 =	sadd.s32 s1, s30  }
0xbe: {  	s0 =	sor.u32 s3, s0;
	s1 =	sshll.u32 s1, $0x11  }
0xbf: {  	s0 =	sor.u32 s1, s0  }
0xc0: {  	s0 =	sadd.s32 $0x8F2B, s0  }
0xc1: {  	[sflag:s0] =	ssyncadd.remote.s32 $0x1  }
0xc2: {  	_ =	sfence.sel $0xFFFF  }
0xc3: {  	[dreg:$0x0] =	wrdreg $0xFFFFFFFF;
	(pc) =	sbr.abs _section_cstart, $3  }
0xc4: {  	[dreg:$0x1] =	wrdreg $0xFFFFFFFF  }
0xc5: {  	_ =	task.clear_ibuf [dreg:s9], $0x2FFFF;
	_ =	strace $0x9FFFFFFF  }
0xc6: {  	(tm) =	ssettm $0x7FFFFFFF  }
0xc7: {  	_ =	shalt  }
tec
execute0_lowered:
.L_overlay_start_1:
0x0: {  	(tag) =	ssettag $0x1  }
0x1: {  	s0 =	rddreg [dreg:$0x0]  }
0x2: {  	s1 =	rddreg [dreg:$0x1]  }
0x3: {  	s2 =	rddreg [dreg:$0x3];
	s3 =	srdreg.scid;
	s4 =	simm.s32 $0x0  }
0x4: {  	s5 =	stileid.u32;
	s9 =	simm.s32 $0x9;
	s10 =	simm.s32 $0x32  }
0x5: {  	s18 =	simm.s32 $0x200;
	s19 =	simm.s32 $0xB000;
	s20 =	simm.s32 $0x280  }
0x6: {  	s21 =	simm.s32 $0xCC00;
	s22 =	simm.s32 $0x300;
	s23 =	simm.s32 $0xE800  }
0x7: {  	s24 =	simm.s32 $0x1;
	s25 =	simm.s32 $0x10400;
	s28 =	simm.s32 $0x3  }
0x8: {  	s29 =	simm.s32 $0x4;
	s30 =	simm.s32 $0x5;
	s31 =	simm.s32 $0x6  }
0x9: {  	s8 =	simm.s32 $0x0;
	s3 =	sand.u32 $0x1, s3;
	s5 =	sshll.u32 s5, $0xC  }
0xa: {  	[smem:$0x7FF] =	sst s4;
	s6 =	sshll.u32 s3, $0xB;
	s3 =	ssub.s32 $0x2, s3  }
0xb: {  	_ =	strace $0x80000047;
	s6 =	sor.u32 s6, s5;
	s26 =	sshrl.u32 s3, $0x1  }
0xc: {  	s0 =	sadd.s32 s6, s0;
	s3 =	ssub.s32 s3, s26;
	s6 =	sadd.s32 s2, s6  }
0xd: {  	s26 =	simm.s32 $0x2;
	s2 =	simm.s32 $0x12000;
	s5 =	sadd.s32 $0x400, s0  }
0xe: {  	s7 =	smax.u32 s3, $0x1;
	s0 =	simm.s32 $0x7;
	s3 =	simm.s32 $0x8  }
.LBB2_1:
0xf: {  	s11 =	rddreg [dreg:$0x2];
	s12 =	simm.s32 $0x16000  }
0x10: {  	[tilespmem:s12], [sflag:$0x9] =	stream.linear.gather [hbm4b:s11+s4], $0x80, $0x38;
	[tilespmem:$0x16080] =	vst v63  }
0x11: {  	_ =	swait.ge [sflag:s9], $0x80  }
0x12: {  	[sflag:s9] =	ssyncset.done $0x0  }
0x13: {  	[sflag:s9] =	ssyncadd.s32 $0xFFFFFF80  }
0x14: {  	[tilespmem:s4], [sflag:$0x9] =	stream.linear.gather [hbm4b:s5+s4], $0x4000, $0x38;
	[tilespmem:$0x16080] =	vst v63  }
0x15: {  	_ =	swait.ge [sflag:s9], $0x4000  }
0x16: {  	[sflag:s9] =	ssyncset.done $0x0  }
0x17: {  	s17 =	simm.s32 $0x4000;
	[sflag:s9] =	ssyncadd.s32 $0xFFFFC000  }
0x18: {  	[tilespmem:s17], [sflag:$0x1] =	stream.indirect.gather [hbm4b:s1+s10], $0x80, s4, s10, $0xb8;
	[tilespmem:$0x16080] =	vst v63  }
0x19: {  	s13 =	simm.s32 $0x5C00;
	s12 =	simm.s32 $0x80  }
0x1a: {  	[tilespmem:s13], [sflag:$0x2] =	stream.indirect.gather [hbm4b:s1+s10], $0x80, s12, s10, $0xb8;
	[tilespmem:$0x16080] =	vst v63  }
0x1b: {  	s14 =	simm.s32 $0x100;
	s15 =	simm.s32 $0x7800  }
0x1c: {  	[tilespmem:s15], [sflag:$0x3] =	stream.indirect.gather [hbm4b:s1+s10], $0x80, s14, s10, $0xb8;
	[tilespmem:$0x16080] =	vst v63  }
0x1d: {  	s16 =	simm.s32 $0x180;
	s17 =	simm.s32 $0x9400  }
0x1e: {  	[tilespmem:s17], [sflag:$0x4] =	stream.indirect.gather [hbm4b:s1+s10], $0x80, s16, s10, $0xb8;
	[tilespmem:$0x16080] =	vst v63  }
0x1f: {  	_ = 	snop  }
0x20: {  	[tilespmem:s19], [sflag:$0x5] =	stream.indirect.gather [hbm4b:s1+s10], $0x80, s18, s10, $0xb8;
	[tilespmem:$0x16080] =	vst v63  }
0x21: {  	_ = 	snop  }
0x22: {  	[tilespmem:s21], [sflag:$0x6] =	stream.indirect.gather [hbm4b:s1+s10], $0x80, s20, s10, $0xb8;
	[tilespmem:$0x16080] =	vst v63  }
0x23: {  	_ = 	snop  }
0x24: {  	[tilespmem:s23], [sflag:$0x7] =	stream.indirect.gather [hbm4b:s1+s10], $0x80, s22, s10, $0xb8;
	[tilespmem:$0x16080] =	vst v63  }
0x25: {  	v0 =	vld [tilespmem:$0x16000]  }
0x26: {  	v1 =	vld [tilespmem:$0x16010]  }
0x27: {  	v2 =	vld [tilespmem:$0x16020]  }
0x28: {  	v3 =	vld [tilespmem:$0x16030]  }
0x29: {  	v4 =	vld [tilespmem:$0x16040]  }
0x2a: {  	v5 =	vld [tilespmem:$0x16050]  }
0x2b: {  	v6 =	vld [tilespmem:$0x16060]  }
0x2c: {  	s11 =	simm.s32 $0x0;
	v7 =	vld [tilespmem:$0x16070]  }
.LBB2_2:
0x2d: {  	s14 =	sshll.u32 s11, $0xC;
	_ =	swait.ge [sflag:s24], $0x1900  }
0x2e: {  	[sflag:s24] =	ssyncset.done $0x0;
	s12 =	sor.u32 $0xE00, s14  }
0x2f: {  	s13 =	simm.s32 $0x0;
	[sflag:s24] =	ssyncadd.s32 $0xFFFFE700;
	s12 =	sshra.s32 s12, $0x2  }
0x30: {  	[tilespmem:s25], [sflag:$0x8] =	stream.indirect.gather [hbm4b:s1+s10], $0x80, s12, s10, $0xb8;
	[tilespmem:$0x16080] =	vst v63  }
0x31: {  	v12 =	vld [tilespmem:s13+$0x4200]  }
0x32: {  	v13 =	vld [tilespmem:s13+$0x4210]  }
0x33: {  	v14 =	vld [tilespmem:s13+$0x4220]  }
0x34: {  	v15 =	vld [tilespmem:s13+$0x4230]  }
0x35: {  	v8 =	vld [tilespmem:s13+$0x4240]  }
0x36: {  	v9 =	vld [tilespmem:s13+$0x4250]  }
0x37: {  	v17 =	vld [tilespmem:s13+$0x4180]  }
0x38: {  	v20 =	vld [tilespmem:s13+$0x4190]  }
0x39: {  	v16 =	vld [tilespmem:s13+$0x41A0]  }
0x3a: {  	v18 =	vld [tilespmem:s13+$0x41B0]  }
0x3b: {  	v11 =	vld [tilespmem:s13+$0x41C0]  }
0x3c: {  	v10 =	vld [tilespmem:s13+$0x41D0]  }
0x3d: {  	v19 =	vld [tilespmem:s13+$0x4100]  }
0x3e: {  	v22 =	vld [tilespmem:s13+$0x4110]  }
0x3f: {  	v23 =	vld [tilespmem:s13+$0x4120]  }
0x40: {  	v24 =	vld [tilespmem:s13+$0x4130]  }
0x41: {  	v27 =	vld [tilespmem:s13+$0x4080]  }
0x42: {  	v28 =	vld [tilespmem:s13+$0x4090]  }
0x43: {  	v25 =	vld [tilespmem:s13+$0x4000]  }
0x44: {  	v26 =	vld [tilespmem:s13+$0x4010]  }
0x45: {  	v29 =	vld [tilespmem:s13+$0x4020]  }
0x46: {  	v30 =	vld [tilespmem:s13+$0x4030]  }
0x47: {  	v31 =	vld [tilespmem:s13+$0x40A0]  }
0x48: {  	v32 =	vld [tilespmem:s13+$0x40B0]  }
0x49: {  	v21 =	vld [tilespmem:s13+$0x4140];
	v33 =	vadd.f32 v25, v0  }
0x4a: {  	v34 =	vadd.f32 v26, v1;
	v25 =	vld [tilespmem:s13+$0x4150];
	v29 =	vadd.f32 v29, v2  }
0x4b: {  	v30 =	vadd.f32 v30, v3;
	v26 =	vld [tilespmem:s13+$0x40C0];
	v33 =	vadd.f32 v27, v33  }
0x4c: {  	v34 =	vadd.f32 v28, v34;
	v27 =	vld [tilespmem:s13+$0x40D0];
	v35 =	vadd.f32 v31, v29  }
0x4d: {  	v28 =	vld [tilespmem:s13+$0x4040];
	v36 =	vadd.f32 v32, v30;
	v31 =	vadd.f32 v19, v33  }
0x4e: {  	v29 =	vld [tilespmem:s13+$0x4050];
	v32 =	vadd.f32 v22, v34;
	v33 =	vadd.f32 v23, v35  }
0x4f: {  	s15 =	simm.s32 $0xA00;
	v30 =	vld [tilespmem:s13+$0x4060];
	v34 =	vadd.f32 v24, v36;
	v24 =	vmovc v4;
	v23 =	vmovc v5;
	v22 =	vmov v6;
	v19 =	vmov v7  }
.LBB2_3:
0x50: {  	p0 =	sne.s32 s15, $0x5A00;
	v35 =	vld [tilespmem:s13+$0x4070];
	v17 =	vadd.f32 v17, v31;
	v20 =	vadd.f32 v20, v32  }
0x51: {  	v31 =	vld [tilespmem:s13+$0x40E0];
	v16 =	vadd.f32 v16, v33;
	v18 =	vadd.f32 v18, v34  }
0x52: {  	v32 =	vld [tilespmem:s13+$0x40F0];
	v33 =	vadd.f32 v12, v17;
	v34 =	vadd.f32 v13, v20  }
0x53: {  	v13 =	vld [tilespmem:s13+$0x4160];
	v36 =	vadd.f32 v14, v16;
	v37 =	vadd.f32 v15, v18  }
0x54: {  	v12 =	vadd.f32 v28, v24;
	v14 =	vadd.f32 v29, v23;
	v15 =	vld [tilespmem:s13+$0x4170]  }
0x55: {  	v16 =	vadd.f32 v30, v22;
	v17 =	vadd.f32 v35, v19;
	v18 =	vld [tilespmem:s13+$0x41E0]  }
0x56: {  	v12 =	vadd.f32 v26, v12;
	v14 =	vadd.f32 v27, v14;
	v19 =	vld [tilespmem:s13+$0x41F0]  }
0x57: {  	v16 =	vadd.f32 v31, v16;
	v17 =	vadd.f32 v32, v17;
	v20 =	vld [tilespmem:s13+$0x4260]  }
0x58: {  	v21 =	vadd.f32 v21, v12;
	v14 =	vadd.f32 v25, v14;
	v25 =	vld [tilespmem:s13+$0x4270];
	s13 =	sshra.s32 s15, $0x2  }
0x59: {  	v16 =	vadd.f32 v13, v16;
	v12 =	vld [tilespmem:s13+$0x4200];
	v15 =	vadd.f32 v15, v17  }
0x5a: {  	v11 =	vadd.f32 v11, v21;
	v10 =	vadd.f32 v10, v14;
	v13 =	vld [tilespmem:s13+$0x4210]  }
0x5b: {  	v16 =	vadd.f32 v18, v16;
	v14 =	vld [tilespmem:s13+$0x4220];
	v17 =	vadd.f32 v19, v15  }
0x5c: {  	v24 =	vadd.f32 v8, v11;
	v23 =	vadd.f32 v9, v10;
	v15 =	vld [tilespmem:s13+$0x4230]  }
0x5d: {  	v22 =	vadd.f32 v20, v16;
	v8 =	vld [tilespmem:s13+$0x4240];
	v19 =	vadd.f32 v25, v17  }
0x5e: {  	v9 =	vld [tilespmem:s13+$0x4250]  }
0x5f: {  	v17 =	vld [tilespmem:s13+$0x4180]  }
0x60: {  	v20 =	vld [tilespmem:s13+$0x4190]  }
0x61: {  	v16 =	vld [tilespmem:s13+$0x41A0]  }
0x62: {  	v18 =	vld [tilespmem:s13+$0x41B0]  }
0x63: {  	v11 =	vld [tilespmem:s13+$0x41C0]  }
0x64: {  	v10 =	vld [tilespmem:s13+$0x41D0]  }
0x65: {  	v30 =	vld [tilespmem:s13+$0x4100]  }
0x66: {  	v32 =	vld [tilespmem:s13+$0x4110]  }
0x67: {  	v35 =	vld [tilespmem:s13+$0x4120]  }
0x68: {  	v38 =	vld [tilespmem:s13+$0x4130]  }
0x69: {  	v27 =	vld [tilespmem:s13+$0x4080]  }
0x6a: {  	v28 =	vld [tilespmem:s13+$0x4090]  }
0x6b: {  	v25 =	vld [tilespmem:s13+$0x4000]  }
0x6c: {  	v26 =	vld [tilespmem:s13+$0x4010]  }
0x6d: {  	v29 =	vld [tilespmem:s13+$0x4020]  }
0x6e: {  	v31 =	vld [tilespmem:s13+$0x4030]  }
0x6f: {  	v39 =	vld [tilespmem:s13+$0x40A0]  }
0x70: {  	v40 =	vld [tilespmem:s13+$0x40B0]  }
0x71: {  	v21 =	vld [tilespmem:s13+$0x4140]  }
0x72: {  	v33 =	vadd.f32 v25, v33;
	v34 =	vadd.f32 v26, v34;
	v25 =	vld [tilespmem:s13+$0x4150]  }
.Ltmp0:
0x73: {  	v29 =	vadd.f32 v29, v36;
	v31 =	vadd.f32 v31, v37;
	v26 =	vld [tilespmem:s13+$0x40C0];
	(pc) =	sbr.rel @p0 .LBB2_3-.Ltmp0, $4  }
0x74: {  	v33 =	vadd.f32 v27, v33;
	v34 =	vadd.f32 v28, v34;
	v27 =	vld [tilespmem:s13+$0x40D0]  }
0x75: {  	v36 =	vadd.f32 v39, v29;
	v28 =	vld [tilespmem:s13+$0x4040];
	v37 =	vadd.f32 v40, v31  }
0x76: {  	v31 =	vadd.f32 v30, v33;
	v32 =	vadd.f32 v32, v34;
	v29 =	vld [tilespmem:s13+$0x4050]  }
0x77: {  	s15 =	sadd.s32 $0xA00, s15;
	v33 =	vadd.f32 v35, v36;
	v30 =	vld [tilespmem:s13+$0x4060];
	v34 =	vadd.f32 v38, v37  }
0x78: {  	v35 =	vld [tilespmem:s13+$0x4070];
	v17 =	vadd.f32 v17, v31;
	v20 =	vadd.f32 v20, v32  }
0x79: {  	v31 =	vld [tilespmem:s13+$0x40E0];
	v16 =	vadd.f32 v16, v33;
	v18 =	vadd.f32 v18, v34  }
0x7a: {  	v59 =	vld [tilespmem:s13+$0x40F0];
	v12 =	vadd.f32 v12, v17;
	v13 =	vadd.f32 v13, v20  }
0x7b: {  	v17 =	vld [tilespmem:s13+$0x4160];
	v14 =	vadd.f32 v14, v16;
	v16 =	vadd.f32 v28, v24  }
0x7c: {  	v20 =	vld [tilespmem:s13+$0x4170];
	v15 =	vadd.f32 v15, v18;
	v18 =	vadd.f32 v29, v23  }
0x7d: {  	v23 =	vld [tilespmem:s13+$0x41E0];
	v22 =	vadd.f32 v30, v22;
	v16 =	vadd.f32 v26, v16  }
0x7e: {  	v24 =	vld [tilespmem:s13+$0x41F0];
	v19 =	vadd.f32 v35, v19;
	v18 =	vadd.f32 v27, v18  }
0x7f: {  	v26 =	vld [tilespmem:s13+$0x4260];
	v22 =	vadd.f32 v31, v22;
	v16 =	vadd.f32 v21, v16  }
0x80: {  	v19 =	vadd.f32 v59, v19;
	v18 =	vadd.f32 v25, v18;
	v21 =	vld [tilespmem:s13+$0x4270];
	s13 =	sshra.s32 s14, $0x2  }
0x81: {  	v17 =	vadd.f32 v17, v22;
	[tilespmem:s13+$0x12000] =	vst v12;
	v11 =	vadd.f32 v11, v16  }
0x82: {  	[tilespmem:s13+$0x12010] =	vst v13;
	v12 =	vadd.f32 v20, v19;
	v10 =	vadd.f32 v10, v18  }
0x83: {  	[tilespmem:s13+$0x12020] =	vst v14;
	v13 =	vadd.f32 v23, v17;
	v8 =	vadd.f32 v8, v11  }
0x84: {  	[tilespmem:s13+$0x12030] =	vst v15;
	v11 =	vadd.f32 v24, v12;
	v9 =	vadd.f32 v9, v10  }
0x85: {  	v10 =	vadd.f32 v26, v13;
	[tilespmem:s13+$0x12040] =	vst v8  }
0x86: {  	v8 =	vadd.f32 v21, v11;
	[tilespmem:s13+$0x12050] =	vst v9  }
0x87: {  	[tilespmem:s13+$0x12060] =	vst v10  }
0x88: {  	[tilespmem:s13+$0x12070] =	vst v8  }
0x89: {  	p0 =	seq.s32 s11, $0xF;
	_ =	swait.ge [sflag:s26], $0x1900  }
0x8a: {  	s16 =	simm.s32 @!p0 $0x32;
	s14 =	sshra.s32 @!p0 s14, $0x2;
	[sflag:s26] =	ssyncset.done $0x0  }
0x8b: {  	s17 =	simm.s32 @!p0 $0x4000;
	s15 =	sadd.s32 @!p0 $0x400, s14;
	[sflag:s26] =	ssyncadd.s32 $0xFFFFE700  }
0x8c: {  	[tilespmem:s17], [sflag:$0x1] =	stream.indirect.gather @!p0 [hbm4b:s1+s16], $0x80, s15, s16, $0xb8;
	[tilespmem:$0x16080] =	vst v63  }
0x8d: {  	s15 =	simm.s32 $0x0  }
0x8e: {  	v12 =	vld [tilespmem:s15+$0x5E00]  }
0x8f: {  	v13 =	vld [tilespmem:s15+$0x5E10]  }
0x90: {  	v14 =	vld [tilespmem:s15+$0x5E20]  }
0x91: {  	v15 =	vld [tilespmem:s15+$0x5E30]  }
0x92: {  	v8 =	vld [tilespmem:s15+$0x5E40]  }
0x93: {  	v9 =	vld [tilespmem:s15+$0x5E50]  }
0x94: {  	v17 =	vld [tilespmem:s15+$0x5D80]  }
0x95: {  	v20 =	vld [tilespmem:s15+$0x5D90]  }
0x96: {  	v16 =	vld [tilespmem:s15+$0x5DA0]  }
0x97: {  	v18 =	vld [tilespmem:s15+$0x5DB0]  }
0x98: {  	v11 =	vld [tilespmem:s15+$0x5DC0]  }
0x99: {  	v10 =	vld [tilespmem:s15+$0x5DD0]  }
0x9a: {  	v19 =	vld [tilespmem:s15+$0x5D00]  }
0x9b: {  	v22 =	vld [tilespmem:s15+$0x5D10]  }
0x9c: {  	v23 =	vld [tilespmem:s15+$0x5D20]  }
0x9d: {  	v24 =	vld [tilespmem:s15+$0x5D30]  }
0x9e: {  	v27 =	vld [tilespmem:s15+$0x5C80]  }
0x9f: {  	v28 =	vld [tilespmem:s15+$0x5C90]  }
0xa0: {  	v25 =	vld [tilespmem:s15+$0x5C00]  }
0xa1: {  	v26 =	vld [tilespmem:s15+$0x5C10]  }
0xa2: {  	v29 =	vld [tilespmem:s15+$0x5C20]  }
0xa3: {  	v30 =	vld [tilespmem:s15+$0x5C30]  }
0xa4: {  	v31 =	vld [tilespmem:s15+$0x5CA0]  }
0xa5: {  	v60 =	vld [tilespmem:s15+$0x5CB0]  }
0xa6: {  	v21 =	vld [tilespmem:s15+$0x5D40];
	v61 =	vadd.f32 v25, v0  }
0xa7: {  	v62 =	vadd.f32 v26, v1;
	v25 =	vld [tilespmem:s15+$0x5D50];
	v29 =	vadd.f32 v29, v2  }
0xa8: {  	v30 =	vadd.f32 v30, v3;
	v26 =	vld [tilespmem:s15+$0x5CC0];
	v33 =	vadd.f32 v27, v61  }
0xa9: {  	v34 =	vadd.f32 v28, v62;
	v27 =	vld [tilespmem:s15+$0x5CD0];
	v63 =	vadd.f32 v31, v29  }
0xaa: {  	v28 =	vld [tilespmem:s15+$0x5C40];
	v36 =	vadd.f32 v60, v30;
	v31 =	vadd.f32 v19, v33  }
0xab: {  	v29 =	vld [tilespmem:s15+$0x5C50];
	v32 =	vadd.f32 v22, v34;
	v33 =	vadd.f32 v23, v63  }
0xac: {  	s16 =	simm.s32 $0xA00;
	v30 =	vld [tilespmem:s15+$0x5C60];
	v34 =	vadd.f32 v24, v36;
	v24 =	vmovc v4;
	v23 =	vmovc v5;
	v22 =	vmov v6;
	v19 =	vmov v7  }
.LBB2_5:
0xad: {  	p1 =	sne.s32 s16, $0x5A00;
	v35 =	vld [tilespmem:s15+$0x5C70];
	v17 =	vadd.f32 v17, v31;
	v20 =	vadd.f32 v20, v32  }
0xae: {  	v31 =	vld [tilespmem:s15+$0x5CE0];
	v16 =	vadd.f32 v16, v33;
	v18 =	vadd.f32 v18, v34  }
0xaf: {  	v32 =	vld [tilespmem:s15+$0x5CF0];
	v33 =	vadd.f32 v12, v17;
	v34 =	vadd.f32 v13, v20  }
0xb0: {  	v13 =	vld [tilespmem:s15+$0x5D60];
	v36 =	vadd.f32 v14, v16;
	v37 =	vadd.f32 v15, v18  }
0xb1: {  	v12 =	vadd.f32 v28, v24;
	v14 =	vadd.f32 v29, v23;
	v15 =	vld [tilespmem:s15+$0x5D70]  }
0xb2: {  	v16 =	vadd.f32 v30, v22;
	v17 =	vadd.f32 v35, v19;
	v18 =	vld [tilespmem:s15+$0x5DE0]  }
0xb3: {  	v12 =	vadd.f32 v26, v12;
	v14 =	vadd.f32 v27, v14;
	v19 =	vld [tilespmem:s15+$0x5DF0]  }
0xb4: {  	v16 =	vadd.f32 v31, v16;
	v17 =	vadd.f32 v32, v17;
	v20 =	vld [tilespmem:s15+$0x5E60]  }
0xb5: {  	v21 =	vadd.f32 v21, v12;
	v14 =	vadd.f32 v25, v14;
	v25 =	vld [tilespmem:s15+$0x5E70];
	s15 =	sshra.s32 s16, $0x2  }
0xb6: {  	v16 =	vadd.f32 v13, v16;
	v12 =	vld [tilespmem:s15+$0x5E00];
	v15 =	vadd.f32 v15, v17  }
0xb7: {  	v11 =	vadd.f32 v11, v21;
	v10 =	vadd.f32 v10, v14;
	v13 =	vld [tilespmem:s15+$0x5E10]  }
0xb8: {  	v16 =	vadd.f32 v18, v16;
	v14 =	vld [tilespmem:s15+$0x5E20];
	v17 =	vadd.f32 v19, v15  }
0xb9: {  	v24 =	vadd.f32 v8, v11;
	v23 =	vadd.f32 v9, v10;
	v15 =	vld [tilespmem:s15+$0x5E30]  }
0xba: {  	v22 =	vadd.f32 v20, v16;
	v8 =	vld [tilespmem:s15+$0x5E40];
	v19 =	vadd.f32 v25, v17  }
0xbb: {  	v9 =	vld [tilespmem:s15+$0x5E50]  }
0xbc: {  	v17 =	vld [tilespmem:s15+$0x5D80]  }
0xbd: {  	v20 =	vld [tilespmem:s15+$0x5D90]  }
0xbe: {  	v16 =	vld [tilespmem:s15+$0x5DA0]  }
0xbf: {  	v18 =	vld [tilespmem:s15+$0x5DB0]  }
0xc0: {  	v11 =	vld [tilespmem:s15+$0x5DC0]  }
0xc1: {  	v10 =	vld [tilespmem:s15+$0x5DD0]  }
0xc2: {  	v30 =	vld [tilespmem:s15+$0x5D00]  }
0xc3: {  	v32 =	vld [tilespmem:s15+$0x5D10]  }
0xc4: {  	v35 =	vld [tilespmem:s15+$0x5D20]  }
0xc5: {  	v38 =	vld [tilespmem:s15+$0x5D30]  }
0xc6: {  	v27 =	vld [tilespmem:s15+$0x5C80]  }
0xc7: {  	v28 =	vld [tilespmem:s15+$0x5C90]  }
0xc8: {  	v25 =	vld [tilespmem:s15+$0x5C00]  }
0xc9: {  	v26 =	vld [tilespmem:s15+$0x5C10]  }
0xca: {  	v29 =	vld [tilespmem:s15+$0x5C20]  }
0xcb: {  	v31 =	vld [tilespmem:s15+$0x5C30]  }
0xcc: {  	v39 =	vld [tilespmem:s15+$0x5CA0]  }
0xcd: {  	v40 =	vld [tilespmem:s15+$0x5CB0]  }
0xce: {  	v21 =	vld [tilespmem:s15+$0x5D40]  }
0xcf: {  	v33 =	vadd.f32 v25, v33;
	v34 =	vadd.f32 v26, v34;
	v25 =	vld [tilespmem:s15+$0x5D50]  }
.Ltmp1:
0xd0: {  	v29 =	vadd.f32 v29, v36;
	v31 =	vadd.f32 v31, v37;
	v26 =	vld [tilespmem:s15+$0x5CC0];
	(pc) =	sbr.rel @p1 .LBB2_5-.Ltmp1, $4  }
0xd1: {  	v33 =	vadd.f32 v27, v33;
	v34 =	vadd.f32 v28, v34;
	v27 =	vld [tilespmem:s15+$0x5CD0]  }
0xd2: {  	v36 =	vadd.f32 v39, v29;
	v28 =	vld [tilespmem:s15+$0x5C40];
	v37 =	vadd.f32 v40, v31  }
0xd3: {  	v31 =	vadd.f32 v30, v33;
	v32 =	vadd.f32 v32, v34;
	v29 =	vld [tilespmem:s15+$0x5C50]  }
0xd4: {  	s16 =	sadd.s32 $0xA00, s16;
	v33 =	vadd.f32 v35, v36;
	v30 =	vld [tilespmem:s15+$0x5C60];
	v34 =	vadd.f32 v38, v37  }
0xd5: {  	v17 =	vadd.f32 v17, v31;
	v20 =	vadd.f32 v20, v32  }
0xd6: {  	v35 =	vld [tilespmem:s15+$0x5C70];
	v16 =	vadd.f32 v16, v33;
	v18 =	vadd.f32 v18, v34  }
0xd7: {  	v31 =	vld [tilespmem:s15+$0x5CE0];
	v12 =	vadd.f32 v12, v17;
	v13 =	vadd.f32 v13, v20  }
0xd8: {  	v59 =	vld [tilespmem:s15+$0x5CF0];
	v14 =	vadd.f32 v14, v16;
	v16 =	vadd.f32 v28, v24  }
0xd9: {  	v17 =	vld [tilespmem:s15+$0x5D60];
	v15 =	vadd.f32 v15, v18;
	v18 =	vadd.f32 v29, v23  }
0xda: {  	v20 =	vld [tilespmem:s15+$0x5D70];
	v22 =	vadd.f32 v30, v22;
	v16 =	vadd.f32 v26, v16  }
0xdb: {  	v23 =	vld [tilespmem:s15+$0x5DE0];
	v19 =	vadd.f32 v35, v19;
	v18 =	vadd.f32 v27, v18  }
0xdc: {  	v24 =	vld [tilespmem:s15+$0x5DF0];
	v22 =	vadd.f32 v31, v22;
	v16 =	vadd.f32 v21, v16  }
0xdd: {  	v26 =	vld [tilespmem:s15+$0x5E60];
	v19 =	vadd.f32 v59, v19;
	v18 =	vadd.f32 v25, v18  }
0xde: {  	v21 =	vld [tilespmem:s15+$0x5E70];
	[tilespmem:s13+$0x12080] =	vst v12;
	v17 =	vadd.f32 v17, v22;
	v11 =	vadd.f32 v11, v16  }
0xdf: {  	[tilespmem:s13+$0x12090] =	vst v13;
	v12 =	vadd.f32 v20, v19;
	v10 =	vadd.f32 v10, v18  }
0xe0: {  	[tilespmem:s13+$0x120A0] =	vst v14;
	v13 =	vadd.f32 v23, v17;
	v8 =	vadd.f32 v8, v11  }
0xe1: {  	[tilespmem:s13+$0x120B0] =	vst v15;
	v11 =	vadd.f32 v24, v12;
	v9 =	vadd.f32 v9, v10  }
0xe2: {  	v10 =	vadd.f32 v26, v13;
	[tilespmem:s13+$0x120C0] =	vst v8  }
0xe3: {  	v8 =	vadd.f32 v21, v11;
	[tilespmem:s13+$0x120D0] =	vst v9  }
0xe4: {  	[tilespmem:s13+$0x120E0] =	vst v10  }
0xe5: {  	[tilespmem:s13+$0x120F0] =	vst v8  }
0xe6: {  	_ =	swait.ge [sflag:s28], $0x1900  }
0xe7: {  	s16 =	simm.s32 @!p0 $0x32;
	[sflag:s28] =	ssyncset.done $0x0  }
0xe8: {  	s17 =	simm.s32 @!p0 $0x5C00;
	s15 =	sadd.s32 @!p0 $0x480, s14;
	[sflag:s28] =	ssyncadd.s32 $0xFFFFE700  }
0xe9: {  	[tilespmem:s17], [sflag:$0x2] =	stream.indirect.gather @!p0 [hbm4b:s1+s16], $0x80, s15, s16, $0xb8;
	[tilespmem:$0x16080] =	vst v63  }
0xea: {  	s15 =	simm.s32 $0x0  }
0xeb: {  	v12 =	vld [tilespmem:s15+$0x7A00]  }
0xec: {  	v13 =	vld [tilespmem:s15+$0x7A10]  }
0xed: {  	v14 =	vld [tilespmem:s15+$0x7A20]  }
0xee: {  	v15 =	vld [tilespmem:s15+$0x7A30]  }
0xef: {  	v8 =	vld [tilespmem:s15+$0x7A40]  }
0xf0: {  	v9 =	vld [tilespmem:s15+$0x7A50]  }
0xf1: {  	v17 =	vld [tilespmem:s15+$0x7980]  }
0xf2: {  	v20 =	vld [tilespmem:s15+$0x7990]  }
0xf3: {  	v16 =	vld [tilespmem:s15+$0x79A0]  }
0xf4: {  	v18 =	vld [tilespmem:s15+$0x79B0]  }
0xf5: {  	v11 =	vld [tilespmem:s15+$0x79C0]  }
0xf6: {  	v10 =	vld [tilespmem:s15+$0x79D0]  }
0xf7: {  	v19 =	vld [tilespmem:s15+$0x7900]  }
0xf8: {  	v22 =	vld [tilespmem:s15+$0x7910]  }
0xf9: {  	v23 =	vld [tilespmem:s15+$0x7920]  }
0xfa: {  	v24 =	vld [tilespmem:s15+$0x7930]  }
0xfb: {  	v27 =	vld [tilespmem:s15+$0x7880]  }
0xfc: {  	v28 =	vld [tilespmem:s15+$0x7890]  }
0xfd: {  	v25 =	vld [tilespmem:s15+$0x7800]  }
0xfe: {  	v26 =	vld [tilespmem:s15+$0x7810]  }
0xff: {  	v29 =	vld [tilespmem:s15+$0x7820]  }
0x100: {  	v30 =	vld [tilespmem:s15+$0x7830]  }
0x101: {  	v31 =	vld [tilespmem:s15+$0x78A0]  }
0x102: {  	v60 =	vld [tilespmem:s15+$0x78B0]  }
0x103: {  	v21 =	vld [tilespmem:s15+$0x7940];
	v61 =	vadd.f32 v25, v0  }
0x104: {  	v62 =	vadd.f32 v26, v1;
	v25 =	vld [tilespmem:s15+$0x7950];
	v29 =	vadd.f32 v29, v2  }
0x105: {  	v30 =	vadd.f32 v30, v3;
	v26 =	vld [tilespmem:s15+$0x78C0];
	v33 =	vadd.f32 v27, v61  }
0x106: {  	v34 =	vadd.f32 v28, v62;
	v27 =	vld [tilespmem:s15+$0x78D0];
	v63 =	vadd.f32 v31, v29  }
0x107: {  	v28 =	vld [tilespmem:s15+$0x7840];
	v36 =	vadd.f32 v60, v30;
	v31 =	vadd.f32 v19, v33  }
0x108: {  	v29 =	vld [tilespmem:s15+$0x7850];
	v32 =	vadd.f32 v22, v34;
	v33 =	vadd.f32 v23, v63  }
0x109: {  	s16 =	simm.s32 $0xA00;
	v30 =	vld [tilespmem:s15+$0x7860];
	v34 =	vadd.f32 v24, v36;
	v24 =	vmovc v4;
	v23 =	vmovc v5;
	v22 =	vmov v6;
	v19 =	vmov v7  }
.LBB2_7:
0x10a: {  	p1 =	sne.s32 s16, $0x5A00;
	v35 =	vld [tilespmem:s15+$0x7870];
	v17 =	vadd.f32 v17, v31;
	v20 =	vadd.f32 v20, v32  }
0x10b: {  	v31 =	vld [tilespmem:s15+$0x78E0];
	v16 =	vadd.f32 v16, v33;
	v18 =	vadd.f32 v18, v34  }
0x10c: {  	v32 =	vld [tilespmem:s15+$0x78F0];
	v33 =	vadd.f32 v12, v17;
	v34 =	vadd.f32 v13, v20  }
0x10d: {  	v13 =	vld [tilespmem:s15+$0x7960];
	v36 =	vadd.f32 v14, v16;
	v37 =	vadd.f32 v15, v18  }
0x10e: {  	v12 =	vadd.f32 v28, v24;
	v14 =	vadd.f32 v29, v23;
	v15 =	vld [tilespmem:s15+$0x7970]  }
0x10f: {  	v16 =	vadd.f32 v30, v22;
	v17 =	vadd.f32 v35, v19;
	v18 =	vld [tilespmem:s15+$0x79E0]  }
0x110: {  	v12 =	vadd.f32 v26, v12;
	v14 =	vadd.f32 v27, v14;
	v19 =	vld [tilespmem:s15+$0x79F0]  }
0x111: {  	v16 =	vadd.f32 v31, v16;
	v17 =	vadd.f32 v32, v17;
	v20 =	vld [tilespmem:s15+$0x7A60]  }
0x112: {  	v21 =	vadd.f32 v21, v12;
	v14 =	vadd.f32 v25, v14;
	v25 =	vld [tilespmem:s15+$0x7A70];
	s15 =	sshra.s32 s16, $0x2  }
0x113: {  	v16 =	vadd.f32 v13, v16;
	v12 =	vld [tilespmem:s15+$0x7A00];
	v15 =	vadd.f32 v15, v17  }
0x114: {  	v11 =	vadd.f32 v11, v21;
	v10 =	vadd.f32 v10, v14;
	v13 =	vld [tilespmem:s15+$0x7A10]  }
0x115: {  	v16 =	vadd.f32 v18, v16;
	v14 =	vld [tilespmem:s15+$0x7A20];
	v17 =	vadd.f32 v19, v15  }
0x116: {  	v24 =	vadd.f32 v8, v11;
	v23 =	vadd.f32 v9, v10;
	v15 =	vld [tilespmem:s15+$0x7A30]  }
0x117: {  	v22 =	vadd.f32 v20, v16;
	v8 =	vld [tilespmem:s15+$0x7A40];
	v19 =	vadd.f32 v25, v17  }
0x118: {  	v9 =	vld [tilespmem:s15+$0x7A50]  }
0x119: {  	v17 =	vld [tilespmem:s15+$0x7980]  }
0x11a: {  	v20 =	vld [tilespmem:s15+$0x7990]  }
0x11b: {  	v16 =	vld [tilespmem:s15+$0x79A0]  }
0x11c: {  	v18 =	vld [tilespmem:s15+$0x79B0]  }
0x11d: {  	v11 =	vld [tilespmem:s15+$0x79C0]  }
0x11e: {  	v10 =	vld [tilespmem:s15+$0x79D0]  }
0x11f: {  	v30 =	vld [tilespmem:s15+$0x7900]  }
0x120: {  	v32 =	vld [tilespmem:s15+$0x7910]  }
0x121: {  	v35 =	vld [tilespmem:s15+$0x7920]  }
0x122: {  	v38 =	vld [tilespmem:s15+$0x7930]  }
0x123: {  	v27 =	vld [tilespmem:s15+$0x7880]  }
0x124: {  	v28 =	vld [tilespmem:s15+$0x7890]  }
0x125: {  	v25 =	vld [tilespmem:s15+$0x7800]  }
0x126: {  	v26 =	vld [tilespmem:s15+$0x7810]  }
0x127: {  	v29 =	vld [tilespmem:s15+$0x7820]  }
0x128: {  	v31 =	vld [tilespmem:s15+$0x7830]  }
0x129: {  	v39 =	vld [tilespmem:s15+$0x78A0]  }
0x12a: {  	v40 =	vld [tilespmem:s15+$0x78B0]  }
0x12b: {  	v21 =	vld [tilespmem:s15+$0x7940]  }
0x12c: {  	v33 =	vadd.f32 v25, v33;
	v34 =	vadd.f32 v26, v34;
	v25 =	vld [tilespmem:s15+$0x7950]  }
.Ltmp2:
0x12d: {  	v29 =	vadd.f32 v29, v36;
	v31 =	vadd.f32 v31, v37;
	v26 =	vld [tilespmem:s15+$0x78C0];
	(pc) =	sbr.rel @p1 .LBB2_7-.Ltmp2, $4  }
0x12e: {  	v33 =	vadd.f32 v27, v33;
	v34 =	vadd.f32 v28, v34;
	v27 =	vld [tilespmem:s15+$0x78D0]  }
0x12f: {  	v36 =	vadd.f32 v39, v29;
	v28 =	vld [tilespmem:s15+$0x7840];
	v37 =	vadd.f32 v40, v31  }
0x130: {  	v31 =	vadd.f32 v30, v33;
	v32 =	vadd.f32 v32, v34;
	v29 =	vld [tilespmem:s15+$0x7850]  }
0x131: {  	s16 =	sadd.s32 $0xA00, s16;
	v33 =	vadd.f32 v35, v36;
	v30 =	vld [tilespmem:s15+$0x7860];
	v34 =	vadd.f32 v38, v37  }
0x132: {  	v17 =	vadd.f32 v17, v31;
	v20 =	vadd.f32 v20, v32  }
0x133: {  	v35 =	vld [tilespmem:s15+$0x7870];
	v16 =	vadd.f32 v16, v33;
	v18 =	vadd.f32 v18, v34  }
0x134: {  	v31 =	vld [tilespmem:s15+$0x78E0];
	v12 =	vadd.f32 v12, v17;
	v13 =	vadd.f32 v13, v20  }
0x135: {  	v59 =	vld [tilespmem:s15+$0x78F0];
	v14 =	vadd.f32 v14, v16;
	v16 =	vadd.f32 v28, v24  }
0x136: {  	v17 =	vld [tilespmem:s15+$0x7960];
	v15 =	vadd.f32 v15, v18;
	v18 =	vadd.f32 v29, v23  }
0x137: {  	v20 =	vld [tilespmem:s15+$0x7970];
	v22 =	vadd.f32 v30, v22;
	v16 =	vadd.f32 v26, v16  }
0x138: {  	v23 =	vld [tilespmem:s15+$0x79E0];
	v19 =	vadd.f32 v35, v19;
	v18 =	vadd.f32 v27, v18  }
0x139: {  	v24 =	vld [tilespmem:s15+$0x79F0];
	v22 =	vadd.f32 v31, v22;
	v16 =	vadd.f32 v21, v16  }
0x13a: {  	v26 =	vld [tilespmem:s15+$0x7A60];
	v19 =	vadd.f32 v59, v19;
	v18 =	vadd.f32 v25, v18  }
0x13b: {  	v21 =	vld [tilespmem:s15+$0x7A70];
	[tilespmem:s13+$0x12100] =	vst v12;
	v17 =	vadd.f32 v17, v22;
	v11 =	vadd.f32 v11, v16  }
0x13c: {  	[tilespmem:s13+$0x12110] =	vst v13;
	v12 =	vadd.f32 v20, v19;
	v10 =	vadd.f32 v10, v18  }
0x13d: {  	[tilespmem:s13+$0x12120] =	vst v14;
	v13 =	vadd.f32 v23, v17;
	v8 =	vadd.f32 v8, v11  }
0x13e: {  	[tilespmem:s13+$0x12130] =	vst v15;
	v11 =	vadd.f32 v24, v12;
	v9 =	vadd.f32 v9, v10  }
0x13f: {  	v10 =	vadd.f32 v26, v13;
	[tilespmem:s13+$0x12140] =	vst v8  }
0x140: {  	v8 =	vadd.f32 v21, v11;
	[tilespmem:s13+$0x12150] =	vst v9  }
0x141: {  	[tilespmem:s13+$0x12160] =	vst v10  }
0x142: {  	[tilespmem:s13+$0x12170] =	vst v8  }
0x143: {  	_ =	swait.ge [sflag:s29], $0x1900  }
0x144: {  	s16 =	simm.s32 @!p0 $0x32;
	[sflag:s29] =	ssyncset.done $0x0  }
0x145: {  	s17 =	simm.s32 @!p0 $0x7800;
	s15 =	sadd.s32 @!p0 $0x500, s14;
	[sflag:s29] =	ssyncadd.s32 $0xFFFFE700  }
0x146: {  	[tilespmem:s17], [sflag:$0x3] =	stream.indirect.gather @!p0 [hbm4b:s1+s16], $0x80, s15, s16, $0xb8;
	[tilespmem:$0x16080] =	vst v63  }
0x147: {  	s15 =	simm.s32 $0x0  }
0x148: {  	v12 =	vld [tilespmem:s15+$0x9600]  }
0x149: {  	v13 =	vld [tilespmem:s15+$0x9610]  }
0x14a: {  	v14 =	vld [tilespmem:s15+$0x9620]  }
0x14b: {  	v15 =	vld [tilespmem:s15+$0x9630]  }
0x14c: {  	v8 =	vld [tilespmem:s15+$0x9640]  }
0x14d: {  	v9 =	vld [tilespmem:s15+$0x9650]  }
0x14e: {  	v17 =	vld [tilespmem:s15+$0x9580]  }
0x14f: {  	v20 =	vld [tilespmem:s15+$0x9590]  }
0x150: {  	v16 =	vld [tilespmem:s15+$0x95A0]  }
0x151: {  	v18 =	vld [tilespmem:s15+$0x95B0]  }
0x152: {  	v11 =	vld [tilespmem:s15+$0x95C0]  }
0x153: {  	v10 =	vld [tilespmem:s15+$0x95D0]  }
0x154: {  	v19 =	vld [tilespmem:s15+$0x9500]  }
0x155: {  	v22 =	vld [tilespmem:s15+$0x9510]  }
0x156: {  	v23 =	vld [tilespmem:s15+$0x9520]  }
0x157: {  	v24 =	vld [tilespmem:s15+$0x9530]  }
0x158: {  	v27 =	vld [tilespmem:s15+$0x9480]  }
0x159: {  	v28 =	vld [tilespmem:s15+$0x9490]  }
0x15a: {  	v25 =	vld [tilespmem:s15+$0x9400]  }
0x15b: {  	v26 =	vld [tilespmem:s15+$0x9410]  }
0x15c: {  	v29 =	vld [tilespmem:s15+$0x9420]  }
0x15d: {  	v30 =	vld [tilespmem:s15+$0x9430]  }
0x15e: {  	v31 =	vld [tilespmem:s15+$0x94A0]  }
0x15f: {  	v60 =	vld [tilespmem:s15+$0x94B0]  }
0x160: {  	v21 =	vld [tilespmem:s15+$0x9540];
	v61 =	vadd.f32 v25, v0  }
0x161: {  	v62 =	vadd.f32 v26, v1;
	v25 =	vld [tilespmem:s15+$0x9550];
	v29 =	vadd.f32 v29, v2  }
0x162: {  	v30 =	vadd.f32 v30, v3;
	v26 =	vld [tilespmem:s15+$0x94C0];
	v33 =	vadd.f32 v27, v61  }
0x163: {  	v34 =	vadd.f32 v28, v62;
	v27 =	vld [tilespmem:s15+$0x94D0];
	v63 =	vadd.f32 v31, v29  }
0x164: {  	v28 =	vld [tilespmem:s15+$0x9440];
	v36 =	vadd.f32 v60, v30;
	v31 =	vadd.f32 v19, v33  }
0x165: {  	v29 =	vld [tilespmem:s15+$0x9450];
	v32 =	vadd.f32 v22, v34;
	v33 =	vadd.f32 v23, v63  }
0x166: {  	s16 =	simm.s32 $0xA00;
	v30 =	vld [tilespmem:s15+$0x9460];
	v34 =	vadd.f32 v24, v36;
	v24 =	vmovc v4;
	v23 =	vmovc v5;
	v22 =	vmov v6;
	v19 =	vmov v7  }
.LBB2_9:
0x167: {  	p1 =	sne.s32 s16, $0x5A00;
	v35 =	vld [tilespmem:s15+$0x9470];
	v17 =	vadd.f32 v17, v31;
	v20 =	vadd.f32 v20, v32  }
0x168: {  	v31 =	vld [tilespmem:s15+$0x94E0];
	v16 =	vadd.f32 v16, v33;
	v18 =	vadd.f32 v18, v34  }
0x169: {  	v32 =	vld [tilespmem:s15+$0x94F0];
	v33 =	vadd.f32 v12, v17;
	v34 =	vadd.f32 v13, v20  }
0x16a: {  	v13 =	vld [tilespmem:s15+$0x9560];
	v36 =	vadd.f32 v14, v16;
	v37 =	vadd.f32 v15, v18  }
0x16b: {  	v12 =	vadd.f32 v28, v24;
	v14 =	vadd.f32 v29, v23;
	v15 =	vld [tilespmem:s15+$0x9570]  }
0x16c: {  	v16 =	vadd.f32 v30, v22;
	v17 =	vadd.f32 v35, v19;
	v18 =	vld [tilespmem:s15+$0x95E0]  }
0x16d: {  	v12 =	vadd.f32 v26, v12;
	v14 =	vadd.f32 v27, v14;
	v19 =	vld [tilespmem:s15+$0x95F0]  }
0x16e: {  	v16 =	vadd.f32 v31, v16;
	v17 =	vadd.f32 v32, v17;
	v20 =	vld [tilespmem:s15+$0x9660]  }
0x16f: {  	v21 =	vadd.f32 v21, v12;
	v14 =	vadd.f32 v25, v14;
	v25 =	vld [tilespmem:s15+$0x9670];
	s15 =	sshra.s32 s16, $0x2  }
0x170: {  	v16 =	vadd.f32 v13, v16;
	v12 =	vld [tilespmem:s15+$0x9600];
	v15 =	vadd.f32 v15, v17  }
0x171: {  	v11 =	vadd.f32 v11, v21;
	v10 =	vadd.f32 v10, v14;
	v13 =	vld [tilespmem:s15+$0x9610]  }
0x172: {  	v16 =	vadd.f32 v18, v16;
	v14 =	vld [tilespmem:s15+$0x9620];
	v17 =	vadd.f32 v19, v15  }
0x173: {  	v24 =	vadd.f32 v8, v11;
	v23 =	vadd.f32 v9, v10;
	v15 =	vld [tilespmem:s15+$0x9630]  }
0x174: {  	v22 =	vadd.f32 v20, v16;
	v8 =	vld [tilespmem:s15+$0x9640];
	v19 =	vadd.f32 v25, v17  }
0x175: {  	v9 =	vld [tilespmem:s15+$0x9650]  }
0x176: {  	v17 =	vld [tilespmem:s15+$0x9580]  }
0x177: {  	v20 =	vld [tilespmem:s15+$0x9590]  }
0x178: {  	v16 =	vld [tilespmem:s15+$0x95A0]  }
0x179: {  	v18 =	vld [tilespmem:s15+$0x95B0]  }
0x17a: {  	v11 =	vld [tilespmem:s15+$0x95C0]  }
0x17b: {  	v10 =	vld [tilespmem:s15+$0x95D0]  }
0x17c: {  	v30 =	vld [tilespmem:s15+$0x9500]  }
0x17d: {  	v32 =	vld [tilespmem:s15+$0x9510]  }
0x17e: {  	v35 =	vld [tilespmem:s15+$0x9520]  }
0x17f: {  	v38 =	vld [tilespmem:s15+$0x9530]  }
0x180: {  	v27 =	vld [tilespmem:s15+$0x9480]  }
0x181: {  	v28 =	vld [tilespmem:s15+$0x9490]  }
0x182: {  	v25 =	vld [tilespmem:s15+$0x9400]  }
0x183: {  	v26 =	vld [tilespmem:s15+$0x9410]  }
0x184: {  	v29 =	vld [tilespmem:s15+$0x9420]  }
0x185: {  	v31 =	vld [tilespmem:s15+$0x9430]  }
0x186: {  	v39 =	vld [tilespmem:s15+$0x94A0]  }
0x187: {  	v40 =	vld [tilespmem:s15+$0x94B0]  }
0x188: {  	v21 =	vld [tilespmem:s15+$0x9540]  }
0x189: {  	v33 =	vadd.f32 v25, v33;
	v34 =	vadd.f32 v26, v34;
	v25 =	vld [tilespmem:s15+$0x9550]  }
.Ltmp3:
0x18a: {  	v29 =	vadd.f32 v29, v36;
	v31 =	vadd.f32 v31, v37;
	v26 =	vld [tilespmem:s15+$0x94C0];
	(pc) =	sbr.rel @p1 .LBB2_9-.Ltmp3, $4  }
0x18b: {  	v33 =	vadd.f32 v27, v33;
	v34 =	vadd.f32 v28, v34;
	v27 =	vld [tilespmem:s15+$0x94D0]  }
0x18c: {  	v36 =	vadd.f32 v39, v29;
	v28 =	vld [tilespmem:s15+$0x9440];
	v37 =	vadd.f32 v40, v31  }
0x18d: {  	v31 =	vadd.f32 v30, v33;
	v32 =	vadd.f32 v32, v34;
	v29 =	vld [tilespmem:s15+$0x9450]  }
0x18e: {  	s16 =	sadd.s32 $0xA00, s16;
	v33 =	vadd.f32 v35, v36;
	v30 =	vld [tilespmem:s15+$0x9460];
	v34 =	vadd.f32 v38, v37  }
0x18f: {  	v17 =	vadd.f32 v17, v31;
	v20 =	vadd.f32 v20, v32  }
0x190: {  	v35 =	vld [tilespmem:s15+$0x9470];
	v16 =	vadd.f32 v16, v33;
	v18 =	vadd.f32 v18, v34  }
0x191: {  	v31 =	vld [tilespmem:s15+$0x94E0];
	v12 =	vadd.f32 v12, v17;
	v13 =	vadd.f32 v13, v20  }
0x192: {  	v59 =	vld [tilespmem:s15+$0x94F0];
	v14 =	vadd.f32 v14, v16;
	v16 =	vadd.f32 v28, v24  }
0x193: {  	v17 =	vld [tilespmem:s15+$0x9560];
	v15 =	vadd.f32 v15, v18;
	v18 =	vadd.f32 v29, v23  }
0x194: {  	v20 =	vld [tilespmem:s15+$0x9570];
	v22 =	vadd.f32 v30, v22;
	v16 =	vadd.f32 v26, v16  }
0x195: {  	v23 =	vld [tilespmem:s15+$0x95E0];
	v19 =	vadd.f32 v35, v19;
	v18 =	vadd.f32 v27, v18  }
0x196: {  	v24 =	vld [tilespmem:s15+$0x95F0];
	v22 =	vadd.f32 v31, v22;
	v16 =	vadd.f32 v21, v16  }
0x197: {  	v26 =	vld [tilespmem:s15+$0x9660];
	v19 =	vadd.f32 v59, v19;
	v18 =	vadd.f32 v25, v18  }
0x198: {  	v21 =	vld [tilespmem:s15+$0x9670];
	[tilespmem:s13+$0x12180] =	vst v12;
	v17 =	vadd.f32 v17, v22;
	v11 =	vadd.f32 v11, v16  }
0x199: {  	[tilespmem:s13+$0x12190] =	vst v13;
	v12 =	vadd.f32 v20, v19;
	v10 =	vadd.f32 v10, v18  }
0x19a: {  	[tilespmem:s13+$0x121A0] =	vst v14;
	v13 =	vadd.f32 v23, v17;
	v8 =	vadd.f32 v8, v11  }
0x19b: {  	[tilespmem:s13+$0x121B0] =	vst v15;
	v11 =	vadd.f32 v24, v12;
	v9 =	vadd.f32 v9, v10  }
0x19c: {  	v10 =	vadd.f32 v26, v13;
	[tilespmem:s13+$0x121C0] =	vst v8  }
0x19d: {  	v8 =	vadd.f32 v21, v11;
	[tilespmem:s13+$0x121D0] =	vst v9  }
0x19e: {  	[tilespmem:s13+$0x121E0] =	vst v10  }
0x19f: {  	[tilespmem:s13+$0x121F0] =	vst v8  }
0x1a0: {  	_ =	swait.ge [sflag:s30], $0x1900  }
0x1a1: {  	s16 =	simm.s32 @!p0 $0x32;
	[sflag:s30] =	ssyncset.done $0x0  }
0x1a2: {  	s17 =	simm.s32 @!p0 $0x9400;
	s15 =	sadd.s32 @!p0 $0x580, s14;
	[sflag:s30] =	ssyncadd.s32 $0xFFFFE700  }
0x1a3: {  	[tilespmem:s17], [sflag:$0x4] =	stream.indirect.gather @!p0 [hbm4b:s1+s16], $0x80, s15, s16, $0xb8;
	[tilespmem:$0x16080] =	vst v63  }
0x1a4: {  	s15 =	simm.s32 $0x0  }
0x1a5: {  	v12 =	vld [tilespmem:s15+$0xB200]  }
0x1a6: {  	v13 =	vld [tilespmem:s15+$0xB210]  }
0x1a7: {  	v14 =	vld [tilespmem:s15+$0xB220]  }
0x1a8: {  	v15 =	vld [tilespmem:s15+$0xB230]  }
0x1a9: {  	v8 =	vld [tilespmem:s15+$0xB240]  }
0x1aa: {  	v9 =	vld [tilespmem:s15+$0xB250]  }
0x1ab: {  	v17 =	vld [tilespmem:s15+$0xB180]  }
0x1ac: {  	v20 =	vld [tilespmem:s15+$0xB190]  }
0x1ad: {  	v16 =	vld [tilespmem:s15+$0xB1A0]  }
0x1ae: {  	v18 =	vld [tilespmem:s15+$0xB1B0]  }
0x1af: {  	v11 =	vld [tilespmem:s15+$0xB1C0]  }
0x1b0: {  	v10 =	vld [tilespmem:s15+$0xB1D0]  }
0x1b1: {  	v19 =	vld [tilespmem:s15+$0xB100]  }
0x1b2: {  	v22 =	vld [tilespmem:s15+$0xB110]  }
0x1b3: {  	v23 =	vld [tilespmem:s15+$0xB120]  }
0x1b4: {  	v24 =	vld [tilespmem:s15+$0xB130]  }
0x1b5: {  	v27 =	vld [tilespmem:s15+$0xB080]  }
0x1b6: {  	v28 =	vld [tilespmem:s15+$0xB090]  }
0x1b7: {  	v25 =	vld [tilespmem:s15+$0xB000]  }
0x1b8: {  	v26 =	vld [tilespmem:s15+$0xB010]  }
0x1b9: {  	v29 =	vld [tilespmem:s15+$0xB020]  }
0x1ba: {  	v30 =	vld [tilespmem:s15+$0xB030]  }
0x1bb: {  	v31 =	vld [tilespmem:s15+$0xB0A0]  }
0x1bc: {  	v60 =	vld [tilespmem:s15+$0xB0B0]  }
0x1bd: {  	v21 =	vld [tilespmem:s15+$0xB140];
	v61 =	vadd.f32 v25, v0  }
0x1be: {  	v62 =	vadd.f32 v26, v1;
	v25 =	vld [tilespmem:s15+$0xB150];
	v29 =	vadd.f32 v29, v2  }
0x1bf: {  	v30 =	vadd.f32 v30, v3;
	v26 =	vld [tilespmem:s15+$0xB0C0];
	v33 =	vadd.f32 v27, v61  }
0x1c0: {  	v34 =	vadd.f32 v28, v62;
	v27 =	vld [tilespmem:s15+$0xB0D0];
	v63 =	vadd.f32 v31, v29  }
0x1c1: {  	v28 =	vld [tilespmem:s15+$0xB040];
	v36 =	vadd.f32 v60, v30;
	v31 =	vadd.f32 v19, v33  }
0x1c2: {  	v29 =	vld [tilespmem:s15+$0xB050];
	v32 =	vadd.f32 v22, v34;
	v33 =	vadd.f32 v23, v63  }
0x1c3: {  	s16 =	simm.s32 $0xA00;
	v30 =	vld [tilespmem:s15+$0xB060];
	v34 =	vadd.f32 v24, v36;
	v24 =	vmovc v4;
	v23 =	vmovc v5;
	v22 =	vmov v6;
	v19 =	vmov v7  }
.LBB2_11:
0x1c4: {  	p1 =	sne.s32 s16, $0x5A00;
	v35 =	vld [tilespmem:s15+$0xB070];
	v17 =	vadd.f32 v17, v31;
	v20 =	vadd.f32 v20, v32  }
0x1c5: {  	v31 =	vld [tilespmem:s15+$0xB0E0];
	v16 =	vadd.f32 v16, v33;
	v18 =	vadd.f32 v18, v34  }
0x1c6: {  	v32 =	vld [tilespmem:s15+$0xB0F0];
	v33 =	vadd.f32 v12, v17;
	v34 =	vadd.f32 v13, v20  }
0x1c7: {  	v13 =	vld [tilespmem:s15+$0xB160];
	v36 =	vadd.f32 v14, v16;
	v37 =	vadd.f32 v15, v18  }
0x1c8: {  	v12 =	vadd.f32 v28, v24;
	v14 =	vadd.f32 v29, v23;
	v15 =	vld [tilespmem:s15+$0xB170]  }
0x1c9: {  	v16 =	vadd.f32 v30, v22;
	v17 =	vadd.f32 v35, v19;
	v18 =	vld [tilespmem:s15+$0xB1E0]  }
0x1ca: {  	v12 =	vadd.f32 v26, v12;
	v14 =	vadd.f32 v27, v14;
	v19 =	vld [tilespmem:s15+$0xB1F0]  }
0x1cb: {  	v16 =	vadd.f32 v31, v16;
	v17 =	vadd.f32 v32, v17;
	v20 =	vld [tilespmem:s15+$0xB260]  }
0x1cc: {  	v21 =	vadd.f32 v21, v12;
	v14 =	vadd.f32 v25, v14;
	v25 =	vld [tilespmem:s15+$0xB270];
	s15 =	sshra.s32 s16, $0x2  }
0x1cd: {  	v16 =	vadd.f32 v13, v16;
	v12 =	vld [tilespmem:s15+$0xB200];
	v15 =	vadd.f32 v15, v17  }
0x1ce: {  	v11 =	vadd.f32 v11, v21;
	v10 =	vadd.f32 v10, v14;
	v13 =	vld [tilespmem:s15+$0xB210]  }
0x1cf: {  	v16 =	vadd.f32 v18, v16;
	v14 =	vld [tilespmem:s15+$0xB220];
	v17 =	vadd.f32 v19, v15  }
0x1d0: {  	v24 =	vadd.f32 v8, v11;
	v23 =	vadd.f32 v9, v10;
	v15 =	vld [tilespmem:s15+$0xB230]  }
0x1d1: {  	v22 =	vadd.f32 v20, v16;
	v8 =	vld [tilespmem:s15+$0xB240];
	v19 =	vadd.f32 v25, v17  }
0x1d2: {  	v9 =	vld [tilespmem:s15+$0xB250]  }
0x1d3: {  	v17 =	vld [tilespmem:s15+$0xB180]  }
0x1d4: {  	v20 =	vld [tilespmem:s15+$0xB190]  }
0x1d5: {  	v16 =	vld [tilespmem:s15+$0xB1A0]  }
0x1d6: {  	v18 =	vld [tilespmem:s15+$0xB1B0]  }
0x1d7: {  	v11 =	vld [tilespmem:s15+$0xB1C0]  }
0x1d8: {  	v10 =	vld [tilespmem:s15+$0xB1D0]  }
0x1d9: {  	v30 =	vld [tilespmem:s15+$0xB100]  }
0x1da: {  	v32 =	vld [tilespmem:s15+$0xB110]  }
0x1db: {  	v35 =	vld [tilespmem:s15+$0xB120]  }
0x1dc: {  	v38 =	vld [tilespmem:s15+$0xB130]  }
0x1dd: {  	v27 =	vld [tilespmem:s15+$0xB080]  }
0x1de: {  	v28 =	vld [tilespmem:s15+$0xB090]  }
0x1df: {  	v25 =	vld [tilespmem:s15+$0xB000]  }
0x1e0: {  	v26 =	vld [tilespmem:s15+$0xB010]  }
0x1e1: {  	v29 =	vld [tilespmem:s15+$0xB020]  }
0x1e2: {  	v31 =	vld [tilespmem:s15+$0xB030]  }
0x1e3: {  	v39 =	vld [tilespmem:s15+$0xB0A0]  }
0x1e4: {  	v40 =	vld [tilespmem:s15+$0xB0B0]  }
0x1e5: {  	v21 =	vld [tilespmem:s15+$0xB140]  }
0x1e6: {  	v33 =	vadd.f32 v25, v33;
	v34 =	vadd.f32 v26, v34;
	v25 =	vld [tilespmem:s15+$0xB150]  }
.Ltmp4:
0x1e7: {  	v29 =	vadd.f32 v29, v36;
	v31 =	vadd.f32 v31, v37;
	v26 =	vld [tilespmem:s15+$0xB0C0];
	(pc) =	sbr.rel @p1 .LBB2_11-.Ltmp4, $4  }
0x1e8: {  	v33 =	vadd.f32 v27, v33;
	v34 =	vadd.f32 v28, v34;
	v27 =	vld [tilespmem:s15+$0xB0D0]  }
0x1e9: {  	v36 =	vadd.f32 v39, v29;
	v28 =	vld [tilespmem:s15+$0xB040];
	v37 =	vadd.f32 v40, v31  }
0x1ea: {  	v31 =	vadd.f32 v30, v33;
	v32 =	vadd.f32 v32, v34;
	v29 =	vld [tilespmem:s15+$0xB050]  }
0x1eb: {  	s16 =	sadd.s32 $0xA00, s16;
	v33 =	vadd.f32 v35, v36;
	v30 =	vld [tilespmem:s15+$0xB060];
	v34 =	vadd.f32 v38, v37  }
0x1ec: {  	v17 =	vadd.f32 v17, v31;
	v20 =	vadd.f32 v20, v32  }
0x1ed: {  	v35 =	vld [tilespmem:s15+$0xB070];
	v16 =	vadd.f32 v16, v33;
	v18 =	vadd.f32 v18, v34  }
0x1ee: {  	v31 =	vld [tilespmem:s15+$0xB0E0];
	v12 =	vadd.f32 v12, v17;
	v13 =	vadd.f32 v13, v20  }
0x1ef: {  	v59 =	vld [tilespmem:s15+$0xB0F0];
	v14 =	vadd.f32 v14, v16;
	v16 =	vadd.f32 v28, v24  }
0x1f0: {  	v17 =	vld [tilespmem:s15+$0xB160];
	v15 =	vadd.f32 v15, v18;
	v18 =	vadd.f32 v29, v23  }
0x1f1: {  	v20 =	vld [tilespmem:s15+$0xB170];
	v22 =	vadd.f32 v30, v22;
	v16 =	vadd.f32 v26, v16  }
0x1f2: {  	v23 =	vld [tilespmem:s15+$0xB1E0];
	v19 =	vadd.f32 v35, v19;
	v18 =	vadd.f32 v27, v18  }
0x1f3: {  	v24 =	vld [tilespmem:s15+$0xB1F0];
	v22 =	vadd.f32 v31, v22;
	v16 =	vadd.f32 v21, v16  }
0x1f4: {  	v26 =	vld [tilespmem:s15+$0xB260];
	v19 =	vadd.f32 v59, v19;
	v18 =	vadd.f32 v25, v18  }
0x1f5: {  	v21 =	vld [tilespmem:s15+$0xB270];
	[tilespmem:s13+$0x12200] =	vst v12;
	v17 =	vadd.f32 v17, v22;
	v11 =	vadd.f32 v11, v16  }
0x1f6: {  	[tilespmem:s13+$0x12210] =	vst v13;
	v12 =	vadd.f32 v20, v19;
	v10 =	vadd.f32 v10, v18  }
0x1f7: {  	[tilespmem:s13+$0x12220] =	vst v14;
	v13 =	vadd.f32 v23, v17;
	v8 =	vadd.f32 v8, v11  }
0x1f8: {  	[tilespmem:s13+$0x12230] =	vst v15;
	v11 =	vadd.f32 v24, v12;
	v9 =	vadd.f32 v9, v10  }
0x1f9: {  	v10 =	vadd.f32 v26, v13;
	[tilespmem:s13+$0x12240] =	vst v8  }
0x1fa: {  	v8 =	vadd.f32 v21, v11;
	[tilespmem:s13+$0x12250] =	vst v9  }
0x1fb: {  	[tilespmem:s13+$0x12260] =	vst v10  }
0x1fc: {  	[tilespmem:s13+$0x12270] =	vst v8  }
0x1fd: {  	_ =	swait.ge [sflag:s31], $0x1900  }
0x1fe: {  	s16 =	simm.s32 @!p0 $0x32;
	[sflag:s31] =	ssyncset.done $0x0  }
0x1ff: {  	s17 =	simm.s32 @!p0 $0xB000;
	s15 =	sadd.s32 @!p0 $0x600, s14;
	[sflag:s31] =	ssyncadd.s32 $0xFFFFE700  }
0x200: {  	[tilespmem:s17], [sflag:$0x5] =	stream.indirect.gather @!p0 [hbm4b:s1+s16], $0x80, s15, s16, $0xb8;
	[tilespmem:$0x16080] =	vst v63  }
0x201: {  	s15 =	simm.s32 $0x0  }
0x202: {  	v12 =	vld [tilespmem:s15+$0xCE00]  }
0x203: {  	v13 =	vld [tilespmem:s15+$0xCE10]  }
0x204: {  	v14 =	vld [tilespmem:s15+$0xCE20]  }
0x205: {  	v15 =	vld [tilespmem:s15+$0xCE30]  }
0x206: {  	v8 =	vld [tilespmem:s15+$0xCE40]  }
0x207: {  	v9 =	vld [tilespmem:s15+$0xCE50]  }
0x208: {  	v17 =	vld [tilespmem:s15+$0xCD80]  }
0x209: {  	v20 =	vld [tilespmem:s15+$0xCD90]  }
0x20a: {  	v16 =	vld [tilespmem:s15+$0xCDA0]  }
0x20b: {  	v18 =	vld [tilespmem:s15+$0xCDB0]  }
0x20c: {  	v11 =	vld [tilespmem:s15+$0xCDC0]  }
0x20d: {  	v10 =	vld [tilespmem:s15+$0xCDD0]  }
0x20e: {  	v19 =	vld [tilespmem:s15+$0xCD00]  }
0x20f: {  	v22 =	vld [tilespmem:s15+$0xCD10]  }
0x210: {  	v23 =	vld [tilespmem:s15+$0xCD20]  }
0x211: {  	v24 =	vld [tilespmem:s15+$0xCD30]  }
0x212: {  	v27 =	vld [tilespmem:s15+$0xCC80]  }
0x213: {  	v28 =	vld [tilespmem:s15+$0xCC90]  }
0x214: {  	v25 =	vld [tilespmem:s15+$0xCC00]  }
0x215: {  	v26 =	vld [tilespmem:s15+$0xCC10]  }
0x216: {  	v29 =	vld [tilespmem:s15+$0xCC20]  }
0x217: {  	v30 =	vld [tilespmem:s15+$0xCC30]  }
0x218: {  	v31 =	vld [tilespmem:s15+$0xCCA0]  }
0x219: {  	v60 =	vld [tilespmem:s15+$0xCCB0]  }
0x21a: {  	v21 =	vld [tilespmem:s15+$0xCD40];
	v61 =	vadd.f32 v25, v0  }
0x21b: {  	v62 =	vadd.f32 v26, v1;
	v25 =	vld [tilespmem:s15+$0xCD50];
	v29 =	vadd.f32 v29, v2  }
0x21c: {  	v30 =	vadd.f32 v30, v3;
	v26 =	vld [tilespmem:s15+$0xCCC0];
	v33 =	vadd.f32 v27, v61  }
0x21d: {  	v34 =	vadd.f32 v28, v62;
	v27 =	vld [tilespmem:s15+$0xCCD0];
	v63 =	vadd.f32 v31, v29  }
0x21e: {  	v28 =	vld [tilespmem:s15+$0xCC40];
	v36 =	vadd.f32 v60, v30;
	v31 =	vadd.f32 v19, v33  }
0x21f: {  	v29 =	vld [tilespmem:s15+$0xCC50];
	v32 =	vadd.f32 v22, v34;
	v33 =	vadd.f32 v23, v63  }
0x220: {  	s16 =	simm.s32 $0xA00;
	v30 =	vld [tilespmem:s15+$0xCC60];
	v34 =	vadd.f32 v24, v36;
	v24 =	vmovc v4;
	v23 =	vmovc v5;
	v22 =	vmov v6;
	v19 =	vmov v7  }
.LBB2_13:
0x221: {  	p1 =	sne.s32 s16, $0x5A00;
	v35 =	vld [tilespmem:s15+$0xCC70];
	v17 =	vadd.f32 v17, v31;
	v20 =	vadd.f32 v20, v32  }
0x222: {  	v31 =	vld [tilespmem:s15+$0xCCE0];
	v16 =	vadd.f32 v16, v33;
	v18 =	vadd.f32 v18, v34  }
0x223: {  	v32 =	vld [tilespmem:s15+$0xCCF0];
	v33 =	vadd.f32 v12, v17;
	v34 =	vadd.f32 v13, v20  }
0x224: {  	v13 =	vld [tilespmem:s15+$0xCD60];
	v36 =	vadd.f32 v14, v16;
	v37 =	vadd.f32 v15, v18  }
0x225: {  	v12 =	vadd.f32 v28, v24;
	v14 =	vadd.f32 v29, v23;
	v15 =	vld [tilespmem:s15+$0xCD70]  }
0x226: {  	v16 =	vadd.f32 v30, v22;
	v17 =	vadd.f32 v35, v19;
	v18 =	vld [tilespmem:s15+$0xCDE0]  }
0x227: {  	v12 =	vadd.f32 v26, v12;
	v14 =	vadd.f32 v27, v14;
	v19 =	vld [tilespmem:s15+$0xCDF0]  }
0x228: {  	v16 =	vadd.f32 v31, v16;
	v17 =	vadd.f32 v32, v17;
	v20 =	vld [tilespmem:s15+$0xCE60]  }
0x229: {  	v21 =	vadd.f32 v21, v12;
	v14 =	vadd.f32 v25, v14;
	v25 =	vld [tilespmem:s15+$0xCE70];
	s15 =	sshra.s32 s16, $0x2  }
0x22a: {  	v16 =	vadd.f32 v13, v16;
	v12 =	vld [tilespmem:s15+$0xCE00];
	v15 =	vadd.f32 v15, v17  }
0x22b: {  	v11 =	vadd.f32 v11, v21;
	v10 =	vadd.f32 v10, v14;
	v13 =	vld [tilespmem:s15+$0xCE10]  }
0x22c: {  	v16 =	vadd.f32 v18, v16;
	v14 =	vld [tilespmem:s15+$0xCE20];
	v17 =	vadd.f32 v19, v15  }
0x22d: {  	v24 =	vadd.f32 v8, v11;
	v23 =	vadd.f32 v9, v10;
	v15 =	vld [tilespmem:s15+$0xCE30]  }
0x22e: {  	v22 =	vadd.f32 v20, v16;
	v8 =	vld [tilespmem:s15+$0xCE40];
	v19 =	vadd.f32 v25, v17  }
0x22f: {  	v9 =	vld [tilespmem:s15+$0xCE50]  }
0x230: {  	v17 =	vld [tilespmem:s15+$0xCD80]  }
0x231: {  	v20 =	vld [tilespmem:s15+$0xCD90]  }
0x232: {  	v16 =	vld [tilespmem:s15+$0xCDA0]  }
0x233: {  	v18 =	vld [tilespmem:s15+$0xCDB0]  }
0x234: {  	v11 =	vld [tilespmem:s15+$0xCDC0]  }
0x235: {  	v10 =	vld [tilespmem:s15+$0xCDD0]  }
0x236: {  	v30 =	vld [tilespmem:s15+$0xCD00]  }
0x237: {  	v32 =	vld [tilespmem:s15+$0xCD10]  }
0x238: {  	v35 =	vld [tilespmem:s15+$0xCD20]  }
0x239: {  	v38 =	vld [tilespmem:s15+$0xCD30]  }
0x23a: {  	v27 =	vld [tilespmem:s15+$0xCC80]  }
0x23b: {  	v28 =	vld [tilespmem:s15+$0xCC90]  }
0x23c: {  	v25 =	vld [tilespmem:s15+$0xCC00]  }
0x23d: {  	v26 =	vld [tilespmem:s15+$0xCC10]  }
0x23e: {  	v29 =	vld [tilespmem:s15+$0xCC20]  }
0x23f: {  	v31 =	vld [tilespmem:s15+$0xCC30]  }
0x240: {  	v39 =	vld [tilespmem:s15+$0xCCA0]  }
0x241: {  	v40 =	vld [tilespmem:s15+$0xCCB0]  }
0x242: {  	v21 =	vld [tilespmem:s15+$0xCD40]  }
0x243: {  	v33 =	vadd.f32 v25, v33;
	v34 =	vadd.f32 v26, v34;
	v25 =	vld [tilespmem:s15+$0xCD50]  }
.Ltmp5:
0x244: {  	v29 =	vadd.f32 v29, v36;
	v31 =	vadd.f32 v31, v37;
	v26 =	vld [tilespmem:s15+$0xCCC0];
	(pc) =	sbr.rel @p1 .LBB2_13-.Ltmp5, $4  }
0x245: {  	v33 =	vadd.f32 v27, v33;
	v34 =	vadd.f32 v28, v34;
	v27 =	vld [tilespmem:s15+$0xCCD0]  }
0x246: {  	v36 =	vadd.f32 v39, v29;
	v28 =	vld [tilespmem:s15+$0xCC40];
	v37 =	vadd.f32 v40, v31  }
0x247: {  	v31 =	vadd.f32 v30, v33;
	v32 =	vadd.f32 v32, v34;
	v29 =	vld [tilespmem:s15+$0xCC50]  }
0x248: {  	s16 =	sadd.s32 $0xA00, s16;
	v33 =	vadd.f32 v35, v36;
	v30 =	vld [tilespmem:s15+$0xCC60];
	v34 =	vadd.f32 v38, v37  }
0x249: {  	v17 =	vadd.f32 v17, v31;
	v20 =	vadd.f32 v20, v32  }
0x24a: {  	v35 =	vld [tilespmem:s15+$0xCC70];
	v16 =	vadd.f32 v16, v33;
	v18 =	vadd.f32 v18, v34  }
0x24b: {  	v31 =	vld [tilespmem:s15+$0xCCE0];
	v12 =	vadd.f32 v12, v17;
	v13 =	vadd.f32 v13, v20  }
0x24c: {  	v59 =	vld [tilespmem:s15+$0xCCF0];
	v14 =	vadd.f32 v14, v16;
	v16 =	vadd.f32 v28, v24  }
0x24d: {  	v17 =	vld [tilespmem:s15+$0xCD60];
	v15 =	vadd.f32 v15, v18;
	v18 =	vadd.f32 v29, v23  }
0x24e: {  	v20 =	vld [tilespmem:s15+$0xCD70];
	v22 =	vadd.f32 v30, v22;
	v16 =	vadd.f32 v26, v16  }
0x24f: {  	v23 =	vld [tilespmem:s15+$0xCDE0];
	v19 =	vadd.f32 v35, v19;
	v18 =	vadd.f32 v27, v18  }
0x250: {  	v24 =	vld [tilespmem:s15+$0xCDF0];
	v22 =	vadd.f32 v31, v22;
	v16 =	vadd.f32 v21, v16  }
0x251: {  	v26 =	vld [tilespmem:s15+$0xCE60];
	v19 =	vadd.f32 v59, v19;
	v18 =	vadd.f32 v25, v18  }
0x252: {  	v21 =	vld [tilespmem:s15+$0xCE70];
	[tilespmem:s13+$0x12280] =	vst v12;
	v17 =	vadd.f32 v17, v22;
	v11 =	vadd.f32 v11, v16  }
0x253: {  	[tilespmem:s13+$0x12290] =	vst v13;
	v12 =	vadd.f32 v20, v19;
	v10 =	vadd.f32 v10, v18  }
0x254: {  	[tilespmem:s13+$0x122A0] =	vst v14;
	v13 =	vadd.f32 v23, v17;
	v8 =	vadd.f32 v8, v11  }
0x255: {  	[tilespmem:s13+$0x122B0] =	vst v15;
	v11 =	vadd.f32 v24, v12;
	v9 =	vadd.f32 v9, v10  }
0x256: {  	v10 =	vadd.f32 v26, v13;
	[tilespmem:s13+$0x122C0] =	vst v8  }
0x257: {  	v8 =	vadd.f32 v21, v11;
	[tilespmem:s13+$0x122D0] =	vst v9  }
0x258: {  	[tilespmem:s13+$0x122E0] =	vst v10  }
0x259: {  	[tilespmem:s13+$0x122F0] =	vst v8  }
0x25a: {  	_ =	swait.ge [sflag:s0], $0x1900  }
0x25b: {  	s16 =	simm.s32 @!p0 $0x32;
	[sflag:s0] =	ssyncset.done $0x0  }
0x25c: {  	s17 =	simm.s32 @!p0 $0xCC00;
	s15 =	sadd.s32 @!p0 $0x680, s14;
	[sflag:s0] =	ssyncadd.s32 $0xFFFFE700  }
0x25d: {  	[tilespmem:s17], [sflag:$0x6] =	stream.indirect.gather @!p0 [hbm4b:s1+s16], $0x80, s15, s16, $0xb8;
	[tilespmem:$0x16080] =	vst v63  }
0x25e: {  	s15 =	simm.s32 $0x0  }
0x25f: {  	v12 =	vld [tilespmem:s15+$0xEA00]  }
0x260: {  	v13 =	vld [tilespmem:s15+$0xEA10]  }
0x261: {  	v14 =	vld [tilespmem:s15+$0xEA20]  }
0x262: {  	v15 =	vld [tilespmem:s15+$0xEA30]  }
0x263: {  	v8 =	vld [tilespmem:s15+$0xEA40]  }
0x264: {  	v9 =	vld [tilespmem:s15+$0xEA50]  }
0x265: {  	v17 =	vld [tilespmem:s15+$0xE980]  }
0x266: {  	v20 =	vld [tilespmem:s15+$0xE990]  }
0x267: {  	v16 =	vld [tilespmem:s15+$0xE9A0]  }
0x268: {  	v18 =	vld [tilespmem:s15+$0xE9B0]  }
0x269: {  	v11 =	vld [tilespmem:s15+$0xE9C0]  }
0x26a: {  	v10 =	vld [tilespmem:s15+$0xE9D0]  }
0x26b: {  	v19 =	vld [tilespmem:s15+$0xE900]  }
0x26c: {  	v22 =	vld [tilespmem:s15+$0xE910]  }
0x26d: {  	v23 =	vld [tilespmem:s15+$0xE920]  }
0x26e: {  	v24 =	vld [tilespmem:s15+$0xE930]  }
0x26f: {  	v27 =	vld [tilespmem:s15+$0xE880]  }
0x270: {  	v28 =	vld [tilespmem:s15+$0xE890]  }
0x271: {  	v25 =	vld [tilespmem:s15+$0xE800]  }
0x272: {  	v26 =	vld [tilespmem:s15+$0xE810]  }
0x273: {  	v29 =	vld [tilespmem:s15+$0xE820]  }
0x274: {  	v30 =	vld [tilespmem:s15+$0xE830]  }
0x275: {  	v31 =	vld [tilespmem:s15+$0xE8A0]  }
0x276: {  	v60 =	vld [tilespmem:s15+$0xE8B0]  }
0x277: {  	v21 =	vld [tilespmem:s15+$0xE940];
	v61 =	vadd.f32 v25, v0  }
0x278: {  	v62 =	vadd.f32 v26, v1;
	v25 =	vld [tilespmem:s15+$0xE950];
	v29 =	vadd.f32 v29, v2  }
0x279: {  	v30 =	vadd.f32 v30, v3;
	v26 =	vld [tilespmem:s15+$0xE8C0];
	v33 =	vadd.f32 v27, v61  }
0x27a: {  	v34 =	vadd.f32 v28, v62;
	v27 =	vld [tilespmem:s15+$0xE8D0];
	v63 =	vadd.f32 v31, v29  }
0x27b: {  	v28 =	vld [tilespmem:s15+$0xE840];
	v36 =	vadd.f32 v60, v30;
	v31 =	vadd.f32 v19, v33  }
0x27c: {  	v29 =	vld [tilespmem:s15+$0xE850];
	v32 =	vadd.f32 v22, v34;
	v33 =	vadd.f32 v23, v63  }
0x27d: {  	s16 =	simm.s32 $0xA00;
	v30 =	vld [tilespmem:s15+$0xE860];
	v34 =	vadd.f32 v24, v36;
	v24 =	vmovc v4;
	v23 =	vmovc v5;
	v22 =	vmov v6;
	v19 =	vmov v7  }
.LBB2_15:
0x27e: {  	p1 =	sne.s32 s16, $0x5A00;
	v35 =	vld [tilespmem:s15+$0xE870];
	v17 =	vadd.f32 v17, v31;
	v20 =	vadd.f32 v20, v32  }
0x27f: {  	v31 =	vld [tilespmem:s15+$0xE8E0];
	v16 =	vadd.f32 v16, v33;
	v18 =	vadd.f32 v18, v34  }
0x280: {  	v32 =	vld [tilespmem:s15+$0xE8F0];
	v33 =	vadd.f32 v12, v17;
	v34 =	vadd.f32 v13, v20  }
0x281: {  	v13 =	vld [tilespmem:s15+$0xE960];
	v36 =	vadd.f32 v14, v16;
	v37 =	vadd.f32 v15, v18  }
0x282: {  	v12 =	vadd.f32 v28, v24;
	v14 =	vadd.f32 v29, v23;
	v15 =	vld [tilespmem:s15+$0xE970]  }
0x283: {  	v16 =	vadd.f32 v30, v22;
	v17 =	vadd.f32 v35, v19;
	v18 =	vld [tilespmem:s15+$0xE9E0]  }
0x284: {  	v12 =	vadd.f32 v26, v12;
	v14 =	vadd.f32 v27, v14;
	v19 =	vld [tilespmem:s15+$0xE9F0]  }
0x285: {  	v16 =	vadd.f32 v31, v16;
	v17 =	vadd.f32 v32, v17;
	v20 =	vld [tilespmem:s15+$0xEA60]  }
0x286: {  	v21 =	vadd.f32 v21, v12;
	v14 =	vadd.f32 v25, v14;
	v25 =	vld [tilespmem:s15+$0xEA70];
	s15 =	sshra.s32 s16, $0x2  }
0x287: {  	v16 =	vadd.f32 v13, v16;
	v12 =	vld [tilespmem:s15+$0xEA00];
	v15 =	vadd.f32 v15, v17  }
0x288: {  	v11 =	vadd.f32 v11, v21;
	v10 =	vadd.f32 v10, v14;
	v13 =	vld [tilespmem:s15+$0xEA10]  }
0x289: {  	v16 =	vadd.f32 v18, v16;
	v14 =	vld [tilespmem:s15+$0xEA20];
	v17 =	vadd.f32 v19, v15  }
0x28a: {  	v24 =	vadd.f32 v8, v11;
	v23 =	vadd.f32 v9, v10;
	v15 =	vld [tilespmem:s15+$0xEA30]  }
0x28b: {  	v22 =	vadd.f32 v20, v16;
	v8 =	vld [tilespmem:s15+$0xEA40];
	v19 =	vadd.f32 v25, v17  }
0x28c: {  	v9 =	vld [tilespmem:s15+$0xEA50]  }
0x28d: {  	v17 =	vld [tilespmem:s15+$0xE980]  }
0x28e: {  	v20 =	vld [tilespmem:s15+$0xE990]  }
0x28f: {  	v16 =	vld [tilespmem:s15+$0xE9A0]  }
0x290: {  	v18 =	vld [tilespmem:s15+$0xE9B0]  }
0x291: {  	v11 =	vld [tilespmem:s15+$0xE9C0]  }
0x292: {  	v10 =	vld [tilespmem:s15+$0xE9D0]  }
0x293: {  	v30 =	vld [tilespmem:s15+$0xE900]  }
0x294: {  	v32 =	vld [tilespmem:s15+$0xE910]  }
0x295: {  	v35 =	vld [tilespmem:s15+$0xE920]  }
0x296: {  	v38 =	vld [tilespmem:s15+$0xE930]  }
0x297: {  	v27 =	vld [tilespmem:s15+$0xE880]  }
0x298: {  	v28 =	vld [tilespmem:s15+$0xE890]  }
0x299: {  	v25 =	vld [tilespmem:s15+$0xE800]  }
0x29a: {  	v26 =	vld [tilespmem:s15+$0xE810]  }
0x29b: {  	v29 =	vld [tilespmem:s15+$0xE820]  }
0x29c: {  	v31 =	vld [tilespmem:s15+$0xE830]  }
0x29d: {  	v39 =	vld [tilespmem:s15+$0xE8A0]  }
0x29e: {  	v40 =	vld [tilespmem:s15+$0xE8B0]  }
0x29f: {  	v21 =	vld [tilespmem:s15+$0xE940]  }
0x2a0: {  	v33 =	vadd.f32 v25, v33;
	v34 =	vadd.f32 v26, v34;
	v25 =	vld [tilespmem:s15+$0xE950]  }
.Ltmp6:
0x2a1: {  	v29 =	vadd.f32 v29, v36;
	v31 =	vadd.f32 v31, v37;
	v26 =	vld [tilespmem:s15+$0xE8C0];
	(pc) =	sbr.rel @p1 .LBB2_15-.Ltmp6, $4  }
0x2a2: {  	v33 =	vadd.f32 v27, v33;
	v34 =	vadd.f32 v28, v34;
	v27 =	vld [tilespmem:s15+$0xE8D0]  }
0x2a3: {  	v36 =	vadd.f32 v39, v29;
	v28 =	vld [tilespmem:s15+$0xE840];
	v37 =	vadd.f32 v40, v31  }
0x2a4: {  	v31 =	vadd.f32 v30, v33;
	v32 =	vadd.f32 v32, v34;
	v29 =	vld [tilespmem:s15+$0xE850]  }
0x2a5: {  	s16 =	sadd.s32 $0xA00, s16;
	v33 =	vadd.f32 v35, v36;
	v30 =	vld [tilespmem:s15+$0xE860];
	v34 =	vadd.f32 v38, v37  }
0x2a6: {  	v17 =	vadd.f32 v17, v31;
	v20 =	vadd.f32 v20, v32  }
0x2a7: {  	v35 =	vld [tilespmem:s15+$0xE870];
	v16 =	vadd.f32 v16, v33;
	v18 =	vadd.f32 v18, v34  }
0x2a8: {  	v31 =	vld [tilespmem:s15+$0xE8E0];
	v12 =	vadd.f32 v12, v17;
	v13 =	vadd.f32 v13, v20  }
0x2a9: {  	v59 =	vld [tilespmem:s15+$0xE8F0];
	v14 =	vadd.f32 v14, v16;
	v16 =	vadd.f32 v28, v24  }
0x2aa: {  	v17 =	vld [tilespmem:s15+$0xE960];
	v15 =	vadd.f32 v15, v18;
	v18 =	vadd.f32 v29, v23  }
0x2ab: {  	v20 =	vld [tilespmem:s15+$0xE970];
	v22 =	vadd.f32 v30, v22;
	v16 =	vadd.f32 v26, v16  }
0x2ac: {  	v23 =	vld [tilespmem:s15+$0xE9E0];
	v19 =	vadd.f32 v35, v19;
	v18 =	vadd.f32 v27, v18  }
0x2ad: {  	v24 =	vld [tilespmem:s15+$0xE9F0];
	v22 =	vadd.f32 v31, v22;
	v16 =	vadd.f32 v21, v16  }
0x2ae: {  	v26 =	vld [tilespmem:s15+$0xEA60];
	v19 =	vadd.f32 v59, v19;
	v18 =	vadd.f32 v25, v18  }
0x2af: {  	v21 =	vld [tilespmem:s15+$0xEA70];
	[tilespmem:s13+$0x12300] =	vst v12;
	v17 =	vadd.f32 v17, v22;
	v11 =	vadd.f32 v11, v16  }
0x2b0: {  	[tilespmem:s13+$0x12310] =	vst v13;
	v12 =	vadd.f32 v20, v19;
	v10 =	vadd.f32 v10, v18  }
0x2b1: {  	[tilespmem:s13+$0x12320] =	vst v14;
	v13 =	vadd.f32 v23, v17;
	v8 =	vadd.f32 v8, v11  }
0x2b2: {  	[tilespmem:s13+$0x12330] =	vst v15;
	v11 =	vadd.f32 v24, v12;
	v9 =	vadd.f32 v9, v10  }
0x2b3: {  	v10 =	vadd.f32 v26, v13;
	[tilespmem:s13+$0x12340] =	vst v8  }
0x2b4: {  	v8 =	vadd.f32 v21, v11;
	[tilespmem:s13+$0x12350] =	vst v9  }
0x2b5: {  	[tilespmem:s13+$0x12360] =	vst v10  }
0x2b6: {  	[tilespmem:s13+$0x12370] =	vst v8  }
0x2b7: {  	_ =	swait.ge [sflag:s3], $0x1900  }
0x2b8: {  	s15 =	simm.s32 @!p0 $0xE800;
	[sflag:s3] =	ssyncset.done $0x0  }
0x2b9: {  	s13 =	sadd.s32 @!p0 $0x700, s14;
	s14 =	simm.s32 @!p0 $0x32;
	[sflag:s3] =	ssyncadd.s32 $0xFFFFE700  }
0x2ba: {  	[tilespmem:s15], [sflag:$0x7] =	stream.indirect.gather @!p0 [hbm4b:s1+s14], $0x80, s13, s14, $0xb8;
	[tilespmem:$0x16080] =	vst v63  }
0x2bb: {  	s13 =	simm.s32 $0x0  }
0x2bc: {  	v12 =	vld [tilespmem:s13+$0x10600]  }
0x2bd: {  	v13 =	vld [tilespmem:s13+$0x10610]  }
0x2be: {  	v14 =	vld [tilespmem:s13+$0x10620]  }
0x2bf: {  	v15 =	vld [tilespmem:s13+$0x10630]  }
0x2c0: {  	v8 =	vld [tilespmem:s13+$0x10640]  }
0x2c1: {  	v9 =	vld [tilespmem:s13+$0x10650]  }
0x2c2: {  	v17 =	vld [tilespmem:s13+$0x10580]  }
0x2c3: {  	v20 =	vld [tilespmem:s13+$0x10590]  }
0x2c4: {  	v16 =	vld [tilespmem:s13+$0x105A0]  }
0x2c5: {  	v18 =	vld [tilespmem:s13+$0x105B0]  }
0x2c6: {  	v11 =	vld [tilespmem:s13+$0x105C0]  }
0x2c7: {  	v10 =	vld [tilespmem:s13+$0x105D0]  }
0x2c8: {  	v19 =	vld [tilespmem:s13+$0x10500]  }
0x2c9: {  	v22 =	vld [tilespmem:s13+$0x10510]  }
0x2ca: {  	v23 =	vld [tilespmem:s13+$0x10520]  }
0x2cb: {  	v24 =	vld [tilespmem:s13+$0x10530]  }
0x2cc: {  	v27 =	vld [tilespmem:s13+$0x10480]  }
0x2cd: {  	v28 =	vld [tilespmem:s13+$0x10490]  }
0x2ce: {  	v25 =	vld [tilespmem:s13+$0x10400]  }
0x2cf: {  	v26 =	vld [tilespmem:s13+$0x10410]  }
0x2d0: {  	v29 =	vld [tilespmem:s13+$0x10420]  }
0x2d1: {  	v30 =	vld [tilespmem:s13+$0x10430]  }
0x2d2: {  	v31 =	vld [tilespmem:s13+$0x104A0]  }
0x2d3: {  	v60 =	vld [tilespmem:s13+$0x104B0]  }
0x2d4: {  	v21 =	vld [tilespmem:s13+$0x10540];
	v61 =	vadd.f32 v25, v0  }
0x2d5: {  	v62 =	vadd.f32 v26, v1;
	v25 =	vld [tilespmem:s13+$0x10550];
	v29 =	vadd.f32 v29, v2  }
0x2d6: {  	v30 =	vadd.f32 v30, v3;
	v26 =	vld [tilespmem:s13+$0x104C0];
	v33 =	vadd.f32 v27, v61  }
0x2d7: {  	v34 =	vadd.f32 v28, v62;
	v27 =	vld [tilespmem:s13+$0x104D0];
	v63 =	vadd.f32 v31, v29  }
0x2d8: {  	v28 =	vld [tilespmem:s13+$0x10440];
	v36 =	vadd.f32 v60, v30;
	v31 =	vadd.f32 v19, v33  }
0x2d9: {  	v29 =	vld [tilespmem:s13+$0x10450];
	v32 =	vadd.f32 v22, v34;
	v33 =	vadd.f32 v23, v63  }
0x2da: {  	s14 =	simm.s32 $0xA00;
	v30 =	vld [tilespmem:s13+$0x10460];
	v34 =	vadd.f32 v24, v36;
	v24 =	vmovc v4;
	v23 =	vmovc v5;
	v22 =	vmov v6;
	v19 =	vmov v7  }
.LBB2_17:
0x2db: {  	p0 =	sne.s32 s14, $0x5A00;
	v35 =	vld [tilespmem:s13+$0x10470];
	v17 =	vadd.f32 v17, v31;
	v20 =	vadd.f32 v20, v32  }
0x2dc: {  	v31 =	vld [tilespmem:s13+$0x104E0];
	v16 =	vadd.f32 v16, v33;
	v18 =	vadd.f32 v18, v34  }
0x2dd: {  	v32 =	vld [tilespmem:s13+$0x104F0];
	v33 =	vadd.f32 v12, v17;
	v34 =	vadd.f32 v13, v20  }
0x2de: {  	v13 =	vld [tilespmem:s13+$0x10560];
	v36 =	vadd.f32 v14, v16;
	v37 =	vadd.f32 v15, v18  }
0x2df: {  	v12 =	vadd.f32 v28, v24;
	v14 =	vadd.f32 v29, v23;
	v15 =	vld [tilespmem:s13+$0x10570]  }
0x2e0: {  	v16 =	vadd.f32 v30, v22;
	v17 =	vadd.f32 v35, v19;
	v18 =	vld [tilespmem:s13+$0x105E0]  }
0x2e1: {  	v12 =	vadd.f32 v26, v12;
	v14 =	vadd.f32 v27, v14;
	v19 =	vld [tilespmem:s13+$0x105F0]  }
0x2e2: {  	v16 =	vadd.f32 v31, v16;
	v17 =	vadd.f32 v32, v17;
	v20 =	vld [tilespmem:s13+$0x10660]  }
0x2e3: {  	v21 =	vadd.f32 v21, v12;
	v14 =	vadd.f32 v25, v14;
	v25 =	vld [tilespmem:s13+$0x10670];
	s13 =	sshra.s32 s14, $0x2  }
0x2e4: {  	v16 =	vadd.f32 v13, v16;
	v12 =	vld [tilespmem:s13+$0x10600];
	v15 =	vadd.f32 v15, v17  }
0x2e5: {  	v11 =	vadd.f32 v11, v21;
	v10 =	vadd.f32 v10, v14;
	v13 =	vld [tilespmem:s13+$0x10610]  }
0x2e6: {  	v16 =	vadd.f32 v18, v16;
	v14 =	vld [tilespmem:s13+$0x10620];
	v17 =	vadd.f32 v19, v15  }
0x2e7: {  	v24 =	vadd.f32 v8, v11;
	v23 =	vadd.f32 v9, v10;
	v15 =	vld [tilespmem:s13+$0x10630]  }
0x2e8: {  	v22 =	vadd.f32 v20, v16;
	v8 =	vld [tilespmem:s13+$0x10640];
	v19 =	vadd.f32 v25, v17  }
0x2e9: {  	v9 =	vld [tilespmem:s13+$0x10650]  }
0x2ea: {  	v17 =	vld [tilespmem:s13+$0x10580]  }
0x2eb: {  	v20 =	vld [tilespmem:s13+$0x10590]  }
0x2ec: {  	v16 =	vld [tilespmem:s13+$0x105A0]  }
0x2ed: {  	v18 =	vld [tilespmem:s13+$0x105B0]  }
0x2ee: {  	v11 =	vld [tilespmem:s13+$0x105C0]  }
0x2ef: {  	v10 =	vld [tilespmem:s13+$0x105D0]  }
0x2f0: {  	v30 =	vld [tilespmem:s13+$0x10500]  }
0x2f1: {  	v32 =	vld [tilespmem:s13+$0x10510]  }
0x2f2: {  	v35 =	vld [tilespmem:s13+$0x10520]  }
0x2f3: {  	v38 =	vld [tilespmem:s13+$0x10530]  }
0x2f4: {  	v27 =	vld [tilespmem:s13+$0x10480]  }
0x2f5: {  	v28 =	vld [tilespmem:s13+$0x10490]  }
0x2f6: {  	v25 =	vld [tilespmem:s13+$0x10400]  }
0x2f7: {  	v26 =	vld [tilespmem:s13+$0x10410]  }
0x2f8: {  	v29 =	vld [tilespmem:s13+$0x10420]  }
0x2f9: {  	v31 =	vld [tilespmem:s13+$0x10430]  }
0x2fa: {  	v39 =	vld [tilespmem:s13+$0x104A0]  }
0x2fb: {  	v40 =	vld [tilespmem:s13+$0x104B0]  }
0x2fc: {  	v21 =	vld [tilespmem:s13+$0x10540]  }
0x2fd: {  	v33 =	vadd.f32 v25, v33;
	v34 =	vadd.f32 v26, v34;
	v25 =	vld [tilespmem:s13+$0x10550]  }
.Ltmp7:
0x2fe: {  	v29 =	vadd.f32 v29, v36;
	v31 =	vadd.f32 v31, v37;
	v26 =	vld [tilespmem:s13+$0x104C0];
	(pc) =	sbr.rel @p0 .LBB2_17-.Ltmp7, $4  }
0x2ff: {  	v33 =	vadd.f32 v27, v33;
	v34 =	vadd.f32 v28, v34;
	v27 =	vld [tilespmem:s13+$0x104D0]  }
0x300: {  	v36 =	vadd.f32 v39, v29;
	v28 =	vld [tilespmem:s13+$0x10440];
	v37 =	vadd.f32 v40, v31  }
0x301: {  	v31 =	vadd.f32 v30, v33;
	v32 =	vadd.f32 v32, v34;
	v29 =	vld [tilespmem:s13+$0x10450]  }
0x302: {  	s14 =	sadd.s32 $0xA00, s14;
	v33 =	vadd.f32 v35, v36;
	v30 =	vld [tilespmem:s13+$0x10460];
	v34 =	vadd.f32 v38, v37  }
0x303: {  	v17 =	vadd.f32 v17, v31;
	v20 =	vadd.f32 v20, v32  }
0x304: {  	v35 =	vld [tilespmem:s13+$0x10470];
	v16 =	vadd.f32 v16, v33;
	v18 =	vadd.f32 v18, v34  }
0x305: {  	v50 =	vld [tilespmem:s13+$0x104E0];
	v12 =	vadd.f32 v12, v17;
	v13 =	vadd.f32 v13, v20  }
0x306: {  	v51 =	vld [tilespmem:s13+$0x104F0];
	v53 =	vadd.f32 v28, v24;
	v14 =	vadd.f32 v14, v16  }
0x307: {  	v52 =	vld [tilespmem:s13+$0x10560];
	v15 =	vadd.f32 v15, v18;
	v54 =	vadd.f32 v29, v23  }
0x308: {  	v55 =	vld [tilespmem:s13+$0x10570];
	v22 =	vadd.f32 v30, v22;
	v16 =	vadd.f32 v26, v53  }
0x309: {  	v56 =	vld [tilespmem:s13+$0x105E0];
	v19 =	vadd.f32 v35, v19;
	v18 =	vadd.f32 v27, v54  }
0x30a: {  	v57 =	vld [tilespmem:s13+$0x105F0];
	v22 =	vadd.f32 v50, v22;
	v16 =	vadd.f32 v21, v16  }
0x30b: {  	v58 =	vld [tilespmem:s13+$0x10660];
	v19 =	vadd.f32 v51, v19;
	v18 =	vadd.f32 v25, v18  }
0x30c: {  	v59 =	vld [tilespmem:s13+$0x10670];
	[tilespmem:s12+$0x12000] =	vst v12;
	v17 =	vadd.f32 v52, v22;
	v11 =	vadd.f32 v11, v16  }
0x30d: {  	s11 =	sadd.s32 $0x1, s11;
	[tilespmem:s12+$0x12010] =	vst v13;
	v60 =	vadd.f32 v55, v19;
	v10 =	vadd.f32 v10, v18  }
0x30e: {  	p0 =	sne.s32 s11, $0x10;
	[tilespmem:s12+$0x12020] =	vst v14;
	v61 =	vadd.f32 v56, v17;
	v8 =	vadd.f32 v8, v11  }
.Ltmp8:
0x30f: {  	[tilespmem:s12+$0x12030] =	vst v15;
	v62 =	vadd.f32 v57, v60;
	v9 =	vadd.f32 v9, v10;
	(pc) =	sbr.rel @p0 .LBB2_2-.Ltmp8, $4  }
0x310: {  	v63 =	vadd.f32 v58, v61;
	[tilespmem:s12+$0x12040] =	vst v8  }
0x311: {  	v8 =	vadd.f32 v59, v62;
	[tilespmem:s12+$0x12050] =	vst v9  }
0x312: {  	[tilespmem:s12+$0x12060] =	vst v63  }
0x313: {  	[tilespmem:s12+$0x12070] =	vst v8  }
0x314: {  	s8 =	sadd.s32 $0x1, s8  }
0x315: {  	p0 =	sne.s32 s8, s7  }
.Ltmp9:
0x316: {  	_ = 	snop;
	(pc) =	sbr.rel @p0 .LBB2_1-.Ltmp9, $4  }
0x317: {  	[hbm4b:s6+s4] =	stream.linear.scatter [tilespmem:s2], [sflag:$0x9], $0x4000, $0x38;
	[tilespmem:$0x16080] =	vst v63  }
0x318: {  	_ =	swait.ge [sflag:s9], $0x4000  }
0x319: {  	[sflag:s9] =	ssyncset.done $0x0  }
0x31a: {  	[sflag:s9] =	ssyncadd.s32 $0xFFFFC000  }
0x31b: {  	_ =	sfence.sel $0x180000  }
0x31c: {  	[bflag:$0x0] =	sbarrier.arrive $0xFFFF  }
0x31d: {  	_ =	strace $0x90000047  }
0x31e: {  	s0 =	stileid.u32;
	[bflag:$0x2] =	sbarrier.arrive $0xFFFF  }
0x31f: {  	p0 =	sne.s32 s0, $0x0;
	s0 =	rddreg [dreg:$0x4]  }
0x320: {  	s0 =	sadd.s32 @!p0 $0x100000, s0  }
0x321: {  	[sflag:s0] =	ssyncadd.tile.s32 @!p0 $0x1;
	_ =	shalt  }
.Lfunc_end2:
_tile_overlayer_lowered:
.L_overlay_start_2:
0x322: {  	(tag) =	ssettag $0x2  }
0x323: {  	s0 =	rddreg [dreg:$0x0];
	s2 =	stileid.u32  }
0x324: {  	s1 =	rddreg [dreg:$0x1];
	p0 =	sne.s32 s2, $0x0  }
0x325: {  	s3 =	rddreg [dreg:$0x2];
	[bflag:$0x3] =	sbarrier.arrive $0xFFFF;
	s2 =	simm.s32 @!p0 $0x1C0A  }
0x326: {  	[timem:s3], [sflag:s2] =	dma.local @!p0 [hbm:s0], s1  }
0x327: {  	s0 =	simm.s32 @!p0 $0xA  }
0x328: {  	_ =	swait.ge @!p0 [sflag:s0], s1  }
0x329: {  	s1 =	ssub.s32 @!p0 $0x0, s1;
	[sflag:s0] =	ssyncset.done @!p0 $0x0  }
0x32a: {  	[sflag:s0] =	ssyncadd.s32 @!p0 s1  }
0x32b: {  	[bflag:$0x3] =	sbarrier.arrive $0xFFFF  }
0x32c: {  	_ =	shalt  }

</sc_bundles>
